<compile_context>
chip_gen: v7x
topology: tpu7x:2x2x1
jax: 0.10.2.dev20260603
libtpu: 0.0.44.dev20260713+nightly
codegen_flags: <defaults>
</compile_context>

<pallas_src>
import functools

import jax
import jax.numpy as jnp
from jax import lax
from jax.experimental import pallas as pl
from jax.experimental.pallas import tpu as pltpu
from jax.experimental.pallas import tpu_sc as plsc

N = 10000
E = 320000
IN = 128
H = 128
L = 6
G = 64

NW = 32
K = 128
NCH = 80
NPH = 2
NCHP = NCH // NPH
NBUF = 2
EPW = NCH * K
E_PAD = NW * EPW
N_P = N + 8
RPT = 624

R = 1000
NBLK = N // R


def _dotT(a, w):
    return lax.dot_general(a, w, (((1,), (1,)), ((), ())),
                           preferred_element_type=jnp.float32)



def _zero_tail(P_blk):
    return jnp.where(pl.program_id(0) == NBLK, 0.0, P_blk)


def _enc_msg_body(x_ref, encW_ref, encb_ref, W1_ref, b1_ref, W2_ref, b2_ref,
                  h_ref, P_ref):
    h = _dotT(x_ref[...], encW_ref[...]) + encb_ref[...]
    h_ref[...] = h
    hid = jnp.maximum(_dotT(h, W1_ref[...]) + b1_ref[...], 0.0)
    P_ref[...] = _zero_tail(_dotT(hid, W2_ref[...]) + b2_ref[...])


def _gru_core(m0_ref, m1_ref, P_ref, h_ref, Wih_ref, bih_ref, Whh_ref,
              bhh_ref):
    m = m0_ref[...] + m1_ref[...] - P_ref[...]
    h = h_ref[...]
    gi = _dotT(m, Wih_ref[...]) + bih_ref[...]
    gh = _dotT(h, Whh_ref[...]) + bhh_ref[...]
    r = jax.nn.sigmoid(gi[:, :H] + gh[:, :H])
    z = jax.nn.sigmoid(gi[:, H:2 * H] + gh[:, H:2 * H])
    n = jnp.tanh(gi[:, 2 * H:] + r * gh[:, 2 * H:])
    return (1.0 - z) * n + z * h


def _gru_msg_body(m0_ref, m1_ref, P_ref, h_ref, Wih_ref, bih_ref, Whh_ref,
                  bhh_ref, W1_ref, b1_ref, W2_ref, b2_ref, hout_ref, Pout_ref):
    hn = _gru_core(m0_ref, m1_ref, P_ref, h_ref, Wih_ref, bih_ref, Whh_ref,
                   bhh_ref)
    hout_ref[...] = hn
    hid = jnp.maximum(_dotT(hn, W1_ref[...]) + b1_ref[...], 0.0)
    Pout_ref[...] = _zero_tail(_dotT(hid, W2_ref[...]) + b2_ref[...])


def _gru_pool_body(m0_ref, m1_ref, P_ref, h_ref, Wih_ref, bih_ref, Whh_ref,
                   bhh_ref, batch_ref, W1_ref, b1_ref, W2_ref, b2_ref,
                   out_ref, sums_ref, cnts_ref):
    i = pl.program_id(0)
    hn = _gru_core(m0_ref, m1_ref, P_ref, h_ref, Wih_ref, bih_ref, Whh_ref,
                   bhh_ref)
    b = batch_ref[...]
    gids = lax.broadcasted_iota(jnp.int32, (1, G), 1)
    oh = (b == gids).astype(jnp.float32)
    s = lax.dot_general(oh, hn, (((0,), (0,)), ((), ())),
                        preferred_element_type=jnp.float32)
    c = lax.dot_general(oh, jnp.ones((R, 1), jnp.float32),
                        (((0,), (0,)), ((), ())),
                        preferred_element_type=jnp.float32)

    @pl.when(i == 0)
    def _():
        sums_ref[...] = s
        cnts_ref[...] = c

    @pl.when(i > 0)
    def _():
        sums_ref[...] += s
        cnts_ref[...] += c

    @pl.when(i == NBLK - 1)
    def _():
        pooled = sums_ref[...] / jnp.maximum(cnts_ref[...], 1.0)
        ph = jnp.maximum(_dotT(pooled, W1_ref[...]) + b1_ref[...], 0.0)
        out_ref[...] = (jnp.sum(ph * W2_ref[...], axis=1, keepdims=True)
                        + b2_ref[0, 0])


def _row_spec(shape):
    return pl.BlockSpec(shape, lambda i: (i, 0))


def _crow_spec(shape):
    return pl.BlockSpec(shape, lambda i: (jnp.minimum(i, NBLK - 1), 0))


def _prow_spec(shape):
    return pl.BlockSpec(shape, lambda i: (i, 0))


def _full_spec(shape):
    return pl.BlockSpec(shape, lambda i: (0, 0))


def _enc_msg(x, encW, encb, W1, b1, W2, b2):
    return pl.pallas_call(
        _enc_msg_body,
        grid=(NBLK + 1,),
        in_specs=[
            _crow_spec((R, IN)),
            _full_spec((H, IN)), _full_spec((1, H)),
            _full_spec((H, H)), _full_spec((1, H)),
            _full_spec((H, H)), _full_spec((1, H)),
        ],
        out_specs=[_crow_spec((R, H)), _prow_spec((R, H))],
        out_shape=[jax.ShapeDtypeStruct((N, H), jnp.float32),
                   jax.ShapeDtypeStruct((N_P, H), jnp.float32)],
    )(x, encW, encb, W1, b1, W2, b2)


def _gru_msg(m0, m1, P, h, Wih, bih, Whh, bhh, W1, b1, W2, b2):
    return pl.pallas_call(
        _gru_msg_body,
        grid=(NBLK + 1,),
        in_specs=[
            _crow_spec((R, H)), _crow_spec((R, H)), _crow_spec((R, H)),
            _crow_spec((R, H)),
            _full_spec((3 * H, H)), _full_spec((1, 3 * H)),
            _full_spec((3 * H, H)), _full_spec((1, 3 * H)),
            _full_spec((H, H)), _full_spec((1, H)),
            _full_spec((H, H)), _full_spec((1, H)),
        ],
        out_specs=[_crow_spec((R, H)), _prow_spec((R, H))],
        out_shape=[jax.ShapeDtypeStruct((N, H), jnp.float32),
                   jax.ShapeDtypeStruct((N_P, H), jnp.float32)],
    )(m0, m1, P, h, Wih, bih, Whh, bhh, W1, b1, W2, b2)


def _gru_pool(m0, m1, P, h, Wih, bih, Whh, bhh, batch2, W1, b1, W2, b2):
    return pl.pallas_call(
        _gru_pool_body,
        grid=(NBLK,),
        in_specs=[
            _row_spec((R, H)), _row_spec((R, H)), _row_spec((R, H)),
            _row_spec((R, H)),
            _full_spec((3 * H, H)), _full_spec((1, 3 * H)),
            _full_spec((3 * H, H)), _full_spec((1, 3 * H)),
            _row_spec((R, 1)),
            _full_spec((H // 2, H)), _full_spec((1, H // 2)),
            _full_spec((1, H // 2)), _full_spec((1, 1)),
        ],
        out_specs=_full_spec((G, 1)),
        out_shape=jax.ShapeDtypeStruct((G, 1), jnp.float32),
        scratch_shapes=[pltpu.VMEM((G, H), jnp.float32),
                        pltpu.VMEM((G, 1), jnp.float32)],
    )(m0, m1, P, h, Wih, bih, Whh, bhh, batch2, W1, b1, W2, b2)



def _make_scatter():
    mesh = plsc.VectorSubcoreMesh(core_axis_name="c", subcore_axis_name="s")

    @functools.partial(
        pl.kernel,
        out_type=jax.ShapeDtypeStruct((2, N, H), jnp.float32),
        mesh=mesh,
        scratch_types=[
            pltpu.VMEM_SHARED((N, H), jnp.float32),
            pltpu.VMEM((NCHP * K,), jnp.int32),
            pltpu.VMEM((NCHP * K,), jnp.int32),
            pltpu.VMEM((NBUF, K, H), jnp.float32),
            [pltpu.SemaphoreType.DMA] * NBUF,
            pltpu.SemaphoreType.DMA,
        ],
    )
    def scatter_kernel(P_hbm, src_hbm, dst_hbm, m_hbm, acc, src_v, dst_v,
                       rows_v, gsems, isem):
        cid = lax.axis_index("c")
        sid = lax.axis_index("s")
        wid = sid * 2 + cid
        r0 = pl.multiple_of(sid * RPT, 8)
        pltpu.async_copy(P_hbm.at[pl.ds(r0, RPT)], acc.at[pl.ds(r0, RPT)],
                         isem)

        @pl.when(sid == 15)
        def _():
            pltpu.async_copy(P_hbm.at[pl.ds(16 * RPT, N - 16 * RPT)],
                             acc.at[pl.ds(16 * RPT, N - 16 * RPT)], isem)

        def fire_gather(j, b):
            jb = pl.multiple_of(j * K, 8)
            pltpu.async_copy(P_hbm.at[src_v.at[pl.ds(jb, K)]], rows_v.at[b],
                             gsems[b])

        def wait_gather(j, b):
            jb = pl.multiple_of(j * K, 8)
            pltpu.make_async_copy(P_hbm.at[src_v.at[pl.ds(jb, K)]],
                                  rows_v.at[b], gsems[b]).wait()

        def scatter(j, b):
            jb = pl.multiple_of(j * K, 8)
            pltpu.sync_copy(rows_v.at[b], acc.at[dst_v.at[pl.ds(jb, K)]],
                            add=True)

        e0 = wid * EPW
        for p in range(NPH):
            off = pl.multiple_of(e0 + p * NCHP * K, 8)
            pltpu.sync_copy(src_hbm.at[pl.ds(off, NCHP * K)], src_v)
            pltpu.sync_copy(dst_hbm.at[pl.ds(off, NCHP * K)], dst_v)
            for b in range(NBUF):
                fire_gather(b, b)
            if p == 0:
                pltpu.make_async_copy(P_hbm.at[pl.ds(r0, RPT)],
                                      acc.at[pl.ds(r0, RPT)], isem).wait()

                @pl.when(sid == 15)
                def _():
                    pltpu.make_async_copy(
                        P_hbm.at[pl.ds(16 * RPT, N - 16 * RPT)],
                        acc.at[pl.ds(16 * RPT, N - 16 * RPT)], isem).wait()

                plsc.subcore_barrier()

            def body(jo, carry):
                for b in range(NBUF):
                    j = jo * NBUF + b
                    wait_gather(j, b)
                    scatter(j, b)

                    @pl.when(j + NBUF < NCHP)
                    def _():
                        fire_gather(j + NBUF, b)
                return carry

            lax.fori_loop(0, NCHP // NBUF, body, 0)
        plsc.subcore_barrier()
        pltpu.sync_copy(acc.at[pl.ds(r0, RPT)], m_hbm.at[cid, pl.ds(r0, RPT)])

        @pl.when(sid == 15)
        def _():
            pltpu.sync_copy(acc.at[pl.ds(16 * RPT, N - 16 * RPT)],
                            m_hbm.at[cid, pl.ds(16 * RPT, N - 16 * RPT)])

    return scatter_kernel


@functools.lru_cache(maxsize=None)
def _get_scatter():
    return _make_scatter()


def _scatter_edges(P, src_p, dst_p):
    return _get_scatter()(P, src_p, dst_p)



def kernel(x, edge_index, batch, enc_W, enc_b, msg_W1, msg_b1, msg_W2, msg_b2,
           gru_Wih, gru_bih, gru_Whh, gru_bhh, head_W1, head_b1, head_W2,
           head_b2):
    pad = E_PAD - E
    pidx = jnp.arange(pad, dtype=jnp.int32)
    src_p = jnp.concatenate([edge_index[0], N + (pidx % (N_P - N))])
    dst_p = jnp.concatenate([edge_index[1], pidx % N])

    h, P = _enc_msg(x, enc_W, enc_b.reshape(1, H),
                    msg_W1[0], msg_b1[0].reshape(1, H),
                    msg_W2[0], msg_b2[0].reshape(1, H))
    for l in range(L):
        m = _scatter_edges(P, src_p, dst_p)
        gru_args = (m[0], m[1], P, h,
                    gru_Wih[l], gru_bih[l].reshape(1, 3 * H),
                    gru_Whh[l], gru_bhh[l].reshape(1, 3 * H))
        if l < L - 1:
            h, P = _gru_msg(*gru_args,
                            msg_W1[l + 1], msg_b1[l + 1].reshape(1, H),
                            msg_W2[l + 1], msg_b2[l + 1].reshape(1, H))
        else:
            out = _gru_pool(*gru_args, batch.reshape(N, 1),
                            head_W1, head_b1.reshape(1, H // 2),
                            head_W2, head_b2.reshape(1, 1))
    return out.reshape(G)

# --- scband reference (transcript-rebuilt; emitter-appended) ---
"""Pipeline reference for scband-simple-mpnn-15814069584048 (READ-ONLY COPY).

The authoritative reference and input builder live on the scoring server;
editing this copy changes nothing except your own understanding.
"""

import jax, jax.numpy as jnp
import numpy as np

N = 10000
E = 320000
IN = 128
H = 128
L = 6
G = 64


def setup_inputs(seed: int = 0) -> dict:
    key = jax.random.key(seed)
    ks = jax.random.split(key, 20)
    s = 0.05
    inp = {}
    inp["x"] = jax.random.normal(ks[0], (N, IN), dtype=jnp.float32)
    inp["edge_index"] = jax.random.randint(ks[1], (2, E), 0, N, dtype=jnp.int32)
    inp["batch"] = jnp.sort(jax.random.randint(ks[2], (N,), 0, G, dtype=jnp.int32))
    inp["enc_W"] = jax.random.normal(ks[3], (H, IN), dtype=jnp.float32) * s
    inp["enc_b"] = jax.random.normal(ks[4], (H,), dtype=jnp.float32) * s
    inp["msg_W1"] = jax.random.normal(ks[5], (L, H, H), dtype=jnp.float32) * s
    inp["msg_b1"] = jax.random.normal(ks[6], (L, H), dtype=jnp.float32) * s
    inp["msg_W2"] = jax.random.normal(ks[7], (L, H, H), dtype=jnp.float32) * s
    inp["msg_b2"] = jax.random.normal(ks[8], (L, H), dtype=jnp.float32) * s
    inp["gru_Wih"] = jax.random.normal(ks[9], (L, 3 * H, H), dtype=jnp.float32) * s
    inp["gru_bih"] = jax.random.normal(ks[10], (L, 3 * H), dtype=jnp.float32) * s
    inp["gru_Whh"] = jax.random.normal(ks[11], (L, 3 * H, H), dtype=jnp.float32) * s
    inp["gru_bhh"] = jax.random.normal(ks[12], (L, 3 * H), dtype=jnp.float32) * s
    inp["head_W1"] = jax.random.normal(ks[13], (H // 2, H), dtype=jnp.float32) * s
    inp["head_b1"] = jax.random.normal(ks[14], (H // 2,), dtype=jnp.float32) * s
    inp["head_W2"] = jax.random.normal(ks[15], (1, H // 2), dtype=jnp.float32) * s
    inp["head_b2"] = jax.random.normal(ks[16], (1,), dtype=jnp.float32) * s
    return inp


def reference(x, edge_index, batch, enc_W, enc_b, msg_W1, msg_b1, msg_W2, msg_b2,
              gru_Wih, gru_bih, gru_Whh, gru_bhh, head_W1, head_b1, head_W2, head_b2):
    # node encoder
    h = x @ enc_W.T + enc_b
    # add self loops (PyG add_self_loops)
    loop = jnp.arange(N, dtype=edge_index.dtype)
    src = jnp.concatenate([edge_index[0], loop])
    dst = jnp.concatenate([edge_index[1], loop])
    for l in range(L):
        # message: msg_mlp(x_j) where x_j = h[src]
        xj = jnp.take(h, src, axis=0)
        hid = jnp.maximum(xj @ msg_W1[l].T + msg_b1[l], 0.0)
        msg = hid @ msg_W2[l].T + msg_b2[l]
        # aggregate (add) at destination nodes
        m = jax.ops.segment_sum(msg, dst, num_segments=N)
        # GRUCell(input=m, hidden=h)  (torch.nn.GRUCell semantics)
        gi = m @ gru_Wih[l].T + gru_bih[l]
        gh = h @ gru_Whh[l].T + gru_bhh[l]
        i_r, i_z, i_n = jnp.split(gi, 3, axis=1)
        h_r, h_z, h_n = jnp.split(gh, 3, axis=1)
        r = jax.nn.sigmoid(i_r + h_r)
        z = jax.nn.sigmoid(i_z + h_z)
        n = jnp.tanh(i_n + r * h_n)
        h = (1.0 - z) * n + z * h
    # global mean pool over graphs
    sums = jax.ops.segment_sum(h, batch, num_segments=G)
    counts = jax.ops.segment_sum(jnp.ones((N, 1), dtype=h.dtype), batch, num_segments=G)
    pooled = sums / jnp.maximum(counts, 1.0)
    # head
    ph = jnp.maximum(pooled @ head_W1.T + head_b1, 0.0)
    out = ph @ head_W2.T + head_b2
    return out.squeeze(-1)

if __name__ == "__main__":
    import jax
    _d = setup_inputs()
    print(jax.jit(kernel)(*tuple(_d.values())))

</pallas_src>

<mosaic_0001>
#map = affine_map<(d0, d1) -> (0, 0)>
#map1 = affine_map<(d0, d1) -> (0)>
#map2 = affine_map<(d0, d1) -> (0, 0, 0)>
module attributes {stable_mosaic.version = 14 : i64} {
  func.func @scatter_kernel(%arg0: i32, %arg1: i32, %arg2: memref<10008x128xf32, #tpu.memory_space<hbm>>, %arg3: memref<327680xi32, #tpu.memory_space<hbm>>, %arg4: memref<327680xi32, #tpu.memory_space<hbm>>, %arg5: memref<2x10000x128xf32, #tpu.memory_space<hbm>>, %arg6: memref<10000x128xf32, #tpu.memory_space<vmem_shared>>, %arg7: memref<5120xi32, #tpu.memory_space<vmem>>, %arg8: memref<5120xi32, #tpu.memory_space<vmem>>, %arg9: memref<2x128x128xf32, #tpu.memory_space<vmem>>, %arg10: memref<!tpu.dma_semaphore, #tpu.memory_space<semaphore_mem>>, %arg11: memref<!tpu.dma_semaphore, #tpu.memory_space<semaphore_mem>>, %arg12: memref<!tpu.dma_semaphore, #tpu.memory_space<semaphore_mem>>) attributes {dimension_semantics = [#tpu.dimension_semantics<core_parallel>, #tpu.dimension_semantics<subcore_parallel>], iteration_bounds = array<i64: 2, 16>, scalar_prefetch = 0 : i64, scratch_operands = 7 : i64, tpu.core_type = #tpu.core_type<sc_vector_subcore>, window_params = [{transform_indices = #map}, {transform_indices = #map1}, {transform_indices = #map1}, {transform_indices = #map2}]} {
    %mul3A = arith.constant 2 : i32
    %mul3A_0 = arith.muli %arg1, %mul3A : i32
    %add3A = arith.addi %mul3A_0, %arg0 : i32
    %mul3A_1 = arith.constant 624 : i32
    %mul3A_2 = arith.muli %arg1, %mul3A_1 : i32
    %multiple_of3A = tpu.assume_multiple %mul3A_2, 8 : i32
    %dma_start3A = arith.constant 0 : i32
    %dma_start3A_3 = tpu.memref_slice %arg6[%multiple_of3A, %dma_start3A] : memref<10000x128xf32, #tpu.memory_space<vmem_shared>> -> memref<624x128xf32, #tpu.memory_space<vmem_shared>>
    %dma_start3A_4 = arith.constant 0 : i32
    %dma_start3A_5 = tpu.memref_slice %arg2[%multiple_of3A, %dma_start3A_4] : memref<10008x128xf32, #tpu.memory_space<hbm>> -> memref<624x128xf32, #tpu.memory_space<hbm>>
    tpu.enqueue_dma source(%dma_start3A_5 : memref<624x128xf32, #tpu.memory_space<hbm>>) target(%dma_start3A_3 : memref<624x128xf32, #tpu.memory_space<vmem_shared>>) target_semaphore(%arg12 : memref<!tpu.dma_semaphore, #tpu.memory_space<semaphore_mem>>)
    %eq3A = arith.constant 15 : i32
    %eq3A_6 = arith.cmpi eq, %arg1, %eq3A : i32
    %convert_element_type3A = arith.extui %eq3A_6 : i1 to i32
    %cond3A = arith.constant 0 : i32
    %cond3A_7 = arith.cmpi ne, %convert_element_type3A, %cond3A : i32
    scf.if %cond3A_7 {
      %dma_start3A_85 = arith.constant 9984 : i32
      %dma_start3A_86 = arith.constant 0 : i32
      %dma_start3A_87 = tpu.memref_slice %arg6[%dma_start3A_85, %dma_start3A_86] : memref<10000x128xf32, #tpu.memory_space<vmem_shared>> -> memref<16x128xf32, #tpu.memory_space<vmem_shared>>
      %dma_start3A_88 = arith.constant 9984 : i32
      %dma_start3A_89 = arith.constant 0 : i32
      %dma_start3A_90 = tpu.memref_slice %arg2[%dma_start3A_88, %dma_start3A_89] : memref<10008x128xf32, #tpu.memory_space<hbm>> -> memref<16x128xf32, #tpu.memory_space<hbm>>
      tpu.enqueue_dma source(%dma_start3A_90 : memref<16x128xf32, #tpu.memory_space<hbm>>) target(%dma_start3A_87 : memref<16x128xf32, #tpu.memory_space<vmem_shared>>) target_semaphore(%arg12 : memref<!tpu.dma_semaphore, #tpu.memory_space<semaphore_mem>>)
    } else {
    }
    %mul3A_8 = arith.constant 10240 : i32
    %mul3A_9 = arith.muli %add3A, %mul3A_8 : i32
    %add3A_10 = arith.constant 0 : i32
    %add3A_11 = arith.addi %mul3A_9, %add3A_10 : i32
    %multiple_of3A_12 = tpu.assume_multiple %add3A_11, 8 : i32
    "tpu.region"() ({
      %run_scoped3A = tpu.sem_alloc : memref<!tpu.dma_semaphore, #tpu.memory_space<semaphore_mem>>
      %dma_start3A_85 = tpu.memref_slice %arg3[%multiple_of3A_12] : memref<327680xi32, #tpu.memory_space<hbm>> -> memref<5120xi32, #tpu.memory_space<hbm>>
      %dma_start3A_86 = tpu.memref_slice %arg3[%multiple_of3A_12] : memref<327680xi32, #tpu.memory_space<hbm>> -> memref<5120xi32, #tpu.memory_space<hbm>>
      tpu.enqueue_dma source(%dma_start3A_86 : memref<5120xi32, #tpu.memory_space<hbm>>) target(%arg7 : memref<5120xi32, #tpu.memory_space<vmem>>) target_semaphore(%run_scoped3A : memref<!tpu.dma_semaphore, #tpu.memory_space<semaphore_mem>>)
      %dma_wait3A_87 = tpu.memref_slice %arg3[%multiple_of3A_12] : memref<327680xi32, #tpu.memory_space<hbm>> -> memref<5120xi32, #tpu.memory_space<hbm>>
      %dma_wait3A_88 = tpu.memref_slice %arg3[%multiple_of3A_12] : memref<327680xi32, #tpu.memory_space<hbm>> -> memref<5120xi32, #tpu.memory_space<hbm>>
      tpu.wait_dma2 semaphore(%run_scoped3A : memref<!tpu.dma_semaphore, #tpu.memory_space<semaphore_mem>>) src(%dma_wait3A_88 : memref<5120xi32, #tpu.memory_space<hbm>>) dst(%arg7 : memref<5120xi32, #tpu.memory_space<vmem>>)
      tpu.yield
    }) : () -> ()
    "tpu.region"() ({
      %run_scoped3A = tpu.sem_alloc : memref<!tpu.dma_semaphore, #tpu.memory_space<semaphore_mem>>
      %dma_start3A_85 = tpu.memref_slice %arg4[%multiple_of3A_12] : memref<327680xi32, #tpu.memory_space<hbm>> -> memref<5120xi32, #tpu.memory_space<hbm>>
      %dma_start3A_86 = tpu.memref_slice %arg4[%multiple_of3A_12] : memref<327680xi32, #tpu.memory_space<hbm>> -> memref<5120xi32, #tpu.memory_space<hbm>>
      tpu.enqueue_dma source(%dma_start3A_86 : memref<5120xi32, #tpu.memory_space<hbm>>) target(%arg8 : memref<5120xi32, #tpu.memory_space<vmem>>) target_semaphore(%run_scoped3A : memref<!tpu.dma_semaphore, #tpu.memory_space<semaphore_mem>>)
      %dma_wait3A_87 = tpu.memref_slice %arg4[%multiple_of3A_12] : memref<327680xi32, #tpu.memory_space<hbm>> -> memref<5120xi32, #tpu.memory_space<hbm>>
      %dma_wait3A_88 = tpu.memref_slice %arg4[%multiple_of3A_12] : memref<327680xi32, #tpu.memory_space<hbm>> -> memref<5120xi32, #tpu.memory_space<hbm>>
      tpu.wait_dma2 semaphore(%run_scoped3A : memref<!tpu.dma_semaphore, #tpu.memory_space<semaphore_mem>>) src(%dma_wait3A_88 : memref<5120xi32, #tpu.memory_space<hbm>>) dst(%arg8 : memref<5120xi32, #tpu.memory_space<vmem>>)
      tpu.yield
    }) : () -> ()
    %multiple_of3A_13 = arith.constant 0 : i32
    %multiple_of3A_14 = tpu.assume_multiple %multiple_of3A_13, 8 : i32
    %dma_start3A_15 = arith.constant 0 : i32
    %dma_start3A_16 = arith.constant 0 : i32
    %dma_start3A_17 = arith.constant 0 : i32
    %dma_start3A_18 = tpu.memref_slice %arg9[%dma_start3A_15, %dma_start3A_16, %dma_start3A_17] : memref<2x128x128xf32, #tpu.memory_space<vmem>> -> memref<1x128x128xf32, #tpu.memory_space<vmem>>
    %dma_start3A_19 = tpu.memref_squeeze %dma_start3A_18 : memref<1x128x128xf32, #tpu.memory_space<vmem>> -> memref<128x128xf32, #tpu.memory_space<vmem>>
    %dma_start3A_20 = tpu.memref_slice %arg7[%multiple_of3A_14] : memref<5120xi32, #tpu.memory_space<vmem>> -> memref<128xi32, #tpu.memory_space<vmem>>
    %dma_start3A_21 = arith.constant 0 : i32
    %dma_start3A_22 = arith.constant 0 : i32
    %dma_start3A_23 = tpu.memref_slice %arg2[%dma_start3A_21, %dma_start3A_22] : memref<10008x128xf32, #tpu.memory_space<hbm>> -> memref<10008x128xf32, #tpu.memory_space<hbm>>
    tpu.enqueue_indirect_dma source(%dma_start3A_23 : memref<10008x128xf32, #tpu.memory_space<hbm>>) target(%dma_start3A_19 : memref<128x128xf32, #tpu.memory_space<vmem>>) offsets(%dma_start3A_20 : memref<128xi32, #tpu.memory_space<vmem>>) semaphore(%arg10 : memref<!tpu.dma_semaphore, #tpu.memory_space<semaphore_mem>>)
    %multiple_of3A_24 = arith.constant 128 : i32
    %multiple_of3A_25 = tpu.assume_multiple %multiple_of3A_24, 8 : i32
    %dma_start3A_26 = arith.constant 1 : i32
    %dma_start3A_27 = arith.constant 0 : i32
    %dma_start3A_28 = arith.constant 0 : i32
    %dma_start3A_29 = tpu.memref_slice %arg9[%dma_start3A_26, %dma_start3A_27, %dma_start3A_28] : memref<2x128x128xf32, #tpu.memory_space<vmem>> -> memref<1x128x128xf32, #tpu.memory_space<vmem>>
    %dma_start3A_30 = tpu.memref_squeeze %dma_start3A_29 : memref<1x128x128xf32, #tpu.memory_space<vmem>> -> memref<128x128xf32, #tpu.memory_space<vmem>>
    %dma_start3A_31 = tpu.memref_slice %arg7[%multiple_of3A_25] : memref<5120xi32, #tpu.memory_space<vmem>> -> memref<128xi32, #tpu.memory_space<vmem>>
    %dma_start3A_32 = arith.constant 0 : i32
    %dma_start3A_33 = arith.constant 0 : i32
    %dma_start3A_34 = tpu.memref_slice %arg2[%dma_start3A_32, %dma_start3A_33] : memref<10008x128xf32, #tpu.memory_space<hbm>> -> memref<10008x128xf32, #tpu.memory_space<hbm>>
    tpu.enqueue_indirect_dma source(%dma_start3A_34 : memref<10008x128xf32, #tpu.memory_space<hbm>>) target(%dma_start3A_30 : memref<128x128xf32, #tpu.memory_space<vmem>>) offsets(%dma_start3A_31 : memref<128xi32, #tpu.memory_space<vmem>>) semaphore(%arg11 : memref<!tpu.dma_semaphore, #tpu.memory_space<semaphore_mem>>)
    %dma_wait3A = arith.constant 0 : i32
    %dma_wait3A_35 = tpu.memref_slice %arg6[%multiple_of3A, %dma_wait3A] : memref<10000x128xf32, #tpu.memory_space<vmem_shared>> -> memref<624x128xf32, #tpu.memory_space<vmem_shared>>
    %dma_wait3A_36 = arith.constant 0 : i32
    %dma_wait3A_37 = tpu.memref_slice %arg2[%multiple_of3A, %dma_wait3A_36] : memref<10008x128xf32, #tpu.memory_space<hbm>> -> memref<624x128xf32, #tpu.memory_space<hbm>>
    tpu.wait_dma2 semaphore(%arg12 : memref<!tpu.dma_semaphore, #tpu.memory_space<semaphore_mem>>) src(%dma_wait3A_37 : memref<624x128xf32, #tpu.memory_space<hbm>>) dst(%dma_wait3A_35 : memref<624x128xf32, #tpu.memory_space<vmem_shared>>)
    %eq3A_38 = arith.constant 15 : i32
    %eq3A_39 = arith.cmpi eq, %arg1, %eq3A_38 : i32
    %convert_element_type3A_40 = arith.extui %eq3A_39 : i1 to i32
    %cond3A_41 = arith.constant 0 : i32
    %cond3A_42 = arith.cmpi ne, %convert_element_type3A_40, %cond3A_41 : i32
    scf.if %cond3A_42 {
      %dma_wait3A_85 = arith.constant 9984 : i32
      %dma_wait3A_86 = arith.constant 0 : i32
      %dma_wait3A_87 = tpu.memref_slice %arg6[%dma_wait3A_85, %dma_wait3A_86] : memref<10000x128xf32, #tpu.memory_space<vmem_shared>> -> memref<16x128xf32, #tpu.memory_space<vmem_shared>>
      %dma_wait3A_88 = arith.constant 9984 : i32
      %dma_wait3A_89 = arith.constant 0 : i32
      %dma_wait3A_90 = tpu.memref_slice %arg2[%dma_wait3A_88, %dma_wait3A_89] : memref<10008x128xf32, #tpu.memory_space<hbm>> -> memref<16x128xf32, #tpu.memory_space<hbm>>
      tpu.wait_dma2 semaphore(%arg12 : memref<!tpu.dma_semaphore, #tpu.memory_space<semaphore_mem>>) src(%dma_wait3A_90 : memref<16x128xf32, #tpu.memory_space<hbm>>) dst(%dma_wait3A_87 : memref<16x128xf32, #tpu.memory_space<vmem_shared>>)
    } else {
    }
    %barrier3A = arith.constant 0 : index
    tpu.barrier barrier_id(%barrier3A)
    %scan3A = arith.constant 0 : i32
    %scan3A_43 = arith.constant 0 : i32
    %scan3A_44 = arith.constant 20 : i32
    %scan3A_45 = arith.addi %scan3A_43, %scan3A_44 : i32
    %scan3A_46 = arith.constant 1 : i32
    scf.for %scan3A_85 = %scan3A_43 to %scan3A_45 step %scan3A_46  : i32 {
      %mul3A_86 = arith.constant 2 : i32
      %mul3A_87 = arith.muli %scan3A_85, %mul3A_86 : i32
      %add3A_88 = arith.constant 0 : i32
      %add3A_89 = arith.addi %mul3A_87, %add3A_88 : i32
      %mul3A_90 = arith.constant 128 : i32
      %mul3A_91 = arith.muli %add3A_89, %mul3A_90 : i32
      %multiple_of3A_92 = tpu.assume_multiple %mul3A_91, 8 : i32
      %dma_wait3A_93 = arith.constant 0 : i32
      %dma_wait3A_94 = arith.constant 0 : i32
      %dma_wait3A_95 = arith.constant 0 : i32
      %dma_wait3A_96 = tpu.memref_slice %arg9[%dma_wait3A_93, %dma_wait3A_94, %dma_wait3A_95] : memref<2x128x128xf32, #tpu.memory_space<vmem>> -> memref<1x128x128xf32, #tpu.memory_space<vmem>>
      %dma_wait3A_97 = tpu.memref_squeeze %dma_wait3A_96 : memref<1x128x128xf32, #tpu.memory_space<vmem>> -> memref<128x128xf32, #tpu.memory_space<vmem>>
      %dma_wait3A_98 = tpu.memref_slice %arg7[%multiple_of3A_92] : memref<5120xi32, #tpu.memory_space<vmem>> -> memref<128xi32, #tpu.memory_space<vmem>>
      %dma_wait3A_99 = arith.constant 0 : i32
      %dma_wait3A_100 = arith.constant 0 : i32
      %dma_wait3A_101 = tpu.memref_slice %arg2[%dma_wait3A_99, %dma_wait3A_100] : memref<10008x128xf32, #tpu.memory_space<hbm>> -> memref<10008x128xf32, #tpu.memory_space<hbm>>
      tpu.wait_indirect_dma semaphore(%arg10 : memref<!tpu.dma_semaphore, #tpu.memory_space<semaphore_mem>>) src(%dma_wait3A_101 : memref<10008x128xf32, #tpu.memory_space<hbm>>) dst(%dma_wait3A_97 : memref<128x128xf32, #tpu.memory_space<vmem>>)
      %mul3A_102 = arith.constant 128 : i32
      %mul3A_103 = arith.muli %add3A_89, %mul3A_102 : i32
      %multiple_of3A_104 = tpu.assume_multiple %mul3A_103, 8 : i32
      %run_scoped3A = arith.constant 0 : i32
      "tpu.region"() ({
        %run_scoped3A_138 = tpu.sem_alloc : memref<!tpu.dma_semaphore, #tpu.memory_space<semaphore_mem>>
        %dma_start3A_139 = arith.constant 0 : i32
        %dma_start3A_140 = arith.constant 0 : i32
        %dma_start3A_141 = tpu.memref_slice %arg9[%run_scoped3A, %dma_start3A_139, %dma_start3A_140] : memref<2x128x128xf32, #tpu.memory_space<vmem>> -> memref<1x128x128xf32, #tpu.memory_space<vmem>>
        %dma_start3A_142 = tpu.memref_squeeze %dma_start3A_141 : memref<1x128x128xf32, #tpu.memory_space<vmem>> -> memref<128x128xf32, #tpu.memory_space<vmem>>
        %dma_start3A_143 = tpu.memref_slice %arg8[%multiple_of3A_104] : memref<5120xi32, #tpu.memory_space<vmem>> -> memref<128xi32, #tpu.memory_space<vmem>>
        %dma_start3A_144 = arith.constant 0 : i32
        %dma_start3A_145 = arith.constant 0 : i32
        %dma_start3A_146 = tpu.memref_slice %arg6[%dma_start3A_144, %dma_start3A_145] : memref<10000x128xf32, #tpu.memory_space<vmem_shared>> -> memref<10000x128xf32, #tpu.memory_space<vmem_shared>>
        tpu.enqueue_indirect_dma source(%dma_start3A_142 : memref<128x128xf32, #tpu.memory_space<vmem>>) target(%dma_start3A_146 : memref<10000x128xf32, #tpu.memory_space<vmem_shared>>) offsets(%dma_start3A_143 : memref<128xi32, #tpu.memory_space<vmem>>) semaphore(%run_scoped3A_138 : memref<!tpu.dma_semaphore, #tpu.memory_space<semaphore_mem>>) {add = true}
        %dma_wait3A_147 = arith.constant 0 : i32
        %dma_wait3A_148 = arith.constant 0 : i32
        %dma_wait3A_149 = tpu.memref_slice %arg9[%run_scoped3A, %dma_wait3A_147, %dma_wait3A_148] : memref<2x128x128xf32, #tpu.memory_space<vmem>> -> memref<1x128x128xf32, #tpu.memory_space<vmem>>
        %dma_wait3A_150 = tpu.memref_squeeze %dma_wait3A_149 : memref<1x128x128xf32, #tpu.memory_space<vmem>> -> memref<128x128xf32, #tpu.memory_space<vmem>>
        %dma_wait3A_151 = tpu.memref_slice %arg8[%multiple_of3A_104] : memref<5120xi32, #tpu.memory_space<vmem>> -> memref<128xi32, #tpu.memory_space<vmem>>
        %dma_wait3A_152 = arith.constant 0 : i32
        %dma_wait3A_153 = arith.constant 0 : i32
        %dma_wait3A_154 = tpu.memref_slice %arg6[%dma_wait3A_152, %dma_wait3A_153] : memref<10000x128xf32, #tpu.memory_space<vmem_shared>> -> memref<10000x128xf32, #tpu.memory_space<vmem_shared>>
        tpu.wait_indirect_dma semaphore(%run_scoped3A_138 : memref<!tpu.dma_semaphore, #tpu.memory_space<semaphore_mem>>) src(%dma_wait3A_150 : memref<128x128xf32, #tpu.memory_space<vmem>>) dst(%dma_wait3A_154 : memref<10000x128xf32, #tpu.memory_space<vmem_shared>>)
        tpu.yield
      }) : () -> ()
      %add3A_105 = arith.constant 2 : i32
      %add3A_106 = arith.addi %add3A_89, %add3A_105 : i32
      %lt3A = arith.constant 40 : i32
      %lt3A_107 = arith.cmpi slt, %add3A_106, %lt3A : i32
      %convert_element_type3A_108 = arith.extui %lt3A_107 : i1 to i32
      %cond3A_109 = arith.constant 0 : i32
      %cond3A_110 = arith.cmpi ne, %convert_element_type3A_108, %cond3A_109 : i32
      scf.if %cond3A_110 {
        %add3A_138 = arith.constant 2 : i32
        %add3A_139 = arith.addi %add3A_89, %add3A_138 : i32
        %mul3A_140 = arith.constant 128 : i32
        %mul3A_141 = arith.muli %add3A_139, %mul3A_140 : i32
        %multiple_of3A_142 = tpu.assume_multiple %mul3A_141, 8 : i32
        %dma_start3A_143 = arith.constant 0 : i32
        %dma_start3A_144 = arith.constant 0 : i32
        %dma_start3A_145 = arith.constant 0 : i32
        %dma_start3A_146 = tpu.memref_slice %arg9[%dma_start3A_143, %dma_start3A_144, %dma_start3A_145] : memref<2x128x128xf32, #tpu.memory_space<vmem>> -> memref<1x128x128xf32, #tpu.memory_space<vmem>>
        %dma_start3A_147 = tpu.memref_squeeze %dma_start3A_146 : memref<1x128x128xf32, #tpu.memory_space<vmem>> -> memref<128x128xf32, #tpu.memory_space<vmem>>
        %dma_start3A_148 = tpu.memref_slice %arg7[%multiple_of3A_142] : memref<5120xi32, #tpu.memory_space<vmem>> -> memref<128xi32, #tpu.memory_space<vmem>>
        %dma_start3A_149 = arith.constant 0 : i32
        %dma_start3A_150 = arith.constant 0 : i32
        %dma_start3A_151 = tpu.memref_slice %arg2[%dma_start3A_149, %dma_start3A_150] : memref<10008x128xf32, #tpu.memory_space<hbm>> -> memref<10008x128xf32, #tpu.memory_space<hbm>>
        tpu.enqueue_indirect_dma source(%dma_start3A_151 : memref<10008x128xf32, #tpu.memory_space<hbm>>) target(%dma_start3A_147 : memref<128x128xf32, #tpu.memory_space<vmem>>) offsets(%dma_start3A_148 : memref<128xi32, #tpu.memory_space<vmem>>) semaphore(%arg10 : memref<!tpu.dma_semaphore, #tpu.memory_space<semaphore_mem>>)
      } else {
      }
      %mul3A_111 = arith.constant 2 : i32
      %mul3A_112 = arith.muli %scan3A_85, %mul3A_111 : i32
      %add3A_113 = arith.constant 1 : i32
      %add3A_114 = arith.addi %mul3A_112, %add3A_113 : i32
      %mul3A_115 = arith.constant 128 : i32
      %mul3A_116 = arith.muli %add3A_114, %mul3A_115 : i32
      %multiple_of3A_117 = tpu.assume_multiple %mul3A_116, 8 : i32
      %dma_wait3A_118 = arith.constant 1 : i32
      %dma_wait3A_119 = arith.constant 0 : i32
      %dma_wait3A_120 = arith.constant 0 : i32
      %dma_wait3A_121 = tpu.memref_slice %arg9[%dma_wait3A_118, %dma_wait3A_119, %dma_wait3A_120] : memref<2x128x128xf32, #tpu.memory_space<vmem>> -> memref<1x128x128xf32, #tpu.memory_space<vmem>>
      %dma_wait3A_122 = tpu.memref_squeeze %dma_wait3A_121 : memref<1x128x128xf32, #tpu.memory_space<vmem>> -> memref<128x128xf32, #tpu.memory_space<vmem>>
      %dma_wait3A_123 = tpu.memref_slice %arg7[%multiple_of3A_117] : memref<5120xi32, #tpu.memory_space<vmem>> -> memref<128xi32, #tpu.memory_space<vmem>>
      %dma_wait3A_124 = arith.constant 0 : i32
      %dma_wait3A_125 = arith.constant 0 : i32
      %dma_wait3A_126 = tpu.memref_slice %arg2[%dma_wait3A_124, %dma_wait3A_125] : memref<10008x128xf32, #tpu.memory_space<hbm>> -> memref<10008x128xf32, #tpu.memory_space<hbm>>
      tpu.wait_indirect_dma semaphore(%arg11 : memref<!tpu.dma_semaphore, #tpu.memory_space<semaphore_mem>>) src(%dma_wait3A_126 : memref<10008x128xf32, #tpu.memory_space<hbm>>) dst(%dma_wait3A_122 : memref<128x128xf32, #tpu.memory_space<vmem>>)
      %mul3A_127 = arith.constant 128 : i32
      %mul3A_128 = arith.muli %add3A_114, %mul3A_127 : i32
      %multiple_of3A_129 = tpu.assume_multiple %mul3A_128, 8 : i32
      %run_scoped3A_130 = arith.constant 1 : i32
      "tpu.region"() ({
        %run_scoped3A_138 = tpu.sem_alloc : memref<!tpu.dma_semaphore, #tpu.memory_space<semaphore_mem>>
        %dma_start3A_139 = arith.constant 0 : i32
        %dma_start3A_140 = arith.constant 0 : i32
        %dma_start3A_141 = tpu.memref_slice %arg9[%run_scoped3A_130, %dma_start3A_139, %dma_start3A_140] : memref<2x128x128xf32, #tpu.memory_space<vmem>> -> memref<1x128x128xf32, #tpu.memory_space<vmem>>
        %dma_start3A_142 = tpu.memref_squeeze %dma_start3A_141 : memref<1x128x128xf32, #tpu.memory_space<vmem>> -> memref<128x128xf32, #tpu.memory_space<vmem>>
        %dma_start3A_143 = tpu.memref_slice %arg8[%multiple_of3A_129] : memref<5120xi32, #tpu.memory_space<vmem>> -> memref<128xi32, #tpu.memory_space<vmem>>
        %dma_start3A_144 = arith.constant 0 : i32
        %dma_start3A_145 = arith.constant 0 : i32
        %dma_start3A_146 = tpu.memref_slice %arg6[%dma_start3A_144, %dma_start3A_145] : memref<10000x128xf32, #tpu.memory_space<vmem_shared>> -> memref<10000x128xf32, #tpu.memory_space<vmem_shared>>
        tpu.enqueue_indirect_dma source(%dma_start3A_142 : memref<128x128xf32, #tpu.memory_space<vmem>>) target(%dma_start3A_146 : memref<10000x128xf32, #tpu.memory_space<vmem_shared>>) offsets(%dma_start3A_143 : memref<128xi32, #tpu.memory_space<vmem>>) semaphore(%run_scoped3A_138 : memref<!tpu.dma_semaphore, #tpu.memory_space<semaphore_mem>>) {add = true}
        %dma_wait3A_147 = arith.constant 0 : i32
        %dma_wait3A_148 = arith.constant 0 : i32
        %dma_wait3A_149 = tpu.memref_slice %arg9[%run_scoped3A_130, %dma_wait3A_147, %dma_wait3A_148] : memref<2x128x128xf32, #tpu.memory_space<vmem>> -> memref<1x128x128xf32, #tpu.memory_space<vmem>>
        %dma_wait3A_150 = tpu.memref_squeeze %dma_wait3A_149 : memref<1x128x128xf32, #tpu.memory_space<vmem>> -> memref<128x128xf32, #tpu.memory_space<vmem>>
        %dma_wait3A_151 = tpu.memref_slice %arg8[%multiple_of3A_129] : memref<5120xi32, #tpu.memory_space<vmem>> -> memref<128xi32, #tpu.memory_space<vmem>>
        %dma_wait3A_152 = arith.constant 0 : i32
        %dma_wait3A_153 = arith.constant 0 : i32
        %dma_wait3A_154 = tpu.memref_slice %arg6[%dma_wait3A_152, %dma_wait3A_153] : memref<10000x128xf32, #tpu.memory_space<vmem_shared>> -> memref<10000x128xf32, #tpu.memory_space<vmem_shared>>
        tpu.wait_indirect_dma semaphore(%run_scoped3A_138 : memref<!tpu.dma_semaphore, #tpu.memory_space<semaphore_mem>>) src(%dma_wait3A_150 : memref<128x128xf32, #tpu.memory_space<vmem>>) dst(%dma_wait3A_154 : memref<10000x128xf32, #tpu.memory_space<vmem_shared>>)
        tpu.yield
      }) : () -> ()
      %add3A_131 = arith.constant 2 : i32
      %add3A_132 = arith.addi %add3A_114, %add3A_131 : i32
      %lt3A_133 = arith.constant 40 : i32
      %lt3A_134 = arith.cmpi slt, %add3A_132, %lt3A_133 : i32
      %convert_element_type3A_135 = arith.extui %lt3A_134 : i1 to i32
      %cond3A_136 = arith.constant 0 : i32
      %cond3A_137 = arith.cmpi ne, %convert_element_type3A_135, %cond3A_136 : i32
      scf.if %cond3A_137 {
        %add3A_138 = arith.constant 2 : i32
        %add3A_139 = arith.addi %add3A_114, %add3A_138 : i32
        %mul3A_140 = arith.constant 128 : i32
        %mul3A_141 = arith.muli %add3A_139, %mul3A_140 : i32
        %multiple_of3A_142 = tpu.assume_multiple %mul3A_141, 8 : i32
        %dma_start3A_143 = arith.constant 1 : i32
        %dma_start3A_144 = arith.constant 0 : i32
        %dma_start3A_145 = arith.constant 0 : i32
        %dma_start3A_146 = tpu.memref_slice %arg9[%dma_start3A_143, %dma_start3A_144, %dma_start3A_145] : memref<2x128x128xf32, #tpu.memory_space<vmem>> -> memref<1x128x128xf32, #tpu.memory_space<vmem>>
        %dma_start3A_147 = tpu.memref_squeeze %dma_start3A_146 : memref<1x128x128xf32, #tpu.memory_space<vmem>> -> memref<128x128xf32, #tpu.memory_space<vmem>>
        %dma_start3A_148 = tpu.memref_slice %arg7[%multiple_of3A_142] : memref<5120xi32, #tpu.memory_space<vmem>> -> memref<128xi32, #tpu.memory_space<vmem>>
        %dma_start3A_149 = arith.constant 0 : i32
        %dma_start3A_150 = arith.constant 0 : i32
        %dma_start3A_151 = tpu.memref_slice %arg2[%dma_start3A_149, %dma_start3A_150] : memref<10008x128xf32, #tpu.memory_space<hbm>> -> memref<10008x128xf32, #tpu.memory_space<hbm>>
        tpu.enqueue_indirect_dma source(%dma_start3A_151 : memref<10008x128xf32, #tpu.memory_space<hbm>>) target(%dma_start3A_147 : memref<128x128xf32, #tpu.memory_space<vmem>>) offsets(%dma_start3A_148 : memref<128xi32, #tpu.memory_space<vmem>>) semaphore(%arg11 : memref<!tpu.dma_semaphore, #tpu.memory_space<semaphore_mem>>)
      } else {
      }
    }
    %scan3A_47 = arith.constant 20 : i32
    %add3A_48 = arith.constant 5120 : i32
    %add3A_49 = arith.addi %mul3A_9, %add3A_48 : i32
    %multiple_of3A_50 = tpu.assume_multiple %add3A_49, 8 : i32
    "tpu.region"() ({
      %run_scoped3A = tpu.sem_alloc : memref<!tpu.dma_semaphore, #tpu.memory_space<semaphore_mem>>
      %dma_start3A_85 = tpu.memref_slice %arg3[%multiple_of3A_50] : memref<327680xi32, #tpu.memory_space<hbm>> -> memref<5120xi32, #tpu.memory_space<hbm>>
      %dma_start3A_86 = tpu.memref_slice %arg3[%multiple_of3A_50] : memref<327680xi32, #tpu.memory_space<hbm>> -> memref<5120xi32, #tpu.memory_space<hbm>>
      tpu.enqueue_dma source(%dma_start3A_86 : memref<5120xi32, #tpu.memory_space<hbm>>) target(%arg7 : memref<5120xi32, #tpu.memory_space<vmem>>) target_semaphore(%run_scoped3A : memref<!tpu.dma_semaphore, #tpu.memory_space<semaphore_mem>>)
      %dma_wait3A_87 = tpu.memref_slice %arg3[%multiple_of3A_50] : memref<327680xi32, #tpu.memory_space<hbm>> -> memref<5120xi32, #tpu.memory_space<hbm>>
      %dma_wait3A_88 = tpu.memref_slice %arg3[%multiple_of3A_50] : memref<327680xi32, #tpu.memory_space<hbm>> -> memref<5120xi32, #tpu.memory_space<hbm>>
      tpu.wait_dma2 semaphore(%run_scoped3A : memref<!tpu.dma_semaphore, #tpu.memory_space<semaphore_mem>>) src(%dma_wait3A_88 : memref<5120xi32, #tpu.memory_space<hbm>>) dst(%arg7 : memref<5120xi32, #tpu.memory_space<vmem>>)
      tpu.yield
    }) : () -> ()
    "tpu.region"() ({
      %run_scoped3A = tpu.sem_alloc : memref<!tpu.dma_semaphore, #tpu.memory_space<semaphore_mem>>
      %dma_start3A_85 = tpu.memref_slice %arg4[%multiple_of3A_50] : memref<327680xi32, #tpu.memory_space<hbm>> -> memref<5120xi32, #tpu.memory_space<hbm>>
      %dma_start3A_86 = tpu.memref_slice %arg4[%multiple_of3A_50] : memref<327680xi32, #tpu.memory_space<hbm>> -> memref<5120xi32, #tpu.memory_space<hbm>>
      tpu.enqueue_dma source(%dma_start3A_86 : memref<5120xi32, #tpu.memory_space<hbm>>) target(%arg8 : memref<5120xi32, #tpu.memory_space<vmem>>) target_semaphore(%run_scoped3A : memref<!tpu.dma_semaphore, #tpu.memory_space<semaphore_mem>>)
      %dma_wait3A_87 = tpu.memref_slice %arg4[%multiple_of3A_50] : memref<327680xi32, #tpu.memory_space<hbm>> -> memref<5120xi32, #tpu.memory_space<hbm>>
      %dma_wait3A_88 = tpu.memref_slice %arg4[%multiple_of3A_50] : memref<327680xi32, #tpu.memory_space<hbm>> -> memref<5120xi32, #tpu.memory_space<hbm>>
      tpu.wait_dma2 semaphore(%run_scoped3A : memref<!tpu.dma_semaphore, #tpu.memory_space<semaphore_mem>>) src(%dma_wait3A_88 : memref<5120xi32, #tpu.memory_space<hbm>>) dst(%arg8 : memref<5120xi32, #tpu.memory_space<vmem>>)
      tpu.yield
    }) : () -> ()
    %multiple_of3A_51 = arith.constant 0 : i32
    %multiple_of3A_52 = tpu.assume_multiple %multiple_of3A_51, 8 : i32
    %dma_start3A_53 = arith.constant 0 : i32
    %dma_start3A_54 = arith.constant 0 : i32
    %dma_start3A_55 = arith.constant 0 : i32
    %dma_start3A_56 = tpu.memref_slice %arg9[%dma_start3A_53, %dma_start3A_54, %dma_start3A_55] : memref<2x128x128xf32, #tpu.memory_space<vmem>> -> memref<1x128x128xf32, #tpu.memory_space<vmem>>
    %dma_start3A_57 = tpu.memref_squeeze %dma_start3A_56 : memref<1x128x128xf32, #tpu.memory_space<vmem>> -> memref<128x128xf32, #tpu.memory_space<vmem>>
    %dma_start3A_58 = tpu.memref_slice %arg7[%multiple_of3A_52] : memref<5120xi32, #tpu.memory_space<vmem>> -> memref<128xi32, #tpu.memory_space<vmem>>
    %dma_start3A_59 = arith.constant 0 : i32
    %dma_start3A_60 = arith.constant 0 : i32
    %dma_start3A_61 = tpu.memref_slice %arg2[%dma_start3A_59, %dma_start3A_60] : memref<10008x128xf32, #tpu.memory_space<hbm>> -> memref<10008x128xf32, #tpu.memory_space<hbm>>
    tpu.enqueue_indirect_dma source(%dma_start3A_61 : memref<10008x128xf32, #tpu.memory_space<hbm>>) target(%dma_start3A_57 : memref<128x128xf32, #tpu.memory_space<vmem>>) offsets(%dma_start3A_58 : memref<128xi32, #tpu.memory_space<vmem>>) semaphore(%arg10 : memref<!tpu.dma_semaphore, #tpu.memory_space<semaphore_mem>>)
    %multiple_of3A_62 = arith.constant 128 : i32
    %multiple_of3A_63 = tpu.assume_multiple %multiple_of3A_62, 8 : i32
    %dma_start3A_64 = arith.constant 1 : i32
    %dma_start3A_65 = arith.constant 0 : i32
    %dma_start3A_66 = arith.constant 0 : i32
    %dma_start3A_67 = tpu.memref_slice %arg9[%dma_start3A_64, %dma_start3A_65, %dma_start3A_66] : memref<2x128x128xf32, #tpu.memory_space<vmem>> -> memref<1x128x128xf32, #tpu.memory_space<vmem>>
    %dma_start3A_68 = tpu.memref_squeeze %dma_start3A_67 : memref<1x128x128xf32, #tpu.memory_space<vmem>> -> memref<128x128xf32, #tpu.memory_space<vmem>>
    %dma_start3A_69 = tpu.memref_slice %arg7[%multiple_of3A_63] : memref<5120xi32, #tpu.memory_space<vmem>> -> memref<128xi32, #tpu.memory_space<vmem>>
    %dma_start3A_70 = arith.constant 0 : i32
    %dma_start3A_71 = arith.constant 0 : i32
    %dma_start3A_72 = tpu.memref_slice %arg2[%dma_start3A_70, %dma_start3A_71] : memref<10008x128xf32, #tpu.memory_space<hbm>> -> memref<10008x128xf32, #tpu.memory_space<hbm>>
    tpu.enqueue_indirect_dma source(%dma_start3A_72 : memref<10008x128xf32, #tpu.memory_space<hbm>>) target(%dma_start3A_68 : memref<128x128xf32, #tpu.memory_space<vmem>>) offsets(%dma_start3A_69 : memref<128xi32, #tpu.memory_space<vmem>>) semaphore(%arg11 : memref<!tpu.dma_semaphore, #tpu.memory_space<semaphore_mem>>)
    %scan3A_73 = arith.constant 0 : i32
    %scan3A_74 = arith.constant 0 : i32
    %scan3A_75 = arith.constant 20 : i32
    %scan3A_76 = arith.addi %scan3A_74, %scan3A_75 : i32
    %scan3A_77 = arith.constant 1 : i32
    scf.for %scan3A_85 = %scan3A_74 to %scan3A_76 step %scan3A_77  : i32 {
      %mul3A_86 = arith.constant 2 : i32
      %mul3A_87 = arith.muli %scan3A_85, %mul3A_86 : i32
      %add3A_88 = arith.constant 0 : i32
      %add3A_89 = arith.addi %mul3A_87, %add3A_88 : i32
      %mul3A_90 = arith.constant 128 : i32
      %mul3A_91 = arith.muli %add3A_89, %mul3A_90 : i32
      %multiple_of3A_92 = tpu.assume_multiple %mul3A_91, 8 : i32
      %dma_wait3A_93 = arith.constant 0 : i32
      %dma_wait3A_94 = arith.constant 0 : i32
      %dma_wait3A_95 = arith.constant 0 : i32
      %dma_wait3A_96 = tpu.memref_slice %arg9[%dma_wait3A_93, %dma_wait3A_94, %dma_wait3A_95] : memref<2x128x128xf32, #tpu.memory_space<vmem>> -> memref<1x128x128xf32, #tpu.memory_space<vmem>>
      %dma_wait3A_97 = tpu.memref_squeeze %dma_wait3A_96 : memref<1x128x128xf32, #tpu.memory_space<vmem>> -> memref<128x128xf32, #tpu.memory_space<vmem>>
      %dma_wait3A_98 = tpu.memref_slice %arg7[%multiple_of3A_92] : memref<5120xi32, #tpu.memory_space<vmem>> -> memref<128xi32, #tpu.memory_space<vmem>>
      %dma_wait3A_99 = arith.constant 0 : i32
      %dma_wait3A_100 = arith.constant 0 : i32
      %dma_wait3A_101 = tpu.memref_slice %arg2[%dma_wait3A_99, %dma_wait3A_100] : memref<10008x128xf32, #tpu.memory_space<hbm>> -> memref<10008x128xf32, #tpu.memory_space<hbm>>
      tpu.wait_indirect_dma semaphore(%arg10 : memref<!tpu.dma_semaphore, #tpu.memory_space<semaphore_mem>>) src(%dma_wait3A_101 : memref<10008x128xf32, #tpu.memory_space<hbm>>) dst(%dma_wait3A_97 : memref<128x128xf32, #tpu.memory_space<vmem>>)
      %mul3A_102 = arith.constant 128 : i32
      %mul3A_103 = arith.muli %add3A_89, %mul3A_102 : i32
      %multiple_of3A_104 = tpu.assume_multiple %mul3A_103, 8 : i32
      %run_scoped3A = arith.constant 0 : i32
      "tpu.region"() ({
        %run_scoped3A_138 = tpu.sem_alloc : memref<!tpu.dma_semaphore, #tpu.memory_space<semaphore_mem>>
        %dma_start3A_139 = arith.constant 0 : i32
        %dma_start3A_140 = arith.constant 0 : i32
        %dma_start3A_141 = tpu.memref_slice %arg9[%run_scoped3A, %dma_start3A_139, %dma_start3A_140] : memref<2x128x128xf32, #tpu.memory_space<vmem>> -> memref<1x128x128xf32, #tpu.memory_space<vmem>>
        %dma_start3A_142 = tpu.memref_squeeze %dma_start3A_141 : memref<1x128x128xf32, #tpu.memory_space<vmem>> -> memref<128x128xf32, #tpu.memory_space<vmem>>
        %dma_start3A_143 = tpu.memref_slice %arg8[%multiple_of3A_104] : memref<5120xi32, #tpu.memory_space<vmem>> -> memref<128xi32, #tpu.memory_space<vmem>>
        %dma_start3A_144 = arith.constant 0 : i32
        %dma_start3A_145 = arith.constant 0 : i32
        %dma_start3A_146 = tpu.memref_slice %arg6[%dma_start3A_144, %dma_start3A_145] : memref<10000x128xf32, #tpu.memory_space<vmem_shared>> -> memref<10000x128xf32, #tpu.memory_space<vmem_shared>>
        tpu.enqueue_indirect_dma source(%dma_start3A_142 : memref<128x128xf32, #tpu.memory_space<vmem>>) target(%dma_start3A_146 : memref<10000x128xf32, #tpu.memory_space<vmem_shared>>) offsets(%dma_start3A_143 : memref<128xi32, #tpu.memory_space<vmem>>) semaphore(%run_scoped3A_138 : memref<!tpu.dma_semaphore, #tpu.memory_space<semaphore_mem>>) {add = true}
        %dma_wait3A_147 = arith.constant 0 : i32
        %dma_wait3A_148 = arith.constant 0 : i32
        %dma_wait3A_149 = tpu.memref_slice %arg9[%run_scoped3A, %dma_wait3A_147, %dma_wait3A_148] : memref<2x128x128xf32, #tpu.memory_space<vmem>> -> memref<1x128x128xf32, #tpu.memory_space<vmem>>
        %dma_wait3A_150 = tpu.memref_squeeze %dma_wait3A_149 : memref<1x128x128xf32, #tpu.memory_space<vmem>> -> memref<128x128xf32, #tpu.memory_space<vmem>>
        %dma_wait3A_151 = tpu.memref_slice %arg8[%multiple_of3A_104] : memref<5120xi32, #tpu.memory_space<vmem>> -> memref<128xi32, #tpu.memory_space<vmem>>
        %dma_wait3A_152 = arith.constant 0 : i32
        %dma_wait3A_153 = arith.constant 0 : i32
        %dma_wait3A_154 = tpu.memref_slice %arg6[%dma_wait3A_152, %dma_wait3A_153] : memref<10000x128xf32, #tpu.memory_space<vmem_shared>> -> memref<10000x128xf32, #tpu.memory_space<vmem_shared>>
        tpu.wait_indirect_dma semaphore(%run_scoped3A_138 : memref<!tpu.dma_semaphore, #tpu.memory_space<semaphore_mem>>) src(%dma_wait3A_150 : memref<128x128xf32, #tpu.memory_space<vmem>>) dst(%dma_wait3A_154 : memref<10000x128xf32, #tpu.memory_space<vmem_shared>>)
        tpu.yield
      }) : () -> ()
      %add3A_105 = arith.constant 2 : i32
      %add3A_106 = arith.addi %add3A_89, %add3A_105 : i32
      %lt3A = arith.constant 40 : i32
      %lt3A_107 = arith.cmpi slt, %add3A_106, %lt3A : i32
      %convert_element_type3A_108 = arith.extui %lt3A_107 : i1 to i32
      %cond3A_109 = arith.constant 0 : i32
      %cond3A_110 = arith.cmpi ne, %convert_element_type3A_108, %cond3A_109 : i32
      scf.if %cond3A_110 {
        %add3A_138 = arith.constant 2 : i32
        %add3A_139 = arith.addi %add3A_89, %add3A_138 : i32
        %mul3A_140 = arith.constant 128 : i32
        %mul3A_141 = arith.muli %add3A_139, %mul3A_140 : i32
        %multiple_of3A_142 = tpu.assume_multiple %mul3A_141, 8 : i32
        %dma_start3A_143 = arith.constant 0 : i32
        %dma_start3A_144 = arith.constant 0 : i32
        %dma_start3A_145 = arith.constant 0 : i32
        %dma_start3A_146 = tpu.memref_slice %arg9[%dma_start3A_143, %dma_start3A_144, %dma_start3A_145] : memref<2x128x128xf32, #tpu.memory_space<vmem>> -> memref<1x128x128xf32, #tpu.memory_space<vmem>>
        %dma_start3A_147 = tpu.memref_squeeze %dma_start3A_146 : memref<1x128x128xf32, #tpu.memory_space<vmem>> -> memref<128x128xf32, #tpu.memory_space<vmem>>
        %dma_start3A_148 = tpu.memref_slice %arg7[%multiple_of3A_142] : memref<5120xi32, #tpu.memory_space<vmem>> -> memref<128xi32, #tpu.memory_space<vmem>>
        %dma_start3A_149 = arith.constant 0 : i32
        %dma_start3A_150 = arith.constant 0 : i32
        %dma_start3A_151 = tpu.memref_slice %arg2[%dma_start3A_149, %dma_start3A_150] : memref<10008x128xf32, #tpu.memory_space<hbm>> -> memref<10008x128xf32, #tpu.memory_space<hbm>>
        tpu.enqueue_indirect_dma source(%dma_start3A_151 : memref<10008x128xf32, #tpu.memory_space<hbm>>) target(%dma_start3A_147 : memref<128x128xf32, #tpu.memory_space<vmem>>) offsets(%dma_start3A_148 : memref<128xi32, #tpu.memory_space<vmem>>) semaphore(%arg10 : memref<!tpu.dma_semaphore, #tpu.memory_space<semaphore_mem>>)
      } else {
      }
      %mul3A_111 = arith.constant 2 : i32
      %mul3A_112 = arith.muli %scan3A_85, %mul3A_111 : i32
      %add3A_113 = arith.constant 1 : i32
      %add3A_114 = arith.addi %mul3A_112, %add3A_113 : i32
      %mul3A_115 = arith.constant 128 : i32
      %mul3A_116 = arith.muli %add3A_114, %mul3A_115 : i32
      %multiple_of3A_117 = tpu.assume_multiple %mul3A_116, 8 : i32
      %dma_wait3A_118 = arith.constant 1 : i32
      %dma_wait3A_119 = arith.constant 0 : i32
      %dma_wait3A_120 = arith.constant 0 : i32
      %dma_wait3A_121 = tpu.memref_slice %arg9[%dma_wait3A_118, %dma_wait3A_119, %dma_wait3A_120] : memref<2x128x128xf32, #tpu.memory_space<vmem>> -> memref<1x128x128xf32, #tpu.memory_space<vmem>>
      %dma_wait3A_122 = tpu.memref_squeeze %dma_wait3A_121 : memref<1x128x128xf32, #tpu.memory_space<vmem>> -> memref<128x128xf32, #tpu.memory_space<vmem>>
      %dma_wait3A_123 = tpu.memref_slice %arg7[%multiple_of3A_117] : memref<5120xi32, #tpu.memory_space<vmem>> -> memref<128xi32, #tpu.memory_space<vmem>>
      %dma_wait3A_124 = arith.constant 0 : i32
      %dma_wait3A_125 = arith.constant 0 : i32
      %dma_wait3A_126 = tpu.memref_slice %arg2[%dma_wait3A_124, %dma_wait3A_125] : memref<10008x128xf32, #tpu.memory_space<hbm>> -> memref<10008x128xf32, #tpu.memory_space<hbm>>
      tpu.wait_indirect_dma semaphore(%arg11 : memref<!tpu.dma_semaphore, #tpu.memory_space<semaphore_mem>>) src(%dma_wait3A_126 : memref<10008x128xf32, #tpu.memory_space<hbm>>) dst(%dma_wait3A_122 : memref<128x128xf32, #tpu.memory_space<vmem>>)
      %mul3A_127 = arith.constant 128 : i32
      %mul3A_128 = arith.muli %add3A_114, %mul3A_127 : i32
      %multiple_of3A_129 = tpu.assume_multiple %mul3A_128, 8 : i32
      %run_scoped3A_130 = arith.constant 1 : i32
      "tpu.region"() ({
        %run_scoped3A_138 = tpu.sem_alloc : memref<!tpu.dma_semaphore, #tpu.memory_space<semaphore_mem>>
        %dma_start3A_139 = arith.constant 0 : i32
        %dma_start3A_140 = arith.constant 0 : i32
        %dma_start3A_141 = tpu.memref_slice %arg9[%run_scoped3A_130, %dma_start3A_139, %dma_start3A_140] : memref<2x128x128xf32, #tpu.memory_space<vmem>> -> memref<1x128x128xf32, #tpu.memory_space<vmem>>
        %dma_start3A_142 = tpu.memref_squeeze %dma_start3A_141 : memref<1x128x128xf32, #tpu.memory_space<vmem>> -> memref<128x128xf32, #tpu.memory_space<vmem>>
        %dma_start3A_143 = tpu.memref_slice %arg8[%multiple_of3A_129] : memref<5120xi32, #tpu.memory_space<vmem>> -> memref<128xi32, #tpu.memory_space<vmem>>
        %dma_start3A_144 = arith.constant 0 : i32
        %dma_start3A_145 = arith.constant 0 : i32
        %dma_start3A_146 = tpu.memref_slice %arg6[%dma_start3A_144, %dma_start3A_145] : memref<10000x128xf32, #tpu.memory_space<vmem_shared>> -> memref<10000x128xf32, #tpu.memory_space<vmem_shared>>
        tpu.enqueue_indirect_dma source(%dma_start3A_142 : memref<128x128xf32, #tpu.memory_space<vmem>>) target(%dma_start3A_146 : memref<10000x128xf32, #tpu.memory_space<vmem_shared>>) offsets(%dma_start3A_143 : memref<128xi32, #tpu.memory_space<vmem>>) semaphore(%run_scoped3A_138 : memref<!tpu.dma_semaphore, #tpu.memory_space<semaphore_mem>>) {add = true}
        %dma_wait3A_147 = arith.constant 0 : i32
        %dma_wait3A_148 = arith.constant 0 : i32
        %dma_wait3A_149 = tpu.memref_slice %arg9[%run_scoped3A_130, %dma_wait3A_147, %dma_wait3A_148] : memref<2x128x128xf32, #tpu.memory_space<vmem>> -> memref<1x128x128xf32, #tpu.memory_space<vmem>>
        %dma_wait3A_150 = tpu.memref_squeeze %dma_wait3A_149 : memref<1x128x128xf32, #tpu.memory_space<vmem>> -> memref<128x128xf32, #tpu.memory_space<vmem>>
        %dma_wait3A_151 = tpu.memref_slice %arg8[%multiple_of3A_129] : memref<5120xi32, #tpu.memory_space<vmem>> -> memref<128xi32, #tpu.memory_space<vmem>>
        %dma_wait3A_152 = arith.constant 0 : i32
        %dma_wait3A_153 = arith.constant 0 : i32
        %dma_wait3A_154 = tpu.memref_slice %arg6[%dma_wait3A_152, %dma_wait3A_153] : memref<10000x128xf32, #tpu.memory_space<vmem_shared>> -> memref<10000x128xf32, #tpu.memory_space<vmem_shared>>
        tpu.wait_indirect_dma semaphore(%run_scoped3A_138 : memref<!tpu.dma_semaphore, #tpu.memory_space<semaphore_mem>>) src(%dma_wait3A_150 : memref<128x128xf32, #tpu.memory_space<vmem>>) dst(%dma_wait3A_154 : memref<10000x128xf32, #tpu.memory_space<vmem_shared>>)
        tpu.yield
      }) : () -> ()
      %add3A_131 = arith.constant 2 : i32
      %add3A_132 = arith.addi %add3A_114, %add3A_131 : i32
      %lt3A_133 = arith.constant 40 : i32
      %lt3A_134 = arith.cmpi slt, %add3A_132, %lt3A_133 : i32
      %convert_element_type3A_135 = arith.extui %lt3A_134 : i1 to i32
      %cond3A_136 = arith.constant 0 : i32
      %cond3A_137 = arith.cmpi ne, %convert_element_type3A_135, %cond3A_136 : i32
      scf.if %cond3A_137 {
        %add3A_138 = arith.constant 2 : i32
        %add3A_139 = arith.addi %add3A_114, %add3A_138 : i32
        %mul3A_140 = arith.constant 128 : i32
        %mul3A_141 = arith.muli %add3A_139, %mul3A_140 : i32
        %multiple_of3A_142 = tpu.assume_multiple %mul3A_141, 8 : i32
        %dma_start3A_143 = arith.constant 1 : i32
        %dma_start3A_144 = arith.constant 0 : i32
        %dma_start3A_145 = arith.constant 0 : i32
        %dma_start3A_146 = tpu.memref_slice %arg9[%dma_start3A_143, %dma_start3A_144, %dma_start3A_145] : memref<2x128x128xf32, #tpu.memory_space<vmem>> -> memref<1x128x128xf32, #tpu.memory_space<vmem>>
        %dma_start3A_147 = tpu.memref_squeeze %dma_start3A_146 : memref<1x128x128xf32, #tpu.memory_space<vmem>> -> memref<128x128xf32, #tpu.memory_space<vmem>>
        %dma_start3A_148 = tpu.memref_slice %arg7[%multiple_of3A_142] : memref<5120xi32, #tpu.memory_space<vmem>> -> memref<128xi32, #tpu.memory_space<vmem>>
        %dma_start3A_149 = arith.constant 0 : i32
        %dma_start3A_150 = arith.constant 0 : i32
        %dma_start3A_151 = tpu.memref_slice %arg2[%dma_start3A_149, %dma_start3A_150] : memref<10008x128xf32, #tpu.memory_space<hbm>> -> memref<10008x128xf32, #tpu.memory_space<hbm>>
        tpu.enqueue_indirect_dma source(%dma_start3A_151 : memref<10008x128xf32, #tpu.memory_space<hbm>>) target(%dma_start3A_147 : memref<128x128xf32, #tpu.memory_space<vmem>>) offsets(%dma_start3A_148 : memref<128xi32, #tpu.memory_space<vmem>>) semaphore(%arg11 : memref<!tpu.dma_semaphore, #tpu.memory_space<semaphore_mem>>)
      } else {
      }
    }
    %scan3A_78 = arith.constant 20 : i32
    %barrier3A_79 = arith.constant 0 : index
    tpu.barrier barrier_id(%barrier3A_79)
    "tpu.region"() ({
      %run_scoped3A = tpu.sem_alloc : memref<!tpu.dma_semaphore, #tpu.memory_space<semaphore_mem>>
      %dma_start3A_85 = arith.constant 0 : i32
      %dma_start3A_86 = tpu.memref_slice %arg5[%arg0, %multiple_of3A, %dma_start3A_85] : memref<2x10000x128xf32, #tpu.memory_space<hbm>> -> memref<1x624x128xf32, #tpu.memory_space<hbm>>
      %dma_start3A_87 = tpu.memref_squeeze %dma_start3A_86 : memref<1x624x128xf32, #tpu.memory_space<hbm>> -> memref<624x128xf32, #tpu.memory_space<hbm>>
      %dma_start3A_88 = arith.constant 0 : i32
      %dma_start3A_89 = tpu.memref_slice %arg6[%multiple_of3A, %dma_start3A_88] : memref<10000x128xf32, #tpu.memory_space<vmem_shared>> -> memref<624x128xf32, #tpu.memory_space<vmem_shared>>
      tpu.enqueue_dma source(%dma_start3A_89 : memref<624x128xf32, #tpu.memory_space<vmem_shared>>) target(%dma_start3A_87 : memref<624x128xf32, #tpu.memory_space<hbm>>) target_semaphore(%run_scoped3A : memref<!tpu.dma_semaphore, #tpu.memory_space<semaphore_mem>>)
      %dma_wait3A_90 = arith.constant 0 : i32
      %dma_wait3A_91 = tpu.memref_slice %arg5[%arg0, %multiple_of3A, %dma_wait3A_90] : memref<2x10000x128xf32, #tpu.memory_space<hbm>> -> memref<1x624x128xf32, #tpu.memory_space<hbm>>
      %dma_wait3A_92 = tpu.memref_squeeze %dma_wait3A_91 : memref<1x624x128xf32, #tpu.memory_space<hbm>> -> memref<624x128xf32, #tpu.memory_space<hbm>>
      %dma_wait3A_93 = arith.constant 0 : i32
      %dma_wait3A_94 = tpu.memref_slice %arg6[%multiple_of3A, %dma_wait3A_93] : memref<10000x128xf32, #tpu.memory_space<vmem_shared>> -> memref<624x128xf32, #tpu.memory_space<vmem_shared>>
      tpu.wait_dma2 semaphore(%run_scoped3A : memref<!tpu.dma_semaphore, #tpu.memory_space<semaphore_mem>>) src(%dma_wait3A_94 : memref<624x128xf32, #tpu.memory_space<vmem_shared>>) dst(%dma_wait3A_92 : memref<624x128xf32, #tpu.memory_space<hbm>>)
      tpu.yield
    }) : () -> ()
    %eq3A_80 = arith.constant 15 : i32
    %eq3A_81 = arith.cmpi eq, %arg1, %eq3A_80 : i32
    %convert_element_type3A_82 = arith.extui %eq3A_81 : i1 to i32
    %cond3A_83 = arith.constant 0 : i32
    %cond3A_84 = arith.cmpi ne, %convert_element_type3A_82, %cond3A_83 : i32
    scf.if %cond3A_84 {
      "tpu.region"() ({
        %run_scoped3A = tpu.sem_alloc : memref<!tpu.dma_semaphore, #tpu.memory_space<semaphore_mem>>
        %dma_start3A_85 = arith.constant 9984 : i32
        %dma_start3A_86 = arith.constant 0 : i32
        %dma_start3A_87 = tpu.memref_slice %arg5[%arg0, %dma_start3A_85, %dma_start3A_86] : memref<2x10000x128xf32, #tpu.memory_space<hbm>> -> memref<1x16x128xf32, #tpu.memory_space<hbm>>
        %dma_start3A_88 = tpu.memref_squeeze %dma_start3A_87 : memref<1x16x128xf32, #tpu.memory_space<hbm>> -> memref<16x128xf32, #tpu.memory_space<hbm>>
        %dma_start3A_89 = arith.constant 9984 : i32
        %dma_start3A_90 = arith.constant 0 : i32
        %dma_start3A_91 = tpu.memref_slice %arg6[%dma_start3A_89, %dma_start3A_90] : memref<10000x128xf32, #tpu.memory_space<vmem_shared>> -> memref<16x128xf32, #tpu.memory_space<vmem_shared>>
        tpu.enqueue_dma source(%dma_start3A_91 : memref<16x128xf32, #tpu.memory_space<vmem_shared>>) target(%dma_start3A_88 : memref<16x128xf32, #tpu.memory_space<hbm>>) target_semaphore(%run_scoped3A : memref<!tpu.dma_semaphore, #tpu.memory_space<semaphore_mem>>)
        %dma_wait3A_92 = arith.constant 9984 : i32
        %dma_wait3A_93 = arith.constant 0 : i32
        %dma_wait3A_94 = tpu.memref_slice %arg5[%arg0, %dma_wait3A_92, %dma_wait3A_93] : memref<2x10000x128xf32, #tpu.memory_space<hbm>> -> memref<1x16x128xf32, #tpu.memory_space<hbm>>
        %dma_wait3A_95 = tpu.memref_squeeze %dma_wait3A_94 : memref<1x16x128xf32, #tpu.memory_space<hbm>> -> memref<16x128xf32, #tpu.memory_space<hbm>>
        %dma_wait3A_96 = arith.constant 9984 : i32
        %dma_wait3A_97 = arith.constant 0 : i32
        %dma_wait3A_98 = tpu.memref_slice %arg6[%dma_wait3A_96, %dma_wait3A_97] : memref<10000x128xf32, #tpu.memory_space<vmem_shared>> -> memref<16x128xf32, #tpu.memory_space<vmem_shared>>
        tpu.wait_dma2 semaphore(%run_scoped3A : memref<!tpu.dma_semaphore, #tpu.memory_space<semaphore_mem>>) src(%dma_wait3A_98 : memref<16x128xf32, #tpu.memory_space<vmem_shared>>) dst(%dma_wait3A_95 : memref<16x128xf32, #tpu.memory_space<hbm>>)
        tpu.yield
      }) : () -> ()
    } else {
    }
    return
  }
}

#map = affine_map<(d0, d1) -> (0, 0)>
#map1 = affine_map<(d0, d1) -> (0)>
#map2 = affine_map<(d0, d1) -> (0, 0, 0)>
module attributes {stable_mosaic.version = 14 : i64} {
  func.func @scatter_kernel(%arg0: i32, %arg1: i32, %arg2: memref<10008x128xf32, #tpu.memory_space<hbm>>, %arg3: memref<327680xi32, #tpu.memory_space<hbm>>, %arg4: memref<327680xi32, #tpu.memory_space<hbm>>, %arg5: memref<2x10000x128xf32, #tpu.memory_space<hbm>>, %arg6: memref<10000x128xf32, #tpu.memory_space<vmem_shared>>, %arg7: memref<5120xi32, #tpu.memory_space<vmem>>, %arg8: memref<5120xi32, #tpu.memory_space<vmem>>, %arg9: memref<2x128x128xf32, #tpu.memory_space<vmem>>, %arg10: memref<!tpu.dma_semaphore, #tpu.memory_space<semaphore_mem>>, %arg11: memref<!tpu.dma_semaphore, #tpu.memory_space<semaphore_mem>>, %arg12: memref<!tpu.dma_semaphore, #tpu.memory_space<semaphore_mem>>) attributes {dimension_semantics = [#tpu.dimension_semantics<core_parallel>, #tpu.dimension_semantics<subcore_parallel>], iteration_bounds = array<i64: 2, 16>, scalar_prefetch = 0 : i64, scratch_operands = 7 : i64, tpu.core_type = #tpu.core_type<sc_vector_subcore>, window_params = [{transform_indices = #map}, {transform_indices = #map1}, {transform_indices = #map1}, {transform_indices = #map2}]} {
    %mul3A = arith.constant 2 : i32
    %mul3A_0 = arith.muli %arg1, %mul3A : i32
    %add3A = arith.addi %mul3A_0, %arg0 : i32
    %mul3A_1 = arith.constant 624 : i32
    %mul3A_2 = arith.muli %arg1, %mul3A_1 : i32
    %multiple_of3A = tpu.assume_multiple %mul3A_2, 8 : i32
    %dma_start3A = arith.constant 0 : i32
    %dma_start3A_3 = tpu.memref_slice %arg6[%multiple_of3A, %dma_start3A] : memref<10000x128xf32, #tpu.memory_space<vmem_shared>> -> memref<624x128xf32, #tpu.memory_space<vmem_shared>>
    %dma_start3A_4 = arith.constant 0 : i32
    %dma_start3A_5 = tpu.memref_slice %arg2[%multiple_of3A, %dma_start3A_4] : memref<10008x128xf32, #tpu.memory_space<hbm>> -> memref<624x128xf32, #tpu.memory_space<hbm>>
    tpu.enqueue_dma source(%dma_start3A_5 : memref<624x128xf32, #tpu.memory_space<hbm>>) target(%dma_start3A_3 : memref<624x128xf32, #tpu.memory_space<vmem_shared>>) target_semaphore(%arg12 : memref<!tpu.dma_semaphore, #tpu.memory_space<semaphore_mem>>)
    %eq3A = arith.constant 15 : i32
    %eq3A_6 = arith.cmpi eq, %arg1, %eq3A : i32
    %convert_element_type3A = arith.extui %eq3A_6 : i1 to i32
    %cond3A = arith.constant 0 : i32
    %cond3A_7 = arith.cmpi ne, %convert_element_type3A, %cond3A : i32
    scf.if %cond3A_7 {
      %dma_start3A_85 = arith.constant 9984 : i32
      %dma_start3A_86 = arith.constant 0 : i32
      %dma_start3A_87 = tpu.memref_slice %arg6[%dma_start3A_85, %dma_start3A_86] : memref<10000x128xf32, #tpu.memory_space<vmem_shared>> -> memref<16x128xf32, #tpu.memory_space<vmem_shared>>
      %dma_start3A_88 = arith.constant 9984 : i32
      %dma_start3A_89 = arith.constant 0 : i32
      %dma_start3A_90 = tpu.memref_slice %arg2[%dma_start3A_88, %dma_start3A_89] : memref<10008x128xf32, #tpu.memory_space<hbm>> -> memref<16x128xf32, #tpu.memory_space<hbm>>
      tpu.enqueue_dma source(%dma_start3A_90 : memref<16x128xf32, #tpu.memory_space<hbm>>) target(%dma_start3A_87 : memref<16x128xf32, #tpu.memory_space<vmem_shared>>) target_semaphore(%arg12 : memref<!tpu.dma_semaphore, #tpu.memory_space<semaphore_mem>>)
    } else {
    }
    %mul3A_8 = arith.constant 10240 : i32
    %mul3A_9 = arith.muli %add3A, %mul3A_8 : i32
    %add3A_10 = arith.constant 0 : i32
    %add3A_11 = arith.addi %mul3A_9, %add3A_10 : i32
    %multiple_of3A_12 = tpu.assume_multiple %add3A_11, 8 : i32
    "tpu.region"() ({
      %run_scoped3A = tpu.sem_alloc : memref<!tpu.dma_semaphore, #tpu.memory_space<semaphore_mem>>
      %dma_start3A_85 = tpu.memref_slice %arg3[%multiple_of3A_12] : memref<327680xi32, #tpu.memory_space<hbm>> -> memref<5120xi32, #tpu.memory_space<hbm>>
      %dma_start3A_86 = tpu.memref_slice %arg3[%multiple_of3A_12] : memref<327680xi32, #tpu.memory_space<hbm>> -> memref<5120xi32, #tpu.memory_space<hbm>>
      tpu.enqueue_dma source(%dma_start3A_86 : memref<5120xi32, #tpu.memory_space<hbm>>) target(%arg7 : memref<5120xi32, #tpu.memory_space<vmem>>) target_semaphore(%run_scoped3A : memref<!tpu.dma_semaphore, #tpu.memory_space<semaphore_mem>>)
      %dma_wait3A_87 = tpu.memref_slice %arg3[%multiple_of3A_12] : memref<327680xi32, #tpu.memory_space<hbm>> -> memref<5120xi32, #tpu.memory_space<hbm>>
      %dma_wait3A_88 = tpu.memref_slice %arg3[%multiple_of3A_12] : memref<327680xi32, #tpu.memory_space<hbm>> -> memref<5120xi32, #tpu.memory_space<hbm>>
      tpu.wait_dma2 semaphore(%run_scoped3A : memref<!tpu.dma_semaphore, #tpu.memory_space<semaphore_mem>>) src(%dma_wait3A_88 : memref<5120xi32, #tpu.memory_space<hbm>>) dst(%arg7 : memref<5120xi32, #tpu.memory_space<vmem>>)
      tpu.yield
    }) : () -> ()
    "tpu.region"() ({
      %run_scoped3A = tpu.sem_alloc : memref<!tpu.dma_semaphore, #tpu.memory_space<semaphore_mem>>
      %dma_start3A_85 = tpu.memref_slice %arg4[%multiple_of3A_12] : memref<327680xi32, #tpu.memory_space<hbm>> -> memref<5120xi32, #tpu.memory_space<hbm>>
      %dma_start3A_86 = tpu.memref_slice %arg4[%multiple_of3A_12] : memref<327680xi32, #tpu.memory_space<hbm>> -> memref<5120xi32, #tpu.memory_space<hbm>>
      tpu.enqueue_dma source(%dma_start3A_86 : memref<5120xi32, #tpu.memory_space<hbm>>) target(%arg8 : memref<5120xi32, #tpu.memory_space<vmem>>) target_semaphore(%run_scoped3A : memref<!tpu.dma_semaphore, #tpu.memory_space<semaphore_mem>>)
      %dma_wait3A_87 = tpu.memref_slice %arg4[%multiple_of3A_12] : memref<327680xi32, #tpu.memory_space<hbm>> -> memref<5120xi32, #tpu.memory_space<hbm>>
      %dma_wait3A_88 = tpu.memref_slice %arg4[%multiple_of3A_12] : memref<327680xi32, #tpu.memory_space<hbm>> -> memref<5120xi32, #tpu.memory_space<hbm>>
      tpu.wait_dma2 semaphore(%run_scoped3A : memref<!tpu.dma_semaphore, #tpu.memory_space<semaphore_mem>>) src(%dma_wait3A_88 : memref<5120xi32, #tpu.memory_space<hbm>>) dst(%arg8 : memref<5120xi32, #tpu.memory_space<vmem>>)
      tpu.yield
    }) : () -> ()
    %multiple_of3A_13 = arith.constant 0 : i32
    %multiple_of3A_14 = tpu.assume_multiple %multiple_of3A_13, 8 : i32
    %dma_start3A_15 = arith.constant 0 : i32
    %dma_start3A_16 = arith.constant 0 : i32
    %dma_start3A_17 = arith.constant 0 : i32
    %dma_start3A_18 = tpu.memref_slice %arg9[%dma_start3A_15, %dma_start3A_16, %dma_start3A_17] : memref<2x128x128xf32, #tpu.memory_space<vmem>> -> memref<1x128x128xf32, #tpu.memory_space<vmem>>
    %dma_start3A_19 = tpu.memref_squeeze %dma_start3A_18 : memref<1x128x128xf32, #tpu.memory_space<vmem>> -> memref<128x128xf32, #tpu.memory_space<vmem>>
    %dma_start3A_20 = tpu.memref_slice %arg7[%multiple_of3A_14] : memref<5120xi32, #tpu.memory_space<vmem>> -> memref<128xi32, #tpu.memory_space<vmem>>
    %dma_start3A_21 = arith.constant 0 : i32
    %dma_start3A_22 = arith.constant 0 : i32
    %dma_start3A_23 = tpu.memref_slice %arg2[%dma_start3A_21, %dma_start3A_22] : memref<10008x128xf32, #tpu.memory_space<hbm>> -> memref<10008x128xf32, #tpu.memory_space<hbm>>
    tpu.enqueue_indirect_dma source(%dma_start3A_23 : memref<10008x128xf32, #tpu.memory_space<hbm>>) target(%dma_start3A_19 : memref<128x128xf32, #tpu.memory_space<vmem>>) offsets(%dma_start3A_20 : memref<128xi32, #tpu.memory_space<vmem>>) semaphore(%arg10 : memref<!tpu.dma_semaphore, #tpu.memory_space<semaphore_mem>>)
    %multiple_of3A_24 = arith.constant 128 : i32
    %multiple_of3A_25 = tpu.assume_multiple %multiple_of3A_24, 8 : i32
    %dma_start3A_26 = arith.constant 1 : i32
    %dma_start3A_27 = arith.constant 0 : i32
    %dma_start3A_28 = arith.constant 0 : i32
    %dma_start3A_29 = tpu.memref_slice %arg9[%dma_start3A_26, %dma_start3A_27, %dma_start3A_28] : memref<2x128x128xf32, #tpu.memory_space<vmem>> -> memref<1x128x128xf32, #tpu.memory_space<vmem>>
    %dma_start3A_30 = tpu.memref_squeeze %dma_start3A_29 : memref<1x128x128xf32, #tpu.memory_space<vmem>> -> memref<128x128xf32, #tpu.memory_space<vmem>>
    %dma_start3A_31 = tpu.memref_slice %arg7[%multiple_of3A_25] : memref<5120xi32, #tpu.memory_space<vmem>> -> memref<128xi32, #tpu.memory_space<vmem>>
    %dma_start3A_32 = arith.constant 0 : i32
    %dma_start3A_33 = arith.constant 0 : i32
    %dma_start3A_34 = tpu.memref_slice %arg2[%dma_start3A_32, %dma_start3A_33] : memref<10008x128xf32, #tpu.memory_space<hbm>> -> memref<10008x128xf32, #tpu.memory_space<hbm>>
    tpu.enqueue_indirect_dma source(%dma_start3A_34 : memref<10008x128xf32, #tpu.memory_space<hbm>>) target(%dma_start3A_30 : memref<128x128xf32, #tpu.memory_space<vmem>>) offsets(%dma_start3A_31 : memref<128xi32, #tpu.memory_space<vmem>>) semaphore(%arg11 : memref<!tpu.dma_semaphore, #tpu.memory_space<semaphore_mem>>)
    %dma_wait3A = arith.constant 0 : i32
    %dma_wait3A_35 = tpu.memref_slice %arg6[%multiple_of3A, %dma_wait3A] : memref<10000x128xf32, #tpu.memory_space<vmem_shared>> -> memref<624x128xf32, #tpu.memory_space<vmem_shared>>
    %dma_wait3A_36 = arith.constant 0 : i32
    %dma_wait3A_37 = tpu.memref_slice %arg2[%multiple_of3A, %dma_wait3A_36] : memref<10008x128xf32, #tpu.memory_space<hbm>> -> memref<624x128xf32, #tpu.memory_space<hbm>>
    tpu.wait_dma2 semaphore(%arg12 : memref<!tpu.dma_semaphore, #tpu.memory_space<semaphore_mem>>) src(%dma_wait3A_37 : memref<624x128xf32, #tpu.memory_space<hbm>>) dst(%dma_wait3A_35 : memref<624x128xf32, #tpu.memory_space<vmem_shared>>)
    %eq3A_38 = arith.constant 15 : i32
    %eq3A_39 = arith.cmpi eq, %arg1, %eq3A_38 : i32
    %convert_element_type3A_40 = arith.extui %eq3A_39 : i1 to i32
    %cond3A_41 = arith.constant 0 : i32
    %cond3A_42 = arith.cmpi ne, %convert_element_type3A_40, %cond3A_41 : i32
    scf.if %cond3A_42 {
      %dma_wait3A_85 = arith.constant 9984 : i32
      %dma_wait3A_86 = arith.constant 0 : i32
      %dma_wait3A_87 = tpu.memref_slice %arg6[%dma_wait3A_85, %dma_wait3A_86] : memref<10000x128xf32, #tpu.memory_space<vmem_shared>> -> memref<16x128xf32, #tpu.memory_space<vmem_shared>>
      %dma_wait3A_88 = arith.constant 9984 : i32
      %dma_wait3A_89 = arith.constant 0 : i32
      %dma_wait3A_90 = tpu.memref_slice %arg2[%dma_wait3A_88, %dma_wait3A_89] : memref<10008x128xf32, #tpu.memory_space<hbm>> -> memref<16x128xf32, #tpu.memory_space<hbm>>
      tpu.wait_dma2 semaphore(%arg12 : memref<!tpu.dma_semaphore, #tpu.memory_space<semaphore_mem>>) src(%dma_wait3A_90 : memref<16x128xf32, #tpu.memory_space<hbm>>) dst(%dma_wait3A_87 : memref<16x128xf32, #tpu.memory_space<vmem_shared>>)
    } else {
    }
    %barrier3A = arith.constant 0 : index
    tpu.barrier barrier_id(%barrier3A)
    %scan3A = arith.constant 0 : i32
    %scan3A_43 = arith.constant 0 : i32
    %scan3A_44 = arith.constant 20 : i32
    %scan3A_45 = arith.addi %scan3A_43, %scan3A_44 : i32
    %scan3A_46 = arith.constant 1 : i32
    scf.for %scan3A_85 = %scan3A_43 to %scan3A_45 step %scan3A_46  : i32 {
      %mul3A_86 = arith.constant 2 : i32
      %mul3A_87 = arith.muli %scan3A_85, %mul3A_86 : i32
      %add3A_88 = arith.constant 0 : i32
      %add3A_89 = arith.addi %mul3A_87, %add3A_88 : i32
      %mul3A_90 = arith.constant 128 : i32
      %mul3A_91 = arith.muli %add3A_89, %mul3A_90 : i32
      %multiple_of3A_92 = tpu.assume_multiple %mul3A_91, 8 : i32
      %dma_wait3A_93 = arith.constant 0 : i32
      %dma_wait3A_94 = arith.constant 0 : i32
      %dma_wait3A_95 = arith.constant 0 : i32
      %dma_wait3A_96 = tpu.memref_slice %arg9[%dma_wait3A_93, %dma_wait3A_94, %dma_wait3A_95] : memref<2x128x128xf32, #tpu.memory_space<vmem>> -> memref<1x128x128xf32, #tpu.memory_space<vmem>>
      %dma_wait3A_97 = tpu.memref_squeeze %dma_wait3A_96 : memref<1x128x128xf32, #tpu.memory_space<vmem>> -> memref<128x128xf32, #tpu.memory_space<vmem>>
      %dma_wait3A_98 = tpu.memref_slice %arg7[%multiple_of3A_92] : memref<5120xi32, #tpu.memory_space<vmem>> -> memref<128xi32, #tpu.memory_space<vmem>>
      %dma_wait3A_99 = arith.constant 0 : i32
      %dma_wait3A_100 = arith.constant 0 : i32
      %dma_wait3A_101 = tpu.memref_slice %arg2[%dma_wait3A_99, %dma_wait3A_100] : memref<10008x128xf32, #tpu.memory_space<hbm>> -> memref<10008x128xf32, #tpu.memory_space<hbm>>
      tpu.wait_indirect_dma semaphore(%arg10 : memref<!tpu.dma_semaphore, #tpu.memory_space<semaphore_mem>>) src(%dma_wait3A_101 : memref<10008x128xf32, #tpu.memory_space<hbm>>) dst(%dma_wait3A_97 : memref<128x128xf32, #tpu.memory_space<vmem>>)
      %mul3A_102 = arith.constant 128 : i32
      %mul3A_103 = arith.muli %add3A_89, %mul3A_102 : i32
      %multiple_of3A_104 = tpu.assume_multiple %mul3A_103, 8 : i32
      %run_scoped3A = arith.constant 0 : i32
      "tpu.region"() ({
        %run_scoped3A_138 = tpu.sem_alloc : memref<!tpu.dma_semaphore, #tpu.memory_space<semaphore_mem>>
        %dma_start3A_139 = arith.constant 0 : i32
        %dma_start3A_140 = arith.constant 0 : i32
        %dma_start3A_141 = tpu.memref_slice %arg9[%run_scoped3A, %dma_start3A_139, %dma_start3A_140] : memref<2x128x128xf32, #tpu.memory_space<vmem>> -> memref<1x128x128xf32, #tpu.memory_space<vmem>>
        %dma_start3A_142 = tpu.memref_squeeze %dma_start3A_141 : memref<1x128x128xf32, #tpu.memory_space<vmem>> -> memref<128x128xf32, #tpu.memory_space<vmem>>
        %dma_start3A_143 = tpu.memref_slice %arg8[%multiple_of3A_104] : memref<5120xi32, #tpu.memory_space<vmem>> -> memref<128xi32, #tpu.memory_space<vmem>>
        %dma_start3A_144 = arith.constant 0 : i32
        %dma_start3A_145 = arith.constant 0 : i32
        %dma_start3A_146 = tpu.memref_slice %arg6[%dma_start3A_144, %dma_start3A_145] : memref<10000x128xf32, #tpu.memory_space<vmem_shared>> -> memref<10000x128xf32, #tpu.memory_space<vmem_shared>>
        tpu.enqueue_indirect_dma source(%dma_start3A_142 : memref<128x128xf32, #tpu.memory_space<vmem>>) target(%dma_start3A_146 : memref<10000x128xf32, #tpu.memory_space<vmem_shared>>) offsets(%dma_start3A_143 : memref<128xi32, #tpu.memory_space<vmem>>) semaphore(%run_scoped3A_138 : memref<!tpu.dma_semaphore, #tpu.memory_space<semaphore_mem>>) {add = true}
        %dma_wait3A_147 = arith.constant 0 : i32
        %dma_wait3A_148 = arith.constant 0 : i32
        %dma_wait3A_149 = tpu.memref_slice %arg9[%run_scoped3A, %dma_wait3A_147, %dma_wait3A_148] : memref<2x128x128xf32, #tpu.memory_space<vmem>> -> memref<1x128x128xf32, #tpu.memory_space<vmem>>
        %dma_wait3A_150 = tpu.memref_squeeze %dma_wait3A_149 : memref<1x128x128xf32, #tpu.memory_space<vmem>> -> memref<128x128xf32, #tpu.memory_space<vmem>>
        %dma_wait3A_151 = tpu.memref_slice %arg8[%multiple_of3A_104] : memref<5120xi32, #tpu.memory_space<vmem>> -> memref<128xi32, #tpu.memory_space<vmem>>
        %dma_wait3A_152 = arith.constant 0 : i32
        %dma_wait3A_153 = arith.constant 0 : i32
        %dma_wait3A_154 = tpu.memref_slice %arg6[%dma_wait3A_152, %dma_wait3A_153] : memref<10000x128xf32, #tpu.memory_space<vmem_shared>> -> memref<10000x128xf32, #tpu.memory_space<vmem_shared>>
        tpu.wait_indirect_dma semaphore(%run_scoped3A_138 : memref<!tpu.dma_semaphore, #tpu.memory_space<semaphore_mem>>) src(%dma_wait3A_150 : memref<128x128xf32, #tpu.memory_space<vmem>>) dst(%dma_wait3A_154 : memref<10000x128xf32, #tpu.memory_space<vmem_shared>>)
        tpu.yield
      }) : () -> ()
      %add3A_105 = arith.constant 2 : i32
      %add3A_106 = arith.addi %add3A_89, %add3A_105 : i32
      %lt3A = arith.constant 40 : i32
      %lt3A_107 = arith.cmpi slt, %add3A_106, %lt3A : i32
      %convert_element_type3A_108 = arith.extui %lt3A_107 : i1 to i32
      %cond3A_109 = arith.constant 0 : i32
      %cond3A_110 = arith.cmpi ne, %convert_element_type3A_108, %cond3A_109 : i32
      scf.if %cond3A_110 {
        %add3A_138 = arith.constant 2 : i32
        %add3A_139 = arith.addi %add3A_89, %add3A_138 : i32
        %mul3A_140 = arith.constant 128 : i32
        %mul3A_141 = arith.muli %add3A_139, %mul3A_140 : i32
        %multiple_of3A_142 = tpu.assume_multiple %mul3A_141, 8 : i32
        %dma_start3A_143 = arith.constant 0 : i32
        %dma_start3A_144 = arith.constant 0 : i32
        %dma_start3A_145 = arith.constant 0 : i32
        %dma_start3A_146 = tpu.memref_slice %arg9[%dma_start3A_143, %dma_start3A_144, %dma_start3A_145] : memref<2x128x128xf32, #tpu.memory_space<vmem>> -> memref<1x128x128xf32, #tpu.memory_space<vmem>>
        %dma_start3A_147 = tpu.memref_squeeze %dma_start3A_146 : memref<1x128x128xf32, #tpu.memory_space<vmem>> -> memref<128x128xf32, #tpu.memory_space<vmem>>
        %dma_start3A_148 = tpu.memref_slice %arg7[%multiple_of3A_142] : memref<5120xi32, #tpu.memory_space<vmem>> -> memref<128xi32, #tpu.memory_space<vmem>>
        %dma_start3A_149 = arith.constant 0 : i32
        %dma_start3A_150 = arith.constant 0 : i32
        %dma_start3A_151 = tpu.memref_slice %arg2[%dma_start3A_149, %dma_start3A_150] : memref<10008x128xf32, #tpu.memory_space<hbm>> -> memref<10008x128xf32, #tpu.memory_space<hbm>>
        tpu.enqueue_indirect_dma source(%dma_start3A_151 : memref<10008x128xf32, #tpu.memory_space<hbm>>) target(%dma_start3A_147 : memref<128x128xf32, #tpu.memory_space<vmem>>) offsets(%dma_start3A_148 : memref<128xi32, #tpu.memory_space<vmem>>) semaphore(%arg10 : memref<!tpu.dma_semaphore, #tpu.memory_space<semaphore_mem>>)
      } else {
      }
      %mul3A_111 = arith.constant 2 : i32
      %mul3A_112 = arith.muli %scan3A_85, %mul3A_111 : i32
      %add3A_113 = arith.constant 1 : i32
      %add3A_114 = arith.addi %mul3A_112, %add3A_113 : i32
      %mul3A_115 = arith.constant 128 : i32
      %mul3A_116 = arith.muli %add3A_114, %mul3A_115 : i32
      %multiple_of3A_117 = tpu.assume_multiple %mul3A_116, 8 : i32
      %dma_wait3A_118 = arith.constant 1 : i32
      %dma_wait3A_119 = arith.constant 0 : i32
      %dma_wait3A_120 = arith.constant 0 : i32
      %dma_wait3A_121 = tpu.memref_slice %arg9[%dma_wait3A_118, %dma_wait3A_119, %dma_wait3A_120] : memref<2x128x128xf32, #tpu.memory_space<vmem>> -> memref<1x128x128xf32, #tpu.memory_space<vmem>>
      %dma_wait3A_122 = tpu.memref_squeeze %dma_wait3A_121 : memref<1x128x128xf32, #tpu.memory_space<vmem>> -> memref<128x128xf32, #tpu.memory_space<vmem>>
      %dma_wait3A_123 = tpu.memref_slice %arg7[%multiple_of3A_117] : memref<5120xi32, #tpu.memory_space<vmem>> -> memref<128xi32, #tpu.memory_space<vmem>>
      %dma_wait3A_124 = arith.constant 0 : i32
      %dma_wait3A_125 = arith.constant 0 : i32
      %dma_wait3A_126 = tpu.memref_slice %arg2[%dma_wait3A_124, %dma_wait3A_125] : memref<10008x128xf32, #tpu.memory_space<hbm>> -> memref<10008x128xf32, #tpu.memory_space<hbm>>
      tpu.wait_indirect_dma semaphore(%arg11 : memref<!tpu.dma_semaphore, #tpu.memory_space<semaphore_mem>>) src(%dma_wait3A_126 : memref<10008x128xf32, #tpu.memory_space<hbm>>) dst(%dma_wait3A_122 : memref<128x128xf32, #tpu.memory_space<vmem>>)
      %mul3A_127 = arith.constant 128 : i32
      %mul3A_128 = arith.muli %add3A_114, %mul3A_127 : i32
      %multiple_of3A_129 = tpu.assume_multiple %mul3A_128, 8 : i32
      %run_scoped3A_130 = arith.constant 1 : i32
      "tpu.region"() ({
        %run_scoped3A_138 = tpu.sem_alloc : memref<!tpu.dma_semaphore, #tpu.memory_space<semaphore_mem>>
        %dma_start3A_139 = arith.constant 0 : i32
        %dma_start3A_140 = arith.constant 0 : i32
        %dma_start3A_141 = tpu.memref_slice %arg9[%run_scoped3A_130, %dma_start3A_139, %dma_start3A_140] : memref<2x128x128xf32, #tpu.memory_space<vmem>> -> memref<1x128x128xf32, #tpu.memory_space<vmem>>
        %dma_start3A_142 = tpu.memref_squeeze %dma_start3A_141 : memref<1x128x128xf32, #tpu.memory_space<vmem>> -> memref<128x128xf32, #tpu.memory_space<vmem>>
        %dma_start3A_143 = tpu.memref_slice %arg8[%multiple_of3A_129] : memref<5120xi32, #tpu.memory_space<vmem>> -> memref<128xi32, #tpu.memory_space<vmem>>
        %dma_start3A_144 = arith.constant 0 : i32
        %dma_start3A_145 = arith.constant 0 : i32
        %dma_start3A_146 = tpu.memref_slice %arg6[%dma_start3A_144, %dma_start3A_145] : memref<10000x128xf32, #tpu.memory_space<vmem_shared>> -> memref<10000x128xf32, #tpu.memory_space<vmem_shared>>
        tpu.enqueue_indirect_dma source(%dma_start3A_142 : memref<128x128xf32, #tpu.memory_space<vmem>>) target(%dma_start3A_146 : memref<10000x128xf32, #tpu.memory_space<vmem_shared>>) offsets(%dma_start3A_143 : memref<128xi32, #tpu.memory_space<vmem>>) semaphore(%run_scoped3A_138 : memref<!tpu.dma_semaphore, #tpu.memory_space<semaphore_mem>>) {add = true}
        %dma_wait3A_147 = arith.constant 0 : i32
        %dma_wait3A_148 = arith.constant 0 : i32
        %dma_wait3A_149 = tpu.memref_slice %arg9[%run_scoped3A_130, %dma_wait3A_147, %dma_wait3A_148] : memref<2x128x128xf32, #tpu.memory_space<vmem>> -> memref<1x128x128xf32, #tpu.memory_space<vmem>>
        %dma_wait3A_150 = tpu.memref_squeeze %dma_wait3A_149 : memref<1x128x128xf32, #tpu.memory_space<vmem>> -> memref<128x128xf32, #tpu.memory_space<vmem>>
        %dma_wait3A_151 = tpu.memref_slice %arg8[%multiple_of3A_129] : memref<5120xi32, #tpu.memory_space<vmem>> -> memref<128xi32, #tpu.memory_space<vmem>>
        %dma_wait3A_152 = arith.constant 0 : i32
        %dma_wait3A_153 = arith.constant 0 : i32
        %dma_wait3A_154 = tpu.memref_slice %arg6[%dma_wait3A_152, %dma_wait3A_153] : memref<10000x128xf32, #tpu.memory_space<vmem_shared>> -> memref<10000x128xf32, #tpu.memory_space<vmem_shared>>
        tpu.wait_indirect_dma semaphore(%run_scoped3A_138 : memref<!tpu.dma_semaphore, #tpu.memory_space<semaphore_mem>>) src(%dma_wait3A_150 : memref<128x128xf32, #tpu.memory_space<vmem>>) dst(%dma_wait3A_154 : memref<10000x128xf32, #tpu.memory_space<vmem_shared>>)
        tpu.yield
      }) : () -> ()
      %add3A_131 = arith.constant 2 : i32
      %add3A_132 = arith.addi %add3A_114, %add3A_131 : i32
      %lt3A_133 = arith.constant 40 : i32
      %lt3A_134 = arith.cmpi slt, %add3A_132, %lt3A_133 : i32
      %convert_element_type3A_135 = arith.extui %lt3A_134 : i1 to i32
      %cond3A_136 = arith.constant 0 : i32
      %cond3A_137 = arith.cmpi ne, %convert_element_type3A_135, %cond3A_136 : i32
      scf.if %cond3A_137 {
        %add3A_138 = arith.constant 2 : i32
        %add3A_139 = arith.addi %add3A_114, %add3A_138 : i32
        %mul3A_140 = arith.constant 128 : i32
        %mul3A_141 = arith.muli %add3A_139, %mul3A_140 : i32
        %multiple_of3A_142 = tpu.assume_multiple %mul3A_141, 8 : i32
        %dma_start3A_143 = arith.constant 1 : i32
        %dma_start3A_144 = arith.constant 0 : i32
        %dma_start3A_145 = arith.constant 0 : i32
        %dma_start3A_146 = tpu.memref_slice %arg9[%dma_start3A_143, %dma_start3A_144, %dma_start3A_145] : memref<2x128x128xf32, #tpu.memory_space<vmem>> -> memref<1x128x128xf32, #tpu.memory_space<vmem>>
        %dma_start3A_147 = tpu.memref_squeeze %dma_start3A_146 : memref<1x128x128xf32, #tpu.memory_space<vmem>> -> memref<128x128xf32, #tpu.memory_space<vmem>>
        %dma_start3A_148 = tpu.memref_slice %arg7[%multiple_of3A_142] : memref<5120xi32, #tpu.memory_space<vmem>> -> memref<128xi32, #tpu.memory_space<vmem>>
        %dma_start3A_149 = arith.constant 0 : i32
        %dma_start3A_150 = arith.constant 0 : i32
        %dma_start3A_151 = tpu.memref_slice %arg2[%dma_start3A_149, %dma_start3A_150] : memref<10008x128xf32, #tpu.memory_space<hbm>> -> memref<10008x128xf32, #tpu.memory_space<hbm>>
        tpu.enqueue_indirect_dma source(%dma_start3A_151 : memref<10008x128xf32, #tpu.memory_space<hbm>>) target(%dma_start3A_147 : memref<128x128xf32, #tpu.memory_space<vmem>>) offsets(%dma_start3A_148 : memref<128xi32, #tpu.memory_space<vmem>>) semaphore(%arg11 : memref<!tpu.dma_semaphore, #tpu.memory_space<semaphore_mem>>)
      } else {
      }
    }
    %scan3A_47 = arith.constant 20 : i32
    %add3A_48 = arith.constant 5120 : i32
    %add3A_49 = arith.addi %mul3A_9, %add3A_48 : i32
    %multiple_of3A_50 = tpu.assume_multiple %add3A_49, 8 : i32
    "tpu.region"() ({
      %run_scoped3A = tpu.sem_alloc : memref<!tpu.dma_semaphore, #tpu.memory_space<semaphore_mem>>
      %dma_start3A_85 = tpu.memref_slice %arg3[%multiple_of3A_50] : memref<327680xi32, #tpu.memory_space<hbm>> -> memref<5120xi32, #tpu.memory_space<hbm>>
      %dma_start3A_86 = tpu.memref_slice %arg3[%multiple_of3A_50] : memref<327680xi32, #tpu.memory_space<hbm>> -> memref<5120xi32, #tpu.memory_space<hbm>>
      tpu.enqueue_dma source(%dma_start3A_86 : memref<5120xi32, #tpu.memory_space<hbm>>) target(%arg7 : memref<5120xi32, #tpu.memory_space<vmem>>) target_semaphore(%run_scoped3A : memref<!tpu.dma_semaphore, #tpu.memory_space<semaphore_mem>>)
      %dma_wait3A_87 = tpu.memref_slice %arg3[%multiple_of3A_50] : memref<327680xi32, #tpu.memory_space<hbm>> -> memref<5120xi32, #tpu.memory_space<hbm>>
      %dma_wait3A_88 = tpu.memref_slice %arg3[%multiple_of3A_50] : memref<327680xi32, #tpu.memory_space<hbm>> -> memref<5120xi32, #tpu.memory_space<hbm>>
      tpu.wait_dma2 semaphore(%run_scoped3A : memref<!tpu.dma_semaphore, #tpu.memory_space<semaphore_mem>>) src(%dma_wait3A_88 : memref<5120xi32, #tpu.memory_space<hbm>>) dst(%arg7 : memref<5120xi32, #tpu.memory_space<vmem>>)
      tpu.yield
    }) : () -> ()
    "tpu.region"() ({
      %run_scoped3A = tpu.sem_alloc : memref<!tpu.dma_semaphore, #tpu.memory_space<semaphore_mem>>
      %dma_start3A_85 = tpu.memref_slice %arg4[%multiple_of3A_50] : memref<327680xi32, #tpu.memory_space<hbm>> -> memref<5120xi32, #tpu.memory_space<hbm>>
      %dma_start3A_86 = tpu.memref_slice %arg4[%multiple_of3A_50] : memref<327680xi32, #tpu.memory_space<hbm>> -> memref<5120xi32, #tpu.memory_space<hbm>>
      tpu.enqueue_dma source(%dma_start3A_86 : memref<5120xi32, #tpu.memory_space<hbm>>) target(%arg8 : memref<5120xi32, #tpu.memory_space<vmem>>) target_semaphore(%run_scoped3A : memref<!tpu.dma_semaphore, #tpu.memory_space<semaphore_mem>>)
      %dma_wait3A_87 = tpu.memref_slice %arg4[%multiple_of3A_50] : memref<327680xi32, #tpu.memory_space<hbm>> -> memref<5120xi32, #tpu.memory_space<hbm>>
      %dma_wait3A_88 = tpu.memref_slice %arg4[%multiple_of3A_50] : memref<327680xi32, #tpu.memory_space<hbm>> -> memref<5120xi32, #tpu.memory_space<hbm>>
      tpu.wait_dma2 semaphore(%run_scoped3A : memref<!tpu.dma_semaphore, #tpu.memory_space<semaphore_mem>>) src(%dma_wait3A_88 : memref<5120xi32, #tpu.memory_space<hbm>>) dst(%arg8 : memref<5120xi32, #tpu.memory_space<vmem>>)
      tpu.yield
    }) : () -> ()
    %multiple_of3A_51 = arith.constant 0 : i32
    %multiple_of3A_52 = tpu.assume_multiple %multiple_of3A_51, 8 : i32
    %dma_start3A_53 = arith.constant 0 : i32
    %dma_start3A_54 = arith.constant 0 : i32
    %dma_start3A_55 = arith.constant 0 : i32
    %dma_start3A_56 = tpu.memref_slice %arg9[%dma_start3A_53, %dma_start3A_54, %dma_start3A_55] : memref<2x128x128xf32, #tpu.memory_space<vmem>> -> memref<1x128x128xf32, #tpu.memory_space<vmem>>
    %dma_start3A_57 = tpu.memref_squeeze %dma_start3A_56 : memref<1x128x128xf32, #tpu.memory_space<vmem>> -> memref<128x128xf32, #tpu.memory_space<vmem>>
    %dma_start3A_58 = tpu.memref_slice %arg7[%multiple_of3A_52] : memref<5120xi32, #tpu.memory_space<vmem>> -> memref<128xi32, #tpu.memory_space<vmem>>
    %dma_start3A_59 = arith.constant 0 : i32
    %dma_start3A_60 = arith.constant 0 : i32
    %dma_start3A_61 = tpu.memref_slice %arg2[%dma_start3A_59, %dma_start3A_60] : memref<10008x128xf32, #tpu.memory_space<hbm>> -> memref<10008x128xf32, #tpu.memory_space<hbm>>
    tpu.enqueue_indirect_dma source(%dma_start3A_61 : memref<10008x128xf32, #tpu.memory_space<hbm>>) target(%dma_start3A_57 : memref<128x128xf32, #tpu.memory_space<vmem>>) offsets(%dma_start3A_58 : memref<128xi32, #tpu.memory_space<vmem>>) semaphore(%arg10 : memref<!tpu.dma_semaphore, #tpu.memory_space<semaphore_mem>>)
    %multiple_of3A_62 = arith.constant 128 : i32
    %multiple_of3A_63 = tpu.assume_multiple %multiple_of3A_62, 8 : i32
    %dma_start3A_64 = arith.constant 1 : i32
    %dma_start3A_65 = arith.constant 0 : i32
    %dma_start3A_66 = arith.constant 0 : i32
    %dma_start3A_67 = tpu.memref_slice %arg9[%dma_start3A_64, %dma_start3A_65, %dma_start3A_66] : memref<2x128x128xf32, #tpu.memory_space<vmem>> -> memref<1x128x128xf32, #tpu.memory_space<vmem>>
    %dma_start3A_68 = tpu.memref_squeeze %dma_start3A_67 : memref<1x128x128xf32, #tpu.memory_space<vmem>> -> memref<128x128xf32, #tpu.memory_space<vmem>>
    %dma_start3A_69 = tpu.memref_slice %arg7[%multiple_of3A_63] : memref<5120xi32, #tpu.memory_space<vmem>> -> memref<128xi32, #tpu.memory_space<vmem>>
    %dma_start3A_70 = arith.constant 0 : i32
    %dma_start3A_71 = arith.constant 0 : i32
    %dma_start3A_72 = tpu.memref_slice %arg2[%dma_start3A_70, %dma_start3A_71] : memref<10008x128xf32, #tpu.memory_space<hbm>> -> memref<10008x128xf32, #tpu.memory_space<hbm>>
    tpu.enqueue_indirect_dma source(%dma_start3A_72 : memref<10008x128xf32, #tpu.memory_space<hbm>>) target(%dma_start3A_68 : memref<128x128xf32, #tpu.memory_space<vmem>>) offsets(%dma_start3A_69 : memref<128xi32, #tpu.memory_space<vmem>>) semaphore(%arg11 : memref<!tpu.dma_semaphore, #tpu.memory_space<semaphore_mem>>)
    %scan3A_73 = arith.constant 0 : i32
    %scan3A_74 = arith.constant 0 : i32
    %scan3A_75 = arith.constant 20 : i32
    %scan3A_76 = arith.addi %scan3A_74, %scan3A_75 : i32
    %scan3A_77 = arith.constant 1 : i32
    scf.for %scan3A_85 = %scan3A_74 to %scan3A_76 step %scan3A_77  : i32 {
      %mul3A_86 = arith.constant 2 : i32
      %mul3A_87 = arith.muli %scan3A_85, %mul3A_86 : i32
      %add3A_88 = arith.constant 0 : i32
      %add3A_89 = arith.addi %mul3A_87, %add3A_88 : i32
      %mul3A_90 = arith.constant 128 : i32
      %mul3A_91 = arith.muli %add3A_89, %mul3A_90 : i32
      %multiple_of3A_92 = tpu.assume_multiple %mul3A_91, 8 : i32
      %dma_wait3A_93 = arith.constant 0 : i32
      %dma_wait3A_94 = arith.constant 0 : i32
      %dma_wait3A_95 = arith.constant 0 : i32
      %dma_wait3A_96 = tpu.memref_slice %arg9[%dma_wait3A_93, %dma_wait3A_94, %dma_wait3A_95] : memref<2x128x128xf32, #tpu.memory_space<vmem>> -> memref<1x128x128xf32, #tpu.memory_space<vmem>>
      %dma_wait3A_97 = tpu.memref_squeeze %dma_wait3A_96 : memref<1x128x128xf32, #tpu.memory_space<vmem>> -> memref<128x128xf32, #tpu.memory_space<vmem>>
      %dma_wait3A_98 = tpu.memref_slice %arg7[%multiple_of3A_92] : memref<5120xi32, #tpu.memory_space<vmem>> -> memref<128xi32, #tpu.memory_space<vmem>>
      %dma_wait3A_99 = arith.constant 0 : i32
      %dma_wait3A_100 = arith.constant 0 : i32
      %dma_wait3A_101 = tpu.memref_slice %arg2[%dma_wait3A_99, %dma_wait3A_100] : memref<10008x128xf32, #tpu.memory_space<hbm>> -> memref<10008x128xf32, #tpu.memory_space<hbm>>
      tpu.wait_indirect_dma semaphore(%arg10 : memref<!tpu.dma_semaphore, #tpu.memory_space<semaphore_mem>>) src(%dma_wait3A_101 : memref<10008x128xf32, #tpu.memory_space<hbm>>) dst(%dma_wait3A_97 : memref<128x128xf32, #tpu.memory_space<vmem>>)
      %mul3A_102 = arith.constant 128 : i32
      %mul3A_103 = arith.muli %add3A_89, %mul3A_102 : i32
      %multiple_of3A_104 = tpu.assume_multiple %mul3A_103, 8 : i32
      %run_scoped3A = arith.constant 0 : i32
      "tpu.region"() ({
        %run_scoped3A_138 = tpu.sem_alloc : memref<!tpu.dma_semaphore, #tpu.memory_space<semaphore_mem>>
        %dma_start3A_139 = arith.constant 0 : i32
        %dma_start3A_140 = arith.constant 0 : i32
        %dma_start3A_141 = tpu.memref_slice %arg9[%run_scoped3A, %dma_start3A_139, %dma_start3A_140] : memref<2x128x128xf32, #tpu.memory_space<vmem>> -> memref<1x128x128xf32, #tpu.memory_space<vmem>>
        %dma_start3A_142 = tpu.memref_squeeze %dma_start3A_141 : memref<1x128x128xf32, #tpu.memory_space<vmem>> -> memref<128x128xf32, #tpu.memory_space<vmem>>
        %dma_start3A_143 = tpu.memref_slice %arg8[%multiple_of3A_104] : memref<5120xi32, #tpu.memory_space<vmem>> -> memref<128xi32, #tpu.memory_space<vmem>>
        %dma_start3A_144 = arith.constant 0 : i32
        %dma_start3A_145 = arith.constant 0 : i32
        %dma_start3A_146 = tpu.memref_slice %arg6[%dma_start3A_144, %dma_start3A_145] : memref<10000x128xf32, #tpu.memory_space<vmem_shared>> -> memref<10000x128xf32, #tpu.memory_space<vmem_shared>>
        tpu.enqueue_indirect_dma source(%dma_start3A_142 : memref<128x128xf32, #tpu.memory_space<vmem>>) target(%dma_start3A_146 : memref<10000x128xf32, #tpu.memory_space<vmem_shared>>) offsets(%dma_start3A_143 : memref<128xi32, #tpu.memory_space<vmem>>) semaphore(%run_scoped3A_138 : memref<!tpu.dma_semaphore, #tpu.memory_space<semaphore_mem>>) {add = true}
        %dma_wait3A_147 = arith.constant 0 : i32
        %dma_wait3A_148 = arith.constant 0 : i32
        %dma_wait3A_149 = tpu.memref_slice %arg9[%run_scoped3A, %dma_wait3A_147, %dma_wait3A_148] : memref<2x128x128xf32, #tpu.memory_space<vmem>> -> memref<1x128x128xf32, #tpu.memory_space<vmem>>
        %dma_wait3A_150 = tpu.memref_squeeze %dma_wait3A_149 : memref<1x128x128xf32, #tpu.memory_space<vmem>> -> memref<128x128xf32, #tpu.memory_space<vmem>>
        %dma_wait3A_151 = tpu.memref_slice %arg8[%multiple_of3A_104] : memref<5120xi32, #tpu.memory_space<vmem>> -> memref<128xi32, #tpu.memory_space<vmem>>
        %dma_wait3A_152 = arith.constant 0 : i32
        %dma_wait3A_153 = arith.constant 0 : i32
        %dma_wait3A_154 = tpu.memref_slice %arg6[%dma_wait3A_152, %dma_wait3A_153] : memref<10000x128xf32, #tpu.memory_space<vmem_shared>> -> memref<10000x128xf32, #tpu.memory_space<vmem_shared>>
        tpu.wait_indirect_dma semaphore(%run_scoped3A_138 : memref<!tpu.dma_semaphore, #tpu.memory_space<semaphore_mem>>) src(%dma_wait3A_150 : memref<128x128xf32, #tpu.memory_space<vmem>>) dst(%dma_wait3A_154 : memref<10000x128xf32, #tpu.memory_space<vmem_shared>>)
        tpu.yield
      }) : () -> ()
      %add3A_105 = arith.constant 2 : i32
      %add3A_106 = arith.addi %add3A_89, %add3A_105 : i32
      %lt3A = arith.constant 40 : i32
      %lt3A_107 = arith.cmpi slt, %add3A_106, %lt3A : i32
      %convert_element_type3A_108 = arith.extui %lt3A_107 : i1 to i32
      %cond3A_109 = arith.constant 0 : i32
      %cond3A_110 = arith.cmpi ne, %convert_element_type3A_108, %cond3A_109 : i32
      scf.if %cond3A_110 {
        %add3A_138 = arith.constant 2 : i32
        %add3A_139 = arith.addi %add3A_89, %add3A_138 : i32
        %mul3A_140 = arith.constant 128 : i32
        %mul3A_141 = arith.muli %add3A_139, %mul3A_140 : i32
        %multiple_of3A_142 = tpu.assume_multiple %mul3A_141, 8 : i32
        %dma_start3A_143 = arith.constant 0 : i32
        %dma_start3A_144 = arith.constant 0 : i32
        %dma_start3A_145 = arith.constant 0 : i32
        %dma_start3A_146 = tpu.memref_slice %arg9[%dma_start3A_143, %dma_start3A_144, %dma_start3A_145] : memref<2x128x128xf32, #tpu.memory_space<vmem>> -> memref<1x128x128xf32, #tpu.memory_space<vmem>>
        %dma_start3A_147 = tpu.memref_squeeze %dma_start3A_146 : memref<1x128x128xf32, #tpu.memory_space<vmem>> -> memref<128x128xf32, #tpu.memory_space<vmem>>
        %dma_start3A_148 = tpu.memref_slice %arg7[%multiple_of3A_142] : memref<5120xi32, #tpu.memory_space<vmem>> -> memref<128xi32, #tpu.memory_space<vmem>>
        %dma_start3A_149 = arith.constant 0 : i32
        %dma_start3A_150 = arith.constant 0 : i32
        %dma_start3A_151 = tpu.memref_slice %arg2[%dma_start3A_149, %dma_start3A_150] : memref<10008x128xf32, #tpu.memory_space<hbm>> -> memref<10008x128xf32, #tpu.memory_space<hbm>>
        tpu.enqueue_indirect_dma source(%dma_start3A_151 : memref<10008x128xf32, #tpu.memory_space<hbm>>) target(%dma_start3A_147 : memref<128x128xf32, #tpu.memory_space<vmem>>) offsets(%dma_start3A_148 : memref<128xi32, #tpu.memory_space<vmem>>) semaphore(%arg10 : memref<!tpu.dma_semaphore, #tpu.memory_space<semaphore_mem>>)
      } else {
      }
      %mul3A_111 = arith.constant 2 : i32
      %mul3A_112 = arith.muli %scan3A_85, %mul3A_111 : i32
      %add3A_113 = arith.constant 1 : i32
      %add3A_114 = arith.addi %mul3A_112, %add3A_113 : i32
      %mul3A_115 = arith.constant 128 : i32
      %mul3A_116 = arith.muli %add3A_114, %mul3A_115 : i32
      %multiple_of3A_117 = tpu.assume_multiple %mul3A_116, 8 : i32
      %dma_wait3A_118 = arith.constant 1 : i32
      %dma_wait3A_119 = arith.constant 0 : i32
      %dma_wait3A_120 = arith.constant 0 : i32
      %dma_wait3A_121 = tpu.memref_slice %arg9[%dma_wait3A_118, %dma_wait3A_119, %dma_wait3A_120] : memref<2x128x128xf32, #tpu.memory_space<vmem>> -> memref<1x128x128xf32, #tpu.memory_space<vmem>>
      %dma_wait3A_122 = tpu.memref_squeeze %dma_wait3A_121 : memref<1x128x128xf32, #tpu.memory_space<vmem>> -> memref<128x128xf32, #tpu.memory_space<vmem>>
      %dma_wait3A_123 = tpu.memref_slice %arg7[%multiple_of3A_117] : memref<5120xi32, #tpu.memory_space<vmem>> -> memref<128xi32, #tpu.memory_space<vmem>>
      %dma_wait3A_124 = arith.constant 0 : i32
      %dma_wait3A_125 = arith.constant 0 : i32
      %dma_wait3A_126 = tpu.memref_slice %arg2[%dma_wait3A_124, %dma_wait3A_125] : memref<10008x128xf32, #tpu.memory_space<hbm>> -> memref<10008x128xf32, #tpu.memory_space<hbm>>
      tpu.wait_indirect_dma semaphore(%arg11 : memref<!tpu.dma_semaphore, #tpu.memory_space<semaphore_mem>>) src(%dma_wait3A_126 : memref<10008x128xf32, #tpu.memory_space<hbm>>) dst(%dma_wait3A_122 : memref<128x128xf32, #tpu.memory_space<vmem>>)
      %mul3A_127 = arith.constant 128 : i32
      %mul3A_128 = arith.muli %add3A_114, %mul3A_127 : i32
      %multiple_of3A_129 = tpu.assume_multiple %mul3A_128, 8 : i32
      %run_scoped3A_130 = arith.constant 1 : i32
      "tpu.region"() ({
        %run_scoped3A_138 = tpu.sem_alloc : memref<!tpu.dma_semaphore, #tpu.memory_space<semaphore_mem>>
        %dma_start3A_139 = arith.constant 0 : i32
        %dma_start3A_140 = arith.constant 0 : i32
        %dma_start3A_141 = tpu.memref_slice %arg9[%run_scoped3A_130, %dma_start3A_139, %dma_start3A_140] : memref<2x128x128xf32, #tpu.memory_space<vmem>> -> memref<1x128x128xf32, #tpu.memory_space<vmem>>
        %dma_start3A_142 = tpu.memref_squeeze %dma_start3A_141 : memref<1x128x128xf32, #tpu.memory_space<vmem>> -> memref<128x128xf32, #tpu.memory_space<vmem>>
        %dma_start3A_143 = tpu.memref_slice %arg8[%multiple_of3A_129] : memref<5120xi32, #tpu.memory_space<vmem>> -> memref<128xi32, #tpu.memory_space<vmem>>
        %dma_start3A_144 = arith.constant 0 : i32
        %dma_start3A_145 = arith.constant 0 : i32
        %dma_start3A_146 = tpu.memref_slice %arg6[%dma_start3A_144, %dma_start3A_145] : memref<10000x128xf32, #tpu.memory_space<vmem_shared>> -> memref<10000x128xf32, #tpu.memory_space<vmem_shared>>
        tpu.enqueue_indirect_dma source(%dma_start3A_142 : memref<128x128xf32, #tpu.memory_space<vmem>>) target(%dma_start3A_146 : memref<10000x128xf32, #tpu.memory_space<vmem_shared>>) offsets(%dma_start3A_143 : memref<128xi32, #tpu.memory_space<vmem>>) semaphore(%run_scoped3A_138 : memref<!tpu.dma_semaphore, #tpu.memory_space<semaphore_mem>>) {add = true}
        %dma_wait3A_147 = arith.constant 0 : i32
        %dma_wait3A_148 = arith.constant 0 : i32
        %dma_wait3A_149 = tpu.memref_slice %arg9[%run_scoped3A_130, %dma_wait3A_147, %dma_wait3A_148] : memref<2x128x128xf32, #tpu.memory_space<vmem>> -> memref<1x128x128xf32, #tpu.memory_space<vmem>>
        %dma_wait3A_150 = tpu.memref_squeeze %dma_wait3A_149 : memref<1x128x128xf32, #tpu.memory_space<vmem>> -> memref<128x128xf32, #tpu.memory_space<vmem>>
        %dma_wait3A_151 = tpu.memref_slice %arg8[%multiple_of3A_129] : memref<5120xi32, #tpu.memory_space<vmem>> -> memref<128xi32, #tpu.memory_space<vmem>>
        %dma_wait3A_152 = arith.constant 0 : i32
        %dma_wait3A_153 = arith.constant 0 : i32
        %dma_wait3A_154 = tpu.memref_slice %arg6[%dma_wait3A_152, %dma_wait3A_153] : memref<10000x128xf32, #tpu.memory_space<vmem_shared>> -> memref<10000x128xf32, #tpu.memory_space<vmem_shared>>
        tpu.wait_indirect_dma semaphore(%run_scoped3A_138 : memref<!tpu.dma_semaphore, #tpu.memory_space<semaphore_mem>>) src(%dma_wait3A_150 : memref<128x128xf32, #tpu.memory_space<vmem>>) dst(%dma_wait3A_154 : memref<10000x128xf32, #tpu.memory_space<vmem_shared>>)
        tpu.yield
      }) : () -> ()
      %add3A_131 = arith.constant 2 : i32
      %add3A_132 = arith.addi %add3A_114, %add3A_131 : i32
      %lt3A_133 = arith.constant 40 : i32
      %lt3A_134 = arith.cmpi slt, %add3A_132, %lt3A_133 : i32
      %convert_element_type3A_135 = arith.extui %lt3A_134 : i1 to i32
      %cond3A_136 = arith.constant 0 : i32
      %cond3A_137 = arith.cmpi ne, %convert_element_type3A_135, %cond3A_136 : i32
      scf.if %cond3A_137 {
        %add3A_138 = arith.constant 2 : i32
        %add3A_139 = arith.addi %add3A_114, %add3A_138 : i32
        %mul3A_140 = arith.constant 128 : i32
        %mul3A_141 = arith.muli %add3A_139, %mul3A_140 : i32
        %multiple_of3A_142 = tpu.assume_multiple %mul3A_141, 8 : i32
        %dma_start3A_143 = arith.constant 1 : i32
        %dma_start3A_144 = arith.constant 0 : i32
        %dma_start3A_145 = arith.constant 0 : i32
        %dma_start3A_146 = tpu.memref_slice %arg9[%dma_start3A_143, %dma_start3A_144, %dma_start3A_145] : memref<2x128x128xf32, #tpu.memory_space<vmem>> -> memref<1x128x128xf32, #tpu.memory_space<vmem>>
        %dma_start3A_147 = tpu.memref_squeeze %dma_start3A_146 : memref<1x128x128xf32, #tpu.memory_space<vmem>> -> memref<128x128xf32, #tpu.memory_space<vmem>>
        %dma_start3A_148 = tpu.memref_slice %arg7[%multiple_of3A_142] : memref<5120xi32, #tpu.memory_space<vmem>> -> memref<128xi32, #tpu.memory_space<vmem>>
        %dma_start3A_149 = arith.constant 0 : i32
        %dma_start3A_150 = arith.constant 0 : i32
        %dma_start3A_151 = tpu.memref_slice %arg2[%dma_start3A_149, %dma_start3A_150] : memref<10008x128xf32, #tpu.memory_space<hbm>> -> memref<10008x128xf32, #tpu.memory_space<hbm>>
        tpu.enqueue_indirect_dma source(%dma_start3A_151 : memref<10008x128xf32, #tpu.memory_space<hbm>>) target(%dma_start3A_147 : memref<128x128xf32, #tpu.memory_space<vmem>>) offsets(%dma_start3A_148 : memref<128xi32, #tpu.memory_space<vmem>>) semaphore(%arg11 : memref<!tpu.dma_semaphore, #tpu.memory_space<semaphore_mem>>)
      } else {
      }
    }
    %scan3A_78 = arith.constant 20 : i32
    %barrier3A_79 = arith.constant 0 : index
    tpu.barrier barrier_id(%barrier3A_79)
    "tpu.region"() ({
      %run_scoped3A = tpu.sem_alloc : memref<!tpu.dma_semaphore, #tpu.memory_space<semaphore_mem>>
      %dma_start3A_85 = arith.constant 0 : i32
      %dma_start3A_86 = tpu.memref_slice %arg5[%arg0, %multiple_of3A, %dma_start3A_85] : memref<2x10000x128xf32, #tpu.memory_space<hbm>> -> memref<1x624x128xf32, #tpu.memory_space<hbm>>
      %dma_start3A_87 = tpu.memref_squeeze %dma_start3A_86 : memref<1x624x128xf32, #tpu.memory_space<hbm>> -> memref<624x128xf32, #tpu.memory_space<hbm>>
      %dma_start3A_88 = arith.constant 0 : i32
      %dma_start3A_89 = tpu.memref_slice %arg6[%multiple_of3A, %dma_start3A_88] : memref<10000x128xf32, #tpu.memory_space<vmem_shared>> -> memref<624x128xf32, #tpu.memory_space<vmem_shared>>
      tpu.enqueue_dma source(%dma_start3A_89 : memref<624x128xf32, #tpu.memory_space<vmem_shared>>) target(%dma_start3A_87 : memref<624x128xf32, #tpu.memory_space<hbm>>) target_semaphore(%run_scoped3A : memref<!tpu.dma_semaphore, #tpu.memory_space<semaphore_mem>>)
      %dma_wait3A_90 = arith.constant 0 : i32
      %dma_wait3A_91 = tpu.memref_slice %arg5[%arg0, %multiple_of3A, %dma_wait3A_90] : memref<2x10000x128xf32, #tpu.memory_space<hbm>> -> memref<1x624x128xf32, #tpu.memory_space<hbm>>
      %dma_wait3A_92 = tpu.memref_squeeze %dma_wait3A_91 : memref<1x624x128xf32, #tpu.memory_space<hbm>> -> memref<624x128xf32, #tpu.memory_space<hbm>>
      %dma_wait3A_93 = arith.constant 0 : i32
      %dma_wait3A_94 = tpu.memref_slice %arg6[%multiple_of3A, %dma_wait3A_93] : memref<10000x128xf32, #tpu.memory_space<vmem_shared>> -> memref<624x128xf32, #tpu.memory_space<vmem_shared>>
      tpu.wait_dma2 semaphore(%run_scoped3A : memref<!tpu.dma_semaphore, #tpu.memory_space<semaphore_mem>>) src(%dma_wait3A_94 : memref<624x128xf32, #tpu.memory_space<vmem_shared>>) dst(%dma_wait3A_92 : memref<624x128xf32, #tpu.memory_space<hbm>>)
      tpu.yield
    }) : () -> ()
    %eq3A_80 = arith.constant 15 : i32
    %eq3A_81 = arith.cmpi eq, %arg1, %eq3A_80 : i32
    %convert_element_type3A_82 = arith.extui %eq3A_81 : i1 to i32
    %cond3A_83 = arith.constant 0 : i32
    %cond3A_84 = arith.cmpi ne, %convert_element_type3A_82, %cond3A_83 : i32
    scf.if %cond3A_84 {
      "tpu.region"() ({
        %run_scoped3A = tpu.sem_alloc : memref<!tpu.dma_semaphore, #tpu.memory_space<semaphore_mem>>
        %dma_start3A_85 = arith.constant 9984 : i32
        %dma_start3A_86 = arith.constant 0 : i32
        %dma_start3A_87 = tpu.memref_slice %arg5[%arg0, %dma_start3A_85, %dma_start3A_86] : memref<2x10000x128xf32, #tpu.memory_space<hbm>> -> memref<1x16x128xf32, #tpu.memory_space<hbm>>
        %dma_start3A_88 = tpu.memref_squeeze %dma_start3A_87 : memref<1x16x128xf32, #tpu.memory_space<hbm>> -> memref<16x128xf32, #tpu.memory_space<hbm>>
        %dma_start3A_89 = arith.constant 9984 : i32
        %dma_start3A_90 = arith.constant 0 : i32
        %dma_start3A_91 = tpu.memref_slice %arg6[%dma_start3A_89, %dma_start3A_90] : memref<10000x128xf32, #tpu.memory_space<vmem_shared>> -> memref<16x128xf32, #tpu.memory_space<vmem_shared>>
        tpu.enqueue_dma source(%dma_start3A_91 : memref<16x128xf32, #tpu.memory_space<vmem_shared>>) target(%dma_start3A_88 : memref<16x128xf32, #tpu.memory_space<hbm>>) target_semaphore(%run_scoped3A : memref<!tpu.dma_semaphore, #tpu.memory_space<semaphore_mem>>)
        %dma_wait3A_92 = arith.constant 9984 : i32
        %dma_wait3A_93 = arith.constant 0 : i32
        %dma_wait3A_94 = tpu.memref_slice %arg5[%arg0, %dma_wait3A_92, %dma_wait3A_93] : memref<2x10000x128xf32, #tpu.memory_space<hbm>> -> memref<1x16x128xf32, #tpu.memory_space<hbm>>
        %dma_wait3A_95 = tpu.memref_squeeze %dma_wait3A_94 : memref<1x16x128xf32, #tpu.memory_space<hbm>> -> memref<16x128xf32, #tpu.memory_space<hbm>>
        %dma_wait3A_96 = arith.constant 9984 : i32
        %dma_wait3A_97 = arith.constant 0 : i32
        %dma_wait3A_98 = tpu.memref_slice %arg6[%dma_wait3A_96, %dma_wait3A_97] : memref<10000x128xf32, #tpu.memory_space<vmem_shared>> -> memref<16x128xf32, #tpu.memory_space<vmem_shared>>
        tpu.wait_dma2 semaphore(%run_scoped3A : memref<!tpu.dma_semaphore, #tpu.memory_space<semaphore_mem>>) src(%dma_wait3A_98 : memref<16x128xf32, #tpu.memory_space<vmem_shared>>) dst(%dma_wait3A_95 : memref<16x128xf32, #tpu.memory_space<hbm>>)
        tpu.yield
      }) : () -> ()
    } else {
    }
    return
  }
}

#map = affine_map<(d0, d1) -> (0, 0)>
#map1 = affine_map<(d0, d1) -> (0)>
#map2 = affine_map<(d0, d1) -> (0, 0, 0)>
module attributes {stable_mosaic.version = 14 : i64} {
  func.func @scatter_kernel(%arg0: i32, %arg1: i32, %arg2: memref<10008x128xf32, #tpu.memory_space<hbm>>, %arg3: memref<327680xi32, #tpu.memory_space<hbm>>, %arg4: memref<327680xi32, #tpu.memory_space<hbm>>, %arg5: memref<2x10000x128xf32, #tpu.memory_space<hbm>>, %arg6: memref<10000x128xf32, #tpu.memory_space<vmem_shared>>, %arg7: memref<5120xi32, #tpu.memory_space<vmem>>, %arg8: memref<5120xi32, #tpu.memory_space<vmem>>, %arg9: memref<2x128x128xf32, #tpu.memory_space<vmem>>, %arg10: memref<!tpu.dma_semaphore, #tpu.memory_space<semaphore_mem>>, %arg11: memref<!tpu.dma_semaphore, #tpu.memory_space<semaphore_mem>>, %arg12: memref<!tpu.dma_semaphore, #tpu.memory_space<semaphore_mem>>) attributes {dimension_semantics = [#tpu.dimension_semantics<core_parallel>, #tpu.dimension_semantics<subcore_parallel>], iteration_bounds = array<i64: 2, 16>, scalar_prefetch = 0 : i64, scratch_operands = 7 : i64, tpu.core_type = #tpu.core_type<sc_vector_subcore>, window_params = [{transform_indices = #map}, {transform_indices = #map1}, {transform_indices = #map1}, {transform_indices = #map2}]} {
    %mul3A = arith.constant 2 : i32
    %mul3A_0 = arith.muli %arg1, %mul3A : i32
    %add3A = arith.addi %mul3A_0, %arg0 : i32
    %mul3A_1 = arith.constant 624 : i32
    %mul3A_2 = arith.muli %arg1, %mul3A_1 : i32
    %multiple_of3A = tpu.assume_multiple %mul3A_2, 8 : i32
    %dma_start3A = arith.constant 0 : i32
    %dma_start3A_3 = tpu.memref_slice %arg6[%multiple_of3A, %dma_start3A] : memref<10000x128xf32, #tpu.memory_space<vmem_shared>> -> memref<624x128xf32, #tpu.memory_space<vmem_shared>>
    %dma_start3A_4 = arith.constant 0 : i32
    %dma_start3A_5 = tpu.memref_slice %arg2[%multiple_of3A, %dma_start3A_4] : memref<10008x128xf32, #tpu.memory_space<hbm>> -> memref<624x128xf32, #tpu.memory_space<hbm>>
    tpu.enqueue_dma source(%dma_start3A_5 : memref<624x128xf32, #tpu.memory_space<hbm>>) target(%dma_start3A_3 : memref<624x128xf32, #tpu.memory_space<vmem_shared>>) target_semaphore(%arg12 : memref<!tpu.dma_semaphore, #tpu.memory_space<semaphore_mem>>)
    %eq3A = arith.constant 15 : i32
    %eq3A_6 = arith.cmpi eq, %arg1, %eq3A : i32
    %convert_element_type3A = arith.extui %eq3A_6 : i1 to i32
    %cond3A = arith.constant 0 : i32
    %cond3A_7 = arith.cmpi ne, %convert_element_type3A, %cond3A : i32
    scf.if %cond3A_7 {
      %dma_start3A_85 = arith.constant 9984 : i32
      %dma_start3A_86 = arith.constant 0 : i32
      %dma_start3A_87 = tpu.memref_slice %arg6[%dma_start3A_85, %dma_start3A_86] : memref<10000x128xf32, #tpu.memory_space<vmem_shared>> -> memref<16x128xf32, #tpu.memory_space<vmem_shared>>
      %dma_start3A_88 = arith.constant 9984 : i32
      %dma_start3A_89 = arith.constant 0 : i32
      %dma_start3A_90 = tpu.memref_slice %arg2[%dma_start3A_88, %dma_start3A_89] : memref<10008x128xf32, #tpu.memory_space<hbm>> -> memref<16x128xf32, #tpu.memory_space<hbm>>
      tpu.enqueue_dma source(%dma_start3A_90 : memref<16x128xf32, #tpu.memory_space<hbm>>) target(%dma_start3A_87 : memref<16x128xf32, #tpu.memory_space<vmem_shared>>) target_semaphore(%arg12 : memref<!tpu.dma_semaphore, #tpu.memory_space<semaphore_mem>>)
    } else {
    }
    %mul3A_8 = arith.constant 10240 : i32
    %mul3A_9 = arith.muli %add3A, %mul3A_8 : i32
    %add3A_10 = arith.constant 0 : i32
    %add3A_11 = arith.addi %mul3A_9, %add3A_10 : i32
    %multiple_of3A_12 = tpu.assume_multiple %add3A_11, 8 : i32
    "tpu.region"() ({
      %run_scoped3A = tpu.sem_alloc : memref<!tpu.dma_semaphore, #tpu.memory_space<semaphore_mem>>
      %dma_start3A_85 = tpu.memref_slice %arg3[%multiple_of3A_12] : memref<327680xi32, #tpu.memory_space<hbm>> -> memref<5120xi32, #tpu.memory_space<hbm>>
      %dma_start3A_86 = tpu.memref_slice %arg3[%multiple_of3A_12] : memref<327680xi32, #tpu.memory_space<hbm>> -> memref<5120xi32, #tpu.memory_space<hbm>>
      tpu.enqueue_dma source(%dma_start3A_86 : memref<5120xi32, #tpu.memory_space<hbm>>) target(%arg7 : memref<5120xi32, #tpu.memory_space<vmem>>) target_semaphore(%run_scoped3A : memref<!tpu.dma_semaphore, #tpu.memory_space<semaphore_mem>>)
      %dma_wait3A_87 = tpu.memref_slice %arg3[%multiple_of3A_12] : memref<327680xi32, #tpu.memory_space<hbm>> -> memref<5120xi32, #tpu.memory_space<hbm>>
      %dma_wait3A_88 = tpu.memref_slice %arg3[%multiple_of3A_12] : memref<327680xi32, #tpu.memory_space<hbm>> -> memref<5120xi32, #tpu.memory_space<hbm>>
      tpu.wait_dma2 semaphore(%run_scoped3A : memref<!tpu.dma_semaphore, #tpu.memory_space<semaphore_mem>>) src(%dma_wait3A_88 : memref<5120xi32, #tpu.memory_space<hbm>>) dst(%arg7 : memref<5120xi32, #tpu.memory_space<vmem>>)
      tpu.yield
    }) : () -> ()
    "tpu.region"() ({
      %run_scoped3A = tpu.sem_alloc : memref<!tpu.dma_semaphore, #tpu.memory_space<semaphore_mem>>
      %dma_start3A_85 = tpu.memref_slice %arg4[%multiple_of3A_12] : memref<327680xi32, #tpu.memory_space<hbm>> -> memref<5120xi32, #tpu.memory_space<hbm>>
      %dma_start3A_86 = tpu.memref_slice %arg4[%multiple_of3A_12] : memref<327680xi32, #tpu.memory_space<hbm>> -> memref<5120xi32, #tpu.memory_space<hbm>>
      tpu.enqueue_dma source(%dma_start3A_86 : memref<5120xi32, #tpu.memory_space<hbm>>) target(%arg8 : memref<5120xi32, #tpu.memory_space<vmem>>) target_semaphore(%run_scoped3A : memref<!tpu.dma_semaphore, #tpu.memory_space<semaphore_mem>>)
      %dma_wait3A_87 = tpu.memref_slice %arg4[%multiple_of3A_12] : memref<327680xi32, #tpu.memory_space<hbm>> -> memref<5120xi32, #tpu.memory_space<hbm>>
      %dma_wait3A_88 = tpu.memref_slice %arg4[%multiple_of3A_12] : memref<327680xi32, #tpu.memory_space<hbm>> -> memref<5120xi32, #tpu.memory_space<hbm>>
      tpu.wait_dma2 semaphore(%run_scoped3A : memref<!tpu.dma_semaphore, #tpu.memory_space<semaphore_mem>>) src(%dma_wait3A_88 : memref<5120xi32, #tpu.memory_space<hbm>>) dst(%arg8 : memref<5120xi32, #tpu.memory_space<vmem>>)
      tpu.yield
    }) : () -> ()
    %multiple_of3A_13 = arith.constant 0 : i32
    %multiple_of3A_14 = tpu.assume_multiple %multiple_of3A_13, 8 : i32
    %dma_start3A_15 = arith.constant 0 : i32
    %dma_start3A_16 = arith.constant 0 : i32
    %dma_start3A_17 = arith.constant 0 : i32
    %dma_start3A_18 = tpu.memref_slice %arg9[%dma_start3A_15, %dma_start3A_16, %dma_start3A_17] : memref<2x128x128xf32, #tpu.memory_space<vmem>> -> memref<1x128x128xf32, #tpu.memory_space<vmem>>
    %dma_start3A_19 = tpu.memref_squeeze %dma_start3A_18 : memref<1x128x128xf32, #tpu.memory_space<vmem>> -> memref<128x128xf32, #tpu.memory_space<vmem>>
    %dma_start3A_20 = tpu.memref_slice %arg7[%multiple_of3A_14] : memref<5120xi32, #tpu.memory_space<vmem>> -> memref<128xi32, #tpu.memory_space<vmem>>
    %dma_start3A_21 = arith.constant 0 : i32
    %dma_start3A_22 = arith.constant 0 : i32
    %dma_start3A_23 = tpu.memref_slice %arg2[%dma_start3A_21, %dma_start3A_22] : memref<10008x128xf32, #tpu.memory_space<hbm>> -> memref<10008x128xf32, #tpu.memory_space<hbm>>
    tpu.enqueue_indirect_dma source(%dma_start3A_23 : memref<10008x128xf32, #tpu.memory_space<hbm>>) target(%dma_start3A_19 : memref<128x128xf32, #tpu.memory_space<vmem>>) offsets(%dma_start3A_20 : memref<128xi32, #tpu.memory_space<vmem>>) semaphore(%arg10 : memref<!tpu.dma_semaphore, #tpu.memory_space<semaphore_mem>>)
    %multiple_of3A_24 = arith.constant 128 : i32
    %multiple_of3A_25 = tpu.assume_multiple %multiple_of3A_24, 8 : i32
    %dma_start3A_26 = arith.constant 1 : i32
    %dma_start3A_27 = arith.constant 0 : i32
    %dma_start3A_28 = arith.constant 0 : i32
    %dma_start3A_29 = tpu.memref_slice %arg9[%dma_start3A_26, %dma_start3A_27, %dma_start3A_28] : memref<2x128x128xf32, #tpu.memory_space<vmem>> -> memref<1x128x128xf32, #tpu.memory_space<vmem>>
    %dma_start3A_30 = tpu.memref_squeeze %dma_start3A_29 : memref<1x128x128xf32, #tpu.memory_space<vmem>> -> memref<128x128xf32, #tpu.memory_space<vmem>>
    %dma_start3A_31 = tpu.memref_slice %arg7[%multiple_of3A_25] : memref<5120xi32, #tpu.memory_space<vmem>> -> memref<128xi32, #tpu.memory_space<vmem>>
    %dma_start3A_32 = arith.constant 0 : i32
    %dma_start3A_33 = arith.constant 0 : i32
    %dma_start3A_34 = tpu.memref_slice %arg2[%dma_start3A_32, %dma_start3A_33] : memref<10008x128xf32, #tpu.memory_space<hbm>> -> memref<10008x128xf32, #tpu.memory_space<hbm>>
    tpu.enqueue_indirect_dma source(%dma_start3A_34 : memref<10008x128xf32, #tpu.memory_space<hbm>>) target(%dma_start3A_30 : memref<128x128xf32, #tpu.memory_space<vmem>>) offsets(%dma_start3A_31 : memref<128xi32, #tpu.memory_space<vmem>>) semaphore(%arg11 : memref<!tpu.dma_semaphore, #tpu.memory_space<semaphore_mem>>)
    %dma_wait3A = arith.constant 0 : i32
    %dma_wait3A_35 = tpu.memref_slice %arg6[%multiple_of3A, %dma_wait3A] : memref<10000x128xf32, #tpu.memory_space<vmem_shared>> -> memref<624x128xf32, #tpu.memory_space<vmem_shared>>
    %dma_wait3A_36 = arith.constant 0 : i32
    %dma_wait3A_37 = tpu.memref_slice %arg2[%multiple_of3A, %dma_wait3A_36] : memref<10008x128xf32, #tpu.memory_space<hbm>> -> memref<624x128xf32, #tpu.memory_space<hbm>>
    tpu.wait_dma2 semaphore(%arg12 : memref<!tpu.dma_semaphore, #tpu.memory_space<semaphore_mem>>) src(%dma_wait3A_37 : memref<624x128xf32, #tpu.memory_space<hbm>>) dst(%dma_wait3A_35 : memref<624x128xf32, #tpu.memory_space<vmem_shared>>)
    %eq3A_38 = arith.constant 15 : i32
    %eq3A_39 = arith.cmpi eq, %arg1, %eq3A_38 : i32
    %convert_element_type3A_40 = arith.extui %eq3A_39 : i1 to i32
    %cond3A_41 = arith.constant 0 : i32
    %cond3A_42 = arith.cmpi ne, %convert_element_type3A_40, %cond3A_41 : i32
    scf.if %cond3A_42 {
      %dma_wait3A_85 = arith.constant 9984 : i32
      %dma_wait3A_86 = arith.constant 0 : i32
      %dma_wait3A_87 = tpu.memref_slice %arg6[%dma_wait3A_85, %dma_wait3A_86] : memref<10000x128xf32, #tpu.memory_space<vmem_shared>> -> memref<16x128xf32, #tpu.memory_space<vmem_shared>>
      %dma_wait3A_88 = arith.constant 9984 : i32
      %dma_wait3A_89 = arith.constant 0 : i32
      %dma_wait3A_90 = tpu.memref_slice %arg2[%dma_wait3A_88, %dma_wait3A_89] : memref<10008x128xf32, #tpu.memory_space<hbm>> -> memref<16x128xf32, #tpu.memory_space<hbm>>
      tpu.wait_dma2 semaphore(%arg12 : memref<!tpu.dma_semaphore, #tpu.memory_space<semaphore_mem>>) src(%dma_wait3A_90 : memref<16x128xf32, #tpu.memory_space<hbm>>) dst(%dma_wait3A_87 : memref<16x128xf32, #tpu.memory_space<vmem_shared>>)
    } else {
    }
    %barrier3A = arith.constant 0 : index
    tpu.barrier barrier_id(%barrier3A)
    %scan3A = arith.constant 0 : i32
    %scan3A_43 = arith.constant 0 : i32
    %scan3A_44 = arith.constant 20 : i32
    %scan3A_45 = arith.addi %scan3A_43, %scan3A_44 : i32
    %scan3A_46 = arith.constant 1 : i32
    scf.for %scan3A_85 = %scan3A_43 to %scan3A_45 step %scan3A_46  : i32 {
      %mul3A_86 = arith.constant 2 : i32
      %mul3A_87 = arith.muli %scan3A_85, %mul3A_86 : i32
      %add3A_88 = arith.constant 0 : i32
      %add3A_89 = arith.addi %mul3A_87, %add3A_88 : i32
      %mul3A_90 = arith.constant 128 : i32
      %mul3A_91 = arith.muli %add3A_89, %mul3A_90 : i32
      %multiple_of3A_92 = tpu.assume_multiple %mul3A_91, 8 : i32
      %dma_wait3A_93 = arith.constant 0 : i32
      %dma_wait3A_94 = arith.constant 0 : i32
      %dma_wait3A_95 = arith.constant 0 : i32
      %dma_wait3A_96 = tpu.memref_slice %arg9[%dma_wait3A_93, %dma_wait3A_94, %dma_wait3A_95] : memref<2x128x128xf32, #tpu.memory_space<vmem>> -> memref<1x128x128xf32, #tpu.memory_space<vmem>>
      %dma_wait3A_97 = tpu.memref_squeeze %dma_wait3A_96 : memref<1x128x128xf32, #tpu.memory_space<vmem>> -> memref<128x128xf32, #tpu.memory_space<vmem>>
      %dma_wait3A_98 = tpu.memref_slice %arg7[%multiple_of3A_92] : memref<5120xi32, #tpu.memory_space<vmem>> -> memref<128xi32, #tpu.memory_space<vmem>>
      %dma_wait3A_99 = arith.constant 0 : i32
      %dma_wait3A_100 = arith.constant 0 : i32
      %dma_wait3A_101 = tpu.memref_slice %arg2[%dma_wait3A_99, %dma_wait3A_100] : memref<10008x128xf32, #tpu.memory_space<hbm>> -> memref<10008x128xf32, #tpu.memory_space<hbm>>
      tpu.wait_indirect_dma semaphore(%arg10 : memref<!tpu.dma_semaphore, #tpu.memory_space<semaphore_mem>>) src(%dma_wait3A_101 : memref<10008x128xf32, #tpu.memory_space<hbm>>) dst(%dma_wait3A_97 : memref<128x128xf32, #tpu.memory_space<vmem>>)
      %mul3A_102 = arith.constant 128 : i32
      %mul3A_103 = arith.muli %add3A_89, %mul3A_102 : i32
      %multiple_of3A_104 = tpu.assume_multiple %mul3A_103, 8 : i32
      %run_scoped3A = arith.constant 0 : i32
      "tpu.region"() ({
        %run_scoped3A_138 = tpu.sem_alloc : memref<!tpu.dma_semaphore, #tpu.memory_space<semaphore_mem>>
        %dma_start3A_139 = arith.constant 0 : i32
        %dma_start3A_140 = arith.constant 0 : i32
        %dma_start3A_141 = tpu.memref_slice %arg9[%run_scoped3A, %dma_start3A_139, %dma_start3A_140] : memref<2x128x128xf32, #tpu.memory_space<vmem>> -> memref<1x128x128xf32, #tpu.memory_space<vmem>>
        %dma_start3A_142 = tpu.memref_squeeze %dma_start3A_141 : memref<1x128x128xf32, #tpu.memory_space<vmem>> -> memref<128x128xf32, #tpu.memory_space<vmem>>
        %dma_start3A_143 = tpu.memref_slice %arg8[%multiple_of3A_104] : memref<5120xi32, #tpu.memory_space<vmem>> -> memref<128xi32, #tpu.memory_space<vmem>>
        %dma_start3A_144 = arith.constant 0 : i32
        %dma_start3A_145 = arith.constant 0 : i32
        %dma_start3A_146 = tpu.memref_slice %arg6[%dma_start3A_144, %dma_start3A_145] : memref<10000x128xf32, #tpu.memory_space<vmem_shared>> -> memref<10000x128xf32, #tpu.memory_space<vmem_shared>>
        tpu.enqueue_indirect_dma source(%dma_start3A_142 : memref<128x128xf32, #tpu.memory_space<vmem>>) target(%dma_start3A_146 : memref<10000x128xf32, #tpu.memory_space<vmem_shared>>) offsets(%dma_start3A_143 : memref<128xi32, #tpu.memory_space<vmem>>) semaphore(%run_scoped3A_138 : memref<!tpu.dma_semaphore, #tpu.memory_space<semaphore_mem>>) {add = true}
        %dma_wait3A_147 = arith.constant 0 : i32
        %dma_wait3A_148 = arith.constant 0 : i32
        %dma_wait3A_149 = tpu.memref_slice %arg9[%run_scoped3A, %dma_wait3A_147, %dma_wait3A_148] : memref<2x128x128xf32, #tpu.memory_space<vmem>> -> memref<1x128x128xf32, #tpu.memory_space<vmem>>
        %dma_wait3A_150 = tpu.memref_squeeze %dma_wait3A_149 : memref<1x128x128xf32, #tpu.memory_space<vmem>> -> memref<128x128xf32, #tpu.memory_space<vmem>>
        %dma_wait3A_151 = tpu.memref_slice %arg8[%multiple_of3A_104] : memref<5120xi32, #tpu.memory_space<vmem>> -> memref<128xi32, #tpu.memory_space<vmem>>
        %dma_wait3A_152 = arith.constant 0 : i32
        %dma_wait3A_153 = arith.constant 0 : i32
        %dma_wait3A_154 = tpu.memref_slice %arg6[%dma_wait3A_152, %dma_wait3A_153] : memref<10000x128xf32, #tpu.memory_space<vmem_shared>> -> memref<10000x128xf32, #tpu.memory_space<vmem_shared>>
        tpu.wait_indirect_dma semaphore(%run_scoped3A_138 : memref<!tpu.dma_semaphore, #tpu.memory_space<semaphore_mem>>) src(%dma_wait3A_150 : memref<128x128xf32, #tpu.memory_space<vmem>>) dst(%dma_wait3A_154 : memref<10000x128xf32, #tpu.memory_space<vmem_shared>>)
        tpu.yield
      }) : () -> ()
      %add3A_105 = arith.constant 2 : i32
      %add3A_106 = arith.addi %add3A_89, %add3A_105 : i32
      %lt3A = arith.constant 40 : i32
      %lt3A_107 = arith.cmpi slt, %add3A_106, %lt3A : i32
      %convert_element_type3A_108 = arith.extui %lt3A_107 : i1 to i32
      %cond3A_109 = arith.constant 0 : i32
      %cond3A_110 = arith.cmpi ne, %convert_element_type3A_108, %cond3A_109 : i32
      scf.if %cond3A_110 {
        %add3A_138 = arith.constant 2 : i32
        %add3A_139 = arith.addi %add3A_89, %add3A_138 : i32
        %mul3A_140 = arith.constant 128 : i32
        %mul3A_141 = arith.muli %add3A_139, %mul3A_140 : i32
        %multiple_of3A_142 = tpu.assume_multiple %mul3A_141, 8 : i32
        %dma_start3A_143 = arith.constant 0 : i32
        %dma_start3A_144 = arith.constant 0 : i32
        %dma_start3A_145 = arith.constant 0 : i32
        %dma_start3A_146 = tpu.memref_slice %arg9[%dma_start3A_143, %dma_start3A_144, %dma_start3A_145] : memref<2x128x128xf32, #tpu.memory_space<vmem>> -> memref<1x128x128xf32, #tpu.memory_space<vmem>>
        %dma_start3A_147 = tpu.memref_squeeze %dma_start3A_146 : memref<1x128x128xf32, #tpu.memory_space<vmem>> -> memref<128x128xf32, #tpu.memory_space<vmem>>
        %dma_start3A_148 = tpu.memref_slice %arg7[%multiple_of3A_142] : memref<5120xi32, #tpu.memory_space<vmem>> -> memref<128xi32, #tpu.memory_space<vmem>>
        %dma_start3A_149 = arith.constant 0 : i32
        %dma_start3A_150 = arith.constant 0 : i32
        %dma_start3A_151 = tpu.memref_slice %arg2[%dma_start3A_149, %dma_start3A_150] : memref<10008x128xf32, #tpu.memory_space<hbm>> -> memref<10008x128xf32, #tpu.memory_space<hbm>>
        tpu.enqueue_indirect_dma source(%dma_start3A_151 : memref<10008x128xf32, #tpu.memory_space<hbm>>) target(%dma_start3A_147 : memref<128x128xf32, #tpu.memory_space<vmem>>) offsets(%dma_start3A_148 : memref<128xi32, #tpu.memory_space<vmem>>) semaphore(%arg10 : memref<!tpu.dma_semaphore, #tpu.memory_space<semaphore_mem>>)
      } else {
      }
      %mul3A_111 = arith.constant 2 : i32
      %mul3A_112 = arith.muli %scan3A_85, %mul3A_111 : i32
      %add3A_113 = arith.constant 1 : i32
      %add3A_114 = arith.addi %mul3A_112, %add3A_113 : i32
      %mul3A_115 = arith.constant 128 : i32
      %mul3A_116 = arith.muli %add3A_114, %mul3A_115 : i32
      %multiple_of3A_117 = tpu.assume_multiple %mul3A_116, 8 : i32
      %dma_wait3A_118 = arith.constant 1 : i32
      %dma_wait3A_119 = arith.constant 0 : i32
      %dma_wait3A_120 = arith.constant 0 : i32
      %dma_wait3A_121 = tpu.memref_slice %arg9[%dma_wait3A_118, %dma_wait3A_119, %dma_wait3A_120] : memref<2x128x128xf32, #tpu.memory_space<vmem>> -> memref<1x128x128xf32, #tpu.memory_space<vmem>>
      %dma_wait3A_122 = tpu.memref_squeeze %dma_wait3A_121 : memref<1x128x128xf32, #tpu.memory_space<vmem>> -> memref<128x128xf32, #tpu.memory_space<vmem>>
      %dma_wait3A_123 = tpu.memref_slice %arg7[%multiple_of3A_117] : memref<5120xi32, #tpu.memory_space<vmem>> -> memref<128xi32, #tpu.memory_space<vmem>>
      %dma_wait3A_124 = arith.constant 0 : i32
      %dma_wait3A_125 = arith.constant 0 : i32
      %dma_wait3A_126 = tpu.memref_slice %arg2[%dma_wait3A_124, %dma_wait3A_125] : memref<10008x128xf32, #tpu.memory_space<hbm>> -> memref<10008x128xf32, #tpu.memory_space<hbm>>
      tpu.wait_indirect_dma semaphore(%arg11 : memref<!tpu.dma_semaphore, #tpu.memory_space<semaphore_mem>>) src(%dma_wait3A_126 : memref<10008x128xf32, #tpu.memory_space<hbm>>) dst(%dma_wait3A_122 : memref<128x128xf32, #tpu.memory_space<vmem>>)
      %mul3A_127 = arith.constant 128 : i32
      %mul3A_128 = arith.muli %add3A_114, %mul3A_127 : i32
      %multiple_of3A_129 = tpu.assume_multiple %mul3A_128, 8 : i32
      %run_scoped3A_130 = arith.constant 1 : i32
      "tpu.region"() ({
        %run_scoped3A_138 = tpu.sem_alloc : memref<!tpu.dma_semaphore, #tpu.memory_space<semaphore_mem>>
        %dma_start3A_139 = arith.constant 0 : i32
        %dma_start3A_140 = arith.constant 0 : i32
        %dma_start3A_141 = tpu.memref_slice %arg9[%run_scoped3A_130, %dma_start3A_139, %dma_start3A_140] : memref<2x128x128xf32, #tpu.memory_space<vmem>> -> memref<1x128x128xf32, #tpu.memory_space<vmem>>
        %dma_start3A_142 = tpu.memref_squeeze %dma_start3A_141 : memref<1x128x128xf32, #tpu.memory_space<vmem>> -> memref<128x128xf32, #tpu.memory_space<vmem>>
        %dma_start3A_143 = tpu.memref_slice %arg8[%multiple_of3A_129] : memref<5120xi32, #tpu.memory_space<vmem>> -> memref<128xi32, #tpu.memory_space<vmem>>
        %dma_start3A_144 = arith.constant 0 : i32
        %dma_start3A_145 = arith.constant 0 : i32
        %dma_start3A_146 = tpu.memref_slice %arg6[%dma_start3A_144, %dma_start3A_145] : memref<10000x128xf32, #tpu.memory_space<vmem_shared>> -> memref<10000x128xf32, #tpu.memory_space<vmem_shared>>
        tpu.enqueue_indirect_dma source(%dma_start3A_142 : memref<128x128xf32, #tpu.memory_space<vmem>>) target(%dma_start3A_146 : memref<10000x128xf32, #tpu.memory_space<vmem_shared>>) offsets(%dma_start3A_143 : memref<128xi32, #tpu.memory_space<vmem>>) semaphore(%run_scoped3A_138 : memref<!tpu.dma_semaphore, #tpu.memory_space<semaphore_mem>>) {add = true}
        %dma_wait3A_147 = arith.constant 0 : i32
        %dma_wait3A_148 = arith.constant 0 : i32
        %dma_wait3A_149 = tpu.memref_slice %arg9[%run_scoped3A_130, %dma_wait3A_147, %dma_wait3A_148] : memref<2x128x128xf32, #tpu.memory_space<vmem>> -> memref<1x128x128xf32, #tpu.memory_space<vmem>>
        %dma_wait3A_150 = tpu.memref_squeeze %dma_wait3A_149 : memref<1x128x128xf32, #tpu.memory_space<vmem>> -> memref<128x128xf32, #tpu.memory_space<vmem>>
        %dma_wait3A_151 = tpu.memref_slice %arg8[%multiple_of3A_129] : memref<5120xi32, #tpu.memory_space<vmem>> -> memref<128xi32, #tpu.memory_space<vmem>>
        %dma_wait3A_152 = arith.constant 0 : i32
        %dma_wait3A_153 = arith.constant 0 : i32
        %dma_wait3A_154 = tpu.memref_slice %arg6[%dma_wait3A_152, %dma_wait3A_153] : memref<10000x128xf32, #tpu.memory_space<vmem_shared>> -> memref<10000x128xf32, #tpu.memory_space<vmem_shared>>
        tpu.wait_indirect_dma semaphore(%run_scoped3A_138 : memref<!tpu.dma_semaphore, #tpu.memory_space<semaphore_mem>>) src(%dma_wait3A_150 : memref<128x128xf32, #tpu.memory_space<vmem>>) dst(%dma_wait3A_154 : memref<10000x128xf32, #tpu.memory_space<vmem_shared>>)
        tpu.yield
      }) : () -> ()
      %add3A_131 = arith.constant 2 : i32
      %add3A_132 = arith.addi %add3A_114, %add3A_131 : i32
      %lt3A_133 = arith.constant 40 : i32
      %lt3A_134 = arith.cmpi slt, %add3A_132, %lt3A_133 : i32
      %convert_element_type3A_135 = arith.extui %lt3A_134 : i1 to i32
      %cond3A_136 = arith.constant 0 : i32
      %cond3A_137 = arith.cmpi ne, %convert_element_type3A_135, %cond3A_136 : i32
      scf.if %cond3A_137 {
        %add3A_138 = arith.constant 2 : i32
        %add3A_139 = arith.addi %add3A_114, %add3A_138 : i32
        %mul3A_140 = arith.constant 128 : i32
        %mul3A_141 = arith.muli %add3A_139, %mul3A_140 : i32
        %multiple_of3A_142 = tpu.assume_multiple %mul3A_141, 8 : i32
        %dma_start3A_143 = arith.constant 1 : i32
        %dma_start3A_144 = arith.constant 0 : i32
        %dma_start3A_145 = arith.constant 0 : i32
        %dma_start3A_146 = tpu.memref_slice %arg9[%dma_start3A_143, %dma_start3A_144, %dma_start3A_145] : memref<2x128x128xf32, #tpu.memory_space<vmem>> -> memref<1x128x128xf32, #tpu.memory_space<vmem>>
        %dma_start3A_147 = tpu.memref_squeeze %dma_start3A_146 : memref<1x128x128xf32, #tpu.memory_space<vmem>> -> memref<128x128xf32, #tpu.memory_space<vmem>>
        %dma_start3A_148 = tpu.memref_slice %arg7[%multiple_of3A_142] : memref<5120xi32, #tpu.memory_space<vmem>> -> memref<128xi32, #tpu.memory_space<vmem>>
        %dma_start3A_149 = arith.constant 0 : i32
        %dma_start3A_150 = arith.constant 0 : i32
        %dma_start3A_151 = tpu.memref_slice %arg2[%dma_start3A_149, %dma_start3A_150] : memref<10008x128xf32, #tpu.memory_space<hbm>> -> memref<10008x128xf32, #tpu.memory_space<hbm>>
        tpu.enqueue_indirect_dma source(%dma_start3A_151 : memref<10008x128xf32, #tpu.memory_space<hbm>>) target(%dma_start3A_147 : memref<128x128xf32, #tpu.memory_space<vmem>>) offsets(%dma_start3A_148 : memref<128xi32, #tpu.memory_space<vmem>>) semaphore(%arg11 : memref<!tpu.dma_semaphore, #tpu.memory_space<semaphore_mem>>)
      } else {
      }
    }
    %scan3A_47 = arith.constant 20 : i32
    %add3A_48 = arith.constant 5120 : i32
    %add3A_49 = arith.addi %mul3A_9, %add3A_48 : i32
    %multiple_of3A_50 = tpu.assume_multiple %add3A_49, 8 : i32
    "tpu.region"() ({
      %run_scoped3A = tpu.sem_alloc : memref<!tpu.dma_semaphore, #tpu.memory_space<semaphore_mem>>
      %dma_start3A_85 = tpu.memref_slice %arg3[%multiple_of3A_50] : memref<327680xi32, #tpu.memory_space<hbm>> -> memref<5120xi32, #tpu.memory_space<hbm>>
      %dma_start3A_86 = tpu.memref_slice %arg3[%multiple_of3A_50] : memref<327680xi32, #tpu.memory_space<hbm>> -> memref<5120xi32, #tpu.memory_space<hbm>>
      tpu.enqueue_dma source(%dma_start3A_86 : memref<5120xi32, #tpu.memory_space<hbm>>) target(%arg7 : memref<5120xi32, #tpu.memory_space<vmem>>) target_semaphore(%run_scoped3A : memref<!tpu.dma_semaphore, #tpu.memory_space<semaphore_mem>>)
      %dma_wait3A_87 = tpu.memref_slice %arg3[%multiple_of3A_50] : memref<327680xi32, #tpu.memory_space<hbm>> -> memref<5120xi32, #tpu.memory_space<hbm>>
      %dma_wait3A_88 = tpu.memref_slice %arg3[%multiple_of3A_50] : memref<327680xi32, #tpu.memory_space<hbm>> -> memref<5120xi32, #tpu.memory_space<hbm>>
      tpu.wait_dma2 semaphore(%run_scoped3A : memref<!tpu.dma_semaphore, #tpu.memory_space<semaphore_mem>>) src(%dma_wait3A_88 : memref<5120xi32, #tpu.memory_space<hbm>>) dst(%arg7 : memref<5120xi32, #tpu.memory_space<vmem>>)
      tpu.yield
    }) : () -> ()
    "tpu.region"() ({
      %run_scoped3A = tpu.sem_alloc : memref<!tpu.dma_semaphore, #tpu.memory_space<semaphore_mem>>
      %dma_start3A_85 = tpu.memref_slice %arg4[%multiple_of3A_50] : memref<327680xi32, #tpu.memory_space<hbm>> -> memref<5120xi32, #tpu.memory_space<hbm>>
      %dma_start3A_86 = tpu.memref_slice %arg4[%multiple_of3A_50] : memref<327680xi32, #tpu.memory_space<hbm>> -> memref<5120xi32, #tpu.memory_space<hbm>>
      tpu.enqueue_dma source(%dma_start3A_86 : memref<5120xi32, #tpu.memory_space<hbm>>) target(%arg8 : memref<5120xi32, #tpu.memory_space<vmem>>) target_semaphore(%run_scoped3A : memref<!tpu.dma_semaphore, #tpu.memory_space<semaphore_mem>>)
      %dma_wait3A_87 = tpu.memref_slice %arg4[%multiple_of3A_50] : memref<327680xi32, #tpu.memory_space<hbm>> -> memref<5120xi32, #tpu.memory_space<hbm>>
      %dma_wait3A_88 = tpu.memref_slice %arg4[%multiple_of3A_50] : memref<327680xi32, #tpu.memory_space<hbm>> -> memref<5120xi32, #tpu.memory_space<hbm>>
      tpu.wait_dma2 semaphore(%run_scoped3A : memref<!tpu.dma_semaphore, #tpu.memory_space<semaphore_mem>>) src(%dma_wait3A_88 : memref<5120xi32, #tpu.memory_space<hbm>>) dst(%arg8 : memref<5120xi32, #tpu.memory_space<vmem>>)
      tpu.yield
    }) : () -> ()
    %multiple_of3A_51 = arith.constant 0 : i32
    %multiple_of3A_52 = tpu.assume_multiple %multiple_of3A_51, 8 : i32
    %dma_start3A_53 = arith.constant 0 : i32
    %dma_start3A_54 = arith.constant 0 : i32
    %dma_start3A_55 = arith.constant 0 : i32
    %dma_start3A_56 = tpu.memref_slice %arg9[%dma_start3A_53, %dma_start3A_54, %dma_start3A_55] : memref<2x128x128xf32, #tpu.memory_space<vmem>> -> memref<1x128x128xf32, #tpu.memory_space<vmem>>
    %dma_start3A_57 = tpu.memref_squeeze %dma_start3A_56 : memref<1x128x128xf32, #tpu.memory_space<vmem>> -> memref<128x128xf32, #tpu.memory_space<vmem>>
    %dma_start3A_58 = tpu.memref_slice %arg7[%multiple_of3A_52] : memref<5120xi32, #tpu.memory_space<vmem>> -> memref<128xi32, #tpu.memory_space<vmem>>
    %dma_start3A_59 = arith.constant 0 : i32
    %dma_start3A_60 = arith.constant 0 : i32
    %dma_start3A_61 = tpu.memref_slice %arg2[%dma_start3A_59, %dma_start3A_60] : memref<10008x128xf32, #tpu.memory_space<hbm>> -> memref<10008x128xf32, #tpu.memory_space<hbm>>
    tpu.enqueue_indirect_dma source(%dma_start3A_61 : memref<10008x128xf32, #tpu.memory_space<hbm>>) target(%dma_start3A_57 : memref<128x128xf32, #tpu.memory_space<vmem>>) offsets(%dma_start3A_58 : memref<128xi32, #tpu.memory_space<vmem>>) semaphore(%arg10 : memref<!tpu.dma_semaphore, #tpu.memory_space<semaphore_mem>>)
    %multiple_of3A_62 = arith.constant 128 : i32
    %multiple_of3A_63 = tpu.assume_multiple %multiple_of3A_62, 8 : i32
    %dma_start3A_64 = arith.constant 1 : i32
    %dma_start3A_65 = arith.constant 0 : i32
    %dma_start3A_66 = arith.constant 0 : i32
    %dma_start3A_67 = tpu.memref_slice %arg9[%dma_start3A_64, %dma_start3A_65, %dma_start3A_66] : memref<2x128x128xf32, #tpu.memory_space<vmem>> -> memref<1x128x128xf32, #tpu.memory_space<vmem>>
    %dma_start3A_68 = tpu.memref_squeeze %dma_start3A_67 : memref<1x128x128xf32, #tpu.memory_space<vmem>> -> memref<128x128xf32, #tpu.memory_space<vmem>>
    %dma_start3A_69 = tpu.memref_slice %arg7[%multiple_of3A_63] : memref<5120xi32, #tpu.memory_space<vmem>> -> memref<128xi32, #tpu.memory_space<vmem>>
    %dma_start3A_70 = arith.constant 0 : i32
    %dma_start3A_71 = arith.constant 0 : i32
    %dma_start3A_72 = tpu.memref_slice %arg2[%dma_start3A_70, %dma_start3A_71] : memref<10008x128xf32, #tpu.memory_space<hbm>> -> memref<10008x128xf32, #tpu.memory_space<hbm>>
    tpu.enqueue_indirect_dma source(%dma_start3A_72 : memref<10008x128xf32, #tpu.memory_space<hbm>>) target(%dma_start3A_68 : memref<128x128xf32, #tpu.memory_space<vmem>>) offsets(%dma_start3A_69 : memref<128xi32, #tpu.memory_space<vmem>>) semaphore(%arg11 : memref<!tpu.dma_semaphore, #tpu.memory_space<semaphore_mem>>)
    %scan3A_73 = arith.constant 0 : i32
    %scan3A_74 = arith.constant 0 : i32
    %scan3A_75 = arith.constant 20 : i32
    %scan3A_76 = arith.addi %scan3A_74, %scan3A_75 : i32
    %scan3A_77 = arith.constant 1 : i32
    scf.for %scan3A_85 = %scan3A_74 to %scan3A_76 step %scan3A_77  : i32 {
      %mul3A_86 = arith.constant 2 : i32
      %mul3A_87 = arith.muli %scan3A_85, %mul3A_86 : i32
      %add3A_88 = arith.constant 0 : i32
      %add3A_89 = arith.addi %mul3A_87, %add3A_88 : i32
      %mul3A_90 = arith.constant 128 : i32
      %mul3A_91 = arith.muli %add3A_89, %mul3A_90 : i32
      %multiple_of3A_92 = tpu.assume_multiple %mul3A_91, 8 : i32
      %dma_wait3A_93 = arith.constant 0 : i32
      %dma_wait3A_94 = arith.constant 0 : i32
      %dma_wait3A_95 = arith.constant 0 : i32
      %dma_wait3A_96 = tpu.memref_slice %arg9[%dma_wait3A_93, %dma_wait3A_94, %dma_wait3A_95] : memref<2x128x128xf32, #tpu.memory_space<vmem>> -> memref<1x128x128xf32, #tpu.memory_space<vmem>>
      %dma_wait3A_97 = tpu.memref_squeeze %dma_wait3A_96 : memref<1x128x128xf32, #tpu.memory_space<vmem>> -> memref<128x128xf32, #tpu.memory_space<vmem>>
      %dma_wait3A_98 = tpu.memref_slice %arg7[%multiple_of3A_92] : memref<5120xi32, #tpu.memory_space<vmem>> -> memref<128xi32, #tpu.memory_space<vmem>>
      %dma_wait3A_99 = arith.constant 0 : i32
      %dma_wait3A_100 = arith.constant 0 : i32
      %dma_wait3A_101 = tpu.memref_slice %arg2[%dma_wait3A_99, %dma_wait3A_100] : memref<10008x128xf32, #tpu.memory_space<hbm>> -> memref<10008x128xf32, #tpu.memory_space<hbm>>
      tpu.wait_indirect_dma semaphore(%arg10 : memref<!tpu.dma_semaphore, #tpu.memory_space<semaphore_mem>>) src(%dma_wait3A_101 : memref<10008x128xf32, #tpu.memory_space<hbm>>) dst(%dma_wait3A_97 : memref<128x128xf32, #tpu.memory_space<vmem>>)
      %mul3A_102 = arith.constant 128 : i32
      %mul3A_103 = arith.muli %add3A_89, %mul3A_102 : i32
      %multiple_of3A_104 = tpu.assume_multiple %mul3A_103, 8 : i32
      %run_scoped3A = arith.constant 0 : i32
      "tpu.region"() ({
        %run_scoped3A_138 = tpu.sem_alloc : memref<!tpu.dma_semaphore, #tpu.memory_space<semaphore_mem>>
        %dma_start3A_139 = arith.constant 0 : i32
        %dma_start3A_140 = arith.constant 0 : i32
        %dma_start3A_141 = tpu.memref_slice %arg9[%run_scoped3A, %dma_start3A_139, %dma_start3A_140] : memref<2x128x128xf32, #tpu.memory_space<vmem>> -> memref<1x128x128xf32, #tpu.memory_space<vmem>>
        %dma_start3A_142 = tpu.memref_squeeze %dma_start3A_141 : memref<1x128x128xf32, #tpu.memory_space<vmem>> -> memref<128x128xf32, #tpu.memory_space<vmem>>
        %dma_start3A_143 = tpu.memref_slice %arg8[%multiple_of3A_104] : memref<5120xi32, #tpu.memory_space<vmem>> -> memref<128xi32, #tpu.memory_space<vmem>>
        %dma_start3A_144 = arith.constant 0 : i32
        %dma_start3A_145 = arith.constant 0 : i32
        %dma_start3A_146 = tpu.memref_slice %arg6[%dma_start3A_144, %dma_start3A_145] : memref<10000x128xf32, #tpu.memory_space<vmem_shared>> -> memref<10000x128xf32, #tpu.memory_space<vmem_shared>>
        tpu.enqueue_indirect_dma source(%dma_start3A_142 : memref<128x128xf32, #tpu.memory_space<vmem>>) target(%dma_start3A_146 : memref<10000x128xf32, #tpu.memory_space<vmem_shared>>) offsets(%dma_start3A_143 : memref<128xi32, #tpu.memory_space<vmem>>) semaphore(%run_scoped3A_138 : memref<!tpu.dma_semaphore, #tpu.memory_space<semaphore_mem>>) {add = true}
        %dma_wait3A_147 = arith.constant 0 : i32
        %dma_wait3A_148 = arith.constant 0 : i32
        %dma_wait3A_149 = tpu.memref_slice %arg9[%run_scoped3A, %dma_wait3A_147, %dma_wait3A_148] : memref<2x128x128xf32, #tpu.memory_space<vmem>> -> memref<1x128x128xf32, #tpu.memory_space<vmem>>
        %dma_wait3A_150 = tpu.memref_squeeze %dma_wait3A_149 : memref<1x128x128xf32, #tpu.memory_space<vmem>> -> memref<128x128xf32, #tpu.memory_space<vmem>>
        %dma_wait3A_151 = tpu.memref_slice %arg8[%multiple_of3A_104] : memref<5120xi32, #tpu.memory_space<vmem>> -> memref<128xi32, #tpu.memory_space<vmem>>
        %dma_wait3A_152 = arith.constant 0 : i32
        %dma_wait3A_153 = arith.constant 0 : i32
        %dma_wait3A_154 = tpu.memref_slice %arg6[%dma_wait3A_152, %dma_wait3A_153] : memref<10000x128xf32, #tpu.memory_space<vmem_shared>> -> memref<10000x128xf32, #tpu.memory_space<vmem_shared>>
        tpu.wait_indirect_dma semaphore(%run_scoped3A_138 : memref<!tpu.dma_semaphore, #tpu.memory_space<semaphore_mem>>) src(%dma_wait3A_150 : memref<128x128xf32, #tpu.memory_space<vmem>>) dst(%dma_wait3A_154 : memref<10000x128xf32, #tpu.memory_space<vmem_shared>>)
        tpu.yield
      }) : () -> ()
      %add3A_105 = arith.constant 2 : i32
      %add3A_106 = arith.addi %add3A_89, %add3A_105 : i32
      %lt3A = arith.constant 40 : i32
      %lt3A_107 = arith.cmpi slt, %add3A_106, %lt3A : i32
      %convert_element_type3A_108 = arith.extui %lt3A_107 : i1 to i32
      %cond3A_109 = arith.constant 0 : i32
      %cond3A_110 = arith.cmpi ne, %convert_element_type3A_108, %cond3A_109 : i32
      scf.if %cond3A_110 {
        %add3A_138 = arith.constant 2 : i32
        %add3A_139 = arith.addi %add3A_89, %add3A_138 : i32
        %mul3A_140 = arith.constant 128 : i32
        %mul3A_141 = arith.muli %add3A_139, %mul3A_140 : i32
        %multiple_of3A_142 = tpu.assume_multiple %mul3A_141, 8 : i32
        %dma_start3A_143 = arith.constant 0 : i32
        %dma_start3A_144 = arith.constant 0 : i32
        %dma_start3A_145 = arith.constant 0 : i32
        %dma_start3A_146 = tpu.memref_slice %arg9[%dma_start3A_143, %dma_start3A_144, %dma_start3A_145] : memref<2x128x128xf32, #tpu.memory_space<vmem>> -> memref<1x128x128xf32, #tpu.memory_space<vmem>>
        %dma_start3A_147 = tpu.memref_squeeze %dma_start3A_146 : memref<1x128x128xf32, #tpu.memory_space<vmem>> -> memref<128x128xf32, #tpu.memory_space<vmem>>
        %dma_start3A_148 = tpu.memref_slice %arg7[%multiple_of3A_142] : memref<5120xi32, #tpu.memory_space<vmem>> -> memref<128xi32, #tpu.memory_space<vmem>>
        %dma_start3A_149 = arith.constant 0 : i32
        %dma_start3A_150 = arith.constant 0 : i32
        %dma_start3A_151 = tpu.memref_slice %arg2[%dma_start3A_149, %dma_start3A_150] : memref<10008x128xf32, #tpu.memory_space<hbm>> -> memref<10008x128xf32, #tpu.memory_space<hbm>>
        tpu.enqueue_indirect_dma source(%dma_start3A_151 : memref<10008x128xf32, #tpu.memory_space<hbm>>) target(%dma_start3A_147 : memref<128x128xf32, #tpu.memory_space<vmem>>) offsets(%dma_start3A_148 : memref<128xi32, #tpu.memory_space<vmem>>) semaphore(%arg10 : memref<!tpu.dma_semaphore, #tpu.memory_space<semaphore_mem>>)
      } else {
      }
      %mul3A_111 = arith.constant 2 : i32
      %mul3A_112 = arith.muli %scan3A_85, %mul3A_111 : i32
      %add3A_113 = arith.constant 1 : i32
      %add3A_114 = arith.addi %mul3A_112, %add3A_113 : i32
      %mul3A_115 = arith.constant 128 : i32
      %mul3A_116 = arith.muli %add3A_114, %mul3A_115 : i32
      %multiple_of3A_117 = tpu.assume_multiple %mul3A_116, 8 : i32
      %dma_wait3A_118 = arith.constant 1 : i32
      %dma_wait3A_119 = arith.constant 0 : i32
      %dma_wait3A_120 = arith.constant 0 : i32
      %dma_wait3A_121 = tpu.memref_slice %arg9[%dma_wait3A_118, %dma_wait3A_119, %dma_wait3A_120] : memref<2x128x128xf32, #tpu.memory_space<vmem>> -> memref<1x128x128xf32, #tpu.memory_space<vmem>>
      %dma_wait3A_122 = tpu.memref_squeeze %dma_wait3A_121 : memref<1x128x128xf32, #tpu.memory_space<vmem>> -> memref<128x128xf32, #tpu.memory_space<vmem>>
      %dma_wait3A_123 = tpu.memref_slice %arg7[%multiple_of3A_117] : memref<5120xi32, #tpu.memory_space<vmem>> -> memref<128xi32, #tpu.memory_space<vmem>>
      %dma_wait3A_124 = arith.constant 0 : i32
      %dma_wait3A_125 = arith.constant 0 : i32
      %dma_wait3A_126 = tpu.memref_slice %arg2[%dma_wait3A_124, %dma_wait3A_125] : memref<10008x128xf32, #tpu.memory_space<hbm>> -> memref<10008x128xf32, #tpu.memory_space<hbm>>
      tpu.wait_indirect_dma semaphore(%arg11 : memref<!tpu.dma_semaphore, #tpu.memory_space<semaphore_mem>>) src(%dma_wait3A_126 : memref<10008x128xf32, #tpu.memory_space<hbm>>) dst(%dma_wait3A_122 : memref<128x128xf32, #tpu.memory_space<vmem>>)
      %mul3A_127 = arith.constant 128 : i32
      %mul3A_128 = arith.muli %add3A_114, %mul3A_127 : i32
      %multiple_of3A_129 = tpu.assume_multiple %mul3A_128, 8 : i32
      %run_scoped3A_130 = arith.constant 1 : i32
      "tpu.region"() ({
        %run_scoped3A_138 = tpu.sem_alloc : memref<!tpu.dma_semaphore, #tpu.memory_space<semaphore_mem>>
        %dma_start3A_139 = arith.constant 0 : i32
        %dma_start3A_140 = arith.constant 0 : i32
        %dma_start3A_141 = tpu.memref_slice %arg9[%run_scoped3A_130, %dma_start3A_139, %dma_start3A_140] : memref<2x128x128xf32, #tpu.memory_space<vmem>> -> memref<1x128x128xf32, #tpu.memory_space<vmem>>
        %dma_start3A_142 = tpu.memref_squeeze %dma_start3A_141 : memref<1x128x128xf32, #tpu.memory_space<vmem>> -> memref<128x128xf32, #tpu.memory_space<vmem>>
        %dma_start3A_143 = tpu.memref_slice %arg8[%multiple_of3A_129] : memref<5120xi32, #tpu.memory_space<vmem>> -> memref<128xi32, #tpu.memory_space<vmem>>
        %dma_start3A_144 = arith.constant 0 : i32
        %dma_start3A_145 = arith.constant 0 : i32
        %dma_start3A_146 = tpu.memref_slice %arg6[%dma_start3A_144, %dma_start3A_145] : memref<10000x128xf32, #tpu.memory_space<vmem_shared>> -> memref<10000x128xf32, #tpu.memory_space<vmem_shared>>
        tpu.enqueue_indirect_dma source(%dma_start3A_142 : memref<128x128xf32, #tpu.memory_space<vmem>>) target(%dma_start3A_146 : memref<10000x128xf32, #tpu.memory_space<vmem_shared>>) offsets(%dma_start3A_143 : memref<128xi32, #tpu.memory_space<vmem>>) semaphore(%run_scoped3A_138 : memref<!tpu.dma_semaphore, #tpu.memory_space<semaphore_mem>>) {add = true}
        %dma_wait3A_147 = arith.constant 0 : i32
        %dma_wait3A_148 = arith.constant 0 : i32
        %dma_wait3A_149 = tpu.memref_slice %arg9[%run_scoped3A_130, %dma_wait3A_147, %dma_wait3A_148] : memref<2x128x128xf32, #tpu.memory_space<vmem>> -> memref<1x128x128xf32, #tpu.memory_space<vmem>>
        %dma_wait3A_150 = tpu.memref_squeeze %dma_wait3A_149 : memref<1x128x128xf32, #tpu.memory_space<vmem>> -> memref<128x128xf32, #tpu.memory_space<vmem>>
        %dma_wait3A_151 = tpu.memref_slice %arg8[%multiple_of3A_129] : memref<5120xi32, #tpu.memory_space<vmem>> -> memref<128xi32, #tpu.memory_space<vmem>>
        %dma_wait3A_152 = arith.constant 0 : i32
        %dma_wait3A_153 = arith.constant 0 : i32
        %dma_wait3A_154 = tpu.memref_slice %arg6[%dma_wait3A_152, %dma_wait3A_153] : memref<10000x128xf32, #tpu.memory_space<vmem_shared>> -> memref<10000x128xf32, #tpu.memory_space<vmem_shared>>
        tpu.wait_indirect_dma semaphore(%run_scoped3A_138 : memref<!tpu.dma_semaphore, #tpu.memory_space<semaphore_mem>>) src(%dma_wait3A_150 : memref<128x128xf32, #tpu.memory_space<vmem>>) dst(%dma_wait3A_154 : memref<10000x128xf32, #tpu.memory_space<vmem_shared>>)
        tpu.yield
      }) : () -> ()
      %add3A_131 = arith.constant 2 : i32
      %add3A_132 = arith.addi %add3A_114, %add3A_131 : i32
      %lt3A_133 = arith.constant 40 : i32
      %lt3A_134 = arith.cmpi slt, %add3A_132, %lt3A_133 : i32
      %convert_element_type3A_135 = arith.extui %lt3A_134 : i1 to i32
      %cond3A_136 = arith.constant 0 : i32
      %cond3A_137 = arith.cmpi ne, %convert_element_type3A_135, %cond3A_136 : i32
      scf.if %cond3A_137 {
        %add3A_138 = arith.constant 2 : i32
        %add3A_139 = arith.addi %add3A_114, %add3A_138 : i32
        %mul3A_140 = arith.constant 128 : i32
        %mul3A_141 = arith.muli %add3A_139, %mul3A_140 : i32
        %multiple_of3A_142 = tpu.assume_multiple %mul3A_141, 8 : i32
        %dma_start3A_143 = arith.constant 1 : i32
        %dma_start3A_144 = arith.constant 0 : i32
        %dma_start3A_145 = arith.constant 0 : i32
        %dma_start3A_146 = tpu.memref_slice %arg9[%dma_start3A_143, %dma_start3A_144, %dma_start3A_145] : memref<2x128x128xf32, #tpu.memory_space<vmem>> -> memref<1x128x128xf32, #tpu.memory_space<vmem>>
        %dma_start3A_147 = tpu.memref_squeeze %dma_start3A_146 : memref<1x128x128xf32, #tpu.memory_space<vmem>> -> memref<128x128xf32, #tpu.memory_space<vmem>>
        %dma_start3A_148 = tpu.memref_slice %arg7[%multiple_of3A_142] : memref<5120xi32, #tpu.memory_space<vmem>> -> memref<128xi32, #tpu.memory_space<vmem>>
        %dma_start3A_149 = arith.constant 0 : i32
        %dma_start3A_150 = arith.constant 0 : i32
        %dma_start3A_151 = tpu.memref_slice %arg2[%dma_start3A_149, %dma_start3A_150] : memref<10008x128xf32, #tpu.memory_space<hbm>> -> memref<10008x128xf32, #tpu.memory_space<hbm>>
        tpu.enqueue_indirect_dma source(%dma_start3A_151 : memref<10008x128xf32, #tpu.memory_space<hbm>>) target(%dma_start3A_147 : memref<128x128xf32, #tpu.memory_space<vmem>>) offsets(%dma_start3A_148 : memref<128xi32, #tpu.memory_space<vmem>>) semaphore(%arg11 : memref<!tpu.dma_semaphore, #tpu.memory_space<semaphore_mem>>)
      } else {
      }
    }
    %scan3A_78 = arith.constant 20 : i32
    %barrier3A_79 = arith.constant 0 : index
    tpu.barrier barrier_id(%barrier3A_79)
    "tpu.region"() ({
      %run_scoped3A = tpu.sem_alloc : memref<!tpu.dma_semaphore, #tpu.memory_space<semaphore_mem>>
      %dma_start3A_85 = arith.constant 0 : i32
      %dma_start3A_86 = tpu.memref_slice %arg5[%arg0, %multiple_of3A, %dma_start3A_85] : memref<2x10000x128xf32, #tpu.memory_space<hbm>> -> memref<1x624x128xf32, #tpu.memory_space<hbm>>
      %dma_start3A_87 = tpu.memref_squeeze %dma_start3A_86 : memref<1x624x128xf32, #tpu.memory_space<hbm>> -> memref<624x128xf32, #tpu.memory_space<hbm>>
      %dma_start3A_88 = arith.constant 0 : i32
      %dma_start3A_89 = tpu.memref_slice %arg6[%multiple_of3A, %dma_start3A_88] : memref<10000x128xf32, #tpu.memory_space<vmem_shared>> -> memref<624x128xf32, #tpu.memory_space<vmem_shared>>
      tpu.enqueue_dma source(%dma_start3A_89 : memref<624x128xf32, #tpu.memory_space<vmem_shared>>) target(%dma_start3A_87 : memref<624x128xf32, #tpu.memory_space<hbm>>) target_semaphore(%run_scoped3A : memref<!tpu.dma_semaphore, #tpu.memory_space<semaphore_mem>>)
      %dma_wait3A_90 = arith.constant 0 : i32
      %dma_wait3A_91 = tpu.memref_slice %arg5[%arg0, %multiple_of3A, %dma_wait3A_90] : memref<2x10000x128xf32, #tpu.memory_space<hbm>> -> memref<1x624x128xf32, #tpu.memory_space<hbm>>
      %dma_wait3A_92 = tpu.memref_squeeze %dma_wait3A_91 : memref<1x624x128xf32, #tpu.memory_space<hbm>> -> memref<624x128xf32, #tpu.memory_space<hbm>>
      %dma_wait3A_93 = arith.constant 0 : i32
      %dma_wait3A_94 = tpu.memref_slice %arg6[%multiple_of3A, %dma_wait3A_93] : memref<10000x128xf32, #tpu.memory_space<vmem_shared>> -> memref<624x128xf32, #tpu.memory_space<vmem_shared>>
      tpu.wait_dma2 semaphore(%run_scoped3A : memref<!tpu.dma_semaphore, #tpu.memory_space<semaphore_mem>>) src(%dma_wait3A_94 : memref<624x128xf32, #tpu.memory_space<vmem_shared>>) dst(%dma_wait3A_92 : memref<624x128xf32, #tpu.memory_space<hbm>>)
      tpu.yield
    }) : () -> ()
    %eq3A_80 = arith.constant 15 : i32
    %eq3A_81 = arith.cmpi eq, %arg1, %eq3A_80 : i32
    %convert_element_type3A_82 = arith.extui %eq3A_81 : i1 to i32
    %cond3A_83 = arith.constant 0 : i32
    %cond3A_84 = arith.cmpi ne, %convert_element_type3A_82, %cond3A_83 : i32
    scf.if %cond3A_84 {
      "tpu.region"() ({
        %run_scoped3A = tpu.sem_alloc : memref<!tpu.dma_semaphore, #tpu.memory_space<semaphore_mem>>
        %dma_start3A_85 = arith.constant 9984 : i32
        %dma_start3A_86 = arith.constant 0 : i32
        %dma_start3A_87 = tpu.memref_slice %arg5[%arg0, %dma_start3A_85, %dma_start3A_86] : memref<2x10000x128xf32, #tpu.memory_space<hbm>> -> memref<1x16x128xf32, #tpu.memory_space<hbm>>
        %dma_start3A_88 = tpu.memref_squeeze %dma_start3A_87 : memref<1x16x128xf32, #tpu.memory_space<hbm>> -> memref<16x128xf32, #tpu.memory_space<hbm>>
        %dma_start3A_89 = arith.constant 9984 : i32
        %dma_start3A_90 = arith.constant 0 : i32
        %dma_start3A_91 = tpu.memref_slice %arg6[%dma_start3A_89, %dma_start3A_90] : memref<10000x128xf32, #tpu.memory_space<vmem_shared>> -> memref<16x128xf32, #tpu.memory_space<vmem_shared>>
        tpu.enqueue_dma source(%dma_start3A_91 : memref<16x128xf32, #tpu.memory_space<vmem_shared>>) target(%dma_start3A_88 : memref<16x128xf32, #tpu.memory_space<hbm>>) target_semaphore(%run_scoped3A : memref<!tpu.dma_semaphore, #tpu.memory_space<semaphore_mem>>)
        %dma_wait3A_92 = arith.constant 9984 : i32
        %dma_wait3A_93 = arith.constant 0 : i32
        %dma_wait3A_94 = tpu.memref_slice %arg5[%arg0, %dma_wait3A_92, %dma_wait3A_93] : memref<2x10000x128xf32, #tpu.memory_space<hbm>> -> memref<1x16x128xf32, #tpu.memory_space<hbm>>
        %dma_wait3A_95 = tpu.memref_squeeze %dma_wait3A_94 : memref<1x16x128xf32, #tpu.memory_space<hbm>> -> memref<16x128xf32, #tpu.memory_space<hbm>>
        %dma_wait3A_96 = arith.constant 9984 : i32
        %dma_wait3A_97 = arith.constant 0 : i32
        %dma_wait3A_98 = tpu.memref_slice %arg6[%dma_wait3A_96, %dma_wait3A_97] : memref<10000x128xf32, #tpu.memory_space<vmem_shared>> -> memref<16x128xf32, #tpu.memory_space<vmem_shared>>
        tpu.wait_dma2 semaphore(%run_scoped3A : memref<!tpu.dma_semaphore, #tpu.memory_space<semaphore_mem>>) src(%dma_wait3A_98 : memref<16x128xf32, #tpu.memory_space<vmem_shared>>) dst(%dma_wait3A_95 : memref<16x128xf32, #tpu.memory_space<hbm>>)
        tpu.yield
      }) : () -> ()
    } else {
    }
    return
  }
}

#map = affine_map<(d0, d1) -> (0, 0)>
#map1 = affine_map<(d0, d1) -> (0)>
#map2 = affine_map<(d0, d1) -> (0, 0, 0)>
module attributes {stable_mosaic.version = 14 : i64} {
  func.func @scatter_kernel(%arg0: i32, %arg1: i32, %arg2: memref<10008x128xf32, #tpu.memory_space<hbm>>, %arg3: memref<327680xi32, #tpu.memory_space<hbm>>, %arg4: memref<327680xi32, #tpu.memory_space<hbm>>, %arg5: memref<2x10000x128xf32, #tpu.memory_space<hbm>>, %arg6: memref<10000x128xf32, #tpu.memory_space<vmem_shared>>, %arg7: memref<5120xi32, #tpu.memory_space<vmem>>, %arg8: memref<5120xi32, #tpu.memory_space<vmem>>, %arg9: memref<2x128x128xf32, #tpu.memory_space<vmem>>, %arg10: memref<!tpu.dma_semaphore, #tpu.memory_space<semaphore_mem>>, %arg11: memref<!tpu.dma_semaphore, #tpu.memory_space<semaphore_mem>>, %arg12: memref<!tpu.dma_semaphore, #tpu.memory_space<semaphore_mem>>) attributes {dimension_semantics = [#tpu.dimension_semantics<core_parallel>, #tpu.dimension_semantics<subcore_parallel>], iteration_bounds = array<i64: 2, 16>, scalar_prefetch = 0 : i64, scratch_operands = 7 : i64, tpu.core_type = #tpu.core_type<sc_vector_subcore>, window_params = [{transform_indices = #map}, {transform_indices = #map1}, {transform_indices = #map1}, {transform_indices = #map2}]} {
    %mul3A = arith.constant 2 : i32
    %mul3A_0 = arith.muli %arg1, %mul3A : i32
    %add3A = arith.addi %mul3A_0, %arg0 : i32
    %mul3A_1 = arith.constant 624 : i32
    %mul3A_2 = arith.muli %arg1, %mul3A_1 : i32
    %multiple_of3A = tpu.assume_multiple %mul3A_2, 8 : i32
    %dma_start3A = arith.constant 0 : i32
    %dma_start3A_3 = tpu.memref_slice %arg6[%multiple_of3A, %dma_start3A] : memref<10000x128xf32, #tpu.memory_space<vmem_shared>> -> memref<624x128xf32, #tpu.memory_space<vmem_shared>>
    %dma_start3A_4 = arith.constant 0 : i32
    %dma_start3A_5 = tpu.memref_slice %arg2[%multiple_of3A, %dma_start3A_4] : memref<10008x128xf32, #tpu.memory_space<hbm>> -> memref<624x128xf32, #tpu.memory_space<hbm>>
    tpu.enqueue_dma source(%dma_start3A_5 : memref<624x128xf32, #tpu.memory_space<hbm>>) target(%dma_start3A_3 : memref<624x128xf32, #tpu.memory_space<vmem_shared>>) target_semaphore(%arg12 : memref<!tpu.dma_semaphore, #tpu.memory_space<semaphore_mem>>)
    %eq3A = arith.constant 15 : i32
    %eq3A_6 = arith.cmpi eq, %arg1, %eq3A : i32
    %convert_element_type3A = arith.extui %eq3A_6 : i1 to i32
    %cond3A = arith.constant 0 : i32
    %cond3A_7 = arith.cmpi ne, %convert_element_type3A, %cond3A : i32
    scf.if %cond3A_7 {
      %dma_start3A_85 = arith.constant 9984 : i32
      %dma_start3A_86 = arith.constant 0 : i32
      %dma_start3A_87 = tpu.memref_slice %arg6[%dma_start3A_85, %dma_start3A_86] : memref<10000x128xf32, #tpu.memory_space<vmem_shared>> -> memref<16x128xf32, #tpu.memory_space<vmem_shared>>
      %dma_start3A_88 = arith.constant 9984 : i32
      %dma_start3A_89 = arith.constant 0 : i32
      %dma_start3A_90 = tpu.memref_slice %arg2[%dma_start3A_88, %dma_start3A_89] : memref<10008x128xf32, #tpu.memory_space<hbm>> -> memref<16x128xf32, #tpu.memory_space<hbm>>
      tpu.enqueue_dma source(%dma_start3A_90 : memref<16x128xf32, #tpu.memory_space<hbm>>) target(%dma_start3A_87 : memref<16x128xf32, #tpu.memory_space<vmem_shared>>) target_semaphore(%arg12 : memref<!tpu.dma_semaphore, #tpu.memory_space<semaphore_mem>>)
    } else {
    }
    %mul3A_8 = arith.constant 10240 : i32
    %mul3A_9 = arith.muli %add3A, %mul3A_8 : i32
    %add3A_10 = arith.constant 0 : i32
    %add3A_11 = arith.addi %mul3A_9, %add3A_10 : i32
    %multiple_of3A_12 = tpu.assume_multiple %add3A_11, 8 : i32
    "tpu.region"() ({
      %run_scoped3A = tpu.sem_alloc : memref<!tpu.dma_semaphore, #tpu.memory_space<semaphore_mem>>
      %dma_start3A_85 = tpu.memref_slice %arg3[%multiple_of3A_12] : memref<327680xi32, #tpu.memory_space<hbm>> -> memref<5120xi32, #tpu.memory_space<hbm>>
      %dma_start3A_86 = tpu.memref_slice %arg3[%multiple_of3A_12] : memref<327680xi32, #tpu.memory_space<hbm>> -> memref<5120xi32, #tpu.memory_space<hbm>>
      tpu.enqueue_dma source(%dma_start3A_86 : memref<5120xi32, #tpu.memory_space<hbm>>) target(%arg7 : memref<5120xi32, #tpu.memory_space<vmem>>) target_semaphore(%run_scoped3A : memref<!tpu.dma_semaphore, #tpu.memory_space<semaphore_mem>>)
      %dma_wait3A_87 = tpu.memref_slice %arg3[%multiple_of3A_12] : memref<327680xi32, #tpu.memory_space<hbm>> -> memref<5120xi32, #tpu.memory_space<hbm>>
      %dma_wait3A_88 = tpu.memref_slice %arg3[%multiple_of3A_12] : memref<327680xi32, #tpu.memory_space<hbm>> -> memref<5120xi32, #tpu.memory_space<hbm>>
      tpu.wait_dma2 semaphore(%run_scoped3A : memref<!tpu.dma_semaphore, #tpu.memory_space<semaphore_mem>>) src(%dma_wait3A_88 : memref<5120xi32, #tpu.memory_space<hbm>>) dst(%arg7 : memref<5120xi32, #tpu.memory_space<vmem>>)
      tpu.yield
    }) : () -> ()
    "tpu.region"() ({
      %run_scoped3A = tpu.sem_alloc : memref<!tpu.dma_semaphore, #tpu.memory_space<semaphore_mem>>
      %dma_start3A_85 = tpu.memref_slice %arg4[%multiple_of3A_12] : memref<327680xi32, #tpu.memory_space<hbm>> -> memref<5120xi32, #tpu.memory_space<hbm>>
      %dma_start3A_86 = tpu.memref_slice %arg4[%multiple_of3A_12] : memref<327680xi32, #tpu.memory_space<hbm>> -> memref<5120xi32, #tpu.memory_space<hbm>>
      tpu.enqueue_dma source(%dma_start3A_86 : memref<5120xi32, #tpu.memory_space<hbm>>) target(%arg8 : memref<5120xi32, #tpu.memory_space<vmem>>) target_semaphore(%run_scoped3A : memref<!tpu.dma_semaphore, #tpu.memory_space<semaphore_mem>>)
      %dma_wait3A_87 = tpu.memref_slice %arg4[%multiple_of3A_12] : memref<327680xi32, #tpu.memory_space<hbm>> -> memref<5120xi32, #tpu.memory_space<hbm>>
      %dma_wait3A_88 = tpu.memref_slice %arg4[%multiple_of3A_12] : memref<327680xi32, #tpu.memory_space<hbm>> -> memref<5120xi32, #tpu.memory_space<hbm>>
      tpu.wait_dma2 semaphore(%run_scoped3A : memref<!tpu.dma_semaphore, #tpu.memory_space<semaphore_mem>>) src(%dma_wait3A_88 : memref<5120xi32, #tpu.memory_space<hbm>>) dst(%arg8 : memref<5120xi32, #tpu.memory_space<vmem>>)
      tpu.yield
    }) : () -> ()
    %multiple_of3A_13 = arith.constant 0 : i32
    %multiple_of3A_14 = tpu.assume_multiple %multiple_of3A_13, 8 : i32
    %dma_start3A_15 = arith.constant 0 : i32
    %dma_start3A_16 = arith.constant 0 : i32
    %dma_start3A_17 = arith.constant 0 : i32
    %dma_start3A_18 = tpu.memref_slice %arg9[%dma_start3A_15, %dma_start3A_16, %dma_start3A_17] : memref<2x128x128xf32, #tpu.memory_space<vmem>> -> memref<1x128x128xf32, #tpu.memory_space<vmem>>
    %dma_start3A_19 = tpu.memref_squeeze %dma_start3A_18 : memref<1x128x128xf32, #tpu.memory_space<vmem>> -> memref<128x128xf32, #tpu.memory_space<vmem>>
    %dma_start3A_20 = tpu.memref_slice %arg7[%multiple_of3A_14] : memref<5120xi32, #tpu.memory_space<vmem>> -> memref<128xi32, #tpu.memory_space<vmem>>
    %dma_start3A_21 = arith.constant 0 : i32
    %dma_start3A_22 = arith.constant 0 : i32
    %dma_start3A_23 = tpu.memref_slice %arg2[%dma_start3A_21, %dma_start3A_22] : memref<10008x128xf32, #tpu.memory_space<hbm>> -> memref<10008x128xf32, #tpu.memory_space<hbm>>
    tpu.enqueue_indirect_dma source(%dma_start3A_23 : memref<10008x128xf32, #tpu.memory_space<hbm>>) target(%dma_start3A_19 : memref<128x128xf32, #tpu.memory_space<vmem>>) offsets(%dma_start3A_20 : memref<128xi32, #tpu.memory_space<vmem>>) semaphore(%arg10 : memref<!tpu.dma_semaphore, #tpu.memory_space<semaphore_mem>>)
    %multiple_of3A_24 = arith.constant 128 : i32
    %multiple_of3A_25 = tpu.assume_multiple %multiple_of3A_24, 8 : i32
    %dma_start3A_26 = arith.constant 1 : i32
    %dma_start3A_27 = arith.constant 0 : i32
    %dma_start3A_28 = arith.constant 0 : i32
    %dma_start3A_29 = tpu.memref_slice %arg9[%dma_start3A_26, %dma_start3A_27, %dma_start3A_28] : memref<2x128x128xf32, #tpu.memory_space<vmem>> -> memref<1x128x128xf32, #tpu.memory_space<vmem>>
    %dma_start3A_30 = tpu.memref_squeeze %dma_start3A_29 : memref<1x128x128xf32, #tpu.memory_space<vmem>> -> memref<128x128xf32, #tpu.memory_space<vmem>>
    %dma_start3A_31 = tpu.memref_slice %arg7[%multiple_of3A_25] : memref<5120xi32, #tpu.memory_space<vmem>> -> memref<128xi32, #tpu.memory_space<vmem>>
    %dma_start3A_32 = arith.constant 0 : i32
    %dma_start3A_33 = arith.constant 0 : i32
    %dma_start3A_34 = tpu.memref_slice %arg2[%dma_start3A_32, %dma_start3A_33] : memref<10008x128xf32, #tpu.memory_space<hbm>> -> memref<10008x128xf32, #tpu.memory_space<hbm>>
    tpu.enqueue_indirect_dma source(%dma_start3A_34 : memref<10008x128xf32, #tpu.memory_space<hbm>>) target(%dma_start3A_30 : memref<128x128xf32, #tpu.memory_space<vmem>>) offsets(%dma_start3A_31 : memref<128xi32, #tpu.memory_space<vmem>>) semaphore(%arg11 : memref<!tpu.dma_semaphore, #tpu.memory_space<semaphore_mem>>)
    %dma_wait3A = arith.constant 0 : i32
    %dma_wait3A_35 = tpu.memref_slice %arg6[%multiple_of3A, %dma_wait3A] : memref<10000x128xf32, #tpu.memory_space<vmem_shared>> -> memref<624x128xf32, #tpu.memory_space<vmem_shared>>
    %dma_wait3A_36 = arith.constant 0 : i32
    %dma_wait3A_37 = tpu.memref_slice %arg2[%multiple_of3A, %dma_wait3A_36] : memref<10008x128xf32, #tpu.memory_space<hbm>> -> memref<624x128xf32, #tpu.memory_space<hbm>>
    tpu.wait_dma2 semaphore(%arg12 : memref<!tpu.dma_semaphore, #tpu.memory_space<semaphore_mem>>) src(%dma_wait3A_37 : memref<624x128xf32, #tpu.memory_space<hbm>>) dst(%dma_wait3A_35 : memref<624x128xf32, #tpu.memory_space<vmem_shared>>)
    %eq3A_38 = arith.constant 15 : i32
    %eq3A_39 = arith.cmpi eq, %arg1, %eq3A_38 : i32
    %convert_element_type3A_40 = arith.extui %eq3A_39 : i1 to i32
    %cond3A_41 = arith.constant 0 : i32
    %cond3A_42 = arith.cmpi ne, %convert_element_type3A_40, %cond3A_41 : i32
    scf.if %cond3A_42 {
      %dma_wait3A_85 = arith.constant 9984 : i32
      %dma_wait3A_86 = arith.constant 0 : i32
      %dma_wait3A_87 = tpu.memref_slice %arg6[%dma_wait3A_85, %dma_wait3A_86] : memref<10000x128xf32, #tpu.memory_space<vmem_shared>> -> memref<16x128xf32, #tpu.memory_space<vmem_shared>>
      %dma_wait3A_88 = arith.constant 9984 : i32
      %dma_wait3A_89 = arith.constant 0 : i32
      %dma_wait3A_90 = tpu.memref_slice %arg2[%dma_wait3A_88, %dma_wait3A_89] : memref<10008x128xf32, #tpu.memory_space<hbm>> -> memref<16x128xf32, #tpu.memory_space<hbm>>
      tpu.wait_dma2 semaphore(%arg12 : memref<!tpu.dma_semaphore, #tpu.memory_space<semaphore_mem>>) src(%dma_wait3A_90 : memref<16x128xf32, #tpu.memory_space<hbm>>) dst(%dma_wait3A_87 : memref<16x128xf32, #tpu.memory_space<vmem_shared>>)
    } else {
    }
    %barrier3A = arith.constant 0 : index
    tpu.barrier barrier_id(%barrier3A)
    %scan3A = arith.constant 0 : i32
    %scan3A_43 = arith.constant 0 : i32
    %scan3A_44 = arith.constant 20 : i32
    %scan3A_45 = arith.addi %scan3A_43, %scan3A_44 : i32
    %scan3A_46 = arith.constant 1 : i32
    scf.for %scan3A_85 = %scan3A_43 to %scan3A_45 step %scan3A_46  : i32 {
      %mul3A_86 = arith.constant 2 : i32
      %mul3A_87 = arith.muli %scan3A_85, %mul3A_86 : i32
      %add3A_88 = arith.constant 0 : i32
      %add3A_89 = arith.addi %mul3A_87, %add3A_88 : i32
      %mul3A_90 = arith.constant 128 : i32
      %mul3A_91 = arith.muli %add3A_89, %mul3A_90 : i32
      %multiple_of3A_92 = tpu.assume_multiple %mul3A_91, 8 : i32
      %dma_wait3A_93 = arith.constant 0 : i32
      %dma_wait3A_94 = arith.constant 0 : i32
      %dma_wait3A_95 = arith.constant 0 : i32
      %dma_wait3A_96 = tpu.memref_slice %arg9[%dma_wait3A_93, %dma_wait3A_94, %dma_wait3A_95] : memref<2x128x128xf32, #tpu.memory_space<vmem>> -> memref<1x128x128xf32, #tpu.memory_space<vmem>>
      %dma_wait3A_97 = tpu.memref_squeeze %dma_wait3A_96 : memref<1x128x128xf32, #tpu.memory_space<vmem>> -> memref<128x128xf32, #tpu.memory_space<vmem>>
      %dma_wait3A_98 = tpu.memref_slice %arg7[%multiple_of3A_92] : memref<5120xi32, #tpu.memory_space<vmem>> -> memref<128xi32, #tpu.memory_space<vmem>>
      %dma_wait3A_99 = arith.constant 0 : i32
      %dma_wait3A_100 = arith.constant 0 : i32
      %dma_wait3A_101 = tpu.memref_slice %arg2[%dma_wait3A_99, %dma_wait3A_100] : memref<10008x128xf32, #tpu.memory_space<hbm>> -> memref<10008x128xf32, #tpu.memory_space<hbm>>
      tpu.wait_indirect_dma semaphore(%arg10 : memref<!tpu.dma_semaphore, #tpu.memory_space<semaphore_mem>>) src(%dma_wait3A_101 : memref<10008x128xf32, #tpu.memory_space<hbm>>) dst(%dma_wait3A_97 : memref<128x128xf32, #tpu.memory_space<vmem>>)
      %mul3A_102 = arith.constant 128 : i32
      %mul3A_103 = arith.muli %add3A_89, %mul3A_102 : i32
      %multiple_of3A_104 = tpu.assume_multiple %mul3A_103, 8 : i32
      %run_scoped3A = arith.constant 0 : i32
      "tpu.region"() ({
        %run_scoped3A_138 = tpu.sem_alloc : memref<!tpu.dma_semaphore, #tpu.memory_space<semaphore_mem>>
        %dma_start3A_139 = arith.constant 0 : i32
        %dma_start3A_140 = arith.constant 0 : i32
        %dma_start3A_141 = tpu.memref_slice %arg9[%run_scoped3A, %dma_start3A_139, %dma_start3A_140] : memref<2x128x128xf32, #tpu.memory_space<vmem>> -> memref<1x128x128xf32, #tpu.memory_space<vmem>>
        %dma_start3A_142 = tpu.memref_squeeze %dma_start3A_141 : memref<1x128x128xf32, #tpu.memory_space<vmem>> -> memref<128x128xf32, #tpu.memory_space<vmem>>
        %dma_start3A_143 = tpu.memref_slice %arg8[%multiple_of3A_104] : memref<5120xi32, #tpu.memory_space<vmem>> -> memref<128xi32, #tpu.memory_space<vmem>>
        %dma_start3A_144 = arith.constant 0 : i32
        %dma_start3A_145 = arith.constant 0 : i32
        %dma_start3A_146 = tpu.memref_slice %arg6[%dma_start3A_144, %dma_start3A_145] : memref<10000x128xf32, #tpu.memory_space<vmem_shared>> -> memref<10000x128xf32, #tpu.memory_space<vmem_shared>>
        tpu.enqueue_indirect_dma source(%dma_start3A_142 : memref<128x128xf32, #tpu.memory_space<vmem>>) target(%dma_start3A_146 : memref<10000x128xf32, #tpu.memory_space<vmem_shared>>) offsets(%dma_start3A_143 : memref<128xi32, #tpu.memory_space<vmem>>) semaphore(%run_scoped3A_138 : memref<!tpu.dma_semaphore, #tpu.memory_space<semaphore_mem>>) {add = true}
        %dma_wait3A_147 = arith.constant 0 : i32
        %dma_wait3A_148 = arith.constant 0 : i32
        %dma_wait3A_149 = tpu.memref_slice %arg9[%run_scoped3A, %dma_wait3A_147, %dma_wait3A_148] : memref<2x128x128xf32, #tpu.memory_space<vmem>> -> memref<1x128x128xf32, #tpu.memory_space<vmem>>
        %dma_wait3A_150 = tpu.memref_squeeze %dma_wait3A_149 : memref<1x128x128xf32, #tpu.memory_space<vmem>> -> memref<128x128xf32, #tpu.memory_space<vmem>>
        %dma_wait3A_151 = tpu.memref_slice %arg8[%multiple_of3A_104] : memref<5120xi32, #tpu.memory_space<vmem>> -> memref<128xi32, #tpu.memory_space<vmem>>
        %dma_wait3A_152 = arith.constant 0 : i32
        %dma_wait3A_153 = arith.constant 0 : i32
        %dma_wait3A_154 = tpu.memref_slice %arg6[%dma_wait3A_152, %dma_wait3A_153] : memref<10000x128xf32, #tpu.memory_space<vmem_shared>> -> memref<10000x128xf32, #tpu.memory_space<vmem_shared>>
        tpu.wait_indirect_dma semaphore(%run_scoped3A_138 : memref<!tpu.dma_semaphore, #tpu.memory_space<semaphore_mem>>) src(%dma_wait3A_150 : memref<128x128xf32, #tpu.memory_space<vmem>>) dst(%dma_wait3A_154 : memref<10000x128xf32, #tpu.memory_space<vmem_shared>>)
        tpu.yield
      }) : () -> ()
      %add3A_105 = arith.constant 2 : i32
      %add3A_106 = arith.addi %add3A_89, %add3A_105 : i32
      %lt3A = arith.constant 40 : i32
      %lt3A_107 = arith.cmpi slt, %add3A_106, %lt3A : i32
      %convert_element_type3A_108 = arith.extui %lt3A_107 : i1 to i32
      %cond3A_109 = arith.constant 0 : i32
      %cond3A_110 = arith.cmpi ne, %convert_element_type3A_108, %cond3A_109 : i32
      scf.if %cond3A_110 {
        %add3A_138 = arith.constant 2 : i32
        %add3A_139 = arith.addi %add3A_89, %add3A_138 : i32
        %mul3A_140 = arith.constant 128 : i32
        %mul3A_141 = arith.muli %add3A_139, %mul3A_140 : i32
        %multiple_of3A_142 = tpu.assume_multiple %mul3A_141, 8 : i32
        %dma_start3A_143 = arith.constant 0 : i32
        %dma_start3A_144 = arith.constant 0 : i32
        %dma_start3A_145 = arith.constant 0 : i32
        %dma_start3A_146 = tpu.memref_slice %arg9[%dma_start3A_143, %dma_start3A_144, %dma_start3A_145] : memref<2x128x128xf32, #tpu.memory_space<vmem>> -> memref<1x128x128xf32, #tpu.memory_space<vmem>>
        %dma_start3A_147 = tpu.memref_squeeze %dma_start3A_146 : memref<1x128x128xf32, #tpu.memory_space<vmem>> -> memref<128x128xf32, #tpu.memory_space<vmem>>
        %dma_start3A_148 = tpu.memref_slice %arg7[%multiple_of3A_142] : memref<5120xi32, #tpu.memory_space<vmem>> -> memref<128xi32, #tpu.memory_space<vmem>>
        %dma_start3A_149 = arith.constant 0 : i32
        %dma_start3A_150 = arith.constant 0 : i32
        %dma_start3A_151 = tpu.memref_slice %arg2[%dma_start3A_149, %dma_start3A_150] : memref<10008x128xf32, #tpu.memory_space<hbm>> -> memref<10008x128xf32, #tpu.memory_space<hbm>>
        tpu.enqueue_indirect_dma source(%dma_start3A_151 : memref<10008x128xf32, #tpu.memory_space<hbm>>) target(%dma_start3A_147 : memref<128x128xf32, #tpu.memory_space<vmem>>) offsets(%dma_start3A_148 : memref<128xi32, #tpu.memory_space<vmem>>) semaphore(%arg10 : memref<!tpu.dma_semaphore, #tpu.memory_space<semaphore_mem>>)
      } else {
      }
      %mul3A_111 = arith.constant 2 : i32
      %mul3A_112 = arith.muli %scan3A_85, %mul3A_111 : i32
      %add3A_113 = arith.constant 1 : i32
      %add3A_114 = arith.addi %mul3A_112, %add3A_113 : i32
      %mul3A_115 = arith.constant 128 : i32
      %mul3A_116 = arith.muli %add3A_114, %mul3A_115 : i32
      %multiple_of3A_117 = tpu.assume_multiple %mul3A_116, 8 : i32
      %dma_wait3A_118 = arith.constant 1 : i32
      %dma_wait3A_119 = arith.constant 0 : i32
      %dma_wait3A_120 = arith.constant 0 : i32
      %dma_wait3A_121 = tpu.memref_slice %arg9[%dma_wait3A_118, %dma_wait3A_119, %dma_wait3A_120] : memref<2x128x128xf32, #tpu.memory_space<vmem>> -> memref<1x128x128xf32, #tpu.memory_space<vmem>>
      %dma_wait3A_122 = tpu.memref_squeeze %dma_wait3A_121 : memref<1x128x128xf32, #tpu.memory_space<vmem>> -> memref<128x128xf32, #tpu.memory_space<vmem>>
      %dma_wait3A_123 = tpu.memref_slice %arg7[%multiple_of3A_117] : memref<5120xi32, #tpu.memory_space<vmem>> -> memref<128xi32, #tpu.memory_space<vmem>>
      %dma_wait3A_124 = arith.constant 0 : i32
      %dma_wait3A_125 = arith.constant 0 : i32
      %dma_wait3A_126 = tpu.memref_slice %arg2[%dma_wait3A_124, %dma_wait3A_125] : memref<10008x128xf32, #tpu.memory_space<hbm>> -> memref<10008x128xf32, #tpu.memory_space<hbm>>
      tpu.wait_indirect_dma semaphore(%arg11 : memref<!tpu.dma_semaphore, #tpu.memory_space<semaphore_mem>>) src(%dma_wait3A_126 : memref<10008x128xf32, #tpu.memory_space<hbm>>) dst(%dma_wait3A_122 : memref<128x128xf32, #tpu.memory_space<vmem>>)
      %mul3A_127 = arith.constant 128 : i32
      %mul3A_128 = arith.muli %add3A_114, %mul3A_127 : i32
      %multiple_of3A_129 = tpu.assume_multiple %mul3A_128, 8 : i32
      %run_scoped3A_130 = arith.constant 1 : i32
      "tpu.region"() ({
        %run_scoped3A_138 = tpu.sem_alloc : memref<!tpu.dma_semaphore, #tpu.memory_space<semaphore_mem>>
        %dma_start3A_139 = arith.constant 0 : i32
        %dma_start3A_140 = arith.constant 0 : i32
        %dma_start3A_141 = tpu.memref_slice %arg9[%run_scoped3A_130, %dma_start3A_139, %dma_start3A_140] : memref<2x128x128xf32, #tpu.memory_space<vmem>> -> memref<1x128x128xf32, #tpu.memory_space<vmem>>
        %dma_start3A_142 = tpu.memref_squeeze %dma_start3A_141 : memref<1x128x128xf32, #tpu.memory_space<vmem>> -> memref<128x128xf32, #tpu.memory_space<vmem>>
        %dma_start3A_143 = tpu.memref_slice %arg8[%multiple_of3A_129] : memref<5120xi32, #tpu.memory_space<vmem>> -> memref<128xi32, #tpu.memory_space<vmem>>
        %dma_start3A_144 = arith.constant 0 : i32
        %dma_start3A_145 = arith.constant 0 : i32
        %dma_start3A_146 = tpu.memref_slice %arg6[%dma_start3A_144, %dma_start3A_145] : memref<10000x128xf32, #tpu.memory_space<vmem_shared>> -> memref<10000x128xf32, #tpu.memory_space<vmem_shared>>
        tpu.enqueue_indirect_dma source(%dma_start3A_142 : memref<128x128xf32, #tpu.memory_space<vmem>>) target(%dma_start3A_146 : memref<10000x128xf32, #tpu.memory_space<vmem_shared>>) offsets(%dma_start3A_143 : memref<128xi32, #tpu.memory_space<vmem>>) semaphore(%run_scoped3A_138 : memref<!tpu.dma_semaphore, #tpu.memory_space<semaphore_mem>>) {add = true}
        %dma_wait3A_147 = arith.constant 0 : i32
        %dma_wait3A_148 = arith.constant 0 : i32
        %dma_wait3A_149 = tpu.memref_slice %arg9[%run_scoped3A_130, %dma_wait3A_147, %dma_wait3A_148] : memref<2x128x128xf32, #tpu.memory_space<vmem>> -> memref<1x128x128xf32, #tpu.memory_space<vmem>>
        %dma_wait3A_150 = tpu.memref_squeeze %dma_wait3A_149 : memref<1x128x128xf32, #tpu.memory_space<vmem>> -> memref<128x128xf32, #tpu.memory_space<vmem>>
        %dma_wait3A_151 = tpu.memref_slice %arg8[%multiple_of3A_129] : memref<5120xi32, #tpu.memory_space<vmem>> -> memref<128xi32, #tpu.memory_space<vmem>>
        %dma_wait3A_152 = arith.constant 0 : i32
        %dma_wait3A_153 = arith.constant 0 : i32
        %dma_wait3A_154 = tpu.memref_slice %arg6[%dma_wait3A_152, %dma_wait3A_153] : memref<10000x128xf32, #tpu.memory_space<vmem_shared>> -> memref<10000x128xf32, #tpu.memory_space<vmem_shared>>
        tpu.wait_indirect_dma semaphore(%run_scoped3A_138 : memref<!tpu.dma_semaphore, #tpu.memory_space<semaphore_mem>>) src(%dma_wait3A_150 : memref<128x128xf32, #tpu.memory_space<vmem>>) dst(%dma_wait3A_154 : memref<10000x128xf32, #tpu.memory_space<vmem_shared>>)
        tpu.yield
      }) : () -> ()
      %add3A_131 = arith.constant 2 : i32
      %add3A_132 = arith.addi %add3A_114, %add3A_131 : i32
      %lt3A_133 = arith.constant 40 : i32
      %lt3A_134 = arith.cmpi slt, %add3A_132, %lt3A_133 : i32
      %convert_element_type3A_135 = arith.extui %lt3A_134 : i1 to i32
      %cond3A_136 = arith.constant 0 : i32
      %cond3A_137 = arith.cmpi ne, %convert_element_type3A_135, %cond3A_136 : i32
      scf.if %cond3A_137 {
        %add3A_138 = arith.constant 2 : i32
        %add3A_139 = arith.addi %add3A_114, %add3A_138 : i32
        %mul3A_140 = arith.constant 128 : i32
        %mul3A_141 = arith.muli %add3A_139, %mul3A_140 : i32
        %multiple_of3A_142 = tpu.assume_multiple %mul3A_141, 8 : i32
        %dma_start3A_143 = arith.constant 1 : i32
        %dma_start3A_144 = arith.constant 0 : i32
        %dma_start3A_145 = arith.constant 0 : i32
        %dma_start3A_146 = tpu.memref_slice %arg9[%dma_start3A_143, %dma_start3A_144, %dma_start3A_145] : memref<2x128x128xf32, #tpu.memory_space<vmem>> -> memref<1x128x128xf32, #tpu.memory_space<vmem>>
        %dma_start3A_147 = tpu.memref_squeeze %dma_start3A_146 : memref<1x128x128xf32, #tpu.memory_space<vmem>> -> memref<128x128xf32, #tpu.memory_space<vmem>>
        %dma_start3A_148 = tpu.memref_slice %arg7[%multiple_of3A_142] : memref<5120xi32, #tpu.memory_space<vmem>> -> memref<128xi32, #tpu.memory_space<vmem>>
        %dma_start3A_149 = arith.constant 0 : i32
        %dma_start3A_150 = arith.constant 0 : i32
        %dma_start3A_151 = tpu.memref_slice %arg2[%dma_start3A_149, %dma_start3A_150] : memref<10008x128xf32, #tpu.memory_space<hbm>> -> memref<10008x128xf32, #tpu.memory_space<hbm>>
        tpu.enqueue_indirect_dma source(%dma_start3A_151 : memref<10008x128xf32, #tpu.memory_space<hbm>>) target(%dma_start3A_147 : memref<128x128xf32, #tpu.memory_space<vmem>>) offsets(%dma_start3A_148 : memref<128xi32, #tpu.memory_space<vmem>>) semaphore(%arg11 : memref<!tpu.dma_semaphore, #tpu.memory_space<semaphore_mem>>)
      } else {
      }
    }
    %scan3A_47 = arith.constant 20 : i32
    %add3A_48 = arith.constant 5120 : i32
    %add3A_49 = arith.addi %mul3A_9, %add3A_48 : i32
    %multiple_of3A_50 = tpu.assume_multiple %add3A_49, 8 : i32
    "tpu.region"() ({
      %run_scoped3A = tpu.sem_alloc : memref<!tpu.dma_semaphore, #tpu.memory_space<semaphore_mem>>
      %dma_start3A_85 = tpu.memref_slice %arg3[%multiple_of3A_50] : memref<327680xi32, #tpu.memory_space<hbm>> -> memref<5120xi32, #tpu.memory_space<hbm>>
      %dma_start3A_86 = tpu.memref_slice %arg3[%multiple_of3A_50] : memref<327680xi32, #tpu.memory_space<hbm>> -> memref<5120xi32, #tpu.memory_space<hbm>>
      tpu.enqueue_dma source(%dma_start3A_86 : memref<5120xi32, #tpu.memory_space<hbm>>) target(%arg7 : memref<5120xi32, #tpu.memory_space<vmem>>) target_semaphore(%run_scoped3A : memref<!tpu.dma_semaphore, #tpu.memory_space<semaphore_mem>>)
      %dma_wait3A_87 = tpu.memref_slice %arg3[%multiple_of3A_50] : memref<327680xi32, #tpu.memory_space<hbm>> -> memref<5120xi32, #tpu.memory_space<hbm>>
      %dma_wait3A_88 = tpu.memref_slice %arg3[%multiple_of3A_50] : memref<327680xi32, #tpu.memory_space<hbm>> -> memref<5120xi32, #tpu.memory_space<hbm>>
      tpu.wait_dma2 semaphore(%run_scoped3A : memref<!tpu.dma_semaphore, #tpu.memory_space<semaphore_mem>>) src(%dma_wait3A_88 : memref<5120xi32, #tpu.memory_space<hbm>>) dst(%arg7 : memref<5120xi32, #tpu.memory_space<vmem>>)
      tpu.yield
    }) : () -> ()
    "tpu.region"() ({
      %run_scoped3A = tpu.sem_alloc : memref<!tpu.dma_semaphore, #tpu.memory_space<semaphore_mem>>
      %dma_start3A_85 = tpu.memref_slice %arg4[%multiple_of3A_50] : memref<327680xi32, #tpu.memory_space<hbm>> -> memref<5120xi32, #tpu.memory_space<hbm>>
      %dma_start3A_86 = tpu.memref_slice %arg4[%multiple_of3A_50] : memref<327680xi32, #tpu.memory_space<hbm>> -> memref<5120xi32, #tpu.memory_space<hbm>>
      tpu.enqueue_dma source(%dma_start3A_86 : memref<5120xi32, #tpu.memory_space<hbm>>) target(%arg8 : memref<5120xi32, #tpu.memory_space<vmem>>) target_semaphore(%run_scoped3A : memref<!tpu.dma_semaphore, #tpu.memory_space<semaphore_mem>>)
      %dma_wait3A_87 = tpu.memref_slice %arg4[%multiple_of3A_50] : memref<327680xi32, #tpu.memory_space<hbm>> -> memref<5120xi32, #tpu.memory_space<hbm>>
      %dma_wait3A_88 = tpu.memref_slice %arg4[%multiple_of3A_50] : memref<327680xi32, #tpu.memory_space<hbm>> -> memref<5120xi32, #tpu.memory_space<hbm>>
      tpu.wait_dma2 semaphore(%run_scoped3A : memref<!tpu.dma_semaphore, #tpu.memory_space<semaphore_mem>>) src(%dma_wait3A_88 : memref<5120xi32, #tpu.memory_space<hbm>>) dst(%arg8 : memref<5120xi32, #tpu.memory_space<vmem>>)
      tpu.yield
    }) : () -> ()
    %multiple_of3A_51 = arith.constant 0 : i32
    %multiple_of3A_52 = tpu.assume_multiple %multiple_of3A_51, 8 : i32
    %dma_start3A_53 = arith.constant 0 : i32
    %dma_start3A_54 = arith.constant 0 : i32
    %dma_start3A_55 = arith.constant 0 : i32
    %dma_start3A_56 = tpu.memref_slice %arg9[%dma_start3A_53, %dma_start3A_54, %dma_start3A_55] : memref<2x128x128xf32, #tpu.memory_space<vmem>> -> memref<1x128x128xf32, #tpu.memory_space<vmem>>
    %dma_start3A_57 = tpu.memref_squeeze %dma_start3A_56 : memref<1x128x128xf32, #tpu.memory_space<vmem>> -> memref<128x128xf32, #tpu.memory_space<vmem>>
    %dma_start3A_58 = tpu.memref_slice %arg7[%multiple_of3A_52] : memref<5120xi32, #tpu.memory_space<vmem>> -> memref<128xi32, #tpu.memory_space<vmem>>
    %dma_start3A_59 = arith.constant 0 : i32
    %dma_start3A_60 = arith.constant 0 : i32
    %dma_start3A_61 = tpu.memref_slice %arg2[%dma_start3A_59, %dma_start3A_60] : memref<10008x128xf32, #tpu.memory_space<hbm>> -> memref<10008x128xf32, #tpu.memory_space<hbm>>
    tpu.enqueue_indirect_dma source(%dma_start3A_61 : memref<10008x128xf32, #tpu.memory_space<hbm>>) target(%dma_start3A_57 : memref<128x128xf32, #tpu.memory_space<vmem>>) offsets(%dma_start3A_58 : memref<128xi32, #tpu.memory_space<vmem>>) semaphore(%arg10 : memref<!tpu.dma_semaphore, #tpu.memory_space<semaphore_mem>>)
    %multiple_of3A_62 = arith.constant 128 : i32
    %multiple_of3A_63 = tpu.assume_multiple %multiple_of3A_62, 8 : i32
    %dma_start3A_64 = arith.constant 1 : i32
    %dma_start3A_65 = arith.constant 0 : i32
    %dma_start3A_66 = arith.constant 0 : i32
    %dma_start3A_67 = tpu.memref_slice %arg9[%dma_start3A_64, %dma_start3A_65, %dma_start3A_66] : memref<2x128x128xf32, #tpu.memory_space<vmem>> -> memref<1x128x128xf32, #tpu.memory_space<vmem>>
    %dma_start3A_68 = tpu.memref_squeeze %dma_start3A_67 : memref<1x128x128xf32, #tpu.memory_space<vmem>> -> memref<128x128xf32, #tpu.memory_space<vmem>>
    %dma_start3A_69 = tpu.memref_slice %arg7[%multiple_of3A_63] : memref<5120xi32, #tpu.memory_space<vmem>> -> memref<128xi32, #tpu.memory_space<vmem>>
    %dma_start3A_70 = arith.constant 0 : i32
    %dma_start3A_71 = arith.constant 0 : i32
    %dma_start3A_72 = tpu.memref_slice %arg2[%dma_start3A_70, %dma_start3A_71] : memref<10008x128xf32, #tpu.memory_space<hbm>> -> memref<10008x128xf32, #tpu.memory_space<hbm>>
    tpu.enqueue_indirect_dma source(%dma_start3A_72 : memref<10008x128xf32, #tpu.memory_space<hbm>>) target(%dma_start3A_68 : memref<128x128xf32, #tpu.memory_space<vmem>>) offsets(%dma_start3A_69 : memref<128xi32, #tpu.memory_space<vmem>>) semaphore(%arg11 : memref<!tpu.dma_semaphore, #tpu.memory_space<semaphore_mem>>)
    %scan3A_73 = arith.constant 0 : i32
    %scan3A_74 = arith.constant 0 : i32
    %scan3A_75 = arith.constant 20 : i32
    %scan3A_76 = arith.addi %scan3A_74, %scan3A_75 : i32
    %scan3A_77 = arith.constant 1 : i32
    scf.for %scan3A_85 = %scan3A_74 to %scan3A_76 step %scan3A_77  : i32 {
      %mul3A_86 = arith.constant 2 : i32
      %mul3A_87 = arith.muli %scan3A_85, %mul3A_86 : i32
      %add3A_88 = arith.constant 0 : i32
      %add3A_89 = arith.addi %mul3A_87, %add3A_88 : i32
      %mul3A_90 = arith.constant 128 : i32
      %mul3A_91 = arith.muli %add3A_89, %mul3A_90 : i32
      %multiple_of3A_92 = tpu.assume_multiple %mul3A_91, 8 : i32
      %dma_wait3A_93 = arith.constant 0 : i32
      %dma_wait3A_94 = arith.constant 0 : i32
      %dma_wait3A_95 = arith.constant 0 : i32
      %dma_wait3A_96 = tpu.memref_slice %arg9[%dma_wait3A_93, %dma_wait3A_94, %dma_wait3A_95] : memref<2x128x128xf32, #tpu.memory_space<vmem>> -> memref<1x128x128xf32, #tpu.memory_space<vmem>>
      %dma_wait3A_97 = tpu.memref_squeeze %dma_wait3A_96 : memref<1x128x128xf32, #tpu.memory_space<vmem>> -> memref<128x128xf32, #tpu.memory_space<vmem>>
      %dma_wait3A_98 = tpu.memref_slice %arg7[%multiple_of3A_92] : memref<5120xi32, #tpu.memory_space<vmem>> -> memref<128xi32, #tpu.memory_space<vmem>>
      %dma_wait3A_99 = arith.constant 0 : i32
      %dma_wait3A_100 = arith.constant 0 : i32
      %dma_wait3A_101 = tpu.memref_slice %arg2[%dma_wait3A_99, %dma_wait3A_100] : memref<10008x128xf32, #tpu.memory_space<hbm>> -> memref<10008x128xf32, #tpu.memory_space<hbm>>
      tpu.wait_indirect_dma semaphore(%arg10 : memref<!tpu.dma_semaphore, #tpu.memory_space<semaphore_mem>>) src(%dma_wait3A_101 : memref<10008x128xf32, #tpu.memory_space<hbm>>) dst(%dma_wait3A_97 : memref<128x128xf32, #tpu.memory_space<vmem>>)
      %mul3A_102 = arith.constant 128 : i32
      %mul3A_103 = arith.muli %add3A_89, %mul3A_102 : i32
      %multiple_of3A_104 = tpu.assume_multiple %mul3A_103, 8 : i32
      %run_scoped3A = arith.constant 0 : i32
      "tpu.region"() ({
        %run_scoped3A_138 = tpu.sem_alloc : memref<!tpu.dma_semaphore, #tpu.memory_space<semaphore_mem>>
        %dma_start3A_139 = arith.constant 0 : i32
        %dma_start3A_140 = arith.constant 0 : i32
        %dma_start3A_141 = tpu.memref_slice %arg9[%run_scoped3A, %dma_start3A_139, %dma_start3A_140] : memref<2x128x128xf32, #tpu.memory_space<vmem>> -> memref<1x128x128xf32, #tpu.memory_space<vmem>>
        %dma_start3A_142 = tpu.memref_squeeze %dma_start3A_141 : memref<1x128x128xf32, #tpu.memory_space<vmem>> -> memref<128x128xf32, #tpu.memory_space<vmem>>
        %dma_start3A_143 = tpu.memref_slice %arg8[%multiple_of3A_104] : memref<5120xi32, #tpu.memory_space<vmem>> -> memref<128xi32, #tpu.memory_space<vmem>>
        %dma_start3A_144 = arith.constant 0 : i32
        %dma_start3A_145 = arith.constant 0 : i32
        %dma_start3A_146 = tpu.memref_slice %arg6[%dma_start3A_144, %dma_start3A_145] : memref<10000x128xf32, #tpu.memory_space<vmem_shared>> -> memref<10000x128xf32, #tpu.memory_space<vmem_shared>>
        tpu.enqueue_indirect_dma source(%dma_start3A_142 : memref<128x128xf32, #tpu.memory_space<vmem>>) target(%dma_start3A_146 : memref<10000x128xf32, #tpu.memory_space<vmem_shared>>) offsets(%dma_start3A_143 : memref<128xi32, #tpu.memory_space<vmem>>) semaphore(%run_scoped3A_138 : memref<!tpu.dma_semaphore, #tpu.memory_space<semaphore_mem>>) {add = true}
        %dma_wait3A_147 = arith.constant 0 : i32
        %dma_wait3A_148 = arith.constant 0 : i32
        %dma_wait3A_149 = tpu.memref_slice %arg9[%run_scoped3A, %dma_wait3A_147, %dma_wait3A_148] : memref<2x128x128xf32, #tpu.memory_space<vmem>> -> memref<1x128x128xf32, #tpu.memory_space<vmem>>
        %dma_wait3A_150 = tpu.memref_squeeze %dma_wait3A_149 : memref<1x128x128xf32, #tpu.memory_space<vmem>> -> memref<128x128xf32, #tpu.memory_space<vmem>>
        %dma_wait3A_151 = tpu.memref_slice %arg8[%multiple_of3A_104] : memref<5120xi32, #tpu.memory_space<vmem>> -> memref<128xi32, #tpu.memory_space<vmem>>
        %dma_wait3A_152 = arith.constant 0 : i32
        %dma_wait3A_153 = arith.constant 0 : i32
        %dma_wait3A_154 = tpu.memref_slice %arg6[%dma_wait3A_152, %dma_wait3A_153] : memref<10000x128xf32, #tpu.memory_space<vmem_shared>> -> memref<10000x128xf32, #tpu.memory_space<vmem_shared>>
        tpu.wait_indirect_dma semaphore(%run_scoped3A_138 : memref<!tpu.dma_semaphore, #tpu.memory_space<semaphore_mem>>) src(%dma_wait3A_150 : memref<128x128xf32, #tpu.memory_space<vmem>>) dst(%dma_wait3A_154 : memref<10000x128xf32, #tpu.memory_space<vmem_shared>>)
        tpu.yield
      }) : () -> ()
      %add3A_105 = arith.constant 2 : i32
      %add3A_106 = arith.addi %add3A_89, %add3A_105 : i32
      %lt3A = arith.constant 40 : i32
      %lt3A_107 = arith.cmpi slt, %add3A_106, %lt3A : i32
      %convert_element_type3A_108 = arith.extui %lt3A_107 : i1 to i32
      %cond3A_109 = arith.constant 0 : i32
      %cond3A_110 = arith.cmpi ne, %convert_element_type3A_108, %cond3A_109 : i32
      scf.if %cond3A_110 {
        %add3A_138 = arith.constant 2 : i32
        %add3A_139 = arith.addi %add3A_89, %add3A_138 : i32
        %mul3A_140 = arith.constant 128 : i32
        %mul3A_141 = arith.muli %add3A_139, %mul3A_140 : i32
        %multiple_of3A_142 = tpu.assume_multiple %mul3A_141, 8 : i32
        %dma_start3A_143 = arith.constant 0 : i32
        %dma_start3A_144 = arith.constant 0 : i32
        %dma_start3A_145 = arith.constant 0 : i32
        %dma_start3A_146 = tpu.memref_slice %arg9[%dma_start3A_143, %dma_start3A_144, %dma_start3A_145] : memref<2x128x128xf32, #tpu.memory_space<vmem>> -> memref<1x128x128xf32, #tpu.memory_space<vmem>>
        %dma_start3A_147 = tpu.memref_squeeze %dma_start3A_146 : memref<1x128x128xf32, #tpu.memory_space<vmem>> -> memref<128x128xf32, #tpu.memory_space<vmem>>
        %dma_start3A_148 = tpu.memref_slice %arg7[%multiple_of3A_142] : memref<5120xi32, #tpu.memory_space<vmem>> -> memref<128xi32, #tpu.memory_space<vmem>>
        %dma_start3A_149 = arith.constant 0 : i32
        %dma_start3A_150 = arith.constant 0 : i32
        %dma_start3A_151 = tpu.memref_slice %arg2[%dma_start3A_149, %dma_start3A_150] : memref<10008x128xf32, #tpu.memory_space<hbm>> -> memref<10008x128xf32, #tpu.memory_space<hbm>>
        tpu.enqueue_indirect_dma source(%dma_start3A_151 : memref<10008x128xf32, #tpu.memory_space<hbm>>) target(%dma_start3A_147 : memref<128x128xf32, #tpu.memory_space<vmem>>) offsets(%dma_start3A_148 : memref<128xi32, #tpu.memory_space<vmem>>) semaphore(%arg10 : memref<!tpu.dma_semaphore, #tpu.memory_space<semaphore_mem>>)
      } else {
      }
      %mul3A_111 = arith.constant 2 : i32
      %mul3A_112 = arith.muli %scan3A_85, %mul3A_111 : i32
      %add3A_113 = arith.constant 1 : i32
      %add3A_114 = arith.addi %mul3A_112, %add3A_113 : i32
      %mul3A_115 = arith.constant 128 : i32
      %mul3A_116 = arith.muli %add3A_114, %mul3A_115 : i32
      %multiple_of3A_117 = tpu.assume_multiple %mul3A_116, 8 : i32
      %dma_wait3A_118 = arith.constant 1 : i32
      %dma_wait3A_119 = arith.constant 0 : i32
      %dma_wait3A_120 = arith.constant 0 : i32
      %dma_wait3A_121 = tpu.memref_slice %arg9[%dma_wait3A_118, %dma_wait3A_119, %dma_wait3A_120] : memref<2x128x128xf32, #tpu.memory_space<vmem>> -> memref<1x128x128xf32, #tpu.memory_space<vmem>>
      %dma_wait3A_122 = tpu.memref_squeeze %dma_wait3A_121 : memref<1x128x128xf32, #tpu.memory_space<vmem>> -> memref<128x128xf32, #tpu.memory_space<vmem>>
      %dma_wait3A_123 = tpu.memref_slice %arg7[%multiple_of3A_117] : memref<5120xi32, #tpu.memory_space<vmem>> -> memref<128xi32, #tpu.memory_space<vmem>>
      %dma_wait3A_124 = arith.constant 0 : i32
      %dma_wait3A_125 = arith.constant 0 : i32
      %dma_wait3A_126 = tpu.memref_slice %arg2[%dma_wait3A_124, %dma_wait3A_125] : memref<10008x128xf32, #tpu.memory_space<hbm>> -> memref<10008x128xf32, #tpu.memory_space<hbm>>
      tpu.wait_indirect_dma semaphore(%arg11 : memref<!tpu.dma_semaphore, #tpu.memory_space<semaphore_mem>>) src(%dma_wait3A_126 : memref<10008x128xf32, #tpu.memory_space<hbm>>) dst(%dma_wait3A_122 : memref<128x128xf32, #tpu.memory_space<vmem>>)
      %mul3A_127 = arith.constant 128 : i32
      %mul3A_128 = arith.muli %add3A_114, %mul3A_127 : i32
      %multiple_of3A_129 = tpu.assume_multiple %mul3A_128, 8 : i32
      %run_scoped3A_130 = arith.constant 1 : i32
      "tpu.region"() ({
        %run_scoped3A_138 = tpu.sem_alloc : memref<!tpu.dma_semaphore, #tpu.memory_space<semaphore_mem>>
        %dma_start3A_139 = arith.constant 0 : i32
        %dma_start3A_140 = arith.constant 0 : i32
        %dma_start3A_141 = tpu.memref_slice %arg9[%run_scoped3A_130, %dma_start3A_139, %dma_start3A_140] : memref<2x128x128xf32, #tpu.memory_space<vmem>> -> memref<1x128x128xf32, #tpu.memory_space<vmem>>
        %dma_start3A_142 = tpu.memref_squeeze %dma_start3A_141 : memref<1x128x128xf32, #tpu.memory_space<vmem>> -> memref<128x128xf32, #tpu.memory_space<vmem>>
        %dma_start3A_143 = tpu.memref_slice %arg8[%multiple_of3A_129] : memref<5120xi32, #tpu.memory_space<vmem>> -> memref<128xi32, #tpu.memory_space<vmem>>
        %dma_start3A_144 = arith.constant 0 : i32
        %dma_start3A_145 = arith.constant 0 : i32
        %dma_start3A_146 = tpu.memref_slice %arg6[%dma_start3A_144, %dma_start3A_145] : memref<10000x128xf32, #tpu.memory_space<vmem_shared>> -> memref<10000x128xf32, #tpu.memory_space<vmem_shared>>
        tpu.enqueue_indirect_dma source(%dma_start3A_142 : memref<128x128xf32, #tpu.memory_space<vmem>>) target(%dma_start3A_146 : memref<10000x128xf32, #tpu.memory_space<vmem_shared>>) offsets(%dma_start3A_143 : memref<128xi32, #tpu.memory_space<vmem>>) semaphore(%run_scoped3A_138 : memref<!tpu.dma_semaphore, #tpu.memory_space<semaphore_mem>>) {add = true}
        %dma_wait3A_147 = arith.constant 0 : i32
        %dma_wait3A_148 = arith.constant 0 : i32
        %dma_wait3A_149 = tpu.memref_slice %arg9[%run_scoped3A_130, %dma_wait3A_147, %dma_wait3A_148] : memref<2x128x128xf32, #tpu.memory_space<vmem>> -> memref<1x128x128xf32, #tpu.memory_space<vmem>>
        %dma_wait3A_150 = tpu.memref_squeeze %dma_wait3A_149 : memref<1x128x128xf32, #tpu.memory_space<vmem>> -> memref<128x128xf32, #tpu.memory_space<vmem>>
        %dma_wait3A_151 = tpu.memref_slice %arg8[%multiple_of3A_129] : memref<5120xi32, #tpu.memory_space<vmem>> -> memref<128xi32, #tpu.memory_space<vmem>>
        %dma_wait3A_152 = arith.constant 0 : i32
        %dma_wait3A_153 = arith.constant 0 : i32
        %dma_wait3A_154 = tpu.memref_slice %arg6[%dma_wait3A_152, %dma_wait3A_153] : memref<10000x128xf32, #tpu.memory_space<vmem_shared>> -> memref<10000x128xf32, #tpu.memory_space<vmem_shared>>
        tpu.wait_indirect_dma semaphore(%run_scoped3A_138 : memref<!tpu.dma_semaphore, #tpu.memory_space<semaphore_mem>>) src(%dma_wait3A_150 : memref<128x128xf32, #tpu.memory_space<vmem>>) dst(%dma_wait3A_154 : memref<10000x128xf32, #tpu.memory_space<vmem_shared>>)
        tpu.yield
      }) : () -> ()
      %add3A_131 = arith.constant 2 : i32
      %add3A_132 = arith.addi %add3A_114, %add3A_131 : i32
      %lt3A_133 = arith.constant 40 : i32
      %lt3A_134 = arith.cmpi slt, %add3A_132, %lt3A_133 : i32
      %convert_element_type3A_135 = arith.extui %lt3A_134 : i1 to i32
      %cond3A_136 = arith.constant 0 : i32
      %cond3A_137 = arith.cmpi ne, %convert_element_type3A_135, %cond3A_136 : i32
      scf.if %cond3A_137 {
        %add3A_138 = arith.constant 2 : i32
        %add3A_139 = arith.addi %add3A_114, %add3A_138 : i32
        %mul3A_140 = arith.constant 128 : i32
        %mul3A_141 = arith.muli %add3A_139, %mul3A_140 : i32
        %multiple_of3A_142 = tpu.assume_multiple %mul3A_141, 8 : i32
        %dma_start3A_143 = arith.constant 1 : i32
        %dma_start3A_144 = arith.constant 0 : i32
        %dma_start3A_145 = arith.constant 0 : i32
        %dma_start3A_146 = tpu.memref_slice %arg9[%dma_start3A_143, %dma_start3A_144, %dma_start3A_145] : memref<2x128x128xf32, #tpu.memory_space<vmem>> -> memref<1x128x128xf32, #tpu.memory_space<vmem>>
        %dma_start3A_147 = tpu.memref_squeeze %dma_start3A_146 : memref<1x128x128xf32, #tpu.memory_space<vmem>> -> memref<128x128xf32, #tpu.memory_space<vmem>>
        %dma_start3A_148 = tpu.memref_slice %arg7[%multiple_of3A_142] : memref<5120xi32, #tpu.memory_space<vmem>> -> memref<128xi32, #tpu.memory_space<vmem>>
        %dma_start3A_149 = arith.constant 0 : i32
        %dma_start3A_150 = arith.constant 0 : i32
        %dma_start3A_151 = tpu.memref_slice %arg2[%dma_start3A_149, %dma_start3A_150] : memref<10008x128xf32, #tpu.memory_space<hbm>> -> memref<10008x128xf32, #tpu.memory_space<hbm>>
        tpu.enqueue_indirect_dma source(%dma_start3A_151 : memref<10008x128xf32, #tpu.memory_space<hbm>>) target(%dma_start3A_147 : memref<128x128xf32, #tpu.memory_space<vmem>>) offsets(%dma_start3A_148 : memref<128xi32, #tpu.memory_space<vmem>>) semaphore(%arg11 : memref<!tpu.dma_semaphore, #tpu.memory_space<semaphore_mem>>)
      } else {
      }
    }
    %scan3A_78 = arith.constant 20 : i32
    %barrier3A_79 = arith.constant 0 : index
    tpu.barrier barrier_id(%barrier3A_79)
    "tpu.region"() ({
      %run_scoped3A = tpu.sem_alloc : memref<!tpu.dma_semaphore, #tpu.memory_space<semaphore_mem>>
      %dma_start3A_85 = arith.constant 0 : i32
      %dma_start3A_86 = tpu.memref_slice %arg5[%arg0, %multiple_of3A, %dma_start3A_85] : memref<2x10000x128xf32, #tpu.memory_space<hbm>> -> memref<1x624x128xf32, #tpu.memory_space<hbm>>
      %dma_start3A_87 = tpu.memref_squeeze %dma_start3A_86 : memref<1x624x128xf32, #tpu.memory_space<hbm>> -> memref<624x128xf32, #tpu.memory_space<hbm>>
      %dma_start3A_88 = arith.constant 0 : i32
      %dma_start3A_89 = tpu.memref_slice %arg6[%multiple_of3A, %dma_start3A_88] : memref<10000x128xf32, #tpu.memory_space<vmem_shared>> -> memref<624x128xf32, #tpu.memory_space<vmem_shared>>
      tpu.enqueue_dma source(%dma_start3A_89 : memref<624x128xf32, #tpu.memory_space<vmem_shared>>) target(%dma_start3A_87 : memref<624x128xf32, #tpu.memory_space<hbm>>) target_semaphore(%run_scoped3A : memref<!tpu.dma_semaphore, #tpu.memory_space<semaphore_mem>>)
      %dma_wait3A_90 = arith.constant 0 : i32
      %dma_wait3A_91 = tpu.memref_slice %arg5[%arg0, %multiple_of3A, %dma_wait3A_90] : memref<2x10000x128xf32, #tpu.memory_space<hbm>> -> memref<1x624x128xf32, #tpu.memory_space<hbm>>
      %dma_wait3A_92 = tpu.memref_squeeze %dma_wait3A_91 : memref<1x624x128xf32, #tpu.memory_space<hbm>> -> memref<624x128xf32, #tpu.memory_space<hbm>>
      %dma_wait3A_93 = arith.constant 0 : i32
      %dma_wait3A_94 = tpu.memref_slice %arg6[%multiple_of3A, %dma_wait3A_93] : memref<10000x128xf32, #tpu.memory_space<vmem_shared>> -> memref<624x128xf32, #tpu.memory_space<vmem_shared>>
      tpu.wait_dma2 semaphore(%run_scoped3A : memref<!tpu.dma_semaphore, #tpu.memory_space<semaphore_mem>>) src(%dma_wait3A_94 : memref<624x128xf32, #tpu.memory_space<vmem_shared>>) dst(%dma_wait3A_92 : memref<624x128xf32, #tpu.memory_space<hbm>>)
      tpu.yield
    }) : () -> ()
    %eq3A_80 = arith.constant 15 : i32
    %eq3A_81 = arith.cmpi eq, %arg1, %eq3A_80 : i32
    %convert_element_type3A_82 = arith.extui %eq3A_81 : i1 to i32
    %cond3A_83 = arith.constant 0 : i32
    %cond3A_84 = arith.cmpi ne, %convert_element_type3A_82, %cond3A_83 : i32
    scf.if %cond3A_84 {
      "tpu.region"() ({
        %run_scoped3A = tpu.sem_alloc : memref<!tpu.dma_semaphore, #tpu.memory_space<semaphore_mem>>
        %dma_start3A_85 = arith.constant 9984 : i32
        %dma_start3A_86 = arith.constant 0 : i32
        %dma_start3A_87 = tpu.memref_slice %arg5[%arg0, %dma_start3A_85, %dma_start3A_86] : memref<2x10000x128xf32, #tpu.memory_space<hbm>> -> memref<1x16x128xf32, #tpu.memory_space<hbm>>
        %dma_start3A_88 = tpu.memref_squeeze %dma_start3A_87 : memref<1x16x128xf32, #tpu.memory_space<hbm>> -> memref<16x128xf32, #tpu.memory_space<hbm>>
        %dma_start3A_89 = arith.constant 9984 : i32
        %dma_start3A_90 = arith.constant 0 : i32
        %dma_start3A_91 = tpu.memref_slice %arg6[%dma_start3A_89, %dma_start3A_90] : memref<10000x128xf32, #tpu.memory_space<vmem_shared>> -> memref<16x128xf32, #tpu.memory_space<vmem_shared>>
        tpu.enqueue_dma source(%dma_start3A_91 : memref<16x128xf32, #tpu.memory_space<vmem_shared>>) target(%dma_start3A_88 : memref<16x128xf32, #tpu.memory_space<hbm>>) target_semaphore(%run_scoped3A : memref<!tpu.dma_semaphore, #tpu.memory_space<semaphore_mem>>)
        %dma_wait3A_92 = arith.constant 9984 : i32
        %dma_wait3A_93 = arith.constant 0 : i32
        %dma_wait3A_94 = tpu.memref_slice %arg5[%arg0, %dma_wait3A_92, %dma_wait3A_93] : memref<2x10000x128xf32, #tpu.memory_space<hbm>> -> memref<1x16x128xf32, #tpu.memory_space<hbm>>
        %dma_wait3A_95 = tpu.memref_squeeze %dma_wait3A_94 : memref<1x16x128xf32, #tpu.memory_space<hbm>> -> memref<16x128xf32, #tpu.memory_space<hbm>>
        %dma_wait3A_96 = arith.constant 9984 : i32
        %dma_wait3A_97 = arith.constant 0 : i32
        %dma_wait3A_98 = tpu.memref_slice %arg6[%dma_wait3A_96, %dma_wait3A_97] : memref<10000x128xf32, #tpu.memory_space<vmem_shared>> -> memref<16x128xf32, #tpu.memory_space<vmem_shared>>
        tpu.wait_dma2 semaphore(%run_scoped3A : memref<!tpu.dma_semaphore, #tpu.memory_space<semaphore_mem>>) src(%dma_wait3A_98 : memref<16x128xf32, #tpu.memory_space<vmem_shared>>) dst(%dma_wait3A_95 : memref<16x128xf32, #tpu.memory_space<hbm>>)
        tpu.yield
      }) : () -> ()
    } else {
    }
    return
  }
}

#map = affine_map<(d0, d1) -> (0, 0)>
#map1 = affine_map<(d0, d1) -> (0)>
#map2 = affine_map<(d0, d1) -> (0, 0, 0)>
module attributes {stable_mosaic.version = 14 : i64} {
  func.func @scatter_kernel(%arg0: i32, %arg1: i32, %arg2: memref<10008x128xf32, #tpu.memory_space<hbm>>, %arg3: memref<327680xi32, #tpu.memory_space<hbm>>, %arg4: memref<327680xi32, #tpu.memory_space<hbm>>, %arg5: memref<2x10000x128xf32, #tpu.memory_space<hbm>>, %arg6: memref<10000x128xf32, #tpu.memory_space<vmem_shared>>, %arg7: memref<5120xi32, #tpu.memory_space<vmem>>, %arg8: memref<5120xi32, #tpu.memory_space<vmem>>, %arg9: memref<2x128x128xf32, #tpu.memory_space<vmem>>, %arg10: memref<!tpu.dma_semaphore, #tpu.memory_space<semaphore_mem>>, %arg11: memref<!tpu.dma_semaphore, #tpu.memory_space<semaphore_mem>>, %arg12: memref<!tpu.dma_semaphore, #tpu.memory_space<semaphore_mem>>) attributes {dimension_semantics = [#tpu.dimension_semantics<core_parallel>, #tpu.dimension_semantics<subcore_parallel>], iteration_bounds = array<i64: 2, 16>, scalar_prefetch = 0 : i64, scratch_operands = 7 : i64, tpu.core_type = #tpu.core_type<sc_vector_subcore>, window_params = [{transform_indices = #map}, {transform_indices = #map1}, {transform_indices = #map1}, {transform_indices = #map2}]} {
    %mul3A = arith.constant 2 : i32
    %mul3A_0 = arith.muli %arg1, %mul3A : i32
    %add3A = arith.addi %mul3A_0, %arg0 : i32
    %mul3A_1 = arith.constant 624 : i32
    %mul3A_2 = arith.muli %arg1, %mul3A_1 : i32
    %multiple_of3A = tpu.assume_multiple %mul3A_2, 8 : i32
    %dma_start3A = arith.constant 0 : i32
    %dma_start3A_3 = tpu.memref_slice %arg6[%multiple_of3A, %dma_start3A] : memref<10000x128xf32, #tpu.memory_space<vmem_shared>> -> memref<624x128xf32, #tpu.memory_space<vmem_shared>>
    %dma_start3A_4 = arith.constant 0 : i32
    %dma_start3A_5 = tpu.memref_slice %arg2[%multiple_of3A, %dma_start3A_4] : memref<10008x128xf32, #tpu.memory_space<hbm>> -> memref<624x128xf32, #tpu.memory_space<hbm>>
    tpu.enqueue_dma source(%dma_start3A_5 : memref<624x128xf32, #tpu.memory_space<hbm>>) target(%dma_start3A_3 : memref<624x128xf32, #tpu.memory_space<vmem_shared>>) target_semaphore(%arg12 : memref<!tpu.dma_semaphore, #tpu.memory_space<semaphore_mem>>)
    %eq3A = arith.constant 15 : i32
    %eq3A_6 = arith.cmpi eq, %arg1, %eq3A : i32
    %convert_element_type3A = arith.extui %eq3A_6 : i1 to i32
    %cond3A = arith.constant 0 : i32
    %cond3A_7 = arith.cmpi ne, %convert_element_type3A, %cond3A : i32
    scf.if %cond3A_7 {
      %dma_start3A_85 = arith.constant 9984 : i32
      %dma_start3A_86 = arith.constant 0 : i32
      %dma_start3A_87 = tpu.memref_slice %arg6[%dma_start3A_85, %dma_start3A_86] : memref<10000x128xf32, #tpu.memory_space<vmem_shared>> -> memref<16x128xf32, #tpu.memory_space<vmem_shared>>
      %dma_start3A_88 = arith.constant 9984 : i32
      %dma_start3A_89 = arith.constant 0 : i32
      %dma_start3A_90 = tpu.memref_slice %arg2[%dma_start3A_88, %dma_start3A_89] : memref<10008x128xf32, #tpu.memory_space<hbm>> -> memref<16x128xf32, #tpu.memory_space<hbm>>
      tpu.enqueue_dma source(%dma_start3A_90 : memref<16x128xf32, #tpu.memory_space<hbm>>) target(%dma_start3A_87 : memref<16x128xf32, #tpu.memory_space<vmem_shared>>) target_semaphore(%arg12 : memref<!tpu.dma_semaphore, #tpu.memory_space<semaphore_mem>>)
    } else {
    }
    %mul3A_8 = arith.constant 10240 : i32
    %mul3A_9 = arith.muli %add3A, %mul3A_8 : i32
    %add3A_10 = arith.constant 0 : i32
    %add3A_11 = arith.addi %mul3A_9, %add3A_10 : i32
    %multiple_of3A_12 = tpu.assume_multiple %add3A_11, 8 : i32
    "tpu.region"() ({
      %run_scoped3A = tpu.sem_alloc : memref<!tpu.dma_semaphore, #tpu.memory_space<semaphore_mem>>
      %dma_start3A_85 = tpu.memref_slice %arg3[%multiple_of3A_12] : memref<327680xi32, #tpu.memory_space<hbm>> -> memref<5120xi32, #tpu.memory_space<hbm>>
      %dma_start3A_86 = tpu.memref_slice %arg3[%multiple_of3A_12] : memref<327680xi32, #tpu.memory_space<hbm>> -> memref<5120xi32, #tpu.memory_space<hbm>>
      tpu.enqueue_dma source(%dma_start3A_86 : memref<5120xi32, #tpu.memory_space<hbm>>) target(%arg7 : memref<5120xi32, #tpu.memory_space<vmem>>) target_semaphore(%run_scoped3A : memref<!tpu.dma_semaphore, #tpu.memory_space<semaphore_mem>>)
      %dma_wait3A_87 = tpu.memref_slice %arg3[%multiple_of3A_12] : memref<327680xi32, #tpu.memory_space<hbm>> -> memref<5120xi32, #tpu.memory_space<hbm>>
      %dma_wait3A_88 = tpu.memref_slice %arg3[%multiple_of3A_12] : memref<327680xi32, #tpu.memory_space<hbm>> -> memref<5120xi32, #tpu.memory_space<hbm>>
      tpu.wait_dma2 semaphore(%run_scoped3A : memref<!tpu.dma_semaphore, #tpu.memory_space<semaphore_mem>>) src(%dma_wait3A_88 : memref<5120xi32, #tpu.memory_space<hbm>>) dst(%arg7 : memref<5120xi32, #tpu.memory_space<vmem>>)
      tpu.yield
    }) : () -> ()
    "tpu.region"() ({
      %run_scoped3A = tpu.sem_alloc : memref<!tpu.dma_semaphore, #tpu.memory_space<semaphore_mem>>
      %dma_start3A_85 = tpu.memref_slice %arg4[%multiple_of3A_12] : memref<327680xi32, #tpu.memory_space<hbm>> -> memref<5120xi32, #tpu.memory_space<hbm>>
      %dma_start3A_86 = tpu.memref_slice %arg4[%multiple_of3A_12] : memref<327680xi32, #tpu.memory_space<hbm>> -> memref<5120xi32, #tpu.memory_space<hbm>>
      tpu.enqueue_dma source(%dma_start3A_86 : memref<5120xi32, #tpu.memory_space<hbm>>) target(%arg8 : memref<5120xi32, #tpu.memory_space<vmem>>) target_semaphore(%run_scoped3A : memref<!tpu.dma_semaphore, #tpu.memory_space<semaphore_mem>>)
      %dma_wait3A_87 = tpu.memref_slice %arg4[%multiple_of3A_12] : memref<327680xi32, #tpu.memory_space<hbm>> -> memref<5120xi32, #tpu.memory_space<hbm>>
      %dma_wait3A_88 = tpu.memref_slice %arg4[%multiple_of3A_12] : memref<327680xi32, #tpu.memory_space<hbm>> -> memref<5120xi32, #tpu.memory_space<hbm>>
      tpu.wait_dma2 semaphore(%run_scoped3A : memref<!tpu.dma_semaphore, #tpu.memory_space<semaphore_mem>>) src(%dma_wait3A_88 : memref<5120xi32, #tpu.memory_space<hbm>>) dst(%arg8 : memref<5120xi32, #tpu.memory_space<vmem>>)
      tpu.yield
    }) : () -> ()
    %multiple_of3A_13 = arith.constant 0 : i32
    %multiple_of3A_14 = tpu.assume_multiple %multiple_of3A_13, 8 : i32
    %dma_start3A_15 = arith.constant 0 : i32
    %dma_start3A_16 = arith.constant 0 : i32
    %dma_start3A_17 = arith.constant 0 : i32
    %dma_start3A_18 = tpu.memref_slice %arg9[%dma_start3A_15, %dma_start3A_16, %dma_start3A_17] : memref<2x128x128xf32, #tpu.memory_space<vmem>> -> memref<1x128x128xf32, #tpu.memory_space<vmem>>
    %dma_start3A_19 = tpu.memref_squeeze %dma_start3A_18 : memref<1x128x128xf32, #tpu.memory_space<vmem>> -> memref<128x128xf32, #tpu.memory_space<vmem>>
    %dma_start3A_20 = tpu.memref_slice %arg7[%multiple_of3A_14] : memref<5120xi32, #tpu.memory_space<vmem>> -> memref<128xi32, #tpu.memory_space<vmem>>
    %dma_start3A_21 = arith.constant 0 : i32
    %dma_start3A_22 = arith.constant 0 : i32
    %dma_start3A_23 = tpu.memref_slice %arg2[%dma_start3A_21, %dma_start3A_22] : memref<10008x128xf32, #tpu.memory_space<hbm>> -> memref<10008x128xf32, #tpu.memory_space<hbm>>
    tpu.enqueue_indirect_dma source(%dma_start3A_23 : memref<10008x128xf32, #tpu.memory_space<hbm>>) target(%dma_start3A_19 : memref<128x128xf32, #tpu.memory_space<vmem>>) offsets(%dma_start3A_20 : memref<128xi32, #tpu.memory_space<vmem>>) semaphore(%arg10 : memref<!tpu.dma_semaphore, #tpu.memory_space<semaphore_mem>>)
    %multiple_of3A_24 = arith.constant 128 : i32
    %multiple_of3A_25 = tpu.assume_multiple %multiple_of3A_24, 8 : i32
    %dma_start3A_26 = arith.constant 1 : i32
    %dma_start3A_27 = arith.constant 0 : i32
    %dma_start3A_28 = arith.constant 0 : i32
    %dma_start3A_29 = tpu.memref_slice %arg9[%dma_start3A_26, %dma_start3A_27, %dma_start3A_28] : memref<2x128x128xf32, #tpu.memory_space<vmem>> -> memref<1x128x128xf32, #tpu.memory_space<vmem>>
    %dma_start3A_30 = tpu.memref_squeeze %dma_start3A_29 : memref<1x128x128xf32, #tpu.memory_space<vmem>> -> memref<128x128xf32, #tpu.memory_space<vmem>>
    %dma_start3A_31 = tpu.memref_slice %arg7[%multiple_of3A_25] : memref<5120xi32, #tpu.memory_space<vmem>> -> memref<128xi32, #tpu.memory_space<vmem>>
    %dma_start3A_32 = arith.constant 0 : i32
    %dma_start3A_33 = arith.constant 0 : i32
    %dma_start3A_34 = tpu.memref_slice %arg2[%dma_start3A_32, %dma_start3A_33] : memref<10008x128xf32, #tpu.memory_space<hbm>> -> memref<10008x128xf32, #tpu.memory_space<hbm>>
    tpu.enqueue_indirect_dma source(%dma_start3A_34 : memref<10008x128xf32, #tpu.memory_space<hbm>>) target(%dma_start3A_30 : memref<128x128xf32, #tpu.memory_space<vmem>>) offsets(%dma_start3A_31 : memref<128xi32, #tpu.memory_space<vmem>>) semaphore(%arg11 : memref<!tpu.dma_semaphore, #tpu.memory_space<semaphore_mem>>)
    %dma_wait3A = arith.constant 0 : i32
    %dma_wait3A_35 = tpu.memref_slice %arg6[%multiple_of3A, %dma_wait3A] : memref<10000x128xf32, #tpu.memory_space<vmem_shared>> -> memref<624x128xf32, #tpu.memory_space<vmem_shared>>
    %dma_wait3A_36 = arith.constant 0 : i32
    %dma_wait3A_37 = tpu.memref_slice %arg2[%multiple_of3A, %dma_wait3A_36] : memref<10008x128xf32, #tpu.memory_space<hbm>> -> memref<624x128xf32, #tpu.memory_space<hbm>>
    tpu.wait_dma2 semaphore(%arg12 : memref<!tpu.dma_semaphore, #tpu.memory_space<semaphore_mem>>) src(%dma_wait3A_37 : memref<624x128xf32, #tpu.memory_space<hbm>>) dst(%dma_wait3A_35 : memref<624x128xf32, #tpu.memory_space<vmem_shared>>)
    %eq3A_38 = arith.constant 15 : i32
    %eq3A_39 = arith.cmpi eq, %arg1, %eq3A_38 : i32
    %convert_element_type3A_40 = arith.extui %eq3A_39 : i1 to i32
    %cond3A_41 = arith.constant 0 : i32
    %cond3A_42 = arith.cmpi ne, %convert_element_type3A_40, %cond3A_41 : i32
    scf.if %cond3A_42 {
      %dma_wait3A_85 = arith.constant 9984 : i32
      %dma_wait3A_86 = arith.constant 0 : i32
      %dma_wait3A_87 = tpu.memref_slice %arg6[%dma_wait3A_85, %dma_wait3A_86] : memref<10000x128xf32, #tpu.memory_space<vmem_shared>> -> memref<16x128xf32, #tpu.memory_space<vmem_shared>>
      %dma_wait3A_88 = arith.constant 9984 : i32
      %dma_wait3A_89 = arith.constant 0 : i32
      %dma_wait3A_90 = tpu.memref_slice %arg2[%dma_wait3A_88, %dma_wait3A_89] : memref<10008x128xf32, #tpu.memory_space<hbm>> -> memref<16x128xf32, #tpu.memory_space<hbm>>
      tpu.wait_dma2 semaphore(%arg12 : memref<!tpu.dma_semaphore, #tpu.memory_space<semaphore_mem>>) src(%dma_wait3A_90 : memref<16x128xf32, #tpu.memory_space<hbm>>) dst(%dma_wait3A_87 : memref<16x128xf32, #tpu.memory_space<vmem_shared>>)
    } else {
    }
    %barrier3A = arith.constant 0 : index
    tpu.barrier barrier_id(%barrier3A)
    %scan3A = arith.constant 0 : i32
    %scan3A_43 = arith.constant 0 : i32
    %scan3A_44 = arith.constant 20 : i32
    %scan3A_45 = arith.addi %scan3A_43, %scan3A_44 : i32
    %scan3A_46 = arith.constant 1 : i32
    scf.for %scan3A_85 = %scan3A_43 to %scan3A_45 step %scan3A_46  : i32 {
      %mul3A_86 = arith.constant 2 : i32
      %mul3A_87 = arith.muli %scan3A_85, %mul3A_86 : i32
      %add3A_88 = arith.constant 0 : i32
      %add3A_89 = arith.addi %mul3A_87, %add3A_88 : i32
      %mul3A_90 = arith.constant 128 : i32
      %mul3A_91 = arith.muli %add3A_89, %mul3A_90 : i32
      %multiple_of3A_92 = tpu.assume_multiple %mul3A_91, 8 : i32
      %dma_wait3A_93 = arith.constant 0 : i32
      %dma_wait3A_94 = arith.constant 0 : i32
      %dma_wait3A_95 = arith.constant 0 : i32
      %dma_wait3A_96 = tpu.memref_slice %arg9[%dma_wait3A_93, %dma_wait3A_94, %dma_wait3A_95] : memref<2x128x128xf32, #tpu.memory_space<vmem>> -> memref<1x128x128xf32, #tpu.memory_space<vmem>>
      %dma_wait3A_97 = tpu.memref_squeeze %dma_wait3A_96 : memref<1x128x128xf32, #tpu.memory_space<vmem>> -> memref<128x128xf32, #tpu.memory_space<vmem>>
      %dma_wait3A_98 = tpu.memref_slice %arg7[%multiple_of3A_92] : memref<5120xi32, #tpu.memory_space<vmem>> -> memref<128xi32, #tpu.memory_space<vmem>>
      %dma_wait3A_99 = arith.constant 0 : i32
      %dma_wait3A_100 = arith.constant 0 : i32
      %dma_wait3A_101 = tpu.memref_slice %arg2[%dma_wait3A_99, %dma_wait3A_100] : memref<10008x128xf32, #tpu.memory_space<hbm>> -> memref<10008x128xf32, #tpu.memory_space<hbm>>
      tpu.wait_indirect_dma semaphore(%arg10 : memref<!tpu.dma_semaphore, #tpu.memory_space<semaphore_mem>>) src(%dma_wait3A_101 : memref<10008x128xf32, #tpu.memory_space<hbm>>) dst(%dma_wait3A_97 : memref<128x128xf32, #tpu.memory_space<vmem>>)
      %mul3A_102 = arith.constant 128 : i32
      %mul3A_103 = arith.muli %add3A_89, %mul3A_102 : i32
      %multiple_of3A_104 = tpu.assume_multiple %mul3A_103, 8 : i32
      %run_scoped3A = arith.constant 0 : i32
      "tpu.region"() ({
        %run_scoped3A_138 = tpu.sem_alloc : memref<!tpu.dma_semaphore, #tpu.memory_space<semaphore_mem>>
        %dma_start3A_139 = arith.constant 0 : i32
        %dma_start3A_140 = arith.constant 0 : i32
        %dma_start3A_141 = tpu.memref_slice %arg9[%run_scoped3A, %dma_start3A_139, %dma_start3A_140] : memref<2x128x128xf32, #tpu.memory_space<vmem>> -> memref<1x128x128xf32, #tpu.memory_space<vmem>>
        %dma_start3A_142 = tpu.memref_squeeze %dma_start3A_141 : memref<1x128x128xf32, #tpu.memory_space<vmem>> -> memref<128x128xf32, #tpu.memory_space<vmem>>
        %dma_start3A_143 = tpu.memref_slice %arg8[%multiple_of3A_104] : memref<5120xi32, #tpu.memory_space<vmem>> -> memref<128xi32, #tpu.memory_space<vmem>>
        %dma_start3A_144 = arith.constant 0 : i32
        %dma_start3A_145 = arith.constant 0 : i32
        %dma_start3A_146 = tpu.memref_slice %arg6[%dma_start3A_144, %dma_start3A_145] : memref<10000x128xf32, #tpu.memory_space<vmem_shared>> -> memref<10000x128xf32, #tpu.memory_space<vmem_shared>>
        tpu.enqueue_indirect_dma source(%dma_start3A_142 : memref<128x128xf32, #tpu.memory_space<vmem>>) target(%dma_start3A_146 : memref<10000x128xf32, #tpu.memory_space<vmem_shared>>) offsets(%dma_start3A_143 : memref<128xi32, #tpu.memory_space<vmem>>) semaphore(%run_scoped3A_138 : memref<!tpu.dma_semaphore, #tpu.memory_space<semaphore_mem>>) {add = true}
        %dma_wait3A_147 = arith.constant 0 : i32
        %dma_wait3A_148 = arith.constant 0 : i32
        %dma_wait3A_149 = tpu.memref_slice %arg9[%run_scoped3A, %dma_wait3A_147, %dma_wait3A_148] : memref<2x128x128xf32, #tpu.memory_space<vmem>> -> memref<1x128x128xf32, #tpu.memory_space<vmem>>
        %dma_wait3A_150 = tpu.memref_squeeze %dma_wait3A_149 : memref<1x128x128xf32, #tpu.memory_space<vmem>> -> memref<128x128xf32, #tpu.memory_space<vmem>>
        %dma_wait3A_151 = tpu.memref_slice %arg8[%multiple_of3A_104] : memref<5120xi32, #tpu.memory_space<vmem>> -> memref<128xi32, #tpu.memory_space<vmem>>
        %dma_wait3A_152 = arith.constant 0 : i32
        %dma_wait3A_153 = arith.constant 0 : i32
        %dma_wait3A_154 = tpu.memref_slice %arg6[%dma_wait3A_152, %dma_wait3A_153] : memref<10000x128xf32, #tpu.memory_space<vmem_shared>> -> memref<10000x128xf32, #tpu.memory_space<vmem_shared>>
        tpu.wait_indirect_dma semaphore(%run_scoped3A_138 : memref<!tpu.dma_semaphore, #tpu.memory_space<semaphore_mem>>) src(%dma_wait3A_150 : memref<128x128xf32, #tpu.memory_space<vmem>>) dst(%dma_wait3A_154 : memref<10000x128xf32, #tpu.memory_space<vmem_shared>>)
        tpu.yield
      }) : () -> ()
      %add3A_105 = arith.constant 2 : i32
      %add3A_106 = arith.addi %add3A_89, %add3A_105 : i32
      %lt3A = arith.constant 40 : i32
      %lt3A_107 = arith.cmpi slt, %add3A_106, %lt3A : i32
      %convert_element_type3A_108 = arith.extui %lt3A_107 : i1 to i32
      %cond3A_109 = arith.constant 0 : i32
      %cond3A_110 = arith.cmpi ne, %convert_element_type3A_108, %cond3A_109 : i32
      scf.if %cond3A_110 {
        %add3A_138 = arith.constant 2 : i32
        %add3A_139 = arith.addi %add3A_89, %add3A_138 : i32
        %mul3A_140 = arith.constant 128 : i32
        %mul3A_141 = arith.muli %add3A_139, %mul3A_140 : i32
        %multiple_of3A_142 = tpu.assume_multiple %mul3A_141, 8 : i32
        %dma_start3A_143 = arith.constant 0 : i32
        %dma_start3A_144 = arith.constant 0 : i32
        %dma_start3A_145 = arith.constant 0 : i32
        %dma_start3A_146 = tpu.memref_slice %arg9[%dma_start3A_143, %dma_start3A_144, %dma_start3A_145] : memref<2x128x128xf32, #tpu.memory_space<vmem>> -> memref<1x128x128xf32, #tpu.memory_space<vmem>>
        %dma_start3A_147 = tpu.memref_squeeze %dma_start3A_146 : memref<1x128x128xf32, #tpu.memory_space<vmem>> -> memref<128x128xf32, #tpu.memory_space<vmem>>
        %dma_start3A_148 = tpu.memref_slice %arg7[%multiple_of3A_142] : memref<5120xi32, #tpu.memory_space<vmem>> -> memref<128xi32, #tpu.memory_space<vmem>>
        %dma_start3A_149 = arith.constant 0 : i32
        %dma_start3A_150 = arith.constant 0 : i32
        %dma_start3A_151 = tpu.memref_slice %arg2[%dma_start3A_149, %dma_start3A_150] : memref<10008x128xf32, #tpu.memory_space<hbm>> -> memref<10008x128xf32, #tpu.memory_space<hbm>>
        tpu.enqueue_indirect_dma source(%dma_start3A_151 : memref<10008x128xf32, #tpu.memory_space<hbm>>) target(%dma_start3A_147 : memref<128x128xf32, #tpu.memory_space<vmem>>) offsets(%dma_start3A_148 : memref<128xi32, #tpu.memory_space<vmem>>) semaphore(%arg10 : memref<!tpu.dma_semaphore, #tpu.memory_space<semaphore_mem>>)
      } else {
      }
      %mul3A_111 = arith.constant 2 : i32
      %mul3A_112 = arith.muli %scan3A_85, %mul3A_111 : i32
      %add3A_113 = arith.constant 1 : i32
      %add3A_114 = arith.addi %mul3A_112, %add3A_113 : i32
      %mul3A_115 = arith.constant 128 : i32
      %mul3A_116 = arith.muli %add3A_114, %mul3A_115 : i32
      %multiple_of3A_117 = tpu.assume_multiple %mul3A_116, 8 : i32
      %dma_wait3A_118 = arith.constant 1 : i32
      %dma_wait3A_119 = arith.constant 0 : i32
      %dma_wait3A_120 = arith.constant 0 : i32
      %dma_wait3A_121 = tpu.memref_slice %arg9[%dma_wait3A_118, %dma_wait3A_119, %dma_wait3A_120] : memref<2x128x128xf32, #tpu.memory_space<vmem>> -> memref<1x128x128xf32, #tpu.memory_space<vmem>>
      %dma_wait3A_122 = tpu.memref_squeeze %dma_wait3A_121 : memref<1x128x128xf32, #tpu.memory_space<vmem>> -> memref<128x128xf32, #tpu.memory_space<vmem>>
      %dma_wait3A_123 = tpu.memref_slice %arg7[%multiple_of3A_117] : memref<5120xi32, #tpu.memory_space<vmem>> -> memref<128xi32, #tpu.memory_space<vmem>>
      %dma_wait3A_124 = arith.constant 0 : i32
      %dma_wait3A_125 = arith.constant 0 : i32
      %dma_wait3A_126 = tpu.memref_slice %arg2[%dma_wait3A_124, %dma_wait3A_125] : memref<10008x128xf32, #tpu.memory_space<hbm>> -> memref<10008x128xf32, #tpu.memory_space<hbm>>
      tpu.wait_indirect_dma semaphore(%arg11 : memref<!tpu.dma_semaphore, #tpu.memory_space<semaphore_mem>>) src(%dma_wait3A_126 : memref<10008x128xf32, #tpu.memory_space<hbm>>) dst(%dma_wait3A_122 : memref<128x128xf32, #tpu.memory_space<vmem>>)
      %mul3A_127 = arith.constant 128 : i32
      %mul3A_128 = arith.muli %add3A_114, %mul3A_127 : i32
      %multiple_of3A_129 = tpu.assume_multiple %mul3A_128, 8 : i32
      %run_scoped3A_130 = arith.constant 1 : i32
      "tpu.region"() ({
        %run_scoped3A_138 = tpu.sem_alloc : memref<!tpu.dma_semaphore, #tpu.memory_space<semaphore_mem>>
        %dma_start3A_139 = arith.constant 0 : i32
        %dma_start3A_140 = arith.constant 0 : i32
        %dma_start3A_141 = tpu.memref_slice %arg9[%run_scoped3A_130, %dma_start3A_139, %dma_start3A_140] : memref<2x128x128xf32, #tpu.memory_space<vmem>> -> memref<1x128x128xf32, #tpu.memory_space<vmem>>
        %dma_start3A_142 = tpu.memref_squeeze %dma_start3A_141 : memref<1x128x128xf32, #tpu.memory_space<vmem>> -> memref<128x128xf32, #tpu.memory_space<vmem>>
        %dma_start3A_143 = tpu.memref_slice %arg8[%multiple_of3A_129] : memref<5120xi32, #tpu.memory_space<vmem>> -> memref<128xi32, #tpu.memory_space<vmem>>
        %dma_start3A_144 = arith.constant 0 : i32
        %dma_start3A_145 = arith.constant 0 : i32
        %dma_start3A_146 = tpu.memref_slice %arg6[%dma_start3A_144, %dma_start3A_145] : memref<10000x128xf32, #tpu.memory_space<vmem_shared>> -> memref<10000x128xf32, #tpu.memory_space<vmem_shared>>
        tpu.enqueue_indirect_dma source(%dma_start3A_142 : memref<128x128xf32, #tpu.memory_space<vmem>>) target(%dma_start3A_146 : memref<10000x128xf32, #tpu.memory_space<vmem_shared>>) offsets(%dma_start3A_143 : memref<128xi32, #tpu.memory_space<vmem>>) semaphore(%run_scoped3A_138 : memref<!tpu.dma_semaphore, #tpu.memory_space<semaphore_mem>>) {add = true}
        %dma_wait3A_147 = arith.constant 0 : i32
        %dma_wait3A_148 = arith.constant 0 : i32
        %dma_wait3A_149 = tpu.memref_slice %arg9[%run_scoped3A_130, %dma_wait3A_147, %dma_wait3A_148] : memref<2x128x128xf32, #tpu.memory_space<vmem>> -> memref<1x128x128xf32, #tpu.memory_space<vmem>>
        %dma_wait3A_150 = tpu.memref_squeeze %dma_wait3A_149 : memref<1x128x128xf32, #tpu.memory_space<vmem>> -> memref<128x128xf32, #tpu.memory_space<vmem>>
        %dma_wait3A_151 = tpu.memref_slice %arg8[%multiple_of3A_129] : memref<5120xi32, #tpu.memory_space<vmem>> -> memref<128xi32, #tpu.memory_space<vmem>>
        %dma_wait3A_152 = arith.constant 0 : i32
        %dma_wait3A_153 = arith.constant 0 : i32
        %dma_wait3A_154 = tpu.memref_slice %arg6[%dma_wait3A_152, %dma_wait3A_153] : memref<10000x128xf32, #tpu.memory_space<vmem_shared>> -> memref<10000x128xf32, #tpu.memory_space<vmem_shared>>
        tpu.wait_indirect_dma semaphore(%run_scoped3A_138 : memref<!tpu.dma_semaphore, #tpu.memory_space<semaphore_mem>>) src(%dma_wait3A_150 : memref<128x128xf32, #tpu.memory_space<vmem>>) dst(%dma_wait3A_154 : memref<10000x128xf32, #tpu.memory_space<vmem_shared>>)
        tpu.yield
      }) : () -> ()
      %add3A_131 = arith.constant 2 : i32
      %add3A_132 = arith.addi %add3A_114, %add3A_131 : i32
      %lt3A_133 = arith.constant 40 : i32
      %lt3A_134 = arith.cmpi slt, %add3A_132, %lt3A_133 : i32
      %convert_element_type3A_135 = arith.extui %lt3A_134 : i1 to i32
      %cond3A_136 = arith.constant 0 : i32
      %cond3A_137 = arith.cmpi ne, %convert_element_type3A_135, %cond3A_136 : i32
      scf.if %cond3A_137 {
        %add3A_138 = arith.constant 2 : i32
        %add3A_139 = arith.addi %add3A_114, %add3A_138 : i32
        %mul3A_140 = arith.constant 128 : i32
        %mul3A_141 = arith.muli %add3A_139, %mul3A_140 : i32
        %multiple_of3A_142 = tpu.assume_multiple %mul3A_141, 8 : i32
        %dma_start3A_143 = arith.constant 1 : i32
        %dma_start3A_144 = arith.constant 0 : i32
        %dma_start3A_145 = arith.constant 0 : i32
        %dma_start3A_146 = tpu.memref_slice %arg9[%dma_start3A_143, %dma_start3A_144, %dma_start3A_145] : memref<2x128x128xf32, #tpu.memory_space<vmem>> -> memref<1x128x128xf32, #tpu.memory_space<vmem>>
        %dma_start3A_147 = tpu.memref_squeeze %dma_start3A_146 : memref<1x128x128xf32, #tpu.memory_space<vmem>> -> memref<128x128xf32, #tpu.memory_space<vmem>>
        %dma_start3A_148 = tpu.memref_slice %arg7[%multiple_of3A_142] : memref<5120xi32, #tpu.memory_space<vmem>> -> memref<128xi32, #tpu.memory_space<vmem>>
        %dma_start3A_149 = arith.constant 0 : i32
        %dma_start3A_150 = arith.constant 0 : i32
        %dma_start3A_151 = tpu.memref_slice %arg2[%dma_start3A_149, %dma_start3A_150] : memref<10008x128xf32, #tpu.memory_space<hbm>> -> memref<10008x128xf32, #tpu.memory_space<hbm>>
        tpu.enqueue_indirect_dma source(%dma_start3A_151 : memref<10008x128xf32, #tpu.memory_space<hbm>>) target(%dma_start3A_147 : memref<128x128xf32, #tpu.memory_space<vmem>>) offsets(%dma_start3A_148 : memref<128xi32, #tpu.memory_space<vmem>>) semaphore(%arg11 : memref<!tpu.dma_semaphore, #tpu.memory_space<semaphore_mem>>)
      } else {
      }
    }
    %scan3A_47 = arith.constant 20 : i32
    %add3A_48 = arith.constant 5120 : i32
    %add3A_49 = arith.addi %mul3A_9, %add3A_48 : i32
    %multiple_of3A_50 = tpu.assume_multiple %add3A_49, 8 : i32
    "tpu.region"() ({
      %run_scoped3A = tpu.sem_alloc : memref<!tpu.dma_semaphore, #tpu.memory_space<semaphore_mem>>
      %dma_start3A_85 = tpu.memref_slice %arg3[%multiple_of3A_50] : memref<327680xi32, #tpu.memory_space<hbm>> -> memref<5120xi32, #tpu.memory_space<hbm>>
      %dma_start3A_86 = tpu.memref_slice %arg3[%multiple_of3A_50] : memref<327680xi32, #tpu.memory_space<hbm>> -> memref<5120xi32, #tpu.memory_space<hbm>>
      tpu.enqueue_dma source(%dma_start3A_86 : memref<5120xi32, #tpu.memory_space<hbm>>) target(%arg7 : memref<5120xi32, #tpu.memory_space<vmem>>) target_semaphore(%run_scoped3A : memref<!tpu.dma_semaphore, #tpu.memory_space<semaphore_mem>>)
      %dma_wait3A_87 = tpu.memref_slice %arg3[%multiple_of3A_50] : memref<327680xi32, #tpu.memory_space<hbm>> -> memref<5120xi32, #tpu.memory_space<hbm>>
      %dma_wait3A_88 = tpu.memref_slice %arg3[%multiple_of3A_50] : memref<327680xi32, #tpu.memory_space<hbm>> -> memref<5120xi32, #tpu.memory_space<hbm>>
      tpu.wait_dma2 semaphore(%run_scoped3A : memref<!tpu.dma_semaphore, #tpu.memory_space<semaphore_mem>>) src(%dma_wait3A_88 : memref<5120xi32, #tpu.memory_space<hbm>>) dst(%arg7 : memref<5120xi32, #tpu.memory_space<vmem>>)
      tpu.yield
    }) : () -> ()
    "tpu.region"() ({
      %run_scoped3A = tpu.sem_alloc : memref<!tpu.dma_semaphore, #tpu.memory_space<semaphore_mem>>
      %dma_start3A_85 = tpu.memref_slice %arg4[%multiple_of3A_50] : memref<327680xi32, #tpu.memory_space<hbm>> -> memref<5120xi32, #tpu.memory_space<hbm>>
      %dma_start3A_86 = tpu.memref_slice %arg4[%multiple_of3A_50] : memref<327680xi32, #tpu.memory_space<hbm>> -> memref<5120xi32, #tpu.memory_space<hbm>>
      tpu.enqueue_dma source(%dma_start3A_86 : memref<5120xi32, #tpu.memory_space<hbm>>) target(%arg8 : memref<5120xi32, #tpu.memory_space<vmem>>) target_semaphore(%run_scoped3A : memref<!tpu.dma_semaphore, #tpu.memory_space<semaphore_mem>>)
      %dma_wait3A_87 = tpu.memref_slice %arg4[%multiple_of3A_50] : memref<327680xi32, #tpu.memory_space<hbm>> -> memref<5120xi32, #tpu.memory_space<hbm>>
      %dma_wait3A_88 = tpu.memref_slice %arg4[%multiple_of3A_50] : memref<327680xi32, #tpu.memory_space<hbm>> -> memref<5120xi32, #tpu.memory_space<hbm>>
      tpu.wait_dma2 semaphore(%run_scoped3A : memref<!tpu.dma_semaphore, #tpu.memory_space<semaphore_mem>>) src(%dma_wait3A_88 : memref<5120xi32, #tpu.memory_space<hbm>>) dst(%arg8 : memref<5120xi32, #tpu.memory_space<vmem>>)
      tpu.yield
    }) : () -> ()
    %multiple_of3A_51 = arith.constant 0 : i32
    %multiple_of3A_52 = tpu.assume_multiple %multiple_of3A_51, 8 : i32
    %dma_start3A_53 = arith.constant 0 : i32
    %dma_start3A_54 = arith.constant 0 : i32
    %dma_start3A_55 = arith.constant 0 : i32
    %dma_start3A_56 = tpu.memref_slice %arg9[%dma_start3A_53, %dma_start3A_54, %dma_start3A_55] : memref<2x128x128xf32, #tpu.memory_space<vmem>> -> memref<1x128x128xf32, #tpu.memory_space<vmem>>
    %dma_start3A_57 = tpu.memref_squeeze %dma_start3A_56 : memref<1x128x128xf32, #tpu.memory_space<vmem>> -> memref<128x128xf32, #tpu.memory_space<vmem>>
    %dma_start3A_58 = tpu.memref_slice %arg7[%multiple_of3A_52] : memref<5120xi32, #tpu.memory_space<vmem>> -> memref<128xi32, #tpu.memory_space<vmem>>
    %dma_start3A_59 = arith.constant 0 : i32
    %dma_start3A_60 = arith.constant 0 : i32
    %dma_start3A_61 = tpu.memref_slice %arg2[%dma_start3A_59, %dma_start3A_60] : memref<10008x128xf32, #tpu.memory_space<hbm>> -> memref<10008x128xf32, #tpu.memory_space<hbm>>
    tpu.enqueue_indirect_dma source(%dma_start3A_61 : memref<10008x128xf32, #tpu.memory_space<hbm>>) target(%dma_start3A_57 : memref<128x128xf32, #tpu.memory_space<vmem>>) offsets(%dma_start3A_58 : memref<128xi32, #tpu.memory_space<vmem>>) semaphore(%arg10 : memref<!tpu.dma_semaphore, #tpu.memory_space<semaphore_mem>>)
    %multiple_of3A_62 = arith.constant 128 : i32
    %multiple_of3A_63 = tpu.assume_multiple %multiple_of3A_62, 8 : i32
    %dma_start3A_64 = arith.constant 1 : i32
    %dma_start3A_65 = arith.constant 0 : i32
    %dma_start3A_66 = arith.constant 0 : i32
    %dma_start3A_67 = tpu.memref_slice %arg9[%dma_start3A_64, %dma_start3A_65, %dma_start3A_66] : memref<2x128x128xf32, #tpu.memory_space<vmem>> -> memref<1x128x128xf32, #tpu.memory_space<vmem>>
    %dma_start3A_68 = tpu.memref_squeeze %dma_start3A_67 : memref<1x128x128xf32, #tpu.memory_space<vmem>> -> memref<128x128xf32, #tpu.memory_space<vmem>>
    %dma_start3A_69 = tpu.memref_slice %arg7[%multiple_of3A_63] : memref<5120xi32, #tpu.memory_space<vmem>> -> memref<128xi32, #tpu.memory_space<vmem>>
    %dma_start3A_70 = arith.constant 0 : i32
    %dma_start3A_71 = arith.constant 0 : i32
    %dma_start3A_72 = tpu.memref_slice %arg2[%dma_start3A_70, %dma_start3A_71] : memref<10008x128xf32, #tpu.memory_space<hbm>> -> memref<10008x128xf32, #tpu.memory_space<hbm>>
    tpu.enqueue_indirect_dma source(%dma_start3A_72 : memref<10008x128xf32, #tpu.memory_space<hbm>>) target(%dma_start3A_68 : memref<128x128xf32, #tpu.memory_space<vmem>>) offsets(%dma_start3A_69 : memref<128xi32, #tpu.memory_space<vmem>>) semaphore(%arg11 : memref<!tpu.dma_semaphore, #tpu.memory_space<semaphore_mem>>)
    %scan3A_73 = arith.constant 0 : i32
    %scan3A_74 = arith.constant 0 : i32
    %scan3A_75 = arith.constant 20 : i32
    %scan3A_76 = arith.addi %scan3A_74, %scan3A_75 : i32
    %scan3A_77 = arith.constant 1 : i32
    scf.for %scan3A_85 = %scan3A_74 to %scan3A_76 step %scan3A_77  : i32 {
      %mul3A_86 = arith.constant 2 : i32
      %mul3A_87 = arith.muli %scan3A_85, %mul3A_86 : i32
      %add3A_88 = arith.constant 0 : i32
      %add3A_89 = arith.addi %mul3A_87, %add3A_88 : i32
      %mul3A_90 = arith.constant 128 : i32
      %mul3A_91 = arith.muli %add3A_89, %mul3A_90 : i32
      %multiple_of3A_92 = tpu.assume_multiple %mul3A_91, 8 : i32
      %dma_wait3A_93 = arith.constant 0 : i32
      %dma_wait3A_94 = arith.constant 0 : i32
      %dma_wait3A_95 = arith.constant 0 : i32
      %dma_wait3A_96 = tpu.memref_slice %arg9[%dma_wait3A_93, %dma_wait3A_94, %dma_wait3A_95] : memref<2x128x128xf32, #tpu.memory_space<vmem>> -> memref<1x128x128xf32, #tpu.memory_space<vmem>>
      %dma_wait3A_97 = tpu.memref_squeeze %dma_wait3A_96 : memref<1x128x128xf32, #tpu.memory_space<vmem>> -> memref<128x128xf32, #tpu.memory_space<vmem>>
      %dma_wait3A_98 = tpu.memref_slice %arg7[%multiple_of3A_92] : memref<5120xi32, #tpu.memory_space<vmem>> -> memref<128xi32, #tpu.memory_space<vmem>>
      %dma_wait3A_99 = arith.constant 0 : i32
      %dma_wait3A_100 = arith.constant 0 : i32
      %dma_wait3A_101 = tpu.memref_slice %arg2[%dma_wait3A_99, %dma_wait3A_100] : memref<10008x128xf32, #tpu.memory_space<hbm>> -> memref<10008x128xf32, #tpu.memory_space<hbm>>
      tpu.wait_indirect_dma semaphore(%arg10 : memref<!tpu.dma_semaphore, #tpu.memory_space<semaphore_mem>>) src(%dma_wait3A_101 : memref<10008x128xf32, #tpu.memory_space<hbm>>) dst(%dma_wait3A_97 : memref<128x128xf32, #tpu.memory_space<vmem>>)
      %mul3A_102 = arith.constant 128 : i32
      %mul3A_103 = arith.muli %add3A_89, %mul3A_102 : i32
      %multiple_of3A_104 = tpu.assume_multiple %mul3A_103, 8 : i32
      %run_scoped3A = arith.constant 0 : i32
      "tpu.region"() ({
        %run_scoped3A_138 = tpu.sem_alloc : memref<!tpu.dma_semaphore, #tpu.memory_space<semaphore_mem>>
        %dma_start3A_139 = arith.constant 0 : i32
        %dma_start3A_140 = arith.constant 0 : i32
        %dma_start3A_141 = tpu.memref_slice %arg9[%run_scoped3A, %dma_start3A_139, %dma_start3A_140] : memref<2x128x128xf32, #tpu.memory_space<vmem>> -> memref<1x128x128xf32, #tpu.memory_space<vmem>>
        %dma_start3A_142 = tpu.memref_squeeze %dma_start3A_141 : memref<1x128x128xf32, #tpu.memory_space<vmem>> -> memref<128x128xf32, #tpu.memory_space<vmem>>
        %dma_start3A_143 = tpu.memref_slice %arg8[%multiple_of3A_104] : memref<5120xi32, #tpu.memory_space<vmem>> -> memref<128xi32, #tpu.memory_space<vmem>>
        %dma_start3A_144 = arith.constant 0 : i32
        %dma_start3A_145 = arith.constant 0 : i32
        %dma_start3A_146 = tpu.memref_slice %arg6[%dma_start3A_144, %dma_start3A_145] : memref<10000x128xf32, #tpu.memory_space<vmem_shared>> -> memref<10000x128xf32, #tpu.memory_space<vmem_shared>>
        tpu.enqueue_indirect_dma source(%dma_start3A_142 : memref<128x128xf32, #tpu.memory_space<vmem>>) target(%dma_start3A_146 : memref<10000x128xf32, #tpu.memory_space<vmem_shared>>) offsets(%dma_start3A_143 : memref<128xi32, #tpu.memory_space<vmem>>) semaphore(%run_scoped3A_138 : memref<!tpu.dma_semaphore, #tpu.memory_space<semaphore_mem>>) {add = true}
        %dma_wait3A_147 = arith.constant 0 : i32
        %dma_wait3A_148 = arith.constant 0 : i32
        %dma_wait3A_149 = tpu.memref_slice %arg9[%run_scoped3A, %dma_wait3A_147, %dma_wait3A_148] : memref<2x128x128xf32, #tpu.memory_space<vmem>> -> memref<1x128x128xf32, #tpu.memory_space<vmem>>
        %dma_wait3A_150 = tpu.memref_squeeze %dma_wait3A_149 : memref<1x128x128xf32, #tpu.memory_space<vmem>> -> memref<128x128xf32, #tpu.memory_space<vmem>>
        %dma_wait3A_151 = tpu.memref_slice %arg8[%multiple_of3A_104] : memref<5120xi32, #tpu.memory_space<vmem>> -> memref<128xi32, #tpu.memory_space<vmem>>
        %dma_wait3A_152 = arith.constant 0 : i32
        %dma_wait3A_153 = arith.constant 0 : i32
        %dma_wait3A_154 = tpu.memref_slice %arg6[%dma_wait3A_152, %dma_wait3A_153] : memref<10000x128xf32, #tpu.memory_space<vmem_shared>> -> memref<10000x128xf32, #tpu.memory_space<vmem_shared>>
        tpu.wait_indirect_dma semaphore(%run_scoped3A_138 : memref<!tpu.dma_semaphore, #tpu.memory_space<semaphore_mem>>) src(%dma_wait3A_150 : memref<128x128xf32, #tpu.memory_space<vmem>>) dst(%dma_wait3A_154 : memref<10000x128xf32, #tpu.memory_space<vmem_shared>>)
        tpu.yield
      }) : () -> ()
      %add3A_105 = arith.constant 2 : i32
      %add3A_106 = arith.addi %add3A_89, %add3A_105 : i32
      %lt3A = arith.constant 40 : i32
      %lt3A_107 = arith.cmpi slt, %add3A_106, %lt3A : i32
      %convert_element_type3A_108 = arith.extui %lt3A_107 : i1 to i32
      %cond3A_109 = arith.constant 0 : i32
      %cond3A_110 = arith.cmpi ne, %convert_element_type3A_108, %cond3A_109 : i32
      scf.if %cond3A_110 {
        %add3A_138 = arith.constant 2 : i32
        %add3A_139 = arith.addi %add3A_89, %add3A_138 : i32
        %mul3A_140 = arith.constant 128 : i32
        %mul3A_141 = arith.muli %add3A_139, %mul3A_140 : i32
        %multiple_of3A_142 = tpu.assume_multiple %mul3A_141, 8 : i32
        %dma_start3A_143 = arith.constant 0 : i32
        %dma_start3A_144 = arith.constant 0 : i32
        %dma_start3A_145 = arith.constant 0 : i32
        %dma_start3A_146 = tpu.memref_slice %arg9[%dma_start3A_143, %dma_start3A_144, %dma_start3A_145] : memref<2x128x128xf32, #tpu.memory_space<vmem>> -> memref<1x128x128xf32, #tpu.memory_space<vmem>>
        %dma_start3A_147 = tpu.memref_squeeze %dma_start3A_146 : memref<1x128x128xf32, #tpu.memory_space<vmem>> -> memref<128x128xf32, #tpu.memory_space<vmem>>
        %dma_start3A_148 = tpu.memref_slice %arg7[%multiple_of3A_142] : memref<5120xi32, #tpu.memory_space<vmem>> -> memref<128xi32, #tpu.memory_space<vmem>>
        %dma_start3A_149 = arith.constant 0 : i32
        %dma_start3A_150 = arith.constant 0 : i32
        %dma_start3A_151 = tpu.memref_slice %arg2[%dma_start3A_149, %dma_start3A_150] : memref<10008x128xf32, #tpu.memory_space<hbm>> -> memref<10008x128xf32, #tpu.memory_space<hbm>>
        tpu.enqueue_indirect_dma source(%dma_start3A_151 : memref<10008x128xf32, #tpu.memory_space<hbm>>) target(%dma_start3A_147 : memref<128x128xf32, #tpu.memory_space<vmem>>) offsets(%dma_start3A_148 : memref<128xi32, #tpu.memory_space<vmem>>) semaphore(%arg10 : memref<!tpu.dma_semaphore, #tpu.memory_space<semaphore_mem>>)
      } else {
      }
      %mul3A_111 = arith.constant 2 : i32
      %mul3A_112 = arith.muli %scan3A_85, %mul3A_111 : i32
      %add3A_113 = arith.constant 1 : i32
      %add3A_114 = arith.addi %mul3A_112, %add3A_113 : i32
      %mul3A_115 = arith.constant 128 : i32
      %mul3A_116 = arith.muli %add3A_114, %mul3A_115 : i32
      %multiple_of3A_117 = tpu.assume_multiple %mul3A_116, 8 : i32
      %dma_wait3A_118 = arith.constant 1 : i32
      %dma_wait3A_119 = arith.constant 0 : i32
      %dma_wait3A_120 = arith.constant 0 : i32
      %dma_wait3A_121 = tpu.memref_slice %arg9[%dma_wait3A_118, %dma_wait3A_119, %dma_wait3A_120] : memref<2x128x128xf32, #tpu.memory_space<vmem>> -> memref<1x128x128xf32, #tpu.memory_space<vmem>>
      %dma_wait3A_122 = tpu.memref_squeeze %dma_wait3A_121 : memref<1x128x128xf32, #tpu.memory_space<vmem>> -> memref<128x128xf32, #tpu.memory_space<vmem>>
      %dma_wait3A_123 = tpu.memref_slice %arg7[%multiple_of3A_117] : memref<5120xi32, #tpu.memory_space<vmem>> -> memref<128xi32, #tpu.memory_space<vmem>>
      %dma_wait3A_124 = arith.constant 0 : i32
      %dma_wait3A_125 = arith.constant 0 : i32
      %dma_wait3A_126 = tpu.memref_slice %arg2[%dma_wait3A_124, %dma_wait3A_125] : memref<10008x128xf32, #tpu.memory_space<hbm>> -> memref<10008x128xf32, #tpu.memory_space<hbm>>
      tpu.wait_indirect_dma semaphore(%arg11 : memref<!tpu.dma_semaphore, #tpu.memory_space<semaphore_mem>>) src(%dma_wait3A_126 : memref<10008x128xf32, #tpu.memory_space<hbm>>) dst(%dma_wait3A_122 : memref<128x128xf32, #tpu.memory_space<vmem>>)
      %mul3A_127 = arith.constant 128 : i32
      %mul3A_128 = arith.muli %add3A_114, %mul3A_127 : i32
      %multiple_of3A_129 = tpu.assume_multiple %mul3A_128, 8 : i32
      %run_scoped3A_130 = arith.constant 1 : i32
      "tpu.region"() ({
        %run_scoped3A_138 = tpu.sem_alloc : memref<!tpu.dma_semaphore, #tpu.memory_space<semaphore_mem>>
        %dma_start3A_139 = arith.constant 0 : i32
        %dma_start3A_140 = arith.constant 0 : i32
        %dma_start3A_141 = tpu.memref_slice %arg9[%run_scoped3A_130, %dma_start3A_139, %dma_start3A_140] : memref<2x128x128xf32, #tpu.memory_space<vmem>> -> memref<1x128x128xf32, #tpu.memory_space<vmem>>
        %dma_start3A_142 = tpu.memref_squeeze %dma_start3A_141 : memref<1x128x128xf32, #tpu.memory_space<vmem>> -> memref<128x128xf32, #tpu.memory_space<vmem>>
        %dma_start3A_143 = tpu.memref_slice %arg8[%multiple_of3A_129] : memref<5120xi32, #tpu.memory_space<vmem>> -> memref<128xi32, #tpu.memory_space<vmem>>
        %dma_start3A_144 = arith.constant 0 : i32
        %dma_start3A_145 = arith.constant 0 : i32
        %dma_start3A_146 = tpu.memref_slice %arg6[%dma_start3A_144, %dma_start3A_145] : memref<10000x128xf32, #tpu.memory_space<vmem_shared>> -> memref<10000x128xf32, #tpu.memory_space<vmem_shared>>
        tpu.enqueue_indirect_dma source(%dma_start3A_142 : memref<128x128xf32, #tpu.memory_space<vmem>>) target(%dma_start3A_146 : memref<10000x128xf32, #tpu.memory_space<vmem_shared>>) offsets(%dma_start3A_143 : memref<128xi32, #tpu.memory_space<vmem>>) semaphore(%run_scoped3A_138 : memref<!tpu.dma_semaphore, #tpu.memory_space<semaphore_mem>>) {add = true}
        %dma_wait3A_147 = arith.constant 0 : i32
        %dma_wait3A_148 = arith.constant 0 : i32
        %dma_wait3A_149 = tpu.memref_slice %arg9[%run_scoped3A_130, %dma_wait3A_147, %dma_wait3A_148] : memref<2x128x128xf32, #tpu.memory_space<vmem>> -> memref<1x128x128xf32, #tpu.memory_space<vmem>>
        %dma_wait3A_150 = tpu.memref_squeeze %dma_wait3A_149 : memref<1x128x128xf32, #tpu.memory_space<vmem>> -> memref<128x128xf32, #tpu.memory_space<vmem>>
        %dma_wait3A_151 = tpu.memref_slice %arg8[%multiple_of3A_129] : memref<5120xi32, #tpu.memory_space<vmem>> -> memref<128xi32, #tpu.memory_space<vmem>>
        %dma_wait3A_152 = arith.constant 0 : i32
        %dma_wait3A_153 = arith.constant 0 : i32
        %dma_wait3A_154 = tpu.memref_slice %arg6[%dma_wait3A_152, %dma_wait3A_153] : memref<10000x128xf32, #tpu.memory_space<vmem_shared>> -> memref<10000x128xf32, #tpu.memory_space<vmem_shared>>
        tpu.wait_indirect_dma semaphore(%run_scoped3A_138 : memref<!tpu.dma_semaphore, #tpu.memory_space<semaphore_mem>>) src(%dma_wait3A_150 : memref<128x128xf32, #tpu.memory_space<vmem>>) dst(%dma_wait3A_154 : memref<10000x128xf32, #tpu.memory_space<vmem_shared>>)
        tpu.yield
      }) : () -> ()
      %add3A_131 = arith.constant 2 : i32
      %add3A_132 = arith.addi %add3A_114, %add3A_131 : i32
      %lt3A_133 = arith.constant 40 : i32
      %lt3A_134 = arith.cmpi slt, %add3A_132, %lt3A_133 : i32
      %convert_element_type3A_135 = arith.extui %lt3A_134 : i1 to i32
      %cond3A_136 = arith.constant 0 : i32
      %cond3A_137 = arith.cmpi ne, %convert_element_type3A_135, %cond3A_136 : i32
      scf.if %cond3A_137 {
        %add3A_138 = arith.constant 2 : i32
        %add3A_139 = arith.addi %add3A_114, %add3A_138 : i32
        %mul3A_140 = arith.constant 128 : i32
        %mul3A_141 = arith.muli %add3A_139, %mul3A_140 : i32
        %multiple_of3A_142 = tpu.assume_multiple %mul3A_141, 8 : i32
        %dma_start3A_143 = arith.constant 1 : i32
        %dma_start3A_144 = arith.constant 0 : i32
        %dma_start3A_145 = arith.constant 0 : i32
        %dma_start3A_146 = tpu.memref_slice %arg9[%dma_start3A_143, %dma_start3A_144, %dma_start3A_145] : memref<2x128x128xf32, #tpu.memory_space<vmem>> -> memref<1x128x128xf32, #tpu.memory_space<vmem>>
        %dma_start3A_147 = tpu.memref_squeeze %dma_start3A_146 : memref<1x128x128xf32, #tpu.memory_space<vmem>> -> memref<128x128xf32, #tpu.memory_space<vmem>>
        %dma_start3A_148 = tpu.memref_slice %arg7[%multiple_of3A_142] : memref<5120xi32, #tpu.memory_space<vmem>> -> memref<128xi32, #tpu.memory_space<vmem>>
        %dma_start3A_149 = arith.constant 0 : i32
        %dma_start3A_150 = arith.constant 0 : i32
        %dma_start3A_151 = tpu.memref_slice %arg2[%dma_start3A_149, %dma_start3A_150] : memref<10008x128xf32, #tpu.memory_space<hbm>> -> memref<10008x128xf32, #tpu.memory_space<hbm>>
        tpu.enqueue_indirect_dma source(%dma_start3A_151 : memref<10008x128xf32, #tpu.memory_space<hbm>>) target(%dma_start3A_147 : memref<128x128xf32, #tpu.memory_space<vmem>>) offsets(%dma_start3A_148 : memref<128xi32, #tpu.memory_space<vmem>>) semaphore(%arg11 : memref<!tpu.dma_semaphore, #tpu.memory_space<semaphore_mem>>)
      } else {
      }
    }
    %scan3A_78 = arith.constant 20 : i32
    %barrier3A_79 = arith.constant 0 : index
    tpu.barrier barrier_id(%barrier3A_79)
    "tpu.region"() ({
      %run_scoped3A = tpu.sem_alloc : memref<!tpu.dma_semaphore, #tpu.memory_space<semaphore_mem>>
      %dma_start3A_85 = arith.constant 0 : i32
      %dma_start3A_86 = tpu.memref_slice %arg5[%arg0, %multiple_of3A, %dma_start3A_85] : memref<2x10000x128xf32, #tpu.memory_space<hbm>> -> memref<1x624x128xf32, #tpu.memory_space<hbm>>
      %dma_start3A_87 = tpu.memref_squeeze %dma_start3A_86 : memref<1x624x128xf32, #tpu.memory_space<hbm>> -> memref<624x128xf32, #tpu.memory_space<hbm>>
      %dma_start3A_88 = arith.constant 0 : i32
      %dma_start3A_89 = tpu.memref_slice %arg6[%multiple_of3A, %dma_start3A_88] : memref<10000x128xf32, #tpu.memory_space<vmem_shared>> -> memref<624x128xf32, #tpu.memory_space<vmem_shared>>
      tpu.enqueue_dma source(%dma_start3A_89 : memref<624x128xf32, #tpu.memory_space<vmem_shared>>) target(%dma_start3A_87 : memref<624x128xf32, #tpu.memory_space<hbm>>) target_semaphore(%run_scoped3A : memref<!tpu.dma_semaphore, #tpu.memory_space<semaphore_mem>>)
      %dma_wait3A_90 = arith.constant 0 : i32
      %dma_wait3A_91 = tpu.memref_slice %arg5[%arg0, %multiple_of3A, %dma_wait3A_90] : memref<2x10000x128xf32, #tpu.memory_space<hbm>> -> memref<1x624x128xf32, #tpu.memory_space<hbm>>
      %dma_wait3A_92 = tpu.memref_squeeze %dma_wait3A_91 : memref<1x624x128xf32, #tpu.memory_space<hbm>> -> memref<624x128xf32, #tpu.memory_space<hbm>>
      %dma_wait3A_93 = arith.constant 0 : i32
      %dma_wait3A_94 = tpu.memref_slice %arg6[%multiple_of3A, %dma_wait3A_93] : memref<10000x128xf32, #tpu.memory_space<vmem_shared>> -> memref<624x128xf32, #tpu.memory_space<vmem_shared>>
      tpu.wait_dma2 semaphore(%run_scoped3A : memref<!tpu.dma_semaphore, #tpu.memory_space<semaphore_mem>>) src(%dma_wait3A_94 : memref<624x128xf32, #tpu.memory_space<vmem_shared>>) dst(%dma_wait3A_92 : memref<624x128xf32, #tpu.memory_space<hbm>>)
      tpu.yield
    }) : () -> ()
    %eq3A_80 = arith.constant 15 : i32
    %eq3A_81 = arith.cmpi eq, %arg1, %eq3A_80 : i32
    %convert_element_type3A_82 = arith.extui %eq3A_81 : i1 to i32
    %cond3A_83 = arith.constant 0 : i32
    %cond3A_84 = arith.cmpi ne, %convert_element_type3A_82, %cond3A_83 : i32
    scf.if %cond3A_84 {
      "tpu.region"() ({
        %run_scoped3A = tpu.sem_alloc : memref<!tpu.dma_semaphore, #tpu.memory_space<semaphore_mem>>
        %dma_start3A_85 = arith.constant 9984 : i32
        %dma_start3A_86 = arith.constant 0 : i32
        %dma_start3A_87 = tpu.memref_slice %arg5[%arg0, %dma_start3A_85, %dma_start3A_86] : memref<2x10000x128xf32, #tpu.memory_space<hbm>> -> memref<1x16x128xf32, #tpu.memory_space<hbm>>
        %dma_start3A_88 = tpu.memref_squeeze %dma_start3A_87 : memref<1x16x128xf32, #tpu.memory_space<hbm>> -> memref<16x128xf32, #tpu.memory_space<hbm>>
        %dma_start3A_89 = arith.constant 9984 : i32
        %dma_start3A_90 = arith.constant 0 : i32
        %dma_start3A_91 = tpu.memref_slice %arg6[%dma_start3A_89, %dma_start3A_90] : memref<10000x128xf32, #tpu.memory_space<vmem_shared>> -> memref<16x128xf32, #tpu.memory_space<vmem_shared>>
        tpu.enqueue_dma source(%dma_start3A_91 : memref<16x128xf32, #tpu.memory_space<vmem_shared>>) target(%dma_start3A_88 : memref<16x128xf32, #tpu.memory_space<hbm>>) target_semaphore(%run_scoped3A : memref<!tpu.dma_semaphore, #tpu.memory_space<semaphore_mem>>)
        %dma_wait3A_92 = arith.constant 9984 : i32
        %dma_wait3A_93 = arith.constant 0 : i32
        %dma_wait3A_94 = tpu.memref_slice %arg5[%arg0, %dma_wait3A_92, %dma_wait3A_93] : memref<2x10000x128xf32, #tpu.memory_space<hbm>> -> memref<1x16x128xf32, #tpu.memory_space<hbm>>
        %dma_wait3A_95 = tpu.memref_squeeze %dma_wait3A_94 : memref<1x16x128xf32, #tpu.memory_space<hbm>> -> memref<16x128xf32, #tpu.memory_space<hbm>>
        %dma_wait3A_96 = arith.constant 9984 : i32
        %dma_wait3A_97 = arith.constant 0 : i32
        %dma_wait3A_98 = tpu.memref_slice %arg6[%dma_wait3A_96, %dma_wait3A_97] : memref<10000x128xf32, #tpu.memory_space<vmem_shared>> -> memref<16x128xf32, #tpu.memory_space<vmem_shared>>
        tpu.wait_dma2 semaphore(%run_scoped3A : memref<!tpu.dma_semaphore, #tpu.memory_space<semaphore_mem>>) src(%dma_wait3A_98 : memref<16x128xf32, #tpu.memory_space<vmem_shared>>) dst(%dma_wait3A_95 : memref<16x128xf32, #tpu.memory_space<hbm>>)
        tpu.yield
      }) : () -> ()
    } else {
    }
    return
  }
}

#map = affine_map<(d0, d1) -> (0, 0)>
#map1 = affine_map<(d0, d1) -> (0)>
#map2 = affine_map<(d0, d1) -> (0, 0, 0)>
module attributes {stable_mosaic.version = 14 : i64} {
  func.func @scatter_kernel(%arg0: i32, %arg1: i32, %arg2: memref<10008x128xf32, #tpu.memory_space<hbm>>, %arg3: memref<327680xi32, #tpu.memory_space<hbm>>, %arg4: memref<327680xi32, #tpu.memory_space<hbm>>, %arg5: memref<2x10000x128xf32, #tpu.memory_space<hbm>>, %arg6: memref<10000x128xf32, #tpu.memory_space<vmem_shared>>, %arg7: memref<5120xi32, #tpu.memory_space<vmem>>, %arg8: memref<5120xi32, #tpu.memory_space<vmem>>, %arg9: memref<2x128x128xf32, #tpu.memory_space<vmem>>, %arg10: memref<!tpu.dma_semaphore, #tpu.memory_space<semaphore_mem>>, %arg11: memref<!tpu.dma_semaphore, #tpu.memory_space<semaphore_mem>>, %arg12: memref<!tpu.dma_semaphore, #tpu.memory_space<semaphore_mem>>) attributes {dimension_semantics = [#tpu.dimension_semantics<core_parallel>, #tpu.dimension_semantics<subcore_parallel>], iteration_bounds = array<i64: 2, 16>, scalar_prefetch = 0 : i64, scratch_operands = 7 : i64, tpu.core_type = #tpu.core_type<sc_vector_subcore>, window_params = [{transform_indices = #map}, {transform_indices = #map1}, {transform_indices = #map1}, {transform_indices = #map2}]} {
    %mul3A = arith.constant 2 : i32
    %mul3A_0 = arith.muli %arg1, %mul3A : i32
    %add3A = arith.addi %mul3A_0, %arg0 : i32
    %mul3A_1 = arith.constant 624 : i32
    %mul3A_2 = arith.muli %arg1, %mul3A_1 : i32
    %multiple_of3A = tpu.assume_multiple %mul3A_2, 8 : i32
    %dma_start3A = arith.constant 0 : i32
    %dma_start3A_3 = tpu.memref_slice %arg6[%multiple_of3A, %dma_start3A] : memref<10000x128xf32, #tpu.memory_space<vmem_shared>> -> memref<624x128xf32, #tpu.memory_space<vmem_shared>>
    %dma_start3A_4 = arith.constant 0 : i32
    %dma_start3A_5 = tpu.memref_slice %arg2[%multiple_of3A, %dma_start3A_4] : memref<10008x128xf32, #tpu.memory_space<hbm>> -> memref<624x128xf32, #tpu.memory_space<hbm>>
    tpu.enqueue_dma source(%dma_start3A_5 : memref<624x128xf32, #tpu.memory_space<hbm>>) target(%dma_start3A_3 : memref<624x128xf32, #tpu.memory_space<vmem_shared>>) target_semaphore(%arg12 : memref<!tpu.dma_semaphore, #tpu.memory_space<semaphore_mem>>)
    %eq3A = arith.constant 15 : i32
    %eq3A_6 = arith.cmpi eq, %arg1, %eq3A : i32
    %convert_element_type3A = arith.extui %eq3A_6 : i1 to i32
    %cond3A = arith.constant 0 : i32
    %cond3A_7 = arith.cmpi ne, %convert_element_type3A, %cond3A : i32
    scf.if %cond3A_7 {
      %dma_start3A_85 = arith.constant 9984 : i32
      %dma_start3A_86 = arith.constant 0 : i32
      %dma_start3A_87 = tpu.memref_slice %arg6[%dma_start3A_85, %dma_start3A_86] : memref<10000x128xf32, #tpu.memory_space<vmem_shared>> -> memref<16x128xf32, #tpu.memory_space<vmem_shared>>
      %dma_start3A_88 = arith.constant 9984 : i32
      %dma_start3A_89 = arith.constant 0 : i32
      %dma_start3A_90 = tpu.memref_slice %arg2[%dma_start3A_88, %dma_start3A_89] : memref<10008x128xf32, #tpu.memory_space<hbm>> -> memref<16x128xf32, #tpu.memory_space<hbm>>
      tpu.enqueue_dma source(%dma_start3A_90 : memref<16x128xf32, #tpu.memory_space<hbm>>) target(%dma_start3A_87 : memref<16x128xf32, #tpu.memory_space<vmem_shared>>) target_semaphore(%arg12 : memref<!tpu.dma_semaphore, #tpu.memory_space<semaphore_mem>>)
    } else {
    }
    %mul3A_8 = arith.constant 10240 : i32
    %mul3A_9 = arith.muli %add3A, %mul3A_8 : i32
    %add3A_10 = arith.constant 0 : i32
    %add3A_11 = arith.addi %mul3A_9, %add3A_10 : i32
    %multiple_of3A_12 = tpu.assume_multiple %add3A_11, 8 : i32
    "tpu.region"() ({
      %run_scoped3A = tpu.sem_alloc : memref<!tpu.dma_semaphore, #tpu.memory_space<semaphore_mem>>
      %dma_start3A_85 = tpu.memref_slice %arg3[%multiple_of3A_12] : memref<327680xi32, #tpu.memory_space<hbm>> -> memref<5120xi32, #tpu.memory_space<hbm>>
      %dma_start3A_86 = tpu.memref_slice %arg3[%multiple_of3A_12] : memref<327680xi32, #tpu.memory_space<hbm>> -> memref<5120xi32, #tpu.memory_space<hbm>>
      tpu.enqueue_dma source(%dma_start3A_86 : memref<5120xi32, #tpu.memory_space<hbm>>) target(%arg7 : memref<5120xi32, #tpu.memory_space<vmem>>) target_semaphore(%run_scoped3A : memref<!tpu.dma_semaphore, #tpu.memory_space<semaphore_mem>>)
      %dma_wait3A_87 = tpu.memref_slice %arg3[%multiple_of3A_12] : memref<327680xi32, #tpu.memory_space<hbm>> -> memref<5120xi32, #tpu.memory_space<hbm>>
      %dma_wait3A_88 = tpu.memref_slice %arg3[%multiple_of3A_12] : memref<327680xi32, #tpu.memory_space<hbm>> -> memref<5120xi32, #tpu.memory_space<hbm>>
      tpu.wait_dma2 semaphore(%run_scoped3A : memref<!tpu.dma_semaphore, #tpu.memory_space<semaphore_mem>>) src(%dma_wait3A_88 : memref<5120xi32, #tpu.memory_space<hbm>>) dst(%arg7 : memref<5120xi32, #tpu.memory_space<vmem>>)
      tpu.yield
    }) : () -> ()
    "tpu.region"() ({
      %run_scoped3A = tpu.sem_alloc : memref<!tpu.dma_semaphore, #tpu.memory_space<semaphore_mem>>
      %dma_start3A_85 = tpu.memref_slice %arg4[%multiple_of3A_12] : memref<327680xi32, #tpu.memory_space<hbm>> -> memref<5120xi32, #tpu.memory_space<hbm>>
      %dma_start3A_86 = tpu.memref_slice %arg4[%multiple_of3A_12] : memref<327680xi32, #tpu.memory_space<hbm>> -> memref<5120xi32, #tpu.memory_space<hbm>>
      tpu.enqueue_dma source(%dma_start3A_86 : memref<5120xi32, #tpu.memory_space<hbm>>) target(%arg8 : memref<5120xi32, #tpu.memory_space<vmem>>) target_semaphore(%run_scoped3A : memref<!tpu.dma_semaphore, #tpu.memory_space<semaphore_mem>>)
      %dma_wait3A_87 = tpu.memref_slice %arg4[%multiple_of3A_12] : memref<327680xi32, #tpu.memory_space<hbm>> -> memref<5120xi32, #tpu.memory_space<hbm>>
      %dma_wait3A_88 = tpu.memref_slice %arg4[%multiple_of3A_12] : memref<327680xi32, #tpu.memory_space<hbm>> -> memref<5120xi32, #tpu.memory_space<hbm>>
      tpu.wait_dma2 semaphore(%run_scoped3A : memref<!tpu.dma_semaphore, #tpu.memory_space<semaphore_mem>>) src(%dma_wait3A_88 : memref<5120xi32, #tpu.memory_space<hbm>>) dst(%arg8 : memref<5120xi32, #tpu.memory_space<vmem>>)
      tpu.yield
    }) : () -> ()
    %multiple_of3A_13 = arith.constant 0 : i32
    %multiple_of3A_14 = tpu.assume_multiple %multiple_of3A_13, 8 : i32
    %dma_start3A_15 = arith.constant 0 : i32
    %dma_start3A_16 = arith.constant 0 : i32
    %dma_start3A_17 = arith.constant 0 : i32
    %dma_start3A_18 = tpu.memref_slice %arg9[%dma_start3A_15, %dma_start3A_16, %dma_start3A_17] : memref<2x128x128xf32, #tpu.memory_space<vmem>> -> memref<1x128x128xf32, #tpu.memory_space<vmem>>
    %dma_start3A_19 = tpu.memref_squeeze %dma_start3A_18 : memref<1x128x128xf32, #tpu.memory_space<vmem>> -> memref<128x128xf32, #tpu.memory_space<vmem>>
    %dma_start3A_20 = tpu.memref_slice %arg7[%multiple_of3A_14] : memref<5120xi32, #tpu.memory_space<vmem>> -> memref<128xi32, #tpu.memory_space<vmem>>
    %dma_start3A_21 = arith.constant 0 : i32
    %dma_start3A_22 = arith.constant 0 : i32
    %dma_start3A_23 = tpu.memref_slice %arg2[%dma_start3A_21, %dma_start3A_22] : memref<10008x128xf32, #tpu.memory_space<hbm>> -> memref<10008x128xf32, #tpu.memory_space<hbm>>
    tpu.enqueue_indirect_dma source(%dma_start3A_23 : memref<10008x128xf32, #tpu.memory_space<hbm>>) target(%dma_start3A_19 : memref<128x128xf32, #tpu.memory_space<vmem>>) offsets(%dma_start3A_20 : memref<128xi32, #tpu.memory_space<vmem>>) semaphore(%arg10 : memref<!tpu.dma_semaphore, #tpu.memory_space<semaphore_mem>>)
    %multiple_of3A_24 = arith.constant 128 : i32
    %multiple_of3A_25 = tpu.assume_multiple %multiple_of3A_24, 8 : i32
    %dma_start3A_26 = arith.constant 1 : i32
    %dma_start3A_27 = arith.constant 0 : i32
    %dma_start3A_28 = arith.constant 0 : i32
    %dma_start3A_29 = tpu.memref_slice %arg9[%dma_start3A_26, %dma_start3A_27, %dma_start3A_28] : memref<2x128x128xf32, #tpu.memory_space<vmem>> -> memref<1x128x128xf32, #tpu.memory_space<vmem>>
    %dma_start3A_30 = tpu.memref_squeeze %dma_start3A_29 : memref<1x128x128xf32, #tpu.memory_space<vmem>> -> memref<128x128xf32, #tpu.memory_space<vmem>>
    %dma_start3A_31 = tpu.memref_slice %arg7[%multiple_of3A_25] : memref<5120xi32, #tpu.memory_space<vmem>> -> memref<128xi32, #tpu.memory_space<vmem>>
    %dma_start3A_32 = arith.constant 0 : i32
    %dma_start3A_33 = arith.constant 0 : i32
    %dma_start3A_34 = tpu.memref_slice %arg2[%dma_start3A_32, %dma_start3A_33] : memref<10008x128xf32, #tpu.memory_space<hbm>> -> memref<10008x128xf32, #tpu.memory_space<hbm>>
    tpu.enqueue_indirect_dma source(%dma_start3A_34 : memref<10008x128xf32, #tpu.memory_space<hbm>>) target(%dma_start3A_30 : memref<128x128xf32, #tpu.memory_space<vmem>>) offsets(%dma_start3A_31 : memref<128xi32, #tpu.memory_space<vmem>>) semaphore(%arg11 : memref<!tpu.dma_semaphore, #tpu.memory_space<semaphore_mem>>)
    %dma_wait3A = arith.constant 0 : i32
    %dma_wait3A_35 = tpu.memref_slice %arg6[%multiple_of3A, %dma_wait3A] : memref<10000x128xf32, #tpu.memory_space<vmem_shared>> -> memref<624x128xf32, #tpu.memory_space<vmem_shared>>
    %dma_wait3A_36 = arith.constant 0 : i32
    %dma_wait3A_37 = tpu.memref_slice %arg2[%multiple_of3A, %dma_wait3A_36] : memref<10008x128xf32, #tpu.memory_space<hbm>> -> memref<624x128xf32, #tpu.memory_space<hbm>>
    tpu.wait_dma2 semaphore(%arg12 : memref<!tpu.dma_semaphore, #tpu.memory_space<semaphore_mem>>) src(%dma_wait3A_37 : memref<624x128xf32, #tpu.memory_space<hbm>>) dst(%dma_wait3A_35 : memref<624x128xf32, #tpu.memory_space<vmem_shared>>)
    %eq3A_38 = arith.constant 15 : i32
    %eq3A_39 = arith.cmpi eq, %arg1, %eq3A_38 : i32
    %convert_element_type3A_40 = arith.extui %eq3A_39 : i1 to i32
    %cond3A_41 = arith.constant 0 : i32
    %cond3A_42 = arith.cmpi ne, %convert_element_type3A_40, %cond3A_41 : i32
    scf.if %cond3A_42 {
      %dma_wait3A_85 = arith.constant 9984 : i32
      %dma_wait3A_86 = arith.constant 0 : i32
      %dma_wait3A_87 = tpu.memref_slice %arg6[%dma_wait3A_85, %dma_wait3A_86] : memref<10000x128xf32, #tpu.memory_space<vmem_shared>> -> memref<16x128xf32, #tpu.memory_space<vmem_shared>>
      %dma_wait3A_88 = arith.constant 9984 : i32
      %dma_wait3A_89 = arith.constant 0 : i32
      %dma_wait3A_90 = tpu.memref_slice %arg2[%dma_wait3A_88, %dma_wait3A_89] : memref<10008x128xf32, #tpu.memory_space<hbm>> -> memref<16x128xf32, #tpu.memory_space<hbm>>
      tpu.wait_dma2 semaphore(%arg12 : memref<!tpu.dma_semaphore, #tpu.memory_space<semaphore_mem>>) src(%dma_wait3A_90 : memref<16x128xf32, #tpu.memory_space<hbm>>) dst(%dma_wait3A_87 : memref<16x128xf32, #tpu.memory_space<vmem_shared>>)
    } else {
    }
    %barrier3A = arith.constant 0 : index
    tpu.barrier barrier_id(%barrier3A)
    %scan3A = arith.constant 0 : i32
    %scan3A_43 = arith.constant 0 : i32
    %scan3A_44 = arith.constant 20 : i32
    %scan3A_45 = arith.addi %scan3A_43, %scan3A_44 : i32
    %scan3A_46 = arith.constant 1 : i32
    scf.for %scan3A_85 = %scan3A_43 to %scan3A_45 step %scan3A_46  : i32 {
      %mul3A_86 = arith.constant 2 : i32
      %mul3A_87 = arith.muli %scan3A_85, %mul3A_86 : i32
      %add3A_88 = arith.constant 0 : i32
      %add3A_89 = arith.addi %mul3A_87, %add3A_88 : i32
      %mul3A_90 = arith.constant 128 : i32
      %mul3A_91 = arith.muli %add3A_89, %mul3A_90 : i32
      %multiple_of3A_92 = tpu.assume_multiple %mul3A_91, 8 : i32
      %dma_wait3A_93 = arith.constant 0 : i32
      %dma_wait3A_94 = arith.constant 0 : i32
      %dma_wait3A_95 = arith.constant 0 : i32
      %dma_wait3A_96 = tpu.memref_slice %arg9[%dma_wait3A_93, %dma_wait3A_94, %dma_wait3A_95] : memref<2x128x128xf32, #tpu.memory_space<vmem>> -> memref<1x128x128xf32, #tpu.memory_space<vmem>>
      %dma_wait3A_97 = tpu.memref_squeeze %dma_wait3A_96 : memref<1x128x128xf32, #tpu.memory_space<vmem>> -> memref<128x128xf32, #tpu.memory_space<vmem>>
      %dma_wait3A_98 = tpu.memref_slice %arg7[%multiple_of3A_92] : memref<5120xi32, #tpu.memory_space<vmem>> -> memref<128xi32, #tpu.memory_space<vmem>>
      %dma_wait3A_99 = arith.constant 0 : i32
      %dma_wait3A_100 = arith.constant 0 : i32
      %dma_wait3A_101 = tpu.memref_slice %arg2[%dma_wait3A_99, %dma_wait3A_100] : memref<10008x128xf32, #tpu.memory_space<hbm>> -> memref<10008x128xf32, #tpu.memory_space<hbm>>
      tpu.wait_indirect_dma semaphore(%arg10 : memref<!tpu.dma_semaphore, #tpu.memory_space<semaphore_mem>>) src(%dma_wait3A_101 : memref<10008x128xf32, #tpu.memory_space<hbm>>) dst(%dma_wait3A_97 : memref<128x128xf32, #tpu.memory_space<vmem>>)
      %mul3A_102 = arith.constant 128 : i32
      %mul3A_103 = arith.muli %add3A_89, %mul3A_102 : i32
      %multiple_of3A_104 = tpu.assume_multiple %mul3A_103, 8 : i32
      %run_scoped3A = arith.constant 0 : i32
      "tpu.region"() ({
        %run_scoped3A_138 = tpu.sem_alloc : memref<!tpu.dma_semaphore, #tpu.memory_space<semaphore_mem>>
        %dma_start3A_139 = arith.constant 0 : i32
        %dma_start3A_140 = arith.constant 0 : i32
        %dma_start3A_141 = tpu.memref_slice %arg9[%run_scoped3A, %dma_start3A_139, %dma_start3A_140] : memref<2x128x128xf32, #tpu.memory_space<vmem>> -> memref<1x128x128xf32, #tpu.memory_space<vmem>>
        %dma_start3A_142 = tpu.memref_squeeze %dma_start3A_141 : memref<1x128x128xf32, #tpu.memory_space<vmem>> -> memref<128x128xf32, #tpu.memory_space<vmem>>
        %dma_start3A_143 = tpu.memref_slice %arg8[%multiple_of3A_104] : memref<5120xi32, #tpu.memory_space<vmem>> -> memref<128xi32, #tpu.memory_space<vmem>>
        %dma_start3A_144 = arith.constant 0 : i32
        %dma_start3A_145 = arith.constant 0 : i32
        %dma_start3A_146 = tpu.memref_slice %arg6[%dma_start3A_144, %dma_start3A_145] : memref<10000x128xf32, #tpu.memory_space<vmem_shared>> -> memref<10000x128xf32, #tpu.memory_space<vmem_shared>>
        tpu.enqueue_indirect_dma source(%dma_start3A_142 : memref<128x128xf32, #tpu.memory_space<vmem>>) target(%dma_start3A_146 : memref<10000x128xf32, #tpu.memory_space<vmem_shared>>) offsets(%dma_start3A_143 : memref<128xi32, #tpu.memory_space<vmem>>) semaphore(%run_scoped3A_138 : memref<!tpu.dma_semaphore, #tpu.memory_space<semaphore_mem>>) {add = true}
        %dma_wait3A_147 = arith.constant 0 : i32
        %dma_wait3A_148 = arith.constant 0 : i32
        %dma_wait3A_149 = tpu.memref_slice %arg9[%run_scoped3A, %dma_wait3A_147, %dma_wait3A_148] : memref<2x128x128xf32, #tpu.memory_space<vmem>> -> memref<1x128x128xf32, #tpu.memory_space<vmem>>
        %dma_wait3A_150 = tpu.memref_squeeze %dma_wait3A_149 : memref<1x128x128xf32, #tpu.memory_space<vmem>> -> memref<128x128xf32, #tpu.memory_space<vmem>>
        %dma_wait3A_151 = tpu.memref_slice %arg8[%multiple_of3A_104] : memref<5120xi32, #tpu.memory_space<vmem>> -> memref<128xi32, #tpu.memory_space<vmem>>
        %dma_wait3A_152 = arith.constant 0 : i32
        %dma_wait3A_153 = arith.constant 0 : i32
        %dma_wait3A_154 = tpu.memref_slice %arg6[%dma_wait3A_152, %dma_wait3A_153] : memref<10000x128xf32, #tpu.memory_space<vmem_shared>> -> memref<10000x128xf32, #tpu.memory_space<vmem_shared>>
        tpu.wait_indirect_dma semaphore(%run_scoped3A_138 : memref<!tpu.dma_semaphore, #tpu.memory_space<semaphore_mem>>) src(%dma_wait3A_150 : memref<128x128xf32, #tpu.memory_space<vmem>>) dst(%dma_wait3A_154 : memref<10000x128xf32, #tpu.memory_space<vmem_shared>>)
        tpu.yield
      }) : () -> ()
      %add3A_105 = arith.constant 2 : i32
      %add3A_106 = arith.addi %add3A_89, %add3A_105 : i32
      %lt3A = arith.constant 40 : i32
      %lt3A_107 = arith.cmpi slt, %add3A_106, %lt3A : i32
      %convert_element_type3A_108 = arith.extui %lt3A_107 : i1 to i32
      %cond3A_109 = arith.constant 0 : i32
      %cond3A_110 = arith.cmpi ne, %convert_element_type3A_108, %cond3A_109 : i32
      scf.if %cond3A_110 {
        %add3A_138 = arith.constant 2 : i32
        %add3A_139 = arith.addi %add3A_89, %add3A_138 : i32
        %mul3A_140 = arith.constant 128 : i32
        %mul3A_141 = arith.muli %add3A_139, %mul3A_140 : i32
        %multiple_of3A_142 = tpu.assume_multiple %mul3A_141, 8 : i32
        %dma_start3A_143 = arith.constant 0 : i32
        %dma_start3A_144 = arith.constant 0 : i32
        %dma_start3A_145 = arith.constant 0 : i32
        %dma_start3A_146 = tpu.memref_slice %arg9[%dma_start3A_143, %dma_start3A_144, %dma_start3A_145] : memref<2x128x128xf32, #tpu.memory_space<vmem>> -> memref<1x128x128xf32, #tpu.memory_space<vmem>>
        %dma_start3A_147 = tpu.memref_squeeze %dma_start3A_146 : memref<1x128x128xf32, #tpu.memory_space<vmem>> -> memref<128x128xf32, #tpu.memory_space<vmem>>
        %dma_start3A_148 = tpu.memref_slice %arg7[%multiple_of3A_142] : memref<5120xi32, #tpu.memory_space<vmem>> -> memref<128xi32, #tpu.memory_space<vmem>>
        %dma_start3A_149 = arith.constant 0 : i32
        %dma_start3A_150 = arith.constant 0 : i32
        %dma_start3A_151 = tpu.memref_slice %arg2[%dma_start3A_149, %dma_start3A_150] : memref<10008x128xf32, #tpu.memory_space<hbm>> -> memref<10008x128xf32, #tpu.memory_space<hbm>>
        tpu.enqueue_indirect_dma source(%dma_start3A_151 : memref<10008x128xf32, #tpu.memory_space<hbm>>) target(%dma_start3A_147 : memref<128x128xf32, #tpu.memory_space<vmem>>) offsets(%dma_start3A_148 : memref<128xi32, #tpu.memory_space<vmem>>) semaphore(%arg10 : memref<!tpu.dma_semaphore, #tpu.memory_space<semaphore_mem>>)
      } else {
      }
      %mul3A_111 = arith.constant 2 : i32
      %mul3A_112 = arith.muli %scan3A_85, %mul3A_111 : i32
      %add3A_113 = arith.constant 1 : i32
      %add3A_114 = arith.addi %mul3A_112, %add3A_113 : i32
      %mul3A_115 = arith.constant 128 : i32
      %mul3A_116 = arith.muli %add3A_114, %mul3A_115 : i32
      %multiple_of3A_117 = tpu.assume_multiple %mul3A_116, 8 : i32
      %dma_wait3A_118 = arith.constant 1 : i32
      %dma_wait3A_119 = arith.constant 0 : i32
      %dma_wait3A_120 = arith.constant 0 : i32
      %dma_wait3A_121 = tpu.memref_slice %arg9[%dma_wait3A_118, %dma_wait3A_119, %dma_wait3A_120] : memref<2x128x128xf32, #tpu.memory_space<vmem>> -> memref<1x128x128xf32, #tpu.memory_space<vmem>>
      %dma_wait3A_122 = tpu.memref_squeeze %dma_wait3A_121 : memref<1x128x128xf32, #tpu.memory_space<vmem>> -> memref<128x128xf32, #tpu.memory_space<vmem>>
      %dma_wait3A_123 = tpu.memref_slice %arg7[%multiple_of3A_117] : memref<5120xi32, #tpu.memory_space<vmem>> -> memref<128xi32, #tpu.memory_space<vmem>>
      %dma_wait3A_124 = arith.constant 0 : i32
      %dma_wait3A_125 = arith.constant 0 : i32
      %dma_wait3A_126 = tpu.memref_slice %arg2[%dma_wait3A_124, %dma_wait3A_125] : memref<10008x128xf32, #tpu.memory_space<hbm>> -> memref<10008x128xf32, #tpu.memory_space<hbm>>
      tpu.wait_indirect_dma semaphore(%arg11 : memref<!tpu.dma_semaphore, #tpu.memory_space<semaphore_mem>>) src(%dma_wait3A_126 : memref<10008x128xf32, #tpu.memory_space<hbm>>) dst(%dma_wait3A_122 : memref<128x128xf32, #tpu.memory_space<vmem>>)
      %mul3A_127 = arith.constant 128 : i32
      %mul3A_128 = arith.muli %add3A_114, %mul3A_127 : i32
      %multiple_of3A_129 = tpu.assume_multiple %mul3A_128, 8 : i32
      %run_scoped3A_130 = arith.constant 1 : i32
      "tpu.region"() ({
        %run_scoped3A_138 = tpu.sem_alloc : memref<!tpu.dma_semaphore, #tpu.memory_space<semaphore_mem>>
        %dma_start3A_139 = arith.constant 0 : i32
        %dma_start3A_140 = arith.constant 0 : i32
        %dma_start3A_141 = tpu.memref_slice %arg9[%run_scoped3A_130, %dma_start3A_139, %dma_start3A_140] : memref<2x128x128xf32, #tpu.memory_space<vmem>> -> memref<1x128x128xf32, #tpu.memory_space<vmem>>
        %dma_start3A_142 = tpu.memref_squeeze %dma_start3A_141 : memref<1x128x128xf32, #tpu.memory_space<vmem>> -> memref<128x128xf32, #tpu.memory_space<vmem>>
        %dma_start3A_143 = tpu.memref_slice %arg8[%multiple_of3A_129] : memref<5120xi32, #tpu.memory_space<vmem>> -> memref<128xi32, #tpu.memory_space<vmem>>
        %dma_start3A_144 = arith.constant 0 : i32
        %dma_start3A_145 = arith.constant 0 : i32
        %dma_start3A_146 = tpu.memref_slice %arg6[%dma_start3A_144, %dma_start3A_145] : memref<10000x128xf32, #tpu.memory_space<vmem_shared>> -> memref<10000x128xf32, #tpu.memory_space<vmem_shared>>
        tpu.enqueue_indirect_dma source(%dma_start3A_142 : memref<128x128xf32, #tpu.memory_space<vmem>>) target(%dma_start3A_146 : memref<10000x128xf32, #tpu.memory_space<vmem_shared>>) offsets(%dma_start3A_143 : memref<128xi32, #tpu.memory_space<vmem>>) semaphore(%run_scoped3A_138 : memref<!tpu.dma_semaphore, #tpu.memory_space<semaphore_mem>>) {add = true}
        %dma_wait3A_147 = arith.constant 0 : i32
        %dma_wait3A_148 = arith.constant 0 : i32
        %dma_wait3A_149 = tpu.memref_slice %arg9[%run_scoped3A_130, %dma_wait3A_147, %dma_wait3A_148] : memref<2x128x128xf32, #tpu.memory_space<vmem>> -> memref<1x128x128xf32, #tpu.memory_space<vmem>>
        %dma_wait3A_150 = tpu.memref_squeeze %dma_wait3A_149 : memref<1x128x128xf32, #tpu.memory_space<vmem>> -> memref<128x128xf32, #tpu.memory_space<vmem>>
        %dma_wait3A_151 = tpu.memref_slice %arg8[%multiple_of3A_129] : memref<5120xi32, #tpu.memory_space<vmem>> -> memref<128xi32, #tpu.memory_space<vmem>>
        %dma_wait3A_152 = arith.constant 0 : i32
        %dma_wait3A_153 = arith.constant 0 : i32
        %dma_wait3A_154 = tpu.memref_slice %arg6[%dma_wait3A_152, %dma_wait3A_153] : memref<10000x128xf32, #tpu.memory_space<vmem_shared>> -> memref<10000x128xf32, #tpu.memory_space<vmem_shared>>
        tpu.wait_indirect_dma semaphore(%run_scoped3A_138 : memref<!tpu.dma_semaphore, #tpu.memory_space<semaphore_mem>>) src(%dma_wait3A_150 : memref<128x128xf32, #tpu.memory_space<vmem>>) dst(%dma_wait3A_154 : memref<10000x128xf32, #tpu.memory_space<vmem_shared>>)
        tpu.yield
      }) : () -> ()
      %add3A_131 = arith.constant 2 : i32
      %add3A_132 = arith.addi %add3A_114, %add3A_131 : i32
      %lt3A_133 = arith.constant 40 : i32
      %lt3A_134 = arith.cmpi slt, %add3A_132, %lt3A_133 : i32
      %convert_element_type3A_135 = arith.extui %lt3A_134 : i1 to i32
      %cond3A_136 = arith.constant 0 : i32
      %cond3A_137 = arith.cmpi ne, %convert_element_type3A_135, %cond3A_136 : i32
      scf.if %cond3A_137 {
        %add3A_138 = arith.constant 2 : i32
        %add3A_139 = arith.addi %add3A_114, %add3A_138 : i32
        %mul3A_140 = arith.constant 128 : i32
        %mul3A_141 = arith.muli %add3A_139, %mul3A_140 : i32
        %multiple_of3A_142 = tpu.assume_multiple %mul3A_141, 8 : i32
        %dma_start3A_143 = arith.constant 1 : i32
        %dma_start3A_144 = arith.constant 0 : i32
        %dma_start3A_145 = arith.constant 0 : i32
        %dma_start3A_146 = tpu.memref_slice %arg9[%dma_start3A_143, %dma_start3A_144, %dma_start3A_145] : memref<2x128x128xf32, #tpu.memory_space<vmem>> -> memref<1x128x128xf32, #tpu.memory_space<vmem>>
        %dma_start3A_147 = tpu.memref_squeeze %dma_start3A_146 : memref<1x128x128xf32, #tpu.memory_space<vmem>> -> memref<128x128xf32, #tpu.memory_space<vmem>>
        %dma_start3A_148 = tpu.memref_slice %arg7[%multiple_of3A_142] : memref<5120xi32, #tpu.memory_space<vmem>> -> memref<128xi32, #tpu.memory_space<vmem>>
        %dma_start3A_149 = arith.constant 0 : i32
        %dma_start3A_150 = arith.constant 0 : i32
        %dma_start3A_151 = tpu.memref_slice %arg2[%dma_start3A_149, %dma_start3A_150] : memref<10008x128xf32, #tpu.memory_space<hbm>> -> memref<10008x128xf32, #tpu.memory_space<hbm>>
        tpu.enqueue_indirect_dma source(%dma_start3A_151 : memref<10008x128xf32, #tpu.memory_space<hbm>>) target(%dma_start3A_147 : memref<128x128xf32, #tpu.memory_space<vmem>>) offsets(%dma_start3A_148 : memref<128xi32, #tpu.memory_space<vmem>>) semaphore(%arg11 : memref<!tpu.dma_semaphore, #tpu.memory_space<semaphore_mem>>)
      } else {
      }
    }
    %scan3A_47 = arith.constant 20 : i32
    %add3A_48 = arith.constant 5120 : i32
    %add3A_49 = arith.addi %mul3A_9, %add3A_48 : i32
    %multiple_of3A_50 = tpu.assume_multiple %add3A_49, 8 : i32
    "tpu.region"() ({
      %run_scoped3A = tpu.sem_alloc : memref<!tpu.dma_semaphore, #tpu.memory_space<semaphore_mem>>
      %dma_start3A_85 = tpu.memref_slice %arg3[%multiple_of3A_50] : memref<327680xi32, #tpu.memory_space<hbm>> -> memref<5120xi32, #tpu.memory_space<hbm>>
      %dma_start3A_86 = tpu.memref_slice %arg3[%multiple_of3A_50] : memref<327680xi32, #tpu.memory_space<hbm>> -> memref<5120xi32, #tpu.memory_space<hbm>>
      tpu.enqueue_dma source(%dma_start3A_86 : memref<5120xi32, #tpu.memory_space<hbm>>) target(%arg7 : memref<5120xi32, #tpu.memory_space<vmem>>) target_semaphore(%run_scoped3A : memref<!tpu.dma_semaphore, #tpu.memory_space<semaphore_mem>>)
      %dma_wait3A_87 = tpu.memref_slice %arg3[%multiple_of3A_50] : memref<327680xi32, #tpu.memory_space<hbm>> -> memref<5120xi32, #tpu.memory_space<hbm>>
      %dma_wait3A_88 = tpu.memref_slice %arg3[%multiple_of3A_50] : memref<327680xi32, #tpu.memory_space<hbm>> -> memref<5120xi32, #tpu.memory_space<hbm>>
      tpu.wait_dma2 semaphore(%run_scoped3A : memref<!tpu.dma_semaphore, #tpu.memory_space<semaphore_mem>>) src(%dma_wait3A_88 : memref<5120xi32, #tpu.memory_space<hbm>>) dst(%arg7 : memref<5120xi32, #tpu.memory_space<vmem>>)
      tpu.yield
    }) : () -> ()
    "tpu.region"() ({
      %run_scoped3A = tpu.sem_alloc : memref<!tpu.dma_semaphore, #tpu.memory_space<semaphore_mem>>
      %dma_start3A_85 = tpu.memref_slice %arg4[%multiple_of3A_50] : memref<327680xi32, #tpu.memory_space<hbm>> -> memref<5120xi32, #tpu.memory_space<hbm>>
      %dma_start3A_86 = tpu.memref_slice %arg4[%multiple_of3A_50] : memref<327680xi32, #tpu.memory_space<hbm>> -> memref<5120xi32, #tpu.memory_space<hbm>>
      tpu.enqueue_dma source(%dma_start3A_86 : memref<5120xi32, #tpu.memory_space<hbm>>) target(%arg8 : memref<5120xi32, #tpu.memory_space<vmem>>) target_semaphore(%run_scoped3A : memref<!tpu.dma_semaphore, #tpu.memory_space<semaphore_mem>>)
      %dma_wait3A_87 = tpu.memref_slice %arg4[%multiple_of3A_50] : memref<327680xi32, #tpu.memory_space<hbm>> -> memref<5120xi32, #tpu.memory_space<hbm>>
      %dma_wait3A_88 = tpu.memref_slice %arg4[%multiple_of3A_50] : memref<327680xi32, #tpu.memory_space<hbm>> -> memref<5120xi32, #tpu.memory_space<hbm>>
      tpu.wait_dma2 semaphore(%run_scoped3A : memref<!tpu.dma_semaphore, #tpu.memory_space<semaphore_mem>>) src(%dma_wait3A_88 : memref<5120xi32, #tpu.memory_space<hbm>>) dst(%arg8 : memref<5120xi32, #tpu.memory_space<vmem>>)
      tpu.yield
    }) : () -> ()
    %multiple_of3A_51 = arith.constant 0 : i32
    %multiple_of3A_52 = tpu.assume_multiple %multiple_of3A_51, 8 : i32
    %dma_start3A_53 = arith.constant 0 : i32
    %dma_start3A_54 = arith.constant 0 : i32
    %dma_start3A_55 = arith.constant 0 : i32
    %dma_start3A_56 = tpu.memref_slice %arg9[%dma_start3A_53, %dma_start3A_54, %dma_start3A_55] : memref<2x128x128xf32, #tpu.memory_space<vmem>> -> memref<1x128x128xf32, #tpu.memory_space<vmem>>
    %dma_start3A_57 = tpu.memref_squeeze %dma_start3A_56 : memref<1x128x128xf32, #tpu.memory_space<vmem>> -> memref<128x128xf32, #tpu.memory_space<vmem>>
    %dma_start3A_58 = tpu.memref_slice %arg7[%multiple_of3A_52] : memref<5120xi32, #tpu.memory_space<vmem>> -> memref<128xi32, #tpu.memory_space<vmem>>
    %dma_start3A_59 = arith.constant 0 : i32
    %dma_start3A_60 = arith.constant 0 : i32
    %dma_start3A_61 = tpu.memref_slice %arg2[%dma_start3A_59, %dma_start3A_60] : memref<10008x128xf32, #tpu.memory_space<hbm>> -> memref<10008x128xf32, #tpu.memory_space<hbm>>
    tpu.enqueue_indirect_dma source(%dma_start3A_61 : memref<10008x128xf32, #tpu.memory_space<hbm>>) target(%dma_start3A_57 : memref<128x128xf32, #tpu.memory_space<vmem>>) offsets(%dma_start3A_58 : memref<128xi32, #tpu.memory_space<vmem>>) semaphore(%arg10 : memref<!tpu.dma_semaphore, #tpu.memory_space<semaphore_mem>>)
    %multiple_of3A_62 = arith.constant 128 : i32
    %multiple_of3A_63 = tpu.assume_multiple %multiple_of3A_62, 8 : i32
    %dma_start3A_64 = arith.constant 1 : i32
    %dma_start3A_65 = arith.constant 0 : i32
    %dma_start3A_66 = arith.constant 0 : i32
    %dma_start3A_67 = tpu.memref_slice %arg9[%dma_start3A_64, %dma_start3A_65, %dma_start3A_66] : memref<2x128x128xf32, #tpu.memory_space<vmem>> -> memref<1x128x128xf32, #tpu.memory_space<vmem>>
    %dma_start3A_68 = tpu.memref_squeeze %dma_start3A_67 : memref<1x128x128xf32, #tpu.memory_space<vmem>> -> memref<128x128xf32, #tpu.memory_space<vmem>>
    %dma_start3A_69 = tpu.memref_slice %arg7[%multiple_of3A_63] : memref<5120xi32, #tpu.memory_space<vmem>> -> memref<128xi32, #tpu.memory_space<vmem>>
    %dma_start3A_70 = arith.constant 0 : i32
    %dma_start3A_71 = arith.constant 0 : i32
    %dma_start3A_72 = tpu.memref_slice %arg2[%dma_start3A_70, %dma_start3A_71] : memref<10008x128xf32, #tpu.memory_space<hbm>> -> memref<10008x128xf32, #tpu.memory_space<hbm>>
    tpu.enqueue_indirect_dma source(%dma_start3A_72 : memref<10008x128xf32, #tpu.memory_space<hbm>>) target(%dma_start3A_68 : memref<128x128xf32, #tpu.memory_space<vmem>>) offsets(%dma_start3A_69 : memref<128xi32, #tpu.memory_space<vmem>>) semaphore(%arg11 : memref<!tpu.dma_semaphore, #tpu.memory_space<semaphore_mem>>)
    %scan3A_73 = arith.constant 0 : i32
    %scan3A_74 = arith.constant 0 : i32
    %scan3A_75 = arith.constant 20 : i32
    %scan3A_76 = arith.addi %scan3A_74, %scan3A_75 : i32
    %scan3A_77 = arith.constant 1 : i32
    scf.for %scan3A_85 = %scan3A_74 to %scan3A_76 step %scan3A_77  : i32 {
      %mul3A_86 = arith.constant 2 : i32
      %mul3A_87 = arith.muli %scan3A_85, %mul3A_86 : i32
      %add3A_88 = arith.constant 0 : i32
      %add3A_89 = arith.addi %mul3A_87, %add3A_88 : i32
      %mul3A_90 = arith.constant 128 : i32
      %mul3A_91 = arith.muli %add3A_89, %mul3A_90 : i32
      %multiple_of3A_92 = tpu.assume_multiple %mul3A_91, 8 : i32
      %dma_wait3A_93 = arith.constant 0 : i32
      %dma_wait3A_94 = arith.constant 0 : i32
      %dma_wait3A_95 = arith.constant 0 : i32
      %dma_wait3A_96 = tpu.memref_slice %arg9[%dma_wait3A_93, %dma_wait3A_94, %dma_wait3A_95] : memref<2x128x128xf32, #tpu.memory_space<vmem>> -> memref<1x128x128xf32, #tpu.memory_space<vmem>>
      %dma_wait3A_97 = tpu.memref_squeeze %dma_wait3A_96 : memref<1x128x128xf32, #tpu.memory_space<vmem>> -> memref<128x128xf32, #tpu.memory_space<vmem>>
      %dma_wait3A_98 = tpu.memref_slice %arg7[%multiple_of3A_92] : memref<5120xi32, #tpu.memory_space<vmem>> -> memref<128xi32, #tpu.memory_space<vmem>>
      %dma_wait3A_99 = arith.constant 0 : i32
      %dma_wait3A_100 = arith.constant 0 : i32
      %dma_wait3A_101 = tpu.memref_slice %arg2[%dma_wait3A_99, %dma_wait3A_100] : memref<10008x128xf32, #tpu.memory_space<hbm>> -> memref<10008x128xf32, #tpu.memory_space<hbm>>
      tpu.wait_indirect_dma semaphore(%arg10 : memref<!tpu.dma_semaphore, #tpu.memory_space<semaphore_mem>>) src(%dma_wait3A_101 : memref<10008x128xf32, #tpu.memory_space<hbm>>) dst(%dma_wait3A_97 : memref<128x128xf32, #tpu.memory_space<vmem>>)
      %mul3A_102 = arith.constant 128 : i32
      %mul3A_103 = arith.muli %add3A_89, %mul3A_102 : i32
      %multiple_of3A_104 = tpu.assume_multiple %mul3A_103, 8 : i32
      %run_scoped3A = arith.constant 0 : i32
      "tpu.region"() ({
        %run_scoped3A_138 = tpu.sem_alloc : memref<!tpu.dma_semaphore, #tpu.memory_space<semaphore_mem>>
        %dma_start3A_139 = arith.constant 0 : i32
        %dma_start3A_140 = arith.constant 0 : i32
        %dma_start3A_141 = tpu.memref_slice %arg9[%run_scoped3A, %dma_start3A_139, %dma_start3A_140] : memref<2x128x128xf32, #tpu.memory_space<vmem>> -> memref<1x128x128xf32, #tpu.memory_space<vmem>>
        %dma_start3A_142 = tpu.memref_squeeze %dma_start3A_141 : memref<1x128x128xf32, #tpu.memory_space<vmem>> -> memref<128x128xf32, #tpu.memory_space<vmem>>
        %dma_start3A_143 = tpu.memref_slice %arg8[%multiple_of3A_104] : memref<5120xi32, #tpu.memory_space<vmem>> -> memref<128xi32, #tpu.memory_space<vmem>>
        %dma_start3A_144 = arith.constant 0 : i32
        %dma_start3A_145 = arith.constant 0 : i32
        %dma_start3A_146 = tpu.memref_slice %arg6[%dma_start3A_144, %dma_start3A_145] : memref<10000x128xf32, #tpu.memory_space<vmem_shared>> -> memref<10000x128xf32, #tpu.memory_space<vmem_shared>>
        tpu.enqueue_indirect_dma source(%dma_start3A_142 : memref<128x128xf32, #tpu.memory_space<vmem>>) target(%dma_start3A_146 : memref<10000x128xf32, #tpu.memory_space<vmem_shared>>) offsets(%dma_start3A_143 : memref<128xi32, #tpu.memory_space<vmem>>) semaphore(%run_scoped3A_138 : memref<!tpu.dma_semaphore, #tpu.memory_space<semaphore_mem>>) {add = true}
        %dma_wait3A_147 = arith.constant 0 : i32
        %dma_wait3A_148 = arith.constant 0 : i32
        %dma_wait3A_149 = tpu.memref_slice %arg9[%run_scoped3A, %dma_wait3A_147, %dma_wait3A_148] : memref<2x128x128xf32, #tpu.memory_space<vmem>> -> memref<1x128x128xf32, #tpu.memory_space<vmem>>
        %dma_wait3A_150 = tpu.memref_squeeze %dma_wait3A_149 : memref<1x128x128xf32, #tpu.memory_space<vmem>> -> memref<128x128xf32, #tpu.memory_space<vmem>>
        %dma_wait3A_151 = tpu.memref_slice %arg8[%multiple_of3A_104] : memref<5120xi32, #tpu.memory_space<vmem>> -> memref<128xi32, #tpu.memory_space<vmem>>
        %dma_wait3A_152 = arith.constant 0 : i32
        %dma_wait3A_153 = arith.constant 0 : i32
        %dma_wait3A_154 = tpu.memref_slice %arg6[%dma_wait3A_152, %dma_wait3A_153] : memref<10000x128xf32, #tpu.memory_space<vmem_shared>> -> memref<10000x128xf32, #tpu.memory_space<vmem_shared>>
        tpu.wait_indirect_dma semaphore(%run_scoped3A_138 : memref<!tpu.dma_semaphore, #tpu.memory_space<semaphore_mem>>) src(%dma_wait3A_150 : memref<128x128xf32, #tpu.memory_space<vmem>>) dst(%dma_wait3A_154 : memref<10000x128xf32, #tpu.memory_space<vmem_shared>>)
        tpu.yield
      }) : () -> ()
      %add3A_105 = arith.constant 2 : i32
      %add3A_106 = arith.addi %add3A_89, %add3A_105 : i32
      %lt3A = arith.constant 40 : i32
      %lt3A_107 = arith.cmpi slt, %add3A_106, %lt3A : i32
      %convert_element_type3A_108 = arith.extui %lt3A_107 : i1 to i32
      %cond3A_109 = arith.constant 0 : i32
      %cond3A_110 = arith.cmpi ne, %convert_element_type3A_108, %cond3A_109 : i32
      scf.if %cond3A_110 {
        %add3A_138 = arith.constant 2 : i32
        %add3A_139 = arith.addi %add3A_89, %add3A_138 : i32
        %mul3A_140 = arith.constant 128 : i32
        %mul3A_141 = arith.muli %add3A_139, %mul3A_140 : i32
        %multiple_of3A_142 = tpu.assume_multiple %mul3A_141, 8 : i32
        %dma_start3A_143 = arith.constant 0 : i32
        %dma_start3A_144 = arith.constant 0 : i32
        %dma_start3A_145 = arith.constant 0 : i32
        %dma_start3A_146 = tpu.memref_slice %arg9[%dma_start3A_143, %dma_start3A_144, %dma_start3A_145] : memref<2x128x128xf32, #tpu.memory_space<vmem>> -> memref<1x128x128xf32, #tpu.memory_space<vmem>>
        %dma_start3A_147 = tpu.memref_squeeze %dma_start3A_146 : memref<1x128x128xf32, #tpu.memory_space<vmem>> -> memref<128x128xf32, #tpu.memory_space<vmem>>
        %dma_start3A_148 = tpu.memref_slice %arg7[%multiple_of3A_142] : memref<5120xi32, #tpu.memory_space<vmem>> -> memref<128xi32, #tpu.memory_space<vmem>>
        %dma_start3A_149 = arith.constant 0 : i32
        %dma_start3A_150 = arith.constant 0 : i32
        %dma_start3A_151 = tpu.memref_slice %arg2[%dma_start3A_149, %dma_start3A_150] : memref<10008x128xf32, #tpu.memory_space<hbm>> -> memref<10008x128xf32, #tpu.memory_space<hbm>>
        tpu.enqueue_indirect_dma source(%dma_start3A_151 : memref<10008x128xf32, #tpu.memory_space<hbm>>) target(%dma_start3A_147 : memref<128x128xf32, #tpu.memory_space<vmem>>) offsets(%dma_start3A_148 : memref<128xi32, #tpu.memory_space<vmem>>) semaphore(%arg10 : memref<!tpu.dma_semaphore, #tpu.memory_space<semaphore_mem>>)
      } else {
      }
      %mul3A_111 = arith.constant 2 : i32
      %mul3A_112 = arith.muli %scan3A_85, %mul3A_111 : i32
      %add3A_113 = arith.constant 1 : i32
      %add3A_114 = arith.addi %mul3A_112, %add3A_113 : i32
      %mul3A_115 = arith.constant 128 : i32
      %mul3A_116 = arith.muli %add3A_114, %mul3A_115 : i32
      %multiple_of3A_117 = tpu.assume_multiple %mul3A_116, 8 : i32
      %dma_wait3A_118 = arith.constant 1 : i32
      %dma_wait3A_119 = arith.constant 0 : i32
      %dma_wait3A_120 = arith.constant 0 : i32
      %dma_wait3A_121 = tpu.memref_slice %arg9[%dma_wait3A_118, %dma_wait3A_119, %dma_wait3A_120] : memref<2x128x128xf32, #tpu.memory_space<vmem>> -> memref<1x128x128xf32, #tpu.memory_space<vmem>>
      %dma_wait3A_122 = tpu.memref_squeeze %dma_wait3A_121 : memref<1x128x128xf32, #tpu.memory_space<vmem>> -> memref<128x128xf32, #tpu.memory_space<vmem>>
      %dma_wait3A_123 = tpu.memref_slice %arg7[%multiple_of3A_117] : memref<5120xi32, #tpu.memory_space<vmem>> -> memref<128xi32, #tpu.memory_space<vmem>>
      %dma_wait3A_124 = arith.constant 0 : i32
      %dma_wait3A_125 = arith.constant 0 : i32
      %dma_wait3A_126 = tpu.memref_slice %arg2[%dma_wait3A_124, %dma_wait3A_125] : memref<10008x128xf32, #tpu.memory_space<hbm>> -> memref<10008x128xf32, #tpu.memory_space<hbm>>
      tpu.wait_indirect_dma semaphore(%arg11 : memref<!tpu.dma_semaphore, #tpu.memory_space<semaphore_mem>>) src(%dma_wait3A_126 : memref<10008x128xf32, #tpu.memory_space<hbm>>) dst(%dma_wait3A_122 : memref<128x128xf32, #tpu.memory_space<vmem>>)
      %mul3A_127 = arith.constant 128 : i32
      %mul3A_128 = arith.muli %add3A_114, %mul3A_127 : i32
      %multiple_of3A_129 = tpu.assume_multiple %mul3A_128, 8 : i32
      %run_scoped3A_130 = arith.constant 1 : i32
      "tpu.region"() ({
        %run_scoped3A_138 = tpu.sem_alloc : memref<!tpu.dma_semaphore, #tpu.memory_space<semaphore_mem>>
        %dma_start3A_139 = arith.constant 0 : i32
        %dma_start3A_140 = arith.constant 0 : i32
        %dma_start3A_141 = tpu.memref_slice %arg9[%run_scoped3A_130, %dma_start3A_139, %dma_start3A_140] : memref<2x128x128xf32, #tpu.memory_space<vmem>> -> memref<1x128x128xf32, #tpu.memory_space<vmem>>
        %dma_start3A_142 = tpu.memref_squeeze %dma_start3A_141 : memref<1x128x128xf32, #tpu.memory_space<vmem>> -> memref<128x128xf32, #tpu.memory_space<vmem>>
        %dma_start3A_143 = tpu.memref_slice %arg8[%multiple_of3A_129] : memref<5120xi32, #tpu.memory_space<vmem>> -> memref<128xi32, #tpu.memory_space<vmem>>
        %dma_start3A_144 = arith.constant 0 : i32
        %dma_start3A_145 = arith.constant 0 : i32
        %dma_start3A_146 = tpu.memref_slice %arg6[%dma_start3A_144, %dma_start3A_145] : memref<10000x128xf32, #tpu.memory_space<vmem_shared>> -> memref<10000x128xf32, #tpu.memory_space<vmem_shared>>
        tpu.enqueue_indirect_dma source(%dma_start3A_142 : memref<128x128xf32, #tpu.memory_space<vmem>>) target(%dma_start3A_146 : memref<10000x128xf32, #tpu.memory_space<vmem_shared>>) offsets(%dma_start3A_143 : memref<128xi32, #tpu.memory_space<vmem>>) semaphore(%run_scoped3A_138 : memref<!tpu.dma_semaphore, #tpu.memory_space<semaphore_mem>>) {add = true}
        %dma_wait3A_147 = arith.constant 0 : i32
        %dma_wait3A_148 = arith.constant 0 : i32
        %dma_wait3A_149 = tpu.memref_slice %arg9[%run_scoped3A_130, %dma_wait3A_147, %dma_wait3A_148] : memref<2x128x128xf32, #tpu.memory_space<vmem>> -> memref<1x128x128xf32, #tpu.memory_space<vmem>>
        %dma_wait3A_150 = tpu.memref_squeeze %dma_wait3A_149 : memref<1x128x128xf32, #tpu.memory_space<vmem>> -> memref<128x128xf32, #tpu.memory_space<vmem>>
        %dma_wait3A_151 = tpu.memref_slice %arg8[%multiple_of3A_129] : memref<5120xi32, #tpu.memory_space<vmem>> -> memref<128xi32, #tpu.memory_space<vmem>>
        %dma_wait3A_152 = arith.constant 0 : i32
        %dma_wait3A_153 = arith.constant 0 : i32
        %dma_wait3A_154 = tpu.memref_slice %arg6[%dma_wait3A_152, %dma_wait3A_153] : memref<10000x128xf32, #tpu.memory_space<vmem_shared>> -> memref<10000x128xf32, #tpu.memory_space<vmem_shared>>
        tpu.wait_indirect_dma semaphore(%run_scoped3A_138 : memref<!tpu.dma_semaphore, #tpu.memory_space<semaphore_mem>>) src(%dma_wait3A_150 : memref<128x128xf32, #tpu.memory_space<vmem>>) dst(%dma_wait3A_154 : memref<10000x128xf32, #tpu.memory_space<vmem_shared>>)
        tpu.yield
      }) : () -> ()
      %add3A_131 = arith.constant 2 : i32
      %add3A_132 = arith.addi %add3A_114, %add3A_131 : i32
      %lt3A_133 = arith.constant 40 : i32
      %lt3A_134 = arith.cmpi slt, %add3A_132, %lt3A_133 : i32
      %convert_element_type3A_135 = arith.extui %lt3A_134 : i1 to i32
      %cond3A_136 = arith.constant 0 : i32
      %cond3A_137 = arith.cmpi ne, %convert_element_type3A_135, %cond3A_136 : i32
      scf.if %cond3A_137 {
        %add3A_138 = arith.constant 2 : i32
        %add3A_139 = arith.addi %add3A_114, %add3A_138 : i32
        %mul3A_140 = arith.constant 128 : i32
        %mul3A_141 = arith.muli %add3A_139, %mul3A_140 : i32
        %multiple_of3A_142 = tpu.assume_multiple %mul3A_141, 8 : i32
        %dma_start3A_143 = arith.constant 1 : i32
        %dma_start3A_144 = arith.constant 0 : i32
        %dma_start3A_145 = arith.constant 0 : i32
        %dma_start3A_146 = tpu.memref_slice %arg9[%dma_start3A_143, %dma_start3A_144, %dma_start3A_145] : memref<2x128x128xf32, #tpu.memory_space<vmem>> -> memref<1x128x128xf32, #tpu.memory_space<vmem>>
        %dma_start3A_147 = tpu.memref_squeeze %dma_start3A_146 : memref<1x128x128xf32, #tpu.memory_space<vmem>> -> memref<128x128xf32, #tpu.memory_space<vmem>>
        %dma_start3A_148 = tpu.memref_slice %arg7[%multiple_of3A_142] : memref<5120xi32, #tpu.memory_space<vmem>> -> memref<128xi32, #tpu.memory_space<vmem>>
        %dma_start3A_149 = arith.constant 0 : i32
        %dma_start3A_150 = arith.constant 0 : i32
        %dma_start3A_151 = tpu.memref_slice %arg2[%dma_start3A_149, %dma_start3A_150] : memref<10008x128xf32, #tpu.memory_space<hbm>> -> memref<10008x128xf32, #tpu.memory_space<hbm>>
        tpu.enqueue_indirect_dma source(%dma_start3A_151 : memref<10008x128xf32, #tpu.memory_space<hbm>>) target(%dma_start3A_147 : memref<128x128xf32, #tpu.memory_space<vmem>>) offsets(%dma_start3A_148 : memref<128xi32, #tpu.memory_space<vmem>>) semaphore(%arg11 : memref<!tpu.dma_semaphore, #tpu.memory_space<semaphore_mem>>)
      } else {
      }
    }
    %scan3A_78 = arith.constant 20 : i32
    %barrier3A_79 = arith.constant 0 : index
    tpu.barrier barrier_id(%barrier3A_79)
    "tpu.region"() ({
      %run_scoped3A = tpu.sem_alloc : memref<!tpu.dma_semaphore, #tpu.memory_space<semaphore_mem>>
      %dma_start3A_85 = arith.constant 0 : i32
      %dma_start3A_86 = tpu.memref_slice %arg5[%arg0, %multiple_of3A, %dma_start3A_85] : memref<2x10000x128xf32, #tpu.memory_space<hbm>> -> memref<1x624x128xf32, #tpu.memory_space<hbm>>
      %dma_start3A_87 = tpu.memref_squeeze %dma_start3A_86 : memref<1x624x128xf32, #tpu.memory_space<hbm>> -> memref<624x128xf32, #tpu.memory_space<hbm>>
      %dma_start3A_88 = arith.constant 0 : i32
      %dma_start3A_89 = tpu.memref_slice %arg6[%multiple_of3A, %dma_start3A_88] : memref<10000x128xf32, #tpu.memory_space<vmem_shared>> -> memref<624x128xf32, #tpu.memory_space<vmem_shared>>
      tpu.enqueue_dma source(%dma_start3A_89 : memref<624x128xf32, #tpu.memory_space<vmem_shared>>) target(%dma_start3A_87 : memref<624x128xf32, #tpu.memory_space<hbm>>) target_semaphore(%run_scoped3A : memref<!tpu.dma_semaphore, #tpu.memory_space<semaphore_mem>>)
      %dma_wait3A_90 = arith.constant 0 : i32
      %dma_wait3A_91 = tpu.memref_slice %arg5[%arg0, %multiple_of3A, %dma_wait3A_90] : memref<2x10000x128xf32, #tpu.memory_space<hbm>> -> memref<1x624x128xf32, #tpu.memory_space<hbm>>
      %dma_wait3A_92 = tpu.memref_squeeze %dma_wait3A_91 : memref<1x624x128xf32, #tpu.memory_space<hbm>> -> memref<624x128xf32, #tpu.memory_space<hbm>>
      %dma_wait3A_93 = arith.constant 0 : i32
      %dma_wait3A_94 = tpu.memref_slice %arg6[%multiple_of3A, %dma_wait3A_93] : memref<10000x128xf32, #tpu.memory_space<vmem_shared>> -> memref<624x128xf32, #tpu.memory_space<vmem_shared>>
      tpu.wait_dma2 semaphore(%run_scoped3A : memref<!tpu.dma_semaphore, #tpu.memory_space<semaphore_mem>>) src(%dma_wait3A_94 : memref<624x128xf32, #tpu.memory_space<vmem_shared>>) dst(%dma_wait3A_92 : memref<624x128xf32, #tpu.memory_space<hbm>>)
      tpu.yield
    }) : () -> ()
    %eq3A_80 = arith.constant 15 : i32
    %eq3A_81 = arith.cmpi eq, %arg1, %eq3A_80 : i32
    %convert_element_type3A_82 = arith.extui %eq3A_81 : i1 to i32
    %cond3A_83 = arith.constant 0 : i32
    %cond3A_84 = arith.cmpi ne, %convert_element_type3A_82, %cond3A_83 : i32
    scf.if %cond3A_84 {
      "tpu.region"() ({
        %run_scoped3A = tpu.sem_alloc : memref<!tpu.dma_semaphore, #tpu.memory_space<semaphore_mem>>
        %dma_start3A_85 = arith.constant 9984 : i32
        %dma_start3A_86 = arith.constant 0 : i32
        %dma_start3A_87 = tpu.memref_slice %arg5[%arg0, %dma_start3A_85, %dma_start3A_86] : memref<2x10000x128xf32, #tpu.memory_space<hbm>> -> memref<1x16x128xf32, #tpu.memory_space<hbm>>
        %dma_start3A_88 = tpu.memref_squeeze %dma_start3A_87 : memref<1x16x128xf32, #tpu.memory_space<hbm>> -> memref<16x128xf32, #tpu.memory_space<hbm>>
        %dma_start3A_89 = arith.constant 9984 : i32
        %dma_start3A_90 = arith.constant 0 : i32
        %dma_start3A_91 = tpu.memref_slice %arg6[%dma_start3A_89, %dma_start3A_90] : memref<10000x128xf32, #tpu.memory_space<vmem_shared>> -> memref<16x128xf32, #tpu.memory_space<vmem_shared>>
        tpu.enqueue_dma source(%dma_start3A_91 : memref<16x128xf32, #tpu.memory_space<vmem_shared>>) target(%dma_start3A_88 : memref<16x128xf32, #tpu.memory_space<hbm>>) target_semaphore(%run_scoped3A : memref<!tpu.dma_semaphore, #tpu.memory_space<semaphore_mem>>)
        %dma_wait3A_92 = arith.constant 9984 : i32
        %dma_wait3A_93 = arith.constant 0 : i32
        %dma_wait3A_94 = tpu.memref_slice %arg5[%arg0, %dma_wait3A_92, %dma_wait3A_93] : memref<2x10000x128xf32, #tpu.memory_space<hbm>> -> memref<1x16x128xf32, #tpu.memory_space<hbm>>
        %dma_wait3A_95 = tpu.memref_squeeze %dma_wait3A_94 : memref<1x16x128xf32, #tpu.memory_space<hbm>> -> memref<16x128xf32, #tpu.memory_space<hbm>>
        %dma_wait3A_96 = arith.constant 9984 : i32
        %dma_wait3A_97 = arith.constant 0 : i32
        %dma_wait3A_98 = tpu.memref_slice %arg6[%dma_wait3A_96, %dma_wait3A_97] : memref<10000x128xf32, #tpu.memory_space<vmem_shared>> -> memref<16x128xf32, #tpu.memory_space<vmem_shared>>
        tpu.wait_dma2 semaphore(%run_scoped3A : memref<!tpu.dma_semaphore, #tpu.memory_space<semaphore_mem>>) src(%dma_wait3A_98 : memref<16x128xf32, #tpu.memory_space<vmem_shared>>) dst(%dma_wait3A_95 : memref<16x128xf32, #tpu.memory_space<hbm>>)
        tpu.yield
      }) : () -> ()
    } else {
    }
    return
  }
}

module attributes {stable_mosaic.version = 14 : i64} {
  func.func @_enc_msg_body(%arg0: i32, %arg1: memref<1000x128xf32, #tpu.memory_space<vmem>>, %arg2: memref<128x128xf32, #tpu.memory_space<vmem>>, %arg3: memref<1x128xf32, #tpu.memory_space<vmem>>, %arg4: memref<128x128xf32, #tpu.memory_space<vmem>>, %arg5: memref<1x128xf32, #tpu.memory_space<vmem>>, %arg6: memref<128x128xf32, #tpu.memory_space<vmem>>, %arg7: memref<1x128xf32, #tpu.memory_space<vmem>>, %arg8: memref<1000x128xf32, #tpu.memory_space<vmem>>, %arg9: memref<1000x128xf32, #tpu.memory_space<vmem>>) attributes {dimension_semantics = [#tpu.dimension_semantics<arbitrary>], iteration_bounds = array<i64: 11>, scalar_prefetch = 0 : i64, scratch_operands = 0 : i64, tpu.core_type = #tpu.core_type<tc>, window_params = [{transform_indices = @transform_0, window_bounds = array<i64: 1000, 128>}, {pipeline_mode = #tpu.pipeline_mode<synchronous>, transform_indices = @transform_1, window_bounds = array<i64: 128, 128>}, {pipeline_mode = #tpu.pipeline_mode<synchronous>, transform_indices = @transform_2, window_bounds = array<i64: 1, 128>}, {pipeline_mode = #tpu.pipeline_mode<synchronous>, transform_indices = @transform_3, window_bounds = array<i64: 128, 128>}, {pipeline_mode = #tpu.pipeline_mode<synchronous>, transform_indices = @transform_4, window_bounds = array<i64: 1, 128>}, {pipeline_mode = #tpu.pipeline_mode<synchronous>, transform_indices = @transform_5, window_bounds = array<i64: 128, 128>}, {pipeline_mode = #tpu.pipeline_mode<synchronous>, transform_indices = @transform_6, window_bounds = array<i64: 1, 128>}, {transform_indices = @transform_7, window_bounds = array<i64: 1000, 128>}, {transform_indices = @transform_8, window_bounds = array<i64: 1000, 128>}]} {
    %get3A = arith.constant 0 : index
    %get3A_0 = arith.constant 0 : index
    %get3A_1 = vector.load %arg1[%get3A, %get3A_0] : memref<1000x128xf32, #tpu.memory_space<vmem>>, vector<1000x128xf32>
    %get3A_2 = arith.constant 0 : index
    %get3A_3 = arith.constant 0 : index
    %get3A_4 = vector.load %arg2[%get3A_2, %get3A_3] : memref<128x128xf32, #tpu.memory_space<vmem>>, vector<128x128xf32>
    %dot_general3A = arith.constant dense<0.000000e+00> : vector<1000x128xf32>
    %dot_general3A_5 = tpu.matmul %get3A_1, %get3A_4, %dot_general3A {dimension_numbers = #tpu.dot_dimension_numbers<[1], [1], [0], [0], [0, 0, 1, 0], [], []>, transpose_lhs_hint = false} : vector<1000x128xf32>, vector<128x128xf32>, vector<1000x128xf32> -> vector<1000x128xf32>
    %get3A_6 = arith.constant 0 : index
    %get3A_7 = arith.constant 0 : index
    %get3A_8 = vector.load %arg3[%get3A_6, %get3A_7] : memref<1x128xf32, #tpu.memory_space<vmem>>, vector<1x128xf32>
    %add3A = vector.broadcast %get3A_8 : vector<1x128xf32> to vector<1000x128xf32>
    %add3A_9 = arith.addf %dot_general3A_5, %add3A : vector<1000x128xf32>
    %swap3A = arith.constant 0 : index
    %swap3A_10 = arith.constant 0 : index
    %swap3A_11 = vector.load %arg8[%swap3A, %swap3A_10] : memref<1000x128xf32, #tpu.memory_space<vmem>>, vector<1000x128xf32>
    tpu.vector_store %arg8[%swap3A, %swap3A_10], %add3A_9 {strides = array<i32>} : memref<1000x128xf32, #tpu.memory_space<vmem>>, vector<1000x128xf32>,
    %get3A_12 = arith.constant 0 : index
    %get3A_13 = arith.constant 0 : index
    %get3A_14 = vector.load %arg4[%get3A_12, %get3A_13] : memref<128x128xf32, #tpu.memory_space<vmem>>, vector<128x128xf32>
    %dot_general3A_15 = arith.constant dense<0.000000e+00> : vector<1000x128xf32>
    %dot_general3A_16 = tpu.matmul %add3A_9, %get3A_14, %dot_general3A_15 {dimension_numbers = #tpu.dot_dimension_numbers<[1], [1], [0], [0], [0, 0, 1, 0], [], []>, transpose_lhs_hint = false} : vector<1000x128xf32>, vector<128x128xf32>, vector<1000x128xf32> -> vector<1000x128xf32>
    %get3A_17 = arith.constant 0 : index
    %get3A_18 = arith.constant 0 : index
    %get3A_19 = vector.load %arg5[%get3A_17, %get3A_18] : memref<1x128xf32, #tpu.memory_space<vmem>>, vector<1x128xf32>
    %add3A_20 = vector.broadcast %get3A_19 : vector<1x128xf32> to vector<1000x128xf32>
    %add3A_21 = arith.addf %dot_general3A_16, %add3A_20 : vector<1000x128xf32>
    %max3A = arith.constant 0.000000e+00 : f32
    %max3A_22 = vector.broadcast %max3A : f32 to vector<1000x128xf32>
    %max3A_23 = arith.maximumf %add3A_21, %max3A_22 : vector<1000x128xf32>
    %get3A_24 = arith.constant 0 : index
    %get3A_25 = arith.constant 0 : index
    %get3A_26 = vector.load %arg6[%get3A_24, %get3A_25] : memref<128x128xf32, #tpu.memory_space<vmem>>, vector<128x128xf32>
    %dot_general3A_27 = arith.constant dense<0.000000e+00> : vector<1000x128xf32>
    %dot_general3A_28 = tpu.matmul %max3A_23, %get3A_26, %dot_general3A_27 {dimension_numbers = #tpu.dot_dimension_numbers<[1], [1], [0], [0], [0, 0, 1, 0], [], []>, transpose_lhs_hint = false} : vector<1000x128xf32>, vector<128x128xf32>, vector<1000x128xf32> -> vector<1000x128xf32>
    %get3A_29 = arith.constant 0 : index
    %get3A_30 = arith.constant 0 : index
    %get3A_31 = vector.load %arg7[%get3A_29, %get3A_30] : memref<1x128xf32, #tpu.memory_space<vmem>>, vector<1x128xf32>
    %add3A_32 = vector.broadcast %get3A_31 : vector<1x128xf32> to vector<1000x128xf32>
    %add3A_33 = arith.addf %dot_general3A_28, %add3A_32 : vector<1000x128xf32>
    %eq3A = arith.constant 10 : i32
    %eq3A_34 = arith.cmpi eq, %arg0, %eq3A : i32
    %jit3A = arith.constant 0.000000e+00 : f32
    %broadcast_in_dim3A = vector.broadcast %jit3A : f32 to vector<1000x128xf32>
    %select_n3A = arith.select %eq3A_34, %broadcast_in_dim3A, %add3A_33 : vector<1000x128xf32>
    %swap3A_35 = arith.constant 0 : index
    %swap3A_36 = arith.constant 0 : index
    %swap3A_37 = vector.load %arg9[%swap3A_35, %swap3A_36] : memref<1000x128xf32, #tpu.memory_space<vmem>>, vector<1000x128xf32>
    tpu.vector_store %arg9[%swap3A_35, %swap3A_36], %select_n3A {strides = array<i32>} : memref<1000x128xf32, #tpu.memory_space<vmem>>, vector<1000x128xf32>,
    return
  }
  func.func @transform_0(%arg0: i32) -> (i32, i32) {
    %min3A = arith.constant 9 : i32
    %min3A_0 = arith.minsi %arg0, %min3A : i32
    %c0_i32 = arith.constant 0 : i32
    %c0_i32_1 = arith.constant 0 : i32
    return %min3A_0, %c0_i32 : i32, i32
  }
  func.func @transform_1(%arg0: i32) -> (i32, i32) {
    %c0_i32 = arith.constant 0 : i32
    %c0_i32_0 = arith.constant 0 : i32
    %c0_i32_1 = arith.constant 0 : i32
    return %c0_i32, %c0_i32_0 : i32, i32
  }
  func.func @transform_2(%arg0: i32) -> (i32, i32) {
    %c0_i32 = arith.constant 0 : i32
    %c0_i32_0 = arith.constant 0 : i32
    %c0_i32_1 = arith.constant 0 : i32
    return %c0_i32, %c0_i32_0 : i32, i32
  }
  func.func @transform_3(%arg0: i32) -> (i32, i32) {
    %c0_i32 = arith.constant 0 : i32
    %c0_i32_0 = arith.constant 0 : i32
    %c0_i32_1 = arith.constant 0 : i32
    return %c0_i32, %c0_i32_0 : i32, i32
  }
  func.func @transform_4(%arg0: i32) -> (i32, i32) {
    %c0_i32 = arith.constant 0 : i32
    %c0_i32_0 = arith.constant 0 : i32
    %c0_i32_1 = arith.constant 0 : i32
    return %c0_i32, %c0_i32_0 : i32, i32
  }
  func.func @transform_5(%arg0: i32) -> (i32, i32) {
    %c0_i32 = arith.constant 0 : i32
    %c0_i32_0 = arith.constant 0 : i32
    %c0_i32_1 = arith.constant 0 : i32
    return %c0_i32, %c0_i32_0 : i32, i32
  }
  func.func @transform_6(%arg0: i32) -> (i32, i32) {
    %c0_i32 = arith.constant 0 : i32
    %c0_i32_0 = arith.constant 0 : i32
    %c0_i32_1 = arith.constant 0 : i32
    return %c0_i32, %c0_i32_0 : i32, i32
  }
  func.func @transform_7(%arg0: i32) -> (i32, i32) {
    %min3A = arith.constant 9 : i32
    %min3A_0 = arith.minsi %arg0, %min3A : i32
    %c0_i32 = arith.constant 0 : i32
    %c0_i32_1 = arith.constant 0 : i32
    return %min3A_0, %c0_i32 : i32, i32
  }
  func.func @transform_8(%arg0: i32) -> (i32, i32) {
    %c0_i32 = arith.constant 0 : i32
    %c0_i32_0 = arith.constant 0 : i32
    return %arg0, %c0_i32 : i32, i32
  }
}

module attributes {stable_mosaic.version = 14 : i64} {
  func.func @_gru_msg_body(%arg0: i32, %arg1: memref<1000x128xf32, #tpu.memory_space<vmem>>, %arg2: memref<1000x128xf32, #tpu.memory_space<vmem>>, %arg3: memref<1000x128xf32, #tpu.memory_space<vmem>>, %arg4: memref<1000x128xf32, #tpu.memory_space<vmem>>, %arg5: memref<384x128xf32, #tpu.memory_space<vmem>>, %arg6: memref<1x384xf32, #tpu.memory_space<vmem>>, %arg7: memref<384x128xf32, #tpu.memory_space<vmem>>, %arg8: memref<1x384xf32, #tpu.memory_space<vmem>>, %arg9: memref<128x128xf32, #tpu.memory_space<vmem>>, %arg10: memref<1x128xf32, #tpu.memory_space<vmem>>, %arg11: memref<128x128xf32, #tpu.memory_space<vmem>>, %arg12: memref<1x128xf32, #tpu.memory_space<vmem>>, %arg13: memref<1000x128xf32, #tpu.memory_space<vmem>>, %arg14: memref<1000x128xf32, #tpu.memory_space<vmem>>) attributes {dimension_semantics = [#tpu.dimension_semantics<arbitrary>], iteration_bounds = array<i64: 11>, scalar_prefetch = 0 : i64, scratch_operands = 0 : i64, tpu.core_type = #tpu.core_type<tc>, window_params = [{transform_indices = @transform_0, window_bounds = array<i64: 1000, 128>}, {transform_indices = @transform_1, window_bounds = array<i64: 1000, 128>}, {transform_indices = @transform_2, window_bounds = array<i64: 1000, 128>}, {transform_indices = @transform_3, window_bounds = array<i64: 1000, 128>}, {pipeline_mode = #tpu.pipeline_mode<synchronous>, transform_indices = @transform_4, window_bounds = array<i64: 384, 128>}, {pipeline_mode = #tpu.pipeline_mode<synchronous>, transform_indices = @transform_5, window_bounds = array<i64: 1, 384>}, {pipeline_mode = #tpu.pipeline_mode<synchronous>, transform_indices = @transform_6, window_bounds = array<i64: 384, 128>}, {pipeline_mode = #tpu.pipeline_mode<synchronous>, transform_indices = @transform_7, window_bounds = array<i64: 1, 384>}, {pipeline_mode = #tpu.pipeline_mode<synchronous>, transform_indices = @transform_8, window_bounds = array<i64: 128, 128>}, {pipeline_mode = #tpu.pipeline_mode<synchronous>, transform_indices = @transform_9, window_bounds = array<i64: 1, 128>}, {pipeline_mode = #tpu.pipeline_mode<synchronous>, transform_indices = @transform_10, window_bounds = array<i64: 128, 128>}, {pipeline_mode = #tpu.pipeline_mode<synchronous>, transform_indices = @transform_11, window_bounds = array<i64: 1, 128>}, {transform_indices = @transform_12, window_bounds = array<i64: 1000, 128>}, {transform_indices = @transform_13, window_bounds = array<i64: 1000, 128>}]} {
    %get3A = arith.constant 0 : index
    %get3A_0 = arith.constant 0 : index
    %get3A_1 = vector.load %arg1[%get3A, %get3A_0] : memref<1000x128xf32, #tpu.memory_space<vmem>>, vector<1000x128xf32>
    %get3A_2 = arith.constant 0 : index
    %get3A_3 = arith.constant 0 : index
    %get3A_4 = vector.load %arg2[%get3A_2, %get3A_3] : memref<1000x128xf32, #tpu.memory_space<vmem>>, vector<1000x128xf32>
    %add3A = arith.addf %get3A_1, %get3A_4 : vector<1000x128xf32>
    %get3A_5 = arith.constant 0 : index
    %get3A_6 = arith.constant 0 : index
    %get3A_7 = vector.load %arg3[%get3A_5, %get3A_6] : memref<1000x128xf32, #tpu.memory_space<vmem>>, vector<1000x128xf32>
    %sub3A = arith.subf %add3A, %get3A_7 : vector<1000x128xf32>
    %get3A_8 = arith.constant 0 : index
    %get3A_9 = arith.constant 0 : index
    %get3A_10 = vector.load %arg4[%get3A_8, %get3A_9] : memref<1000x128xf32, #tpu.memory_space<vmem>>, vector<1000x128xf32>
    %get3A_11 = arith.constant 0 : index
    %get3A_12 = arith.constant 0 : index
    %get3A_13 = vector.load %arg5[%get3A_11, %get3A_12] : memref<384x128xf32, #tpu.memory_space<vmem>>, vector<384x128xf32>
    %dot_general3A = arith.constant dense<0.000000e+00> : vector<1000x384xf32>
    %dot_general3A_14 = tpu.matmul %sub3A, %get3A_13, %dot_general3A {dimension_numbers = #tpu.dot_dimension_numbers<[1], [1], [0], [0], [0, 0, 1, 0], [], []>, transpose_lhs_hint = false} : vector<1000x128xf32>, vector<384x128xf32>, vector<1000x384xf32> -> vector<1000x384xf32>
    %get3A_15 = arith.constant 0 : index
    %get3A_16 = arith.constant 0 : index
    %get3A_17 = vector.load %arg6[%get3A_15, %get3A_16] : memref<1x384xf32, #tpu.memory_space<vmem>>, vector<1x384xf32>
    %add3A_18 = vector.broadcast %get3A_17 : vector<1x384xf32> to vector<1000x384xf32>
    %add3A_19 = arith.addf %dot_general3A_14, %add3A_18 : vector<1000x384xf32>
    %get3A_20 = arith.constant 0 : index
    %get3A_21 = arith.constant 0 : index
    %get3A_22 = vector.load %arg7[%get3A_20, %get3A_21] : memref<384x128xf32, #tpu.memory_space<vmem>>, vector<384x128xf32>
    %dot_general3A_23 = arith.constant dense<0.000000e+00> : vector<1000x384xf32>
    %dot_general3A_24 = tpu.matmul %get3A_10, %get3A_22, %dot_general3A_23 {dimension_numbers = #tpu.dot_dimension_numbers<[1], [1], [0], [0], [0, 0, 1, 0], [], []>, transpose_lhs_hint = false} : vector<1000x128xf32>, vector<384x128xf32>, vector<1000x384xf32> -> vector<1000x384xf32>
    %get3A_25 = arith.constant 0 : index
    %get3A_26 = arith.constant 0 : index
    %get3A_27 = vector.load %arg8[%get3A_25, %get3A_26] : memref<1x384xf32, #tpu.memory_space<vmem>>, vector<1x384xf32>
    %add3A_28 = vector.broadcast %get3A_27 : vector<1x384xf32> to vector<1000x384xf32>
    %add3A_29 = arith.addf %dot_general3A_24, %add3A_28 : vector<1000x384xf32>
    %slice3A = vector.extract_strided_slice %add3A_19 {offsets = [0, 0], sizes = [1000, 128], strides = [1, 1]} : vector<1000x384xf32> to vector<1000x128xf32>
    %slice3A_30 = vector.extract_strided_slice %add3A_29 {offsets = [0, 0], sizes = [1000, 128], strides = [1, 1]} : vector<1000x384xf32> to vector<1000x128xf32>
    %add3A_31 = arith.addf %slice3A, %slice3A_30 : vector<1000x128xf32>
    %logistic3A = arith.negf %add3A_31 : vector<1000x128xf32>
    %logistic3A_32 = math.exp %logistic3A : vector<1000x128xf32>
    %logistic3A_33 = arith.constant 1.000000e+00 : f32
    %logistic3A_34 = vector.broadcast %logistic3A_33 : f32 to vector<1000x128xf32>
    %logistic3A_35 = arith.addf %logistic3A_34, %logistic3A_32 : vector<1000x128xf32>
    %logistic3A_36 = arith.divf %logistic3A_34, %logistic3A_35 : vector<1000x128xf32>
    %slice3A_37 = vector.extract_strided_slice %add3A_19 {offsets = [0, 128], sizes = [1000, 128], strides = [1, 1]} : vector<1000x384xf32> to vector<1000x128xf32>
    %slice3A_38 = vector.extract_strided_slice %add3A_29 {offsets = [0, 128], sizes = [1000, 128], strides = [1, 1]} : vector<1000x384xf32> to vector<1000x128xf32>
    %add3A_39 = arith.addf %slice3A_37, %slice3A_38 : vector<1000x128xf32>
    %logistic3A_40 = arith.negf %add3A_39 : vector<1000x128xf32>
    %logistic3A_41 = math.exp %logistic3A_40 : vector<1000x128xf32>
    %logistic3A_42 = arith.constant 1.000000e+00 : f32
    %logistic3A_43 = vector.broadcast %logistic3A_42 : f32 to vector<1000x128xf32>
    %logistic3A_44 = arith.addf %logistic3A_43, %logistic3A_41 : vector<1000x128xf32>
    %logistic3A_45 = arith.divf %logistic3A_43, %logistic3A_44 : vector<1000x128xf32>
    %slice3A_46 = vector.extract_strided_slice %add3A_19 {offsets = [0, 256], sizes = [1000, 128], strides = [1, 1]} : vector<1000x384xf32> to vector<1000x128xf32>
    %slice3A_47 = vector.extract_strided_slice %add3A_29 {offsets = [0, 256], sizes = [1000, 128], strides = [1, 1]} : vector<1000x384xf32> to vector<1000x128xf32>
    %mul3A = arith.mulf %logistic3A_36, %slice3A_47 : vector<1000x128xf32>
    %add3A_48 = arith.addf %slice3A_46, %mul3A : vector<1000x128xf32>
    %tanh3A = math.tanh %add3A_48 : vector<1000x128xf32>
    %sub3A_49 = arith.constant 1.000000e+00 : f32
    %sub3A_50 = vector.broadcast %sub3A_49 : f32 to vector<1000x128xf32>
    %sub3A_51 = arith.subf %sub3A_50, %logistic3A_45 : vector<1000x128xf32>
    %mul3A_52 = arith.mulf %sub3A_51, %tanh3A : vector<1000x128xf32>
    %mul3A_53 = arith.mulf %logistic3A_45, %get3A_10 : vector<1000x128xf32>
    %add3A_54 = arith.addf %mul3A_52, %mul3A_53 : vector<1000x128xf32>
    %swap3A = arith.constant 0 : index
    %swap3A_55 = arith.constant 0 : index
    %swap3A_56 = vector.load %arg13[%swap3A, %swap3A_55] : memref<1000x128xf32, #tpu.memory_space<vmem>>, vector<1000x128xf32>
    tpu.vector_store %arg13[%swap3A, %swap3A_55], %add3A_54 {strides = array<i32>} : memref<1000x128xf32, #tpu.memory_space<vmem>>, vector<1000x128xf32>,
    %get3A_57 = arith.constant 0 : index
    %get3A_58 = arith.constant 0 : index
    %get3A_59 = vector.load %arg9[%get3A_57, %get3A_58] : memref<128x128xf32, #tpu.memory_space<vmem>>, vector<128x128xf32>
    %dot_general3A_60 = arith.constant dense<0.000000e+00> : vector<1000x128xf32>
    %dot_general3A_61 = tpu.matmul %add3A_54, %get3A_59, %dot_general3A_60 {dimension_numbers = #tpu.dot_dimension_numbers<[1], [1], [0], [0], [0, 0, 1, 0], [], []>, transpose_lhs_hint = false} : vector<1000x128xf32>, vector<128x128xf32>, vector<1000x128xf32> -> vector<1000x128xf32>
    %get3A_62 = arith.constant 0 : index
    %get3A_63 = arith.constant 0 : index
    %get3A_64 = vector.load %arg10[%get3A_62, %get3A_63] : memref<1x128xf32, #tpu.memory_space<vmem>>, vector<1x128xf32>
    %add3A_65 = vector.broadcast %get3A_64 : vector<1x128xf32> to vector<1000x128xf32>
    %add3A_66 = arith.addf %dot_general3A_61, %add3A_65 : vector<1000x128xf32>
    %max3A = arith.constant 0.000000e+00 : f32
    %max3A_67 = vector.broadcast %max3A : f32 to vector<1000x128xf32>
    %max3A_68 = arith.maximumf %add3A_66, %max3A_67 : vector<1000x128xf32>
    %get3A_69 = arith.constant 0 : index
    %get3A_70 = arith.constant 0 : index
    %get3A_71 = vector.load %arg11[%get3A_69, %get3A_70] : memref<128x128xf32, #tpu.memory_space<vmem>>, vector<128x128xf32>
    %dot_general3A_72 = arith.constant dense<0.000000e+00> : vector<1000x128xf32>
    %dot_general3A_73 = tpu.matmul %max3A_68, %get3A_71, %dot_general3A_72 {dimension_numbers = #tpu.dot_dimension_numbers<[1], [1], [0], [0], [0, 0, 1, 0], [], []>, transpose_lhs_hint = false} : vector<1000x128xf32>, vector<128x128xf32>, vector<1000x128xf32> -> vector<1000x128xf32>
    %get3A_74 = arith.constant 0 : index
    %get3A_75 = arith.constant 0 : index
    %get3A_76 = vector.load %arg12[%get3A_74, %get3A_75] : memref<1x128xf32, #tpu.memory_space<vmem>>, vector<1x128xf32>
    %add3A_77 = vector.broadcast %get3A_76 : vector<1x128xf32> to vector<1000x128xf32>
    %add3A_78 = arith.addf %dot_general3A_73, %add3A_77 : vector<1000x128xf32>
    %eq3A = arith.constant 10 : i32
    %eq3A_79 = arith.cmpi eq, %arg0, %eq3A : i32
    %jit3A = arith.constant 0.000000e+00 : f32
    %broadcast_in_dim3A = vector.broadcast %jit3A : f32 to vector<1000x128xf32>
    %select_n3A = arith.select %eq3A_79, %broadcast_in_dim3A, %add3A_78 : vector<1000x128xf32>
    %swap3A_80 = arith.constant 0 : index
    %swap3A_81 = arith.constant 0 : index
    %swap3A_82 = vector.load %arg14[%swap3A_80, %swap3A_81] : memref<1000x128xf32, #tpu.memory_space<vmem>>, vector<1000x128xf32>
    tpu.vector_store %arg14[%swap3A_80, %swap3A_81], %select_n3A {strides = array<i32>} : memref<1000x128xf32, #tpu.memory_space<vmem>>, vector<1000x128xf32>,
    return
  }
  func.func @transform_0(%arg0: i32) -> (i32, i32) {
    %min3A = arith.constant 9 : i32
    %min3A_0 = arith.minsi %arg0, %min3A : i32
    %c0_i32 = arith.constant 0 : i32
    %c0_i32_1 = arith.constant 0 : i32
    return %min3A_0, %c0_i32 : i32, i32
  }
  func.func @transform_1(%arg0: i32) -> (i32, i32) {
    %min3A = arith.constant 9 : i32
    %min3A_0 = arith.minsi %arg0, %min3A : i32
    %c0_i32 = arith.constant 0 : i32
    %c0_i32_1 = arith.constant 0 : i32
    return %min3A_0, %c0_i32 : i32, i32
  }
  func.func @transform_2(%arg0: i32) -> (i32, i32) {
    %min3A = arith.constant 9 : i32
    %min3A_0 = arith.minsi %arg0, %min3A : i32
    %c0_i32 = arith.constant 0 : i32
    %c0_i32_1 = arith.constant 0 : i32
    return %min3A_0, %c0_i32 : i32, i32
  }
  func.func @transform_3(%arg0: i32) -> (i32, i32) {
    %min3A = arith.constant 9 : i32
    %min3A_0 = arith.minsi %arg0, %min3A : i32
    %c0_i32 = arith.constant 0 : i32
    %c0_i32_1 = arith.constant 0 : i32
    return %min3A_0, %c0_i32 : i32, i32
  }
  func.func @transform_4(%arg0: i32) -> (i32, i32) {
    %c0_i32 = arith.constant 0 : i32
    %c0_i32_0 = arith.constant 0 : i32
    %c0_i32_1 = arith.constant 0 : i32
    return %c0_i32, %c0_i32_0 : i32, i32
  }
  func.func @transform_5(%arg0: i32) -> (i32, i32) {
    %c0_i32 = arith.constant 0 : i32
    %c0_i32_0 = arith.constant 0 : i32
    %c0_i32_1 = arith.constant 0 : i32
    return %c0_i32, %c0_i32_0 : i32, i32
  }
  func.func @transform_6(%arg0: i32) -> (i32, i32) {
    %c0_i32 = arith.constant 0 : i32
    %c0_i32_0 = arith.constant 0 : i32
    %c0_i32_1 = arith.constant 0 : i32
    return %c0_i32, %c0_i32_0 : i32, i32
  }
  func.func @transform_7(%arg0: i32) -> (i32, i32) {
    %c0_i32 = arith.constant 0 : i32
    %c0_i32_0 = arith.constant 0 : i32
    %c0_i32_1 = arith.constant 0 : i32
    return %c0_i32, %c0_i32_0 : i32, i32
  }
  func.func @transform_8(%arg0: i32) -> (i32, i32) {
    %c0_i32 = arith.constant 0 : i32
    %c0_i32_0 = arith.constant 0 : i32
    %c0_i32_1 = arith.constant 0 : i32
    return %c0_i32, %c0_i32_0 : i32, i32
  }
  func.func @transform_9(%arg0: i32) -> (i32, i32) {
    %c0_i32 = arith.constant 0 : i32
    %c0_i32_0 = arith.constant 0 : i32
    %c0_i32_1 = arith.constant 0 : i32
    return %c0_i32, %c0_i32_0 : i32, i32
  }
  func.func @transform_10(%arg0: i32) -> (i32, i32) {
    %c0_i32 = arith.constant 0 : i32
    %c0_i32_0 = arith.constant 0 : i32
    %c0_i32_1 = arith.constant 0 : i32
    return %c0_i32, %c0_i32_0 : i32, i32
  }
  func.func @transform_11(%arg0: i32) -> (i32, i32) {
    %c0_i32 = arith.constant 0 : i32
    %c0_i32_0 = arith.constant 0 : i32
    %c0_i32_1 = arith.constant 0 : i32
    return %c0_i32, %c0_i32_0 : i32, i32
  }
  func.func @transform_12(%arg0: i32) -> (i32, i32) {
    %min3A = arith.constant 9 : i32
    %min3A_0 = arith.minsi %arg0, %min3A : i32
    %c0_i32 = arith.constant 0 : i32
    %c0_i32_1 = arith.constant 0 : i32
    return %min3A_0, %c0_i32 : i32, i32
  }
  func.func @transform_13(%arg0: i32) -> (i32, i32) {
    %c0_i32 = arith.constant 0 : i32
    %c0_i32_0 = arith.constant 0 : i32
    return %arg0, %c0_i32 : i32, i32
  }
}

module attributes {stable_mosaic.version = 14 : i64} {
  func.func @_gru_pool_body(%arg0: i32, %arg1: memref<1000x128xf32, #tpu.memory_space<vmem>>, %arg2: memref<1000x128xf32, #tpu.memory_space<vmem>>, %arg3: memref<1000x128xf32, #tpu.memory_space<vmem>>, %arg4: memref<1000x128xf32, #tpu.memory_space<vmem>>, %arg5: memref<384x128xf32, #tpu.memory_space<vmem>>, %arg6: memref<1x384xf32, #tpu.memory_space<vmem>>, %arg7: memref<384x128xf32, #tpu.memory_space<vmem>>, %arg8: memref<1x384xf32, #tpu.memory_space<vmem>>, %arg9: memref<1000x1xi32, #tpu.memory_space<vmem>>, %arg10: memref<64x128xf32, #tpu.memory_space<vmem>>, %arg11: memref<1x64xf32, #tpu.memory_space<vmem>>, %arg12: memref<1x64xf32, #tpu.memory_space<vmem>>, %arg13: memref<1x1xf32, #tpu.memory_space<vmem>>, %arg14: memref<64x1xf32, #tpu.memory_space<vmem>>, %arg15: memref<64x128xf32, #tpu.memory_space<vmem>>, %arg16: memref<64x1xf32, #tpu.memory_space<vmem>>) attributes {dimension_semantics = [#tpu.dimension_semantics<arbitrary>], iteration_bounds = array<i64: 10>, scalar_prefetch = 0 : i64, scratch_operands = 2 : i64, tpu.core_type = #tpu.core_type<tc>, window_params = [{transform_indices = @transform_0, window_bounds = array<i64: 1000, 128>}, {transform_indices = @transform_1, window_bounds = array<i64: 1000, 128>}, {transform_indices = @transform_2, window_bounds = array<i64: 1000, 128>}, {transform_indices = @transform_3, window_bounds = array<i64: 1000, 128>}, {pipeline_mode = #tpu.pipeline_mode<synchronous>, transform_indices = @transform_4, window_bounds = array<i64: 384, 128>}, {pipeline_mode = #tpu.pipeline_mode<synchronous>, transform_indices = @transform_5, window_bounds = array<i64: 1, 384>}, {pipeline_mode = #tpu.pipeline_mode<synchronous>, transform_indices = @transform_6, window_bounds = array<i64: 384, 128>}, {pipeline_mode = #tpu.pipeline_mode<synchronous>, transform_indices = @transform_7, window_bounds = array<i64: 1, 384>}, {transform_indices = @transform_8, window_bounds = array<i64: 1000, 1>}, {pipeline_mode = #tpu.pipeline_mode<synchronous>, transform_indices = @transform_9, window_bounds = array<i64: 64, 128>}, {pipeline_mode = #tpu.pipeline_mode<synchronous>, transform_indices = @transform_10, window_bounds = array<i64: 1, 64>}, {pipeline_mode = #tpu.pipeline_mode<synchronous>, transform_indices = @transform_11, window_bounds = array<i64: 1, 64>}, {pipeline_mode = #tpu.pipeline_mode<synchronous>, transform_indices = @transform_12, window_bounds = array<i64: 1, 1>}, {pipeline_mode = #tpu.pipeline_mode<synchronous>, transform_indices = @transform_13, window_bounds = array<i64: 64, 1>}]} {
    %get3A = arith.constant 0 : index
    %get3A_0 = arith.constant 0 : index
    %get3A_1 = vector.load %arg1[%get3A, %get3A_0] : memref<1000x128xf32, #tpu.memory_space<vmem>>, vector<1000x128xf32>
    %get3A_2 = arith.constant 0 : index
    %get3A_3 = arith.constant 0 : index
    %get3A_4 = vector.load %arg2[%get3A_2, %get3A_3] : memref<1000x128xf32, #tpu.memory_space<vmem>>, vector<1000x128xf32>
    %add3A = arith.addf %get3A_1, %get3A_4 : vector<1000x128xf32>
    %get3A_5 = arith.constant 0 : index
    %get3A_6 = arith.constant 0 : index
    %get3A_7 = vector.load %arg3[%get3A_5, %get3A_6] : memref<1000x128xf32, #tpu.memory_space<vmem>>, vector<1000x128xf32>
    %sub3A = arith.subf %add3A, %get3A_7 : vector<1000x128xf32>
    %get3A_8 = arith.constant 0 : index
    %get3A_9 = arith.constant 0 : index
    %get3A_10 = vector.load %arg4[%get3A_8, %get3A_9] : memref<1000x128xf32, #tpu.memory_space<vmem>>, vector<1000x128xf32>
    %get3A_11 = arith.constant 0 : index
    %get3A_12 = arith.constant 0 : index
    %get3A_13 = vector.load %arg5[%get3A_11, %get3A_12] : memref<384x128xf32, #tpu.memory_space<vmem>>, vector<384x128xf32>
    %dot_general3A = arith.constant dense<0.000000e+00> : vector<1000x384xf32>
    %dot_general3A_14 = tpu.matmul %sub3A, %get3A_13, %dot_general3A {dimension_numbers = #tpu.dot_dimension_numbers<[1], [1], [0], [0], [0, 0, 1, 0], [], []>, transpose_lhs_hint = false} : vector<1000x128xf32>, vector<384x128xf32>, vector<1000x384xf32> -> vector<1000x384xf32>
    %get3A_15 = arith.constant 0 : index
    %get3A_16 = arith.constant 0 : index
    %get3A_17 = vector.load %arg6[%get3A_15, %get3A_16] : memref<1x384xf32, #tpu.memory_space<vmem>>, vector<1x384xf32>
    %add3A_18 = vector.broadcast %get3A_17 : vector<1x384xf32> to vector<1000x384xf32>
    %add3A_19 = arith.addf %dot_general3A_14, %add3A_18 : vector<1000x384xf32>
    %get3A_20 = arith.constant 0 : index
    %get3A_21 = arith.constant 0 : index
    %get3A_22 = vector.load %arg7[%get3A_20, %get3A_21] : memref<384x128xf32, #tpu.memory_space<vmem>>, vector<384x128xf32>
    %dot_general3A_23 = arith.constant dense<0.000000e+00> : vector<1000x384xf32>
    %dot_general3A_24 = tpu.matmul %get3A_10, %get3A_22, %dot_general3A_23 {dimension_numbers = #tpu.dot_dimension_numbers<[1], [1], [0], [0], [0, 0, 1, 0], [], []>, transpose_lhs_hint = false} : vector<1000x128xf32>, vector<384x128xf32>, vector<1000x384xf32> -> vector<1000x384xf32>
    %get3A_25 = arith.constant 0 : index
    %get3A_26 = arith.constant 0 : index
    %get3A_27 = vector.load %arg8[%get3A_25, %get3A_26] : memref<1x384xf32, #tpu.memory_space<vmem>>, vector<1x384xf32>
    %add3A_28 = vector.broadcast %get3A_27 : vector<1x384xf32> to vector<1000x384xf32>
    %add3A_29 = arith.addf %dot_general3A_24, %add3A_28 : vector<1000x384xf32>
    %slice3A = vector.extract_strided_slice %add3A_19 {offsets = [0, 0], sizes = [1000, 128], strides = [1, 1]} : vector<1000x384xf32> to vector<1000x128xf32>
    %slice3A_30 = vector.extract_strided_slice %add3A_29 {offsets = [0, 0], sizes = [1000, 128], strides = [1, 1]} : vector<1000x384xf32> to vector<1000x128xf32>
    %add3A_31 = arith.addf %slice3A, %slice3A_30 : vector<1000x128xf32>
    %logistic3A = arith.negf %add3A_31 : vector<1000x128xf32>
    %logistic3A_32 = math.exp %logistic3A : vector<1000x128xf32>
    %logistic3A_33 = arith.constant 1.000000e+00 : f32
    %logistic3A_34 = vector.broadcast %logistic3A_33 : f32 to vector<1000x128xf32>
    %logistic3A_35 = arith.addf %logistic3A_34, %logistic3A_32 : vector<1000x128xf32>
    %logistic3A_36 = arith.divf %logistic3A_34, %logistic3A_35 : vector<1000x128xf32>
    %slice3A_37 = vector.extract_strided_slice %add3A_19 {offsets = [0, 128], sizes = [1000, 128], strides = [1, 1]} : vector<1000x384xf32> to vector<1000x128xf32>
    %slice3A_38 = vector.extract_strided_slice %add3A_29 {offsets = [0, 128], sizes = [1000, 128], strides = [1, 1]} : vector<1000x384xf32> to vector<1000x128xf32>
    %add3A_39 = arith.addf %slice3A_37, %slice3A_38 : vector<1000x128xf32>
    %logistic3A_40 = arith.negf %add3A_39 : vector<1000x128xf32>
    %logistic3A_41 = math.exp %logistic3A_40 : vector<1000x128xf32>
    %logistic3A_42 = arith.constant 1.000000e+00 : f32
    %logistic3A_43 = vector.broadcast %logistic3A_42 : f32 to vector<1000x128xf32>
    %logistic3A_44 = arith.addf %logistic3A_43, %logistic3A_41 : vector<1000x128xf32>
    %logistic3A_45 = arith.divf %logistic3A_43, %logistic3A_44 : vector<1000x128xf32>
    %slice3A_46 = vector.extract_strided_slice %add3A_19 {offsets = [0, 256], sizes = [1000, 128], strides = [1, 1]} : vector<1000x384xf32> to vector<1000x128xf32>
    %slice3A_47 = vector.extract_strided_slice %add3A_29 {offsets = [0, 256], sizes = [1000, 128], strides = [1, 1]} : vector<1000x384xf32> to vector<1000x128xf32>
    %mul3A = arith.mulf %logistic3A_36, %slice3A_47 : vector<1000x128xf32>
    %add3A_48 = arith.addf %slice3A_46, %mul3A : vector<1000x128xf32>
    %tanh3A = math.tanh %add3A_48 : vector<1000x128xf32>
    %sub3A_49 = arith.constant 1.000000e+00 : f32
    %sub3A_50 = vector.broadcast %sub3A_49 : f32 to vector<1000x128xf32>
    %sub3A_51 = arith.subf %sub3A_50, %logistic3A_45 : vector<1000x128xf32>
    %mul3A_52 = arith.mulf %sub3A_51, %tanh3A : vector<1000x128xf32>
    %mul3A_53 = arith.mulf %logistic3A_45, %get3A_10 : vector<1000x128xf32>
    %add3A_54 = arith.addf %mul3A_52, %mul3A_53 : vector<1000x128xf32>
    %get3A_55 = arith.constant 0 : index
    %get3A_56 = arith.constant 0 : index
    %get3A_57 = vector.load %arg9[%get3A_55, %get3A_56] : memref<1000x1xi32, #tpu.memory_space<vmem>>, vector<1000x1xi32>
    %iota3A = tpu.iota {dimensions = array<i32: 1>} : vector<1x64xi32>
    %eq3A = vector.broadcast %get3A_57 : vector<1000x1xi32> to vector<1000x64xi32>
    %eq3A_58 = vector.broadcast %iota3A : vector<1x64xi32> to vector<1000x64xi32>
    %eq3A_59 = arith.cmpi eq, %eq3A, %eq3A_58 : vector<1000x64xi32>
    %convert_element_type3A = arith.extui %eq3A_59 : vector<1000x64xi1> to vector<1000x64xi32>
    %convert_element_type3A_60 = arith.sitofp %convert_element_type3A : vector<1000x64xi32> to vector<1000x64xf32>
    %dot_general3A_61 = arith.constant dense<0.000000e+00> : vector<64x128xf32>
    %dot_general3A_62 = tpu.matmul %convert_element_type3A_60, %add3A_54, %dot_general3A_61 {dimension_numbers = #tpu.dot_dimension_numbers<[0], [0], [1], [1], [0, 1, 1, 1], [], []>, transpose_lhs_hint = false} : vector<1000x64xf32>, vector<1000x128xf32>, vector<64x128xf32> -> vector<64x128xf32>
    %broadcast_in_dim3A = arith.constant 1.000000e+00 : f32
    %broadcast_in_dim3A_63 = vector.broadcast %broadcast_in_dim3A : f32 to vector<1000x1xf32>
    %dot_general3A_64 = arith.constant dense<0.000000e+00> : vector<64x1xf32>
    %dot_general3A_65 = tpu.matmul %convert_element_type3A_60, %broadcast_in_dim3A_63, %dot_general3A_64 {dimension_numbers = #tpu.dot_dimension_numbers<[0], [0], [1], [1], [0, 1, 1, 1], [], []>, transpose_lhs_hint = false} : vector<1000x64xf32>, vector<1000x1xf32>, vector<64x1xf32> -> vector<64x1xf32>
    %eq3A_66 = arith.constant 0 : i32
    %eq3A_67 = arith.cmpi eq, %arg0, %eq3A_66 : i32
    %convert_element_type3A_68 = arith.extui %eq3A_67 : i1 to i32
    %cond3A = arith.constant 0 : i32
    %cond3A_69 = arith.cmpi ne, %convert_element_type3A_68, %cond3A : i32
    scf.if %cond3A_69 {
      %swap3A = arith.constant 0 : index
      %swap3A_79 = arith.constant 0 : index
      %swap3A_80 = vector.load %arg15[%swap3A, %swap3A_79] : memref<64x128xf32, #tpu.memory_space<vmem>>, vector<64x128xf32>
      tpu.vector_store %arg15[%swap3A, %swap3A_79], %dot_general3A_62 {strides = array<i32>} : memref<64x128xf32, #tpu.memory_space<vmem>>, vector<64x128xf32>,
      %swap3A_81 = arith.constant 0 : index
      %swap3A_82 = arith.constant 0 : index
      %swap3A_83 = vector.load %arg16[%swap3A_81, %swap3A_82] : memref<64x1xf32, #tpu.memory_space<vmem>>, vector<64x1xf32>
      tpu.vector_store %arg16[%swap3A_81, %swap3A_82], %dot_general3A_65 {strides = array<i32>} : memref<64x1xf32, #tpu.memory_space<vmem>>, vector<64x1xf32>,
    } else {
    }
    %gt3A = arith.constant 0 : i32
    %gt3A_70 = arith.cmpi sgt, %arg0, %gt3A : i32
    %convert_element_type3A_71 = arith.extui %gt3A_70 : i1 to i32
    %cond3A_72 = arith.constant 0 : i32
    %cond3A_73 = arith.cmpi ne, %convert_element_type3A_71, %cond3A_72 : i32
    scf.if %cond3A_73 {
      %get3A_79 = arith.constant 0 : index
      %get3A_80 = arith.constant 0 : index
      %get3A_81 = vector.load %arg15[%get3A_79, %get3A_80] : memref<64x128xf32, #tpu.memory_space<vmem>>, vector<64x128xf32>
      %add3A_82 = arith.addf %get3A_81, %dot_general3A_62 : vector<64x128xf32>
      %swap3A = arith.constant 0 : index
      %swap3A_83 = arith.constant 0 : index
      %swap3A_84 = vector.load %arg15[%swap3A, %swap3A_83] : memref<64x128xf32, #tpu.memory_space<vmem>>, vector<64x128xf32>
      tpu.vector_store %arg15[%swap3A, %swap3A_83], %add3A_82 {strides = array<i32>} : memref<64x128xf32, #tpu.memory_space<vmem>>, vector<64x128xf32>,
      %get3A_85 = arith.constant 0 : index
      %get3A_86 = arith.constant 0 : index
      %get3A_87 = vector.load %arg16[%get3A_85, %get3A_86] : memref<64x1xf32, #tpu.memory_space<vmem>>, vector<64x1xf32>
      %add3A_88 = arith.addf %get3A_87, %dot_general3A_65 : vector<64x1xf32>
      %swap3A_89 = arith.constant 0 : index
      %swap3A_90 = arith.constant 0 : index
      %swap3A_91 = vector.load %arg16[%swap3A_89, %swap3A_90] : memref<64x1xf32, #tpu.memory_space<vmem>>, vector<64x1xf32>
      tpu.vector_store %arg16[%swap3A_89, %swap3A_90], %add3A_88 {strides = array<i32>} : memref<64x1xf32, #tpu.memory_space<vmem>>, vector<64x1xf32>,
    } else {
    }
    %eq3A_74 = arith.constant 9 : i32
    %eq3A_75 = arith.cmpi eq, %arg0, %eq3A_74 : i32
    %convert_element_type3A_76 = arith.extui %eq3A_75 : i1 to i32
    %cond3A_77 = arith.constant 0 : i32
    %cond3A_78 = arith.cmpi ne, %convert_element_type3A_76, %cond3A_77 : i32
    scf.if %cond3A_78 {
      %get3A_79 = arith.constant 0 : index
      %get3A_80 = arith.constant 0 : index
      %get3A_81 = vector.load %arg15[%get3A_79, %get3A_80] : memref<64x128xf32, #tpu.memory_space<vmem>>, vector<64x128xf32>
      %get3A_82 = arith.constant 0 : index
      %get3A_83 = arith.constant 0 : index
      %get3A_84 = vector.load %arg16[%get3A_82, %get3A_83] : memref<64x1xf32, #tpu.memory_space<vmem>>, vector<64x1xf32>
      %max3A = arith.constant 1.000000e+00 : f32
      %max3A_85 = vector.broadcast %max3A : f32 to vector<64x1xf32>
      %max3A_86 = arith.maximumf %get3A_84, %max3A_85 : vector<64x1xf32>
      %div3A = vector.broadcast %max3A_86 : vector<64x1xf32> to vector<64x128xf32>
      %div3A_87 = arith.divf %get3A_81, %div3A : vector<64x128xf32>
      %get3A_88 = arith.constant 0 : index
      %get3A_89 = arith.constant 0 : index
      %get3A_90 = vector.load %arg10[%get3A_88, %get3A_89] : memref<64x128xf32, #tpu.memory_space<vmem>>, vector<64x128xf32>
      %dot_general3A_91 = arith.constant dense<0.000000e+00> : vector<64x64xf32>
      %dot_general3A_92 = tpu.matmul %div3A_87, %get3A_90, %dot_general3A_91 {dimension_numbers = #tpu.dot_dimension_numbers<[1], [1], [0], [0], [0, 0, 1, 0], [], []>, transpose_lhs_hint = false} : vector<64x128xf32>, vector<64x128xf32>, vector<64x64xf32> -> vector<64x64xf32>
      %get3A_93 = arith.constant 0 : index
      %get3A_94 = arith.constant 0 : index
      %get3A_95 = vector.load %arg11[%get3A_93, %get3A_94] : memref<1x64xf32, #tpu.memory_space<vmem>>, vector<1x64xf32>
      %add3A_96 = vector.broadcast %get3A_95 : vector<1x64xf32> to vector<64x64xf32>
      %add3A_97 = arith.addf %dot_general3A_92, %add3A_96 : vector<64x64xf32>
      %max3A_98 = arith.constant 0.000000e+00 : f32
      %max3A_99 = vector.broadcast %max3A_98 : f32 to vector<64x64xf32>
      %max3A_100 = arith.maximumf %add3A_97, %max3A_99 : vector<64x64xf32>
      %get3A_101 = arith.constant 0 : index
      %get3A_102 = arith.constant 0 : index
      %get3A_103 = vector.load %arg12[%get3A_101, %get3A_102] : memref<1x64xf32, #tpu.memory_space<vmem>>, vector<1x64xf32>
      %mul3A_104 = vector.broadcast %get3A_103 : vector<1x64xf32> to vector<64x64xf32>
      %mul3A_105 = arith.mulf %max3A_100, %mul3A_104 : vector<64x64xf32>
      %reduce_sum3A = arith.constant dense<0.000000e+00> : vector<64xf32>
      %reduce_sum3A_106 = vector.multi_reduction <add>, %mul3A_105, %reduce_sum3A [1] : vector<64x64xf32> to vector<64xf32>
      %broadcast_in_dim3A_107 = vector.shape_cast %reduce_sum3A_106 : vector<64xf32> to vector<64x1xf32>
      %get3A_108 = arith.constant 0 : index
      %get3A_109 = arith.constant 0 : index
      %get3A_110 = vector.load %arg13[%get3A_108, %get3A_109] : memref<1x1xf32, #tpu.memory_space<vmem>>, vector<1x1xf32>
      %get3A_111 = vector.extract %get3A_110[0, 0] : f32 from vector<1x1xf32>
      %add3A_112 = vector.broadcast %get3A_111 : f32 to vector<64x1xf32>
      %add3A_113 = arith.addf %broadcast_in_dim3A_107, %add3A_112 : vector<64x1xf32>
      %swap3A = arith.constant 0 : index
      %swap3A_114 = arith.constant 0 : index
      %swap3A_115 = vector.load %arg14[%swap3A, %swap3A_114] : memref<64x1xf32, #tpu.memory_space<vmem>>, vector<64x1xf32>
      tpu.vector_store %arg14[%swap3A, %swap3A_114], %add3A_113 {strides = array<i32>} : memref<64x1xf32, #tpu.memory_space<vmem>>, vector<64x1xf32>,
    } else {
    }
    return
  }
  func.func @transform_0(%arg0: i32) -> (i32, i32) {
    %c0_i32 = arith.constant 0 : i32
    %c0_i32_0 = arith.constant 0 : i32
    return %arg0, %c0_i32 : i32, i32
  }
  func.func @transform_1(%arg0: i32) -> (i32, i32) {
    %c0_i32 = arith.constant 0 : i32
    %c0_i32_0 = arith.constant 0 : i32
    return %arg0, %c0_i32 : i32, i32
  }
  func.func @transform_2(%arg0: i32) -> (i32, i32) {
    %c0_i32 = arith.constant 0 : i32
    %c0_i32_0 = arith.constant 0 : i32
    return %arg0, %c0_i32 : i32, i32
  }
  func.func @transform_3(%arg0: i32) -> (i32, i32) {
    %c0_i32 = arith.constant 0 : i32
    %c0_i32_0 = arith.constant 0 : i32
    return %arg0, %c0_i32 : i32, i32
  }
  func.func @transform_4(%arg0: i32) -> (i32, i32) {
    %c0_i32 = arith.constant 0 : i32
    %c0_i32_0 = arith.constant 0 : i32
    %c0_i32_1 = arith.constant 0 : i32
    return %c0_i32, %c0_i32_0 : i32, i32
  }
  func.func @transform_5(%arg0: i32) -> (i32, i32) {
    %c0_i32 = arith.constant 0 : i32
    %c0_i32_0 = arith.constant 0 : i32
    %c0_i32_1 = arith.constant 0 : i32
    return %c0_i32, %c0_i32_0 : i32, i32
  }
  func.func @transform_6(%arg0: i32) -> (i32, i32) {
    %c0_i32 = arith.constant 0 : i32
    %c0_i32_0 = arith.constant 0 : i32
    %c0_i32_1 = arith.constant 0 : i32
    return %c0_i32, %c0_i32_0 : i32, i32
  }
  func.func @transform_7(%arg0: i32) -> (i32, i32) {
    %c0_i32 = arith.constant 0 : i32
    %c0_i32_0 = arith.constant 0 : i32
    %c0_i32_1 = arith.constant 0 : i32
    return %c0_i32, %c0_i32_0 : i32, i32
  }
  func.func @transform_8(%arg0: i32) -> (i32, i32) {
    %c0_i32 = arith.constant 0 : i32
    %c0_i32_0 = arith.constant 0 : i32
    return %arg0, %c0_i32 : i32, i32
  }
  func.func @transform_9(%arg0: i32) -> (i32, i32) {
    %c0_i32 = arith.constant 0 : i32
    %c0_i32_0 = arith.constant 0 : i32
    %c0_i32_1 = arith.constant 0 : i32
    return %c0_i32, %c0_i32_0 : i32, i32
  }
  func.func @transform_10(%arg0: i32) -> (i32, i32) {
    %c0_i32 = arith.constant 0 : i32
    %c0_i32_0 = arith.constant 0 : i32
    %c0_i32_1 = arith.constant 0 : i32
    return %c0_i32, %c0_i32_0 : i32, i32
  }
  func.func @transform_11(%arg0: i32) -> (i32, i32) {
    %c0_i32 = arith.constant 0 : i32
    %c0_i32_0 = arith.constant 0 : i32
    %c0_i32_1 = arith.constant 0 : i32
    return %c0_i32, %c0_i32_0 : i32, i32
  }
  func.func @transform_12(%arg0: i32) -> (i32, i32) {
    %c0_i32 = arith.constant 0 : i32
    %c0_i32_0 = arith.constant 0 : i32
    %c0_i32_1 = arith.constant 0 : i32
    return %c0_i32, %c0_i32_0 : i32, i32
  }
  func.func @transform_13(%arg0: i32) -> (i32, i32) {
    %c0_i32 = arith.constant 0 : i32
    %c0_i32_0 = arith.constant 0 : i32
    %c0_i32_1 = arith.constant 0 : i32
    return %c0_i32, %c0_i32_0 : i32, i32
  }
}

</mosaic_0001>

<sc_bundles>
// kernel: kernel.15.cloned.1.call-start
scs
__scs_entry_jumppad:
0x0: {  	(pc) =	sbr.rel $0x88, $3  }
0x1: {  	(tag) =	ssettag $0x0;
	lr =	simm.s32 $0x1  }
0x2: {  	[smem:$0x3F90] =	sst lr;
	_ =	strace $0xD0000000  }
0x3: {  	_ = 	snop  }
0x4: {  	_ = 	snop  }
0x5: {  	_ = 	snop  }
0x6: {  	_ = 	snop  }
0x7: {  	_ = 	snop  }
__scs_overlays_trampoline_lowered:
0x8: {  	[smem:$0x3F9F] =	sst s0  }
0x9: {  	[smem:$0x3FA0] =	sst s1  }
0xa: {  	[smem:$0x3FA1] =	sst s2  }
0xb: {  	[smem:$0x3FA2] =	sst s3  }
0xc: {  	[smem:$0x3FA3] =	sst s4  }
0xd: {  	[smem:$0x3FA4] =	sst s5  }
0xe: {  	[smem:$0x3FA5] =	sst s6  }
0xf: {  	[smem:$0x3FA6] =	sst s7  }
0x10: {  	[smem:$0x3FA7] =	sst s8  }
0x11: {  	[smem:$0x3FA8] =	sst s9;
	s0 =	simm.s32 @!p0 $0x0  }
0x12: {  	s1 =	sld [smem:$0x3F8E];
	s0 =	simm.s32 @p0 $0x1  }
0x13: {  	[smem:$0x3FA9] =	sst s0;
	s0 =	simm.s32 @!p1 $0x0  }
0x14: {  	s2 =	sld [smem:$0x3F8D];
	s0 =	simm.s32 @p1 $0x1  }
0x15: {  	[smem:$0x3FAA] =	sst s0;
	s0 =	simm.s32 @!p2 $0x0  }
0x16: {  	s3 =	sld [smem:$0x3FDB];
	s0 =	simm.s32 @p2 $0x1  }
0x17: {  	s4 =	simm.s32 $0x1BF5;
	[smem:$0x3FAC] =	sst s0  }
0x18: {  	s0 =	sld [smem:$0x3F8F];
	_ =	swait.ge [sflag:s4], $0x0  }
0x19: {  	s7 =	sld [smem:$0x3F90]  }
0x1a: {  	s8 =	sadd.s32 $0xFFFFE003, lr  }
0x1b: {  	s9 =	sadd.s32 $0xFFFFFEF7, lr;
	s5 =	simm.s32 $0xFFFFFFFF;
	p2 =	slt.u32 s8, $0xFFFFF086  }
0x1c: {  	p1 =	slt.u32 s9, $0xF7A;
	s5 =	simm.s32 @!p2 $0x0  }
0x1d: {  	s5 =	simm.s32 @p1 $0x1;
	p0 =	seq.s32 s7, s2  }
0x1e: {  	s7 =	smul.u32 @!p0 $0xF7A, s2;
	p2 =	seq.s32 @!p0 s5, $0x0  }
0x1f: {  	s9 =	smul.u32 $0xF7A, s1;
	s8 =	simm.s32 @!p0 $0x1BF5;
	p2 =	por !p2, p0  }
0x20: {  	[sflag:s8] =	ssyncset.s32 @!p0 $0xFFFFF086;
	s6 =	sadd.s32 @!p0 s3, s7;
	s7 =	simm.s32 @!p0 $0x108  }
0x21: {  	s3 =	sadd.s32 s3, s9;
	s6 =	sadd.s32 @!p0 $0x88, s6;
	s7 =	simm.s32 @p2 $0x1082  }
0x22: {  	[simem:s7], [sflag:s8] =	dma.local @!p0 [hbm:s6], $0xF7A  }
0x23: {  	s9 =	sor.u32 $0xD0000000, s2;
	s6 =	simm.s32 $0x108;
	_ =	swait.ge @!p0 [sflag:s8], $0x0  }
0x24: {  	s3 =	sadd.s32 $0x88, s3;
	s6 =	simm.s32 @!p1 $0x1082;
	[sflag:s4] =	ssyncset.s32 $0xFFFFF086  }
0x25: {  	[simem:s6], [sflag:s4] =	dma.local [hbm:s3], $0xF7A  }
0x26: {  	[smem:$0x3F90] =	sst s1;
	(tag) =	ssettag s2;
	_ =	strace s9  }
0x27: {  	s1 =	sld [smem:$0x3FA0]  }
0x28: {  	s2 =	sld [smem:$0x3FA1]  }
0x29: {  	s4 =	sld [smem:$0x3FA3]  }
0x2a: {  	p0 =	seq.s32 s5, $0x0;
	s5 =	sld [smem:$0x3FA4]  }
0x2b: {  	s6 =	sld [smem:$0x3FA5]  }
0x2c: {  	s7 =	sld [smem:$0x3FA6]  }
0x2d: {  	s3 =	simm.s32 $0x108;
	s8 =	sld [smem:$0x3FA7]  }
0x2e: {  	s3 =	simm.s32 @!p0 $0x1082;
	s9 =	sld [smem:$0x3FA8]  }
0x2f: {  	lr =	sadd.s32 s0, s3;
	s0 =	sld [smem:$0x3F9F]  }
0x30: {  	s3 =	sld [smem:$0x3FA2]  }
0x31: {  	[smem:$0x3FAB] =	sst s10  }
0x32: {  	s10 =	sld [smem:$0x3FA9];
	_ =	sdelay $0x3  }
0x33: {  	p0 =	seq.s32 s10, $0x1;
	s10 =	sld [smem:$0x3FAB];
	_ =	sdelay $0x3  }
0x34: {  	[smem:$0x3FAB] =	sst s10  }
0x35: {  	s10 =	sld [smem:$0x3FAA];
	_ =	sdelay $0x3  }
0x36: {  	p1 =	seq.s32 s10, $0x1;
	s10 =	sld [smem:$0x3FAB];
	_ =	sdelay $0x3  }
0x37: {  	[smem:$0x3FAB] =	sst s10  }
0x38: {  	s10 =	sld [smem:$0x3FAC]  }
0x39: {  	_ = 	snop;
	(pc) =	sbr.ind lr, $3  }
0x3a: {  	_ = 	snop  }
0x3b: {  	_ = 	snop  }
0x3c: {  	p2 =	seq.s32 s10, $0x1;
	s10 =	sld [smem:$0x3FAB]  }
0x3d: {  	_ =	shalt  }
0x3e: {  	_ =	shalt  }
0x3f: {  	_ =	shalt  }
0x40: {  	_ =	shalt  }
0x41: {  	_ =	shalt  }
0x42: {  	_ =	shalt  }
0x43: {  	_ =	shalt  }
0x44: {  	_ =	shalt  }
0x45: {  	_ =	shalt  }
0x46: {  	_ =	shalt  }
0x47: {  	_ =	shalt  }
0x48: {  	_ =	shalt  }
0x49: {  	_ =	shalt  }
0x4a: {  	_ =	shalt  }
0x4b: {  	_ =	shalt  }
0x4c: {  	_ =	shalt  }
0x4d: {  	_ =	shalt  }
0x4e: {  	_ =	shalt  }
0x4f: {  	_ =	shalt  }
0x50: {  	_ =	shalt  }
0x51: {  	_ =	shalt  }
0x52: {  	_ =	shalt  }
0x53: {  	_ =	shalt  }
0x54: {  	_ =	shalt  }
0x55: {  	_ =	shalt  }
0x56: {  	_ =	shalt  }
0x57: {  	_ =	shalt  }
0x58: {  	_ =	shalt  }
0x59: {  	_ =	shalt  }
0x5a: {  	_ =	shalt  }
0x5b: {  	_ =	shalt  }
0x5c: {  	_ =	shalt  }
0x5d: {  	_ =	shalt  }
0x5e: {  	_ =	shalt  }
0x5f: {  	_ =	shalt  }
0x60: {  	_ =	shalt  }
0x61: {  	_ =	shalt  }
0x62: {  	_ =	shalt  }
0x63: {  	_ =	shalt  }
0x64: {  	_ =	shalt  }
0x65: {  	_ =	shalt  }
0x66: {  	_ =	shalt  }
0x67: {  	_ =	shalt  }
0x68: {  	_ =	shalt  }
0x69: {  	_ =	shalt  }
0x6a: {  	_ =	shalt  }
0x6b: {  	_ =	shalt  }
0x6c: {  	_ =	shalt  }
0x6d: {  	_ =	shalt  }
0x6e: {  	_ =	shalt  }
0x6f: {  	_ =	shalt  }
0x70: {  	_ =	shalt  }
0x71: {  	_ =	shalt  }
0x72: {  	_ =	shalt  }
0x73: {  	_ =	shalt  }
0x74: {  	_ =	shalt  }
0x75: {  	_ =	shalt  }
0x76: {  	_ =	shalt  }
0x77: {  	_ =	shalt  }
0x78: {  	_ =	shalt  }
0x79: {  	_ =	shalt  }
0x7a: {  	_ =	shalt  }
0x7b: {  	_ =	shalt  }
0x7c: {  	_ =	shalt  }
0x7d: {  	_ =	shalt  }
0x7e: {  	_ =	shalt  }
0x7f: {  	_ =	shalt  }
0x80: {  	_ =	shalt  }
0x81: {  	_ =	shalt  }
0x82: {  	_ =	shalt  }
0x83: {  	_ =	shalt  }
0x84: {  	_ =	shalt  }
0x85: {  	_ =	shalt  }
0x86: {  	_ =	shalt  }
0x87: {  	_ =	shalt  }
.Lfunc_end0:
.L_simem_size_0:
called_computation_lowered:
.L_overlay_start_0:
0x88: {  	s2 =	sld [smem:$0x3FD9]  }
0x89: {  	s3 =	sld [smem:$0x3FFE];
	_ =	sdelay $0x1  }
0x8a: {  	s1 =	srdreg.scid  }
0x8b: {  	s0 =	sand.u32 $0x1, s1  }
0x8c: {  	s16 =	sshll.u32 s0, $0xA;
	s2 =	sadd.s32 s3, s2  }
0x8d: {  	s2 =	sadd.s32 s2, s16  }
0x8e: {  	[smem:$0x3FB7] =	sst s2  }
0x8f: {  	_ = 	snop  }
0x90: {  	(tm) =	ssettm $0x1  }
0x91: {  	s17 =	sld [smem:$0x3FFB];
	_ =	sdelay $0x3  }
0x92: {  	_ =	strace s17  }
0x93: {  	s2 =	sld [smem:$0x3FFC];
	_ =	sdelay $0x3  }
0x94: {  	_ =	strace s2  }
0x95: {  	s2 =	sld [smem:$0x3FFD];
	_ =	sdelay $0x3  }
0x96: {  	_ =	strace s2  }
0x97: {  	_ =	strace $0x8FFFFFFF  }
0x98: {  	s18 =	sld [smem:$0x3FDB];
	_ =	sdelay $0x1  }
0x99: {  	s19 =	simm.s32 $_scs_section_size  }
0x9a: {  	s4 =	simm.s32 $_size__tile_overlayer_lowered;
	s5 =	simm.s32 $_tile_overlayer_lowered  }
0x9b: {  	s22 =	simm.s32 $0x1BFF;
	s21 =	sshll.u32 s5, $0x1;
	s2 =	sadd.s32 s19, s18  }
0x9c: {  	s6 =	simm.s32 $0x0;
	s20 =	sshll.u32 s4, $0x1;
	s4 =	sadd.s32 s21, s2  }
0x9d: {  	[timem:s6], [sflag:s22] =	dma.local [hbm:s4], s20  }
0x9e: {  	_ =	swait.ge [sflag:s22], s20  }
0x9f: {  	s3 =	ssub.s32 $0x0, s20;
	[sflag:s22] =	ssyncset.done $0x0  }
0xa0: {  	[sflag:s22] =	ssyncadd.s32 s3;
	_ =	sdelay $0x1  }
0xa1: {  	s23 =	simm.s32 $0x1B8B  }
0xa2: {  	_ =	swait.ge [sflag:s23], $0x1  }
0xa3: {  	[sflag:s23] =	ssyncset.done $0x0  }
0xa4: {  	s25 =	simm.s32 $0x1B8E;
	s24 =	sld [smem:$0x3FFE];
	[sflag:s23] =	ssyncadd.s32 $0xFFFFFFFF  }
0xa5: {  	s26 =	simm.s32 $execute0_lowered;
	[smem:$0x3FD2] =	sst s25  }
0xa6: {  	s4 =	sshll.u32 s26, $0x1;
	_ =	strace $0x80000046;
	[dreg:$0x1] =	wrdreg $0xFFFFFFFF  }
0xa7: {  	s28 =	simm.s32 $_size_execute0_lowered;
	s2 =	sadd.s32 s2, s4;
	[dreg:$0x0] =	wrdreg $0x0  }
0xa8: {  	s4 =	sshll.u32 s28, $0x1;
	[dreg:$0x2] =	wrdreg s2  }
0xa9: {  	[dreg:$0x3] =	wrdreg s4  }
0xaa: {  	[dreg:$0x4] =	wrdreg $0xC0  }
0xab: {  	_ =	task [dreg:s6], $0x5FFFF  }
0xac: {  	[dreg:$0x1] =	wrdreg $0xFFFFFFFF  }
0xad: {  	[dreg:$0x0] =	wrdreg $0x60  }
0xae: {  	[dreg:$0x2] =	wrdreg s24  }
0xaf: {  	[dreg:$0x3] =	wrdreg $0x0  }
0xb0: {  	[dreg:$0x4] =	wrdreg $0x9  }
0xb1: {  	_ =	task.clear_ibuf [dreg:s6], $0x5FFFF;
	_ =	strace $0x90000046  }
0xb2: {  	s29 =	simm.s32 $0x9;
	_ =	strace $0x80000048  }
0xb3: {  	_ =	swait.ge [sflag:s29], $0x1  }
0xb4: {  	[sflag:s29] =	ssyncadd.s32 $0xFFFFFFFF  }
0xb5: {  	_ =	strace $0x90000048  }
0xb6: {  	_ =	sfence  }
0xb7: {  	s30 =	sld [smem:$0x0];
	_ =	sdelay $0x2  }
0xb8: {  	s31 =	sshll.u32 s1, $0xD;
	s1 =	sshrl.u32 s1, $0x2  }
0xb9: {  	s3 =	sand.u32 $0x4000, s31;
	s1 =	sadd.s32 s1, s30  }
0xba: {  	s0 =	sor.u32 s3, s0;
	s1 =	sshll.u32 s1, $0x11  }
0xbb: {  	s0 =	sor.u32 s1, s0  }
0xbc: {  	s0 =	sadd.s32 $0x8F2B, s0  }
0xbd: {  	[sflag:s0] =	ssyncadd.remote.s32 $0x1  }
0xbe: {  	_ =	sfence.sel $0xFFFF  }
0xbf: {  	[dreg:$0x0] =	wrdreg $0xFFFFFFFF;
	(pc) =	sbr.abs _section_cstart, $3  }
0xc0: {  	[dreg:$0x1] =	wrdreg $0xFFFFFFFF  }
0xc1: {  	_ =	task.clear_ibuf [dreg:s6], $0x2FFFF;
	_ =	strace $0x9FFFFFFF  }
0xc2: {  	(tm) =	ssettm $0x7FFFFFFF  }
0xc3: {  	_ =	shalt  }
tec
execute0_lowered:
.L_overlay_start_1:
0x0: {  	(tag) =	ssettag $0x1  }
0x1: {  	s0 =	rddreg [dreg:$0x0]  }
0x2: {  	s1 =	rddreg [dreg:$0x1];
	s2 =	simm.s32 $0x0;
	s3 =	srdreg.scid  }
0x3: {  	s22 =	stileid.u32;
	s19 =	simm.s32 $0x4;
	s20 =	simm.s32 $0x14C80  }
0x4: {  	s21 =	simm.s32 $0x80;
	s28 =	simm.s32 $0x2;
	s29 =	simm.s32 $0x15F80  }
0x5: {  	s30 =	simm.s32 $0x16000;
	s31 =	simm.s32 $0x0;
	[smem:$0x7FF] =	sst s2  }
0x6: {  	s4 =	sadd.s32 $0x19400, s0;
	s11 =	sadd.s32 $0x5400, s0;
	s3 =	sand.u32 $0x1, s3  }
0x7: {  	s12 =	sadd.s32 $0xF400, s0;
	s6 =	smul.u32 $0x4E000, s22;
	s8 =	sshll.u32 s22, $0x1  }
0x8: {  	s13 =	smul.u32 $0x13800, s22;
	s14 =	sadd.s32 $0x40600, s0;
	s18 =	sadd.s32 $0x138000, s1  }
0x9: {  	p0 =	sne.s32 s22, $0xF;
	_ =	strace $0x80000047;
	s5 =	ssub.s32 $0x2, s3  }
0xa: {  	s23 =	sor.u32 s3, s8;
	s3 =	smul.u32 $0x138800, s3;
	s7 =	sshrl.u32 s5, $0x1  }
0xb: {  	s6 =	sshrl.u32 s6, $0x2;
	s24 =	sshrl.u32 s13, $0x3;
	s8 =	smul.u32 $0x2800, s23  }
0xc: {  	s23 =	simm.s32 $0x13900;
	s15 =	ssub.s32 s5, s7;
	s16 =	sadd.s32 s6, s1  }
0xd: {  	s5 =	sadd.s32 s4, s24;
	s6 =	sshll.u32 s22, $0x6;
	s13 =	sadd.s32 s13, s3  }
0xe: {  	s3 =	sshrl.u32 s3, $0x3;
	s22 =	simm.s32 $0x16080;
	s24 =	simm.s32 $0x1A080  }
0xf: {  	s7 =	sor.u32 $0x1C03, s6;
	s17 =	sshrl.u32 s8, $0x3;
	s8 =	sadd.s32 $0x40400, s0  }
0x10: {  	s13 =	sshrl.u32 s13, $0x3;
	s26 =	sadd.s32 s14, s3;
	s15 =	smax.u32 s15, $0x1  }
0x11: {  	s16 =	sshrl.u32 s16, $0x3;
	s9 =	sadd.s32 s11, s17;
	s10 =	sadd.s32 s12, s17  }
0x12: {  	s25 =	sadd.s32 $0x280, s17;
	s13 =	sadd.s32 s14, s13;
	s14 =	sadd.s32 $0x27000, s26  }
0x13: {  	s17 =	sshrl.u32 @!p0 s18, $0x3;
	s18 =	simm.s32 $0x13880;
	s26 =	simm.s32 $0x1  }
0x14: {  	s11 =	sadd.s32 s11, s25;
	s12 =	sadd.s32 s12, s25;
	s25 =	simm.s32 $0x3  }
.LBB2_1:
0x15: {  	[spmem:s16], [sflag:s7] =	dma.local [hbm:s5], $0x2700  }
0x16: {  	s0 =	simm.s32 $0x0  }
0x17: {  	[spmem:s17], [sflag:s7] =	dma.local @!p0 [hbm:s8], $0x100  }
0x18: {  	[tilespmem:s18], [sflag:$0x4] =	stream.linear.gather [hbm4b:s9+s0], $0x1400, $0x38;
	[tilespmem:$0x1E080] =	vst v63  }
0x19: {  	_ =	swait.ge [sflag:s19], $0x1400  }
0x1a: {  	[sflag:s19] =	ssyncset.done $0x0  }
0x1b: {  	[sflag:s19] =	ssyncadd.s32 $0xFFFFEC00  }
0x1c: {  	[tilespmem:s20], [sflag:$0x4] =	stream.linear.gather [hbm4b:s10+s0], $0x1400, $0x38;
	[tilespmem:$0x1E080] =	vst v63  }
0x1d: {  	_ =	swait.ge [sflag:s19], $0x1400  }
0x1e: {  	[sflag:s19] =	ssyncset.done $0x0  }
0x1f: {  	[sflag:s19] =	ssyncadd.s32 $0xFFFFEC00  }
0x20: {  	[tilespmem:s22], [sflag:$0x1] =	stream.indirect.gather [hbm4b:s4+s21], $0x80, s18, s21, $0xb8;
	[tilespmem:$0x1E080] =	vst v63  }
0x21: {  	_ = 	snop  }
0x22: {  	[tilespmem:s24], [sflag:$0x2] =	stream.indirect.gather [hbm4b:s4+s21], $0x80, s23, s21, $0xb8;
	[tilespmem:$0x1E080] =	vst v63  }
0x23: {  	_ =	swait.ge [sflag:s25], $0x2700  }
0x24: {  	[sflag:s25] =	ssyncset.done $0x0  }
0x25: {  	s0 =	simm.s32 @!p0 $0x3;
	[sflag:s25] =	ssyncadd.s32 $0xFFFFD900  }
0x26: {  	_ =	swait.ge @!p0 [sflag:s0], $0x100  }
0x27: {  	[sflag:s0] =	ssyncset.done @!p0 $0x0  }
0x28: {  	[sflag:s0] =	ssyncadd.s32 @!p0 $0xFFFFFF00  }
0x29: {  	[bflag:$0x0] =	sbarrier.arrive $0xFFFF  }
0x2a: {  	_ =	swait.ge [sflag:s26], $0x4000  }
0x2b: {  	[sflag:s26] =	ssyncset.done $0x0  }
0x2c: {  	s3 =	simm.s32 $0x14C80;
	[sflag:s26] =	ssyncadd.s32 $0xFFFFC000  }
0x2d: {  	[spmem:s1] =	stream.indirect.scatter.add.f32 [tilespmem:s22], [sflag:$0x4], $0x80, s3, s21, $0xb8;
	[tilespmem:$0x1E080] =	vst v63  }
0x2e: {  	_ =	swait.ge [sflag:s19], $0x4000  }
0x2f: {  	[sflag:s19] =	ssyncset.done $0x0  }
0x30: {  	s2 =	simm.s32 $0x13980;
	[sflag:s19] =	ssyncadd.s32 $0xFFFFC000  }
0x31: {  	[tilespmem:s22], [sflag:$0x1] =	stream.indirect.gather [hbm4b:s4+s21], $0x80, s2, s21, $0xb8;
	[tilespmem:$0x1E080] =	vst v63  }
0x32: {  	_ =	swait.ge [sflag:s28], $0x4000  }
0x33: {  	[sflag:s28] =	ssyncset.done $0x0  }
0x34: {  	s3 =	simm.s32 $0x14D00;
	[sflag:s28] =	ssyncadd.s32 $0xFFFFC000  }
0x35: {  	[spmem:s1] =	stream.indirect.scatter.add.f32 [tilespmem:s24], [sflag:$0x4], $0x80, s3, s21, $0xb8;
	[tilespmem:$0x1E080] =	vst v63  }
0x36: {  	_ =	swait.ge [sflag:s19], $0x4000  }
0x37: {  	[sflag:s19] =	ssyncset.done $0x0  }
0x38: {  	s0 =	simm.s32 $0x400;
	s3 =	simm.s32 $0x13A00;
	[sflag:s19] =	ssyncadd.s32 $0xFFFFC000  }
.LBB2_2:
0x39: {  	[tilespmem:s24], [sflag:$0x2] =	stream.indirect.gather [hbm4b:s4+s21], $0x80, s3, s21, $0xb8;
	[tilespmem:$0x1E080] =	vst v63  }
0x3a: {  	s3 =	smov.u32 s0  }
0x3b: {  	p1 =	sne.s32 s0, $0x4800;
	s0 =	sadd.s32 $0x400, s0;
	_ =	swait.ge [sflag:s26], $0x4000  }
0x3c: {  	s3 =	sshra.s32 s3, $0x2;
	[sflag:s26] =	ssyncset.done $0x0  }
0x3d: {  	s2 =	sadd.s32 $0x14C80, s3;
	[sflag:s26] =	ssyncadd.s32 $0xFFFFC000  }
0x3e: {  	[spmem:s1] =	stream.indirect.scatter.add.f32 [tilespmem:s22], [sflag:$0x4], $0x80, s2, s21, $0xb8;
	[tilespmem:$0x1E080] =	vst v63  }
0x3f: {  	_ =	swait.ge [sflag:s19], $0x4000  }
0x40: {  	[sflag:s19] =	ssyncset.done $0x0  }
0x41: {  	s2 =	sadd.s32 $0x13980, s3;
	[sflag:s19] =	ssyncadd.s32 $0xFFFFC000  }
0x42: {  	[tilespmem:s22], [sflag:$0x1] =	stream.indirect.gather [hbm4b:s4+s21], $0x80, s2, s21, $0xb8;
	[tilespmem:$0x1E080] =	vst v63  }
0x43: {  	_ =	swait.ge [sflag:s28], $0x4000  }
0x44: {  	[sflag:s28] =	ssyncset.done $0x0  }
.Ltmp0:
0x45: {  	s2 =	sadd.s32 $0x14D00, s3;
	[sflag:s28] =	ssyncadd.s32 $0xFFFFC000;
	(pc) =	sbr.rel @p1 .LBB2_2-.Ltmp0, $4  }
0x46: {  	[spmem:s1] =	stream.indirect.scatter.add.f32 [tilespmem:s24], [sflag:$0x4], $0x80, s2, s21, $0xb8;
	[tilespmem:$0x1E080] =	vst v63  }
0x47: {  	_ =	swait.ge [sflag:s19], $0x4000  }
0x48: {  	[sflag:s19] =	ssyncset.done $0x0  }
0x49: {  	s3 =	sadd.s32 $0x13A00, s3;
	[sflag:s19] =	ssyncadd.s32 $0xFFFFC000  }
0x4a: {  	[tilespmem:s24], [sflag:$0x2] =	stream.indirect.gather [hbm4b:s4+s21], $0x80, s3, s21, $0xb8;
	[tilespmem:$0x1E080] =	vst v63  }
0x4b: {  	_ =	swait.ge [sflag:s26], $0x4000  }
0x4c: {  	[sflag:s26] =	ssyncset.done $0x0  }
0x4d: {  	[sflag:s26] =	ssyncadd.s32 $0xFFFFC000  }
0x4e: {  	[spmem:s1] =	stream.indirect.scatter.add.f32 [tilespmem:s22], [sflag:$0x4], $0x80, s29, s21, $0xb8;
	[tilespmem:$0x1E080] =	vst v63  }
0x4f: {  	_ =	swait.ge [sflag:s19], $0x4000  }
0x50: {  	[sflag:s19] =	ssyncset.done $0x0  }
0x51: {  	[sflag:s19] =	ssyncadd.s32 $0xFFFFC000  }
0x52: {  	_ =	swait.ge [sflag:s28], $0x4000  }
0x53: {  	[sflag:s28] =	ssyncset.done $0x0  }
0x54: {  	[sflag:s28] =	ssyncadd.s32 $0xFFFFC000  }
0x55: {  	[spmem:s1] =	stream.indirect.scatter.add.f32 [tilespmem:s24], [sflag:$0x4], $0x80, s30, s21, $0xb8;
	[tilespmem:$0x1E080] =	vst v63  }
0x56: {  	_ =	swait.ge [sflag:s19], $0x4000  }
0x57: {  	[sflag:s19] =	ssyncset.done $0x0  }
0x58: {  	s0 =	simm.s32 $0x0;
	[sflag:s19] =	ssyncadd.s32 $0xFFFFC000  }
0x59: {  	[tilespmem:s18], [sflag:$0x4] =	stream.linear.gather [hbm4b:s11+s0], $0x1400, $0x38;
	[tilespmem:$0x1E080] =	vst v63  }
0x5a: {  	_ =	swait.ge [sflag:s19], $0x1400  }
0x5b: {  	[sflag:s19] =	ssyncset.done $0x0  }
0x5c: {  	[sflag:s19] =	ssyncadd.s32 $0xFFFFEC00  }
0x5d: {  	[tilespmem:s20], [sflag:$0x4] =	stream.linear.gather [hbm4b:s12+s0], $0x1400, $0x38;
	[tilespmem:$0x1E080] =	vst v63  }
0x5e: {  	_ =	swait.ge [sflag:s19], $0x1400  }
0x5f: {  	[sflag:s19] =	ssyncset.done $0x0  }
0x60: {  	[sflag:s19] =	ssyncadd.s32 $0xFFFFEC00  }
0x61: {  	[tilespmem:s22], [sflag:$0x1] =	stream.indirect.gather [hbm4b:s4+s21], $0x80, s18, s21, $0xb8;
	[tilespmem:$0x1E080] =	vst v63  }
0x62: {  	_ = 	snop  }
0x63: {  	[tilespmem:s24], [sflag:$0x2] =	stream.indirect.gather [hbm4b:s4+s21], $0x80, s23, s21, $0xb8;
	[tilespmem:$0x1E080] =	vst v63  }
0x64: {  	_ =	swait.ge [sflag:s26], $0x4000  }
0x65: {  	[sflag:s26] =	ssyncset.done $0x0  }
0x66: {  	s3 =	simm.s32 $0x14C80;
	[sflag:s26] =	ssyncadd.s32 $0xFFFFC000  }
0x67: {  	[spmem:s1] =	stream.indirect.scatter.add.f32 [tilespmem:s22], [sflag:$0x4], $0x80, s3, s21, $0xb8;
	[tilespmem:$0x1E080] =	vst v63  }
0x68: {  	_ =	swait.ge [sflag:s19], $0x4000  }
0x69: {  	[sflag:s19] =	ssyncset.done $0x0  }
0x6a: {  	s2 =	simm.s32 $0x13980;
	[sflag:s19] =	ssyncadd.s32 $0xFFFFC000  }
0x6b: {  	[tilespmem:s22], [sflag:$0x1] =	stream.indirect.gather [hbm4b:s4+s21], $0x80, s2, s21, $0xb8;
	[tilespmem:$0x1E080] =	vst v63  }
0x6c: {  	_ =	swait.ge [sflag:s28], $0x4000  }
0x6d: {  	[sflag:s28] =	ssyncset.done $0x0  }
0x6e: {  	s3 =	simm.s32 $0x14D00;
	[sflag:s28] =	ssyncadd.s32 $0xFFFFC000  }
0x6f: {  	[spmem:s1] =	stream.indirect.scatter.add.f32 [tilespmem:s24], [sflag:$0x4], $0x80, s3, s21, $0xb8;
	[tilespmem:$0x1E080] =	vst v63  }
0x70: {  	_ =	swait.ge [sflag:s19], $0x4000  }
0x71: {  	[sflag:s19] =	ssyncset.done $0x0  }
0x72: {  	s0 =	simm.s32 $0x400;
	s3 =	simm.s32 $0x13A00;
	[sflag:s19] =	ssyncadd.s32 $0xFFFFC000  }
.LBB2_4:
0x73: {  	[tilespmem:s24], [sflag:$0x2] =	stream.indirect.gather [hbm4b:s4+s21], $0x80, s3, s21, $0xb8;
	[tilespmem:$0x1E080] =	vst v63  }
0x74: {  	s2 =	smov.u32 s0  }
0x75: {  	p1 =	sne.s32 s0, $0x4800;
	s0 =	sadd.s32 $0x400, s0;
	_ =	swait.ge [sflag:s26], $0x4000  }
0x76: {  	s2 =	sshra.s32 s2, $0x2;
	[sflag:s26] =	ssyncset.done $0x0  }
0x77: {  	s3 =	sadd.s32 $0x14C80, s2;
	[sflag:s26] =	ssyncadd.s32 $0xFFFFC000  }
0x78: {  	[spmem:s1] =	stream.indirect.scatter.add.f32 [tilespmem:s22], [sflag:$0x4], $0x80, s3, s21, $0xb8;
	[tilespmem:$0x1E080] =	vst v63  }
0x79: {  	_ =	swait.ge [sflag:s19], $0x4000  }
0x7a: {  	[sflag:s19] =	ssyncset.done $0x0  }
0x7b: {  	s3 =	sadd.s32 $0x13980, s2;
	[sflag:s19] =	ssyncadd.s32 $0xFFFFC000  }
0x7c: {  	[tilespmem:s22], [sflag:$0x1] =	stream.indirect.gather [hbm4b:s4+s21], $0x80, s3, s21, $0xb8;
	[tilespmem:$0x1E080] =	vst v63  }
0x7d: {  	_ =	swait.ge [sflag:s28], $0x4000  }
0x7e: {  	[sflag:s28] =	ssyncset.done $0x0  }
.Ltmp1:
0x7f: {  	s3 =	sadd.s32 $0x14D00, s2;
	[sflag:s28] =	ssyncadd.s32 $0xFFFFC000;
	(pc) =	sbr.rel @p1 .LBB2_4-.Ltmp1, $4  }
0x80: {  	[spmem:s1] =	stream.indirect.scatter.add.f32 [tilespmem:s24], [sflag:$0x4], $0x80, s3, s21, $0xb8;
	[tilespmem:$0x1E080] =	vst v63  }
0x81: {  	_ =	swait.ge [sflag:s19], $0x4000  }
0x82: {  	[sflag:s19] =	ssyncset.done $0x0  }
0x83: {  	s3 =	sadd.s32 $0x13A00, s2;
	[sflag:s19] =	ssyncadd.s32 $0xFFFFC000  }
0x84: {  	[tilespmem:s24], [sflag:$0x2] =	stream.indirect.gather [hbm4b:s4+s21], $0x80, s3, s21, $0xb8;
	[tilespmem:$0x1E080] =	vst v63  }
0x85: {  	_ =	swait.ge [sflag:s26], $0x4000  }
0x86: {  	[sflag:s26] =	ssyncset.done $0x0  }
0x87: {  	[sflag:s26] =	ssyncadd.s32 $0xFFFFC000  }
0x88: {  	[spmem:s1] =	stream.indirect.scatter.add.f32 [tilespmem:s22], [sflag:$0x4], $0x80, s29, s21, $0xb8;
	[tilespmem:$0x1E080] =	vst v63  }
0x89: {  	_ =	swait.ge [sflag:s19], $0x4000  }
0x8a: {  	[sflag:s19] =	ssyncset.done $0x0  }
0x8b: {  	[sflag:s19] =	ssyncadd.s32 $0xFFFFC000  }
0x8c: {  	_ =	swait.ge [sflag:s28], $0x4000  }
0x8d: {  	[sflag:s28] =	ssyncset.done $0x0  }
0x8e: {  	[sflag:s28] =	ssyncadd.s32 $0xFFFFC000  }
0x8f: {  	[spmem:s1] =	stream.indirect.scatter.add.f32 [tilespmem:s24], [sflag:$0x4], $0x80, s30, s21, $0xb8;
	[tilespmem:$0x1E080] =	vst v63  }
0x90: {  	_ =	swait.ge [sflag:s19], $0x4000  }
0x91: {  	[sflag:s19] =	ssyncset.done $0x0  }
0x92: {  	[sflag:s19] =	ssyncadd.s32 $0xFFFFC000  }
0x93: {  	s0 =	sor.u32 $0x1C04, s6;
	[bflag:$0x0] =	sbarrier.arrive $0xFFFF  }
0x94: {  	[hbm:s13], [sflag:s0] =	dma.local [spmem:s16], $0x2700  }
0x95: {  	_ =	swait.ge [sflag:s19], $0x2700  }
0x96: {  	s31 =	sadd.s32 $0x1, s31;
	[sflag:s19] =	ssyncset.done $0x0  }
0x97: {  	p1 =	sne.s32 s31, s15;
	[sflag:s19] =	ssyncadd.s32 $0xFFFFD900  }
0x98: {  	[hbm:s14], [sflag:s0] =	dma.local @!p0 [spmem:s17], $0x100  }
.Ltmp2:
0x99: {  	_ = 	snop;
	(pc) =	sbr.rel @p1 .LBB2_1-.Ltmp2, $4  }
0x9a: {  	s0 =	simm.s32 @!p0 $0x4  }
0x9b: {  	_ =	swait.ge @!p0 [sflag:s0], $0x100  }
0x9c: {  	[sflag:s0] =	ssyncset.done @!p0 $0x0  }
0x9d: {  	[sflag:s0] =	ssyncadd.s32 @!p0 $0xFFFFFF00  }
0x9e: {  	_ =	sfence.sel $0x180000  }
0x9f: {  	[bflag:$0x0] =	sbarrier.arrive $0xFFFF  }
0xa0: {  	_ =	strace $0x90000047  }
0xa1: {  	s0 =	stileid.u32;
	[bflag:$0x2] =	sbarrier.arrive $0xFFFF  }
0xa2: {  	p0 =	sne.s32 s0, $0x0;
	s0 =	rddreg [dreg:$0x2]  }
0xa3: {  	s0 =	sadd.s32 @!p0 $0x100000, s0  }
0xa4: {  	[sflag:s0] =	ssyncadd.tile.s32 @!p0 $0x1;
	_ =	shalt  }
.Lfunc_end2:
_tile_overlayer_lowered:
.L_overlay_start_2:
0xa5: {  	(tag) =	ssettag $0x2  }
0xa6: {  	s0 =	rddreg [dreg:$0x0];
	s2 =	stileid.u32  }
0xa7: {  	s1 =	rddreg [dreg:$0x1];
	p0 =	sne.s32 s2, $0x0  }
0xa8: {  	s3 =	rddreg [dreg:$0x2];
	[bflag:$0x3] =	sbarrier.arrive $0xFFFF;
	s2 =	simm.s32 @!p0 $0x1C04  }
0xa9: {  	[timem:s3], [sflag:s2] =	dma.local @!p0 [hbm:s0], s1  }
0xaa: {  	s0 =	simm.s32 @!p0 $0x4  }
0xab: {  	_ =	swait.ge @!p0 [sflag:s0], s1  }
0xac: {  	s1 =	ssub.s32 @!p0 $0x0, s1;
	[sflag:s0] =	ssyncset.done @!p0 $0x0  }
0xad: {  	[sflag:s0] =	ssyncadd.s32 @!p0 s1  }
0xae: {  	[bflag:$0x3] =	sbarrier.arrive $0xFFFF  }
0xaf: {  	_ =	shalt  }

// kernel: kernel.18.cloned.1.call-start
scs
__scs_entry_jumppad:
0x0: {  	(pc) =	sbr.rel $0x88, $3  }
0x1: {  	(tag) =	ssettag $0x0;
	lr =	simm.s32 $0x1  }
0x2: {  	[smem:$0x3F90] =	sst lr;
	_ =	strace $0xD0000000  }
0x3: {  	_ = 	snop  }
0x4: {  	_ = 	snop  }
0x5: {  	_ = 	snop  }
0x6: {  	_ = 	snop  }
0x7: {  	_ = 	snop  }
__scs_overlays_trampoline_lowered:
0x8: {  	[smem:$0x3F9F] =	sst s0  }
0x9: {  	[smem:$0x3FA0] =	sst s1  }
0xa: {  	[smem:$0x3FA1] =	sst s2  }
0xb: {  	[smem:$0x3FA2] =	sst s3  }
0xc: {  	[smem:$0x3FA3] =	sst s4  }
0xd: {  	[smem:$0x3FA4] =	sst s5  }
0xe: {  	[smem:$0x3FA5] =	sst s6  }
0xf: {  	[smem:$0x3FA6] =	sst s7  }
0x10: {  	[smem:$0x3FA7] =	sst s8  }
0x11: {  	[smem:$0x3FA8] =	sst s9;
	s0 =	simm.s32 @!p0 $0x0  }
0x12: {  	s1 =	sld [smem:$0x3F8E];
	s0 =	simm.s32 @p0 $0x1  }
0x13: {  	[smem:$0x3FA9] =	sst s0;
	s0 =	simm.s32 @!p1 $0x0  }
0x14: {  	s2 =	sld [smem:$0x3F8D];
	s0 =	simm.s32 @p1 $0x1  }
0x15: {  	[smem:$0x3FAA] =	sst s0;
	s0 =	simm.s32 @!p2 $0x0  }
0x16: {  	s3 =	sld [smem:$0x3FDB];
	s0 =	simm.s32 @p2 $0x1  }
0x17: {  	s4 =	simm.s32 $0x1BF5;
	[smem:$0x3FAC] =	sst s0  }
0x18: {  	s0 =	sld [smem:$0x3F8F];
	_ =	swait.ge [sflag:s4], $0x0  }
0x19: {  	s7 =	sld [smem:$0x3F90]  }
0x1a: {  	s8 =	sadd.s32 $0xFFFFE003, lr  }
0x1b: {  	s9 =	sadd.s32 $0xFFFFFEF7, lr;
	s5 =	simm.s32 $0xFFFFFFFF;
	p2 =	slt.u32 s8, $0xFFFFF086  }
0x1c: {  	p1 =	slt.u32 s9, $0xF7A;
	s5 =	simm.s32 @!p2 $0x0  }
0x1d: {  	s5 =	simm.s32 @p1 $0x1;
	p0 =	seq.s32 s7, s2  }
0x1e: {  	s7 =	smul.u32 @!p0 $0xF7A, s2;
	p2 =	seq.s32 @!p0 s5, $0x0  }
0x1f: {  	s9 =	smul.u32 $0xF7A, s1;
	s8 =	simm.s32 @!p0 $0x1BF5;
	p2 =	por !p2, p0  }
0x20: {  	[sflag:s8] =	ssyncset.s32 @!p0 $0xFFFFF086;
	s6 =	sadd.s32 @!p0 s3, s7;
	s7 =	simm.s32 @!p0 $0x108  }
0x21: {  	s3 =	sadd.s32 s3, s9;
	s6 =	sadd.s32 @!p0 $0x88, s6;
	s7 =	simm.s32 @p2 $0x1082  }
0x22: {  	[simem:s7], [sflag:s8] =	dma.local @!p0 [hbm:s6], $0xF7A  }
0x23: {  	s9 =	sor.u32 $0xD0000000, s2;
	s6 =	simm.s32 $0x108;
	_ =	swait.ge @!p0 [sflag:s8], $0x0  }
0x24: {  	s3 =	sadd.s32 $0x88, s3;
	s6 =	simm.s32 @!p1 $0x1082;
	[sflag:s4] =	ssyncset.s32 $0xFFFFF086  }
0x25: {  	[simem:s6], [sflag:s4] =	dma.local [hbm:s3], $0xF7A  }
0x26: {  	[smem:$0x3F90] =	sst s1;
	(tag) =	ssettag s2;
	_ =	strace s9  }
0x27: {  	s1 =	sld [smem:$0x3FA0]  }
0x28: {  	s2 =	sld [smem:$0x3FA1]  }
0x29: {  	s4 =	sld [smem:$0x3FA3]  }
0x2a: {  	p0 =	seq.s32 s5, $0x0;
	s5 =	sld [smem:$0x3FA4]  }
0x2b: {  	s6 =	sld [smem:$0x3FA5]  }
0x2c: {  	s7 =	sld [smem:$0x3FA6]  }
0x2d: {  	s3 =	simm.s32 $0x108;
	s8 =	sld [smem:$0x3FA7]  }
0x2e: {  	s3 =	simm.s32 @!p0 $0x1082;
	s9 =	sld [smem:$0x3FA8]  }
0x2f: {  	lr =	sadd.s32 s0, s3;
	s0 =	sld [smem:$0x3F9F]  }
0x30: {  	s3 =	sld [smem:$0x3FA2]  }
0x31: {  	[smem:$0x3FAB] =	sst s10  }
0x32: {  	s10 =	sld [smem:$0x3FA9];
	_ =	sdelay $0x3  }
0x33: {  	p0 =	seq.s32 s10, $0x1;
	s10 =	sld [smem:$0x3FAB];
	_ =	sdelay $0x3  }
0x34: {  	[smem:$0x3FAB] =	sst s10  }
0x35: {  	s10 =	sld [smem:$0x3FAA];
	_ =	sdelay $0x3  }
0x36: {  	p1 =	seq.s32 s10, $0x1;
	s10 =	sld [smem:$0x3FAB];
	_ =	sdelay $0x3  }
0x37: {  	[smem:$0x3FAB] =	sst s10  }
0x38: {  	s10 =	sld [smem:$0x3FAC]  }
0x39: {  	_ = 	snop;
	(pc) =	sbr.ind lr, $3  }
0x3a: {  	_ = 	snop  }
0x3b: {  	_ = 	snop  }
0x3c: {  	p2 =	seq.s32 s10, $0x1;
	s10 =	sld [smem:$0x3FAB]  }
0x3d: {  	_ =	shalt  }
0x3e: {  	_ =	shalt  }
0x3f: {  	_ =	shalt  }
0x40: {  	_ =	shalt  }
0x41: {  	_ =	shalt  }
0x42: {  	_ =	shalt  }
0x43: {  	_ =	shalt  }
0x44: {  	_ =	shalt  }
0x45: {  	_ =	shalt  }
0x46: {  	_ =	shalt  }
0x47: {  	_ =	shalt  }
0x48: {  	_ =	shalt  }
0x49: {  	_ =	shalt  }
0x4a: {  	_ =	shalt  }
0x4b: {  	_ =	shalt  }
0x4c: {  	_ =	shalt  }
0x4d: {  	_ =	shalt  }
0x4e: {  	_ =	shalt  }
0x4f: {  	_ =	shalt  }
0x50: {  	_ =	shalt  }
0x51: {  	_ =	shalt  }
0x52: {  	_ =	shalt  }
0x53: {  	_ =	shalt  }
0x54: {  	_ =	shalt  }
0x55: {  	_ =	shalt  }
0x56: {  	_ =	shalt  }
0x57: {  	_ =	shalt  }
0x58: {  	_ =	shalt  }
0x59: {  	_ =	shalt  }
0x5a: {  	_ =	shalt  }
0x5b: {  	_ =	shalt  }
0x5c: {  	_ =	shalt  }
0x5d: {  	_ =	shalt  }
0x5e: {  	_ =	shalt  }
0x5f: {  	_ =	shalt  }
0x60: {  	_ =	shalt  }
0x61: {  	_ =	shalt  }
0x62: {  	_ =	shalt  }
0x63: {  	_ =	shalt  }
0x64: {  	_ =	shalt  }
0x65: {  	_ =	shalt  }
0x66: {  	_ =	shalt  }
0x67: {  	_ =	shalt  }
0x68: {  	_ =	shalt  }
0x69: {  	_ =	shalt  }
0x6a: {  	_ =	shalt  }
0x6b: {  	_ =	shalt  }
0x6c: {  	_ =	shalt  }
0x6d: {  	_ =	shalt  }
0x6e: {  	_ =	shalt  }
0x6f: {  	_ =	shalt  }
0x70: {  	_ =	shalt  }
0x71: {  	_ =	shalt  }
0x72: {  	_ =	shalt  }
0x73: {  	_ =	shalt  }
0x74: {  	_ =	shalt  }
0x75: {  	_ =	shalt  }
0x76: {  	_ =	shalt  }
0x77: {  	_ =	shalt  }
0x78: {  	_ =	shalt  }
0x79: {  	_ =	shalt  }
0x7a: {  	_ =	shalt  }
0x7b: {  	_ =	shalt  }
0x7c: {  	_ =	shalt  }
0x7d: {  	_ =	shalt  }
0x7e: {  	_ =	shalt  }
0x7f: {  	_ =	shalt  }
0x80: {  	_ =	shalt  }
0x81: {  	_ =	shalt  }
0x82: {  	_ =	shalt  }
0x83: {  	_ =	shalt  }
0x84: {  	_ =	shalt  }
0x85: {  	_ =	shalt  }
0x86: {  	_ =	shalt  }
0x87: {  	_ =	shalt  }
.Lfunc_end0:
.L_simem_size_0:
called_computation.1_lowered:
.L_overlay_start_0:
0x88: {  	s2 =	sld [smem:$0x3FD9]  }
0x89: {  	s3 =	sld [smem:$0x3FFE];
	_ =	sdelay $0x1  }
0x8a: {  	s1 =	srdreg.scid  }
0x8b: {  	s0 =	sand.u32 $0x1, s1  }
0x8c: {  	s16 =	sshll.u32 s0, $0xA;
	s2 =	sadd.s32 s3, s2  }
0x8d: {  	s2 =	sadd.s32 s2, s16  }
0x8e: {  	[smem:$0x3FB7] =	sst s2  }
0x8f: {  	_ = 	snop  }
0x90: {  	(tm) =	ssettm $0x1  }
0x91: {  	s17 =	sld [smem:$0x3FFB];
	_ =	sdelay $0x3  }
0x92: {  	_ =	strace s17  }
0x93: {  	s2 =	sld [smem:$0x3FFC];
	_ =	sdelay $0x3  }
0x94: {  	_ =	strace s2  }
0x95: {  	s2 =	sld [smem:$0x3FFD];
	_ =	sdelay $0x3  }
0x96: {  	_ =	strace s2  }
0x97: {  	_ =	strace $0x8FFFFFFF  }
0x98: {  	s18 =	sld [smem:$0x3FDB];
	_ =	sdelay $0x1  }
0x99: {  	s19 =	simm.s32 $_scs_section_size  }
0x9a: {  	s4 =	simm.s32 $_size__tile_overlayer_lowered;
	s5 =	simm.s32 $_tile_overlayer_lowered  }
0x9b: {  	s22 =	simm.s32 $0x1BFF;
	s21 =	sshll.u32 s5, $0x1;
	s2 =	sadd.s32 s19, s18  }
0x9c: {  	s6 =	simm.s32 $0x0;
	s20 =	sshll.u32 s4, $0x1;
	s4 =	sadd.s32 s21, s2  }
0x9d: {  	[timem:s6], [sflag:s22] =	dma.local [hbm:s4], s20  }
0x9e: {  	_ =	swait.ge [sflag:s22], s20  }
0x9f: {  	s3 =	ssub.s32 $0x0, s20;
	[sflag:s22] =	ssyncset.done $0x0  }
0xa0: {  	[sflag:s22] =	ssyncadd.s32 s3;
	_ =	sdelay $0x1  }
0xa1: {  	s23 =	simm.s32 $0x1B8B  }
0xa2: {  	_ =	swait.ge [sflag:s23], $0x1  }
0xa3: {  	[sflag:s23] =	ssyncset.done $0x0  }
0xa4: {  	s25 =	simm.s32 $0x1B8E;
	s24 =	sld [smem:$0x3FFE];
	[sflag:s23] =	ssyncadd.s32 $0xFFFFFFFF  }
0xa5: {  	s26 =	simm.s32 $execute0_lowered;
	[smem:$0x3FD2] =	sst s25  }
0xa6: {  	s4 =	sshll.u32 s26, $0x1;
	_ =	strace $0x80000049;
	[dreg:$0x1] =	wrdreg $0xFFFFFFFF  }
0xa7: {  	s28 =	simm.s32 $_size_execute0_lowered;
	s2 =	sadd.s32 s2, s4;
	[dreg:$0x0] =	wrdreg $0x0  }
0xa8: {  	s4 =	sshll.u32 s28, $0x1;
	[dreg:$0x2] =	wrdreg s2  }
0xa9: {  	[dreg:$0x3] =	wrdreg s4  }
0xaa: {  	[dreg:$0x4] =	wrdreg $0xC0  }
0xab: {  	_ =	task [dreg:s6], $0x5FFFF  }
0xac: {  	[dreg:$0x1] =	wrdreg $0xFFFFFFFF  }
0xad: {  	[dreg:$0x0] =	wrdreg $0x60  }
0xae: {  	[dreg:$0x2] =	wrdreg s24  }
0xaf: {  	[dreg:$0x3] =	wrdreg $0x0  }
0xb0: {  	[dreg:$0x4] =	wrdreg $0x9  }
0xb1: {  	_ =	task.clear_ibuf [dreg:s6], $0x5FFFF;
	_ =	strace $0x90000049  }
0xb2: {  	s29 =	simm.s32 $0x9;
	_ =	strace $0x8000004B  }
0xb3: {  	_ =	swait.ge [sflag:s29], $0x1  }
0xb4: {  	[sflag:s29] =	ssyncadd.s32 $0xFFFFFFFF  }
0xb5: {  	_ =	strace $0x9000004B  }
0xb6: {  	_ =	sfence  }
0xb7: {  	s30 =	sld [smem:$0x0];
	_ =	sdelay $0x2  }
0xb8: {  	s31 =	sshll.u32 s1, $0xD;
	s1 =	sshrl.u32 s1, $0x2  }
0xb9: {  	s3 =	sand.u32 $0x4000, s31;
	s1 =	sadd.s32 s1, s30  }
0xba: {  	s0 =	sor.u32 s3, s0;
	s1 =	sshll.u32 s1, $0x11  }
0xbb: {  	s0 =	sor.u32 s1, s0  }
0xbc: {  	s0 =	sadd.s32 $0x8F2B, s0  }
0xbd: {  	[sflag:s0] =	ssyncadd.remote.s32 $0x1  }
0xbe: {  	_ =	sfence.sel $0xFFFF  }
0xbf: {  	[dreg:$0x0] =	wrdreg $0xFFFFFFFF;
	(pc) =	sbr.abs _section_cstart, $3  }
0xc0: {  	[dreg:$0x1] =	wrdreg $0xFFFFFFFF  }
0xc1: {  	_ =	task.clear_ibuf [dreg:s6], $0x2FFFF;
	_ =	strace $0x9FFFFFFF  }
0xc2: {  	(tm) =	ssettm $0x7FFFFFFF  }
0xc3: {  	_ =	shalt  }
tec
execute0_lowered:
.L_overlay_start_1:
0x0: {  	(tag) =	ssettag $0x1  }
0x1: {  	s0 =	rddreg [dreg:$0x0]  }
0x2: {  	s1 =	rddreg [dreg:$0x1];
	s2 =	simm.s32 $0x0;
	s3 =	srdreg.scid  }
0x3: {  	s22 =	stileid.u32;
	s19 =	simm.s32 $0x4;
	s20 =	simm.s32 $0x14C80  }
0x4: {  	s21 =	simm.s32 $0x80;
	s28 =	simm.s32 $0x2;
	s29 =	simm.s32 $0x15F80  }
0x5: {  	s30 =	simm.s32 $0x16000;
	s31 =	simm.s32 $0x0;
	[smem:$0x7FF] =	sst s2  }
0x6: {  	s4 =	sadd.s32 $0x40600, s0;
	s11 =	sadd.s32 $0x5400, s0;
	s3 =	sand.u32 $0x1, s3  }
0x7: {  	s12 =	sadd.s32 $0xF400, s0;
	s6 =	smul.u32 $0x4E000, s22;
	s8 =	sshll.u32 s22, $0x1  }
0x8: {  	s13 =	smul.u32 $0x13800, s22;
	s14 =	sadd.s32 $0x91C00, s0;
	s18 =	sadd.s32 $0x138000, s1  }
0x9: {  	p0 =	sne.s32 s22, $0xF;
	_ =	strace $0x8000004A;
	s5 =	ssub.s32 $0x2, s3  }
0xa: {  	s23 =	sor.u32 s3, s8;
	s3 =	smul.u32 $0x138800, s3;
	s7 =	sshrl.u32 s5, $0x1  }
0xb: {  	s6 =	sshrl.u32 s6, $0x2;
	s24 =	sshrl.u32 s13, $0x3;
	s8 =	smul.u32 $0x2800, s23  }
0xc: {  	s23 =	simm.s32 $0x13900;
	s15 =	ssub.s32 s5, s7;
	s16 =	sadd.s32 s6, s1  }
0xd: {  	s5 =	sadd.s32 s4, s24;
	s6 =	sshll.u32 s22, $0x6;
	s13 =	sadd.s32 s13, s3  }
0xe: {  	s3 =	sshrl.u32 s3, $0x3;
	s22 =	simm.s32 $0x16080;
	s24 =	simm.s32 $0x1A080  }
0xf: {  	s7 =	sor.u32 $0x1C03, s6;
	s17 =	sshrl.u32 s8, $0x3;
	s8 =	sadd.s32 $0x67600, s0  }
0x10: {  	s13 =	sshrl.u32 s13, $0x3;
	s26 =	sadd.s32 s14, s3;
	s15 =	smax.u32 s15, $0x1  }
0x11: {  	s16 =	sshrl.u32 s16, $0x3;
	s9 =	sadd.s32 s11, s17;
	s10 =	sadd.s32 s12, s17  }
0x12: {  	s25 =	sadd.s32 $0x280, s17;
	s13 =	sadd.s32 s14, s13;
	s14 =	sadd.s32 $0x27000, s26  }
0x13: {  	s17 =	sshrl.u32 @!p0 s18, $0x3;
	s18 =	simm.s32 $0x13880;
	s26 =	simm.s32 $0x1  }
0x14: {  	s11 =	sadd.s32 s11, s25;
	s12 =	sadd.s32 s12, s25;
	s25 =	simm.s32 $0x3  }
.LBB2_1:
0x15: {  	[spmem:s16], [sflag:s7] =	dma.local [hbm:s5], $0x2700  }
0x16: {  	s0 =	simm.s32 $0x0  }
0x17: {  	[spmem:s17], [sflag:s7] =	dma.local @!p0 [hbm:s8], $0x100  }
0x18: {  	[tilespmem:s18], [sflag:$0x4] =	stream.linear.gather [hbm4b:s9+s0], $0x1400, $0x38;
	[tilespmem:$0x1E080] =	vst v63  }
0x19: {  	_ =	swait.ge [sflag:s19], $0x1400  }
0x1a: {  	[sflag:s19] =	ssyncset.done $0x0  }
0x1b: {  	[sflag:s19] =	ssyncadd.s32 $0xFFFFEC00  }
0x1c: {  	[tilespmem:s20], [sflag:$0x4] =	stream.linear.gather [hbm4b:s10+s0], $0x1400, $0x38;
	[tilespmem:$0x1E080] =	vst v63  }
0x1d: {  	_ =	swait.ge [sflag:s19], $0x1400  }
0x1e: {  	[sflag:s19] =	ssyncset.done $0x0  }
0x1f: {  	[sflag:s19] =	ssyncadd.s32 $0xFFFFEC00  }
0x20: {  	[tilespmem:s22], [sflag:$0x1] =	stream.indirect.gather [hbm4b:s4+s21], $0x80, s18, s21, $0xb8;
	[tilespmem:$0x1E080] =	vst v63  }
0x21: {  	_ = 	snop  }
0x22: {  	[tilespmem:s24], [sflag:$0x2] =	stream.indirect.gather [hbm4b:s4+s21], $0x80, s23, s21, $0xb8;
	[tilespmem:$0x1E080] =	vst v63  }
0x23: {  	_ =	swait.ge [sflag:s25], $0x2700  }
0x24: {  	[sflag:s25] =	ssyncset.done $0x0  }
0x25: {  	s0 =	simm.s32 @!p0 $0x3;
	[sflag:s25] =	ssyncadd.s32 $0xFFFFD900  }
0x26: {  	_ =	swait.ge @!p0 [sflag:s0], $0x100  }
0x27: {  	[sflag:s0] =	ssyncset.done @!p0 $0x0  }
0x28: {  	[sflag:s0] =	ssyncadd.s32 @!p0 $0xFFFFFF00  }
0x29: {  	[bflag:$0x0] =	sbarrier.arrive $0xFFFF  }
0x2a: {  	_ =	swait.ge [sflag:s26], $0x4000  }
0x2b: {  	[sflag:s26] =	ssyncset.done $0x0  }
0x2c: {  	s3 =	simm.s32 $0x14C80;
	[sflag:s26] =	ssyncadd.s32 $0xFFFFC000  }
0x2d: {  	[spmem:s1] =	stream.indirect.scatter.add.f32 [tilespmem:s22], [sflag:$0x4], $0x80, s3, s21, $0xb8;
	[tilespmem:$0x1E080] =	vst v63  }
0x2e: {  	_ =	swait.ge [sflag:s19], $0x4000  }
0x2f: {  	[sflag:s19] =	ssyncset.done $0x0  }
0x30: {  	s2 =	simm.s32 $0x13980;
	[sflag:s19] =	ssyncadd.s32 $0xFFFFC000  }
0x31: {  	[tilespmem:s22], [sflag:$0x1] =	stream.indirect.gather [hbm4b:s4+s21], $0x80, s2, s21, $0xb8;
	[tilespmem:$0x1E080] =	vst v63  }
0x32: {  	_ =	swait.ge [sflag:s28], $0x4000  }
0x33: {  	[sflag:s28] =	ssyncset.done $0x0  }
0x34: {  	s3 =	simm.s32 $0x14D00;
	[sflag:s28] =	ssyncadd.s32 $0xFFFFC000  }
0x35: {  	[spmem:s1] =	stream.indirect.scatter.add.f32 [tilespmem:s24], [sflag:$0x4], $0x80, s3, s21, $0xb8;
	[tilespmem:$0x1E080] =	vst v63  }
0x36: {  	_ =	swait.ge [sflag:s19], $0x4000  }
0x37: {  	[sflag:s19] =	ssyncset.done $0x0  }
0x38: {  	s0 =	simm.s32 $0x400;
	s3 =	simm.s32 $0x13A00;
	[sflag:s19] =	ssyncadd.s32 $0xFFFFC000  }
.LBB2_2:
0x39: {  	[tilespmem:s24], [sflag:$0x2] =	stream.indirect.gather [hbm4b:s4+s21], $0x80, s3, s21, $0xb8;
	[tilespmem:$0x1E080] =	vst v63  }
0x3a: {  	s3 =	smov.u32 s0  }
0x3b: {  	p1 =	sne.s32 s0, $0x4800;
	s0 =	sadd.s32 $0x400, s0;
	_ =	swait.ge [sflag:s26], $0x4000  }
0x3c: {  	s3 =	sshra.s32 s3, $0x2;
	[sflag:s26] =	ssyncset.done $0x0  }
0x3d: {  	s2 =	sadd.s32 $0x14C80, s3;
	[sflag:s26] =	ssyncadd.s32 $0xFFFFC000  }
0x3e: {  	[spmem:s1] =	stream.indirect.scatter.add.f32 [tilespmem:s22], [sflag:$0x4], $0x80, s2, s21, $0xb8;
	[tilespmem:$0x1E080] =	vst v63  }
0x3f: {  	_ =	swait.ge [sflag:s19], $0x4000  }
0x40: {  	[sflag:s19] =	ssyncset.done $0x0  }
0x41: {  	s2 =	sadd.s32 $0x13980, s3;
	[sflag:s19] =	ssyncadd.s32 $0xFFFFC000  }
0x42: {  	[tilespmem:s22], [sflag:$0x1] =	stream.indirect.gather [hbm4b:s4+s21], $0x80, s2, s21, $0xb8;
	[tilespmem:$0x1E080] =	vst v63  }
0x43: {  	_ =	swait.ge [sflag:s28], $0x4000  }
0x44: {  	[sflag:s28] =	ssyncset.done $0x0  }
.Ltmp0:
0x45: {  	s2 =	sadd.s32 $0x14D00, s3;
	[sflag:s28] =	ssyncadd.s32 $0xFFFFC000;
	(pc) =	sbr.rel @p1 .LBB2_2-.Ltmp0, $4  }
0x46: {  	[spmem:s1] =	stream.indirect.scatter.add.f32 [tilespmem:s24], [sflag:$0x4], $0x80, s2, s21, $0xb8;
	[tilespmem:$0x1E080] =	vst v63  }
0x47: {  	_ =	swait.ge [sflag:s19], $0x4000  }
0x48: {  	[sflag:s19] =	ssyncset.done $0x0  }
0x49: {  	s3 =	sadd.s32 $0x13A00, s3;
	[sflag:s19] =	ssyncadd.s32 $0xFFFFC000  }
0x4a: {  	[tilespmem:s24], [sflag:$0x2] =	stream.indirect.gather [hbm4b:s4+s21], $0x80, s3, s21, $0xb8;
	[tilespmem:$0x1E080] =	vst v63  }
0x4b: {  	_ =	swait.ge [sflag:s26], $0x4000  }
0x4c: {  	[sflag:s26] =	ssyncset.done $0x0  }
0x4d: {  	[sflag:s26] =	ssyncadd.s32 $0xFFFFC000  }
0x4e: {  	[spmem:s1] =	stream.indirect.scatter.add.f32 [tilespmem:s22], [sflag:$0x4], $0x80, s29, s21, $0xb8;
	[tilespmem:$0x1E080] =	vst v63  }
0x4f: {  	_ =	swait.ge [sflag:s19], $0x4000  }
0x50: {  	[sflag:s19] =	ssyncset.done $0x0  }
0x51: {  	[sflag:s19] =	ssyncadd.s32 $0xFFFFC000  }
0x52: {  	_ =	swait.ge [sflag:s28], $0x4000  }
0x53: {  	[sflag:s28] =	ssyncset.done $0x0  }
0x54: {  	[sflag:s28] =	ssyncadd.s32 $0xFFFFC000  }
0x55: {  	[spmem:s1] =	stream.indirect.scatter.add.f32 [tilespmem:s24], [sflag:$0x4], $0x80, s30, s21, $0xb8;
	[tilespmem:$0x1E080] =	vst v63  }
0x56: {  	_ =	swait.ge [sflag:s19], $0x4000  }
0x57: {  	[sflag:s19] =	ssyncset.done $0x0  }
0x58: {  	s0 =	simm.s32 $0x0;
	[sflag:s19] =	ssyncadd.s32 $0xFFFFC000  }
0x59: {  	[tilespmem:s18], [sflag:$0x4] =	stream.linear.gather [hbm4b:s11+s0], $0x1400, $0x38;
	[tilespmem:$0x1E080] =	vst v63  }
0x5a: {  	_ =	swait.ge [sflag:s19], $0x1400  }
0x5b: {  	[sflag:s19] =	ssyncset.done $0x0  }
0x5c: {  	[sflag:s19] =	ssyncadd.s32 $0xFFFFEC00  }
0x5d: {  	[tilespmem:s20], [sflag:$0x4] =	stream.linear.gather [hbm4b:s12+s0], $0x1400, $0x38;
	[tilespmem:$0x1E080] =	vst v63  }
0x5e: {  	_ =	swait.ge [sflag:s19], $0x1400  }
0x5f: {  	[sflag:s19] =	ssyncset.done $0x0  }
0x60: {  	[sflag:s19] =	ssyncadd.s32 $0xFFFFEC00  }
0x61: {  	[tilespmem:s22], [sflag:$0x1] =	stream.indirect.gather [hbm4b:s4+s21], $0x80, s18, s21, $0xb8;
	[tilespmem:$0x1E080] =	vst v63  }
0x62: {  	_ = 	snop  }
0x63: {  	[tilespmem:s24], [sflag:$0x2] =	stream.indirect.gather [hbm4b:s4+s21], $0x80, s23, s21, $0xb8;
	[tilespmem:$0x1E080] =	vst v63  }
0x64: {  	_ =	swait.ge [sflag:s26], $0x4000  }
0x65: {  	[sflag:s26] =	ssyncset.done $0x0  }
0x66: {  	s3 =	simm.s32 $0x14C80;
	[sflag:s26] =	ssyncadd.s32 $0xFFFFC000  }
0x67: {  	[spmem:s1] =	stream.indirect.scatter.add.f32 [tilespmem:s22], [sflag:$0x4], $0x80, s3, s21, $0xb8;
	[tilespmem:$0x1E080] =	vst v63  }
0x68: {  	_ =	swait.ge [sflag:s19], $0x4000  }
0x69: {  	[sflag:s19] =	ssyncset.done $0x0  }
0x6a: {  	s2 =	simm.s32 $0x13980;
	[sflag:s19] =	ssyncadd.s32 $0xFFFFC000  }
0x6b: {  	[tilespmem:s22], [sflag:$0x1] =	stream.indirect.gather [hbm4b:s4+s21], $0x80, s2, s21, $0xb8;
	[tilespmem:$0x1E080] =	vst v63  }
0x6c: {  	_ =	swait.ge [sflag:s28], $0x4000  }
0x6d: {  	[sflag:s28] =	ssyncset.done $0x0  }
0x6e: {  	s3 =	simm.s32 $0x14D00;
	[sflag:s28] =	ssyncadd.s32 $0xFFFFC000  }
0x6f: {  	[spmem:s1] =	stream.indirect.scatter.add.f32 [tilespmem:s24], [sflag:$0x4], $0x80, s3, s21, $0xb8;
	[tilespmem:$0x1E080] =	vst v63  }
0x70: {  	_ =	swait.ge [sflag:s19], $0x4000  }
0x71: {  	[sflag:s19] =	ssyncset.done $0x0  }
0x72: {  	s0 =	simm.s32 $0x400;
	s3 =	simm.s32 $0x13A00;
	[sflag:s19] =	ssyncadd.s32 $0xFFFFC000  }
.LBB2_4:
0x73: {  	[tilespmem:s24], [sflag:$0x2] =	stream.indirect.gather [hbm4b:s4+s21], $0x80, s3, s21, $0xb8;
	[tilespmem:$0x1E080] =	vst v63  }
0x74: {  	s2 =	smov.u32 s0  }
0x75: {  	p1 =	sne.s32 s0, $0x4800;
	s0 =	sadd.s32 $0x400, s0;
	_ =	swait.ge [sflag:s26], $0x4000  }
0x76: {  	s2 =	sshra.s32 s2, $0x2;
	[sflag:s26] =	ssyncset.done $0x0  }
0x77: {  	s3 =	sadd.s32 $0x14C80, s2;
	[sflag:s26] =	ssyncadd.s32 $0xFFFFC000  }
0x78: {  	[spmem:s1] =	stream.indirect.scatter.add.f32 [tilespmem:s22], [sflag:$0x4], $0x80, s3, s21, $0xb8;
	[tilespmem:$0x1E080] =	vst v63  }
0x79: {  	_ =	swait.ge [sflag:s19], $0x4000  }
0x7a: {  	[sflag:s19] =	ssyncset.done $0x0  }
0x7b: {  	s3 =	sadd.s32 $0x13980, s2;
	[sflag:s19] =	ssyncadd.s32 $0xFFFFC000  }
0x7c: {  	[tilespmem:s22], [sflag:$0x1] =	stream.indirect.gather [hbm4b:s4+s21], $0x80, s3, s21, $0xb8;
	[tilespmem:$0x1E080] =	vst v63  }
0x7d: {  	_ =	swait.ge [sflag:s28], $0x4000  }
0x7e: {  	[sflag:s28] =	ssyncset.done $0x0  }
.Ltmp1:
0x7f: {  	s3 =	sadd.s32 $0x14D00, s2;
	[sflag:s28] =	ssyncadd.s32 $0xFFFFC000;
	(pc) =	sbr.rel @p1 .LBB2_4-.Ltmp1, $4  }
0x80: {  	[spmem:s1] =	stream.indirect.scatter.add.f32 [tilespmem:s24], [sflag:$0x4], $0x80, s3, s21, $0xb8;
	[tilespmem:$0x1E080] =	vst v63  }
0x81: {  	_ =	swait.ge [sflag:s19], $0x4000  }
0x82: {  	[sflag:s19] =	ssyncset.done $0x0  }
0x83: {  	s3 =	sadd.s32 $0x13A00, s2;
	[sflag:s19] =	ssyncadd.s32 $0xFFFFC000  }
0x84: {  	[tilespmem:s24], [sflag:$0x2] =	stream.indirect.gather [hbm4b:s4+s21], $0x80, s3, s21, $0xb8;
	[tilespmem:$0x1E080] =	vst v63  }
0x85: {  	_ =	swait.ge [sflag:s26], $0x4000  }
0x86: {  	[sflag:s26] =	ssyncset.done $0x0  }
0x87: {  	[sflag:s26] =	ssyncadd.s32 $0xFFFFC000  }
0x88: {  	[spmem:s1] =	stream.indirect.scatter.add.f32 [tilespmem:s22], [sflag:$0x4], $0x80, s29, s21, $0xb8;
	[tilespmem:$0x1E080] =	vst v63  }
0x89: {  	_ =	swait.ge [sflag:s19], $0x4000  }
0x8a: {  	[sflag:s19] =	ssyncset.done $0x0  }
0x8b: {  	[sflag:s19] =	ssyncadd.s32 $0xFFFFC000  }
0x8c: {  	_ =	swait.ge [sflag:s28], $0x4000  }
0x8d: {  	[sflag:s28] =	ssyncset.done $0x0  }
0x8e: {  	[sflag:s28] =	ssyncadd.s32 $0xFFFFC000  }
0x8f: {  	[spmem:s1] =	stream.indirect.scatter.add.f32 [tilespmem:s24], [sflag:$0x4], $0x80, s30, s21, $0xb8;
	[tilespmem:$0x1E080] =	vst v63  }
0x90: {  	_ =	swait.ge [sflag:s19], $0x4000  }
0x91: {  	[sflag:s19] =	ssyncset.done $0x0  }
0x92: {  	[sflag:s19] =	ssyncadd.s32 $0xFFFFC000  }
0x93: {  	s0 =	sor.u32 $0x1C04, s6;
	[bflag:$0x0] =	sbarrier.arrive $0xFFFF  }
0x94: {  	[hbm:s13], [sflag:s0] =	dma.local [spmem:s16], $0x2700  }
0x95: {  	_ =	swait.ge [sflag:s19], $0x2700  }
0x96: {  	s31 =	sadd.s32 $0x1, s31;
	[sflag:s19] =	ssyncset.done $0x0  }
0x97: {  	p1 =	sne.s32 s31, s15;
	[sflag:s19] =	ssyncadd.s32 $0xFFFFD900  }
0x98: {  	[hbm:s14], [sflag:s0] =	dma.local @!p0 [spmem:s17], $0x100  }
.Ltmp2:
0x99: {  	_ = 	snop;
	(pc) =	sbr.rel @p1 .LBB2_1-.Ltmp2, $4  }
0x9a: {  	s0 =	simm.s32 @!p0 $0x4  }
0x9b: {  	_ =	swait.ge @!p0 [sflag:s0], $0x100  }
0x9c: {  	[sflag:s0] =	ssyncset.done @!p0 $0x0  }
0x9d: {  	[sflag:s0] =	ssyncadd.s32 @!p0 $0xFFFFFF00  }
0x9e: {  	_ =	sfence.sel $0x180000  }
0x9f: {  	[bflag:$0x0] =	sbarrier.arrive $0xFFFF  }
0xa0: {  	_ =	strace $0x9000004A  }
0xa1: {  	s0 =	stileid.u32;
	[bflag:$0x2] =	sbarrier.arrive $0xFFFF  }
0xa2: {  	p0 =	sne.s32 s0, $0x0;
	s0 =	rddreg [dreg:$0x2]  }
0xa3: {  	s0 =	sadd.s32 @!p0 $0x100000, s0  }
0xa4: {  	[sflag:s0] =	ssyncadd.tile.s32 @!p0 $0x1;
	_ =	shalt  }
.Lfunc_end2:
_tile_overlayer_lowered:
.L_overlay_start_2:
0xa5: {  	(tag) =	ssettag $0x2  }
0xa6: {  	s0 =	rddreg [dreg:$0x0];
	s2 =	stileid.u32  }
0xa7: {  	s1 =	rddreg [dreg:$0x1];
	p0 =	sne.s32 s2, $0x0  }
0xa8: {  	s3 =	rddreg [dreg:$0x2];
	[bflag:$0x3] =	sbarrier.arrive $0xFFFF;
	s2 =	simm.s32 @!p0 $0x1C04  }
0xa9: {  	[timem:s3], [sflag:s2] =	dma.local @!p0 [hbm:s0], s1  }
0xaa: {  	s0 =	simm.s32 @!p0 $0x4  }
0xab: {  	_ =	swait.ge @!p0 [sflag:s0], s1  }
0xac: {  	s1 =	ssub.s32 @!p0 $0x0, s1;
	[sflag:s0] =	ssyncset.done @!p0 $0x0  }
0xad: {  	[sflag:s0] =	ssyncadd.s32 @!p0 s1  }
0xae: {  	[bflag:$0x3] =	sbarrier.arrive $0xFFFF  }
0xaf: {  	_ =	shalt  }

// kernel: kernel.21.cloned.1.call-start
scs
__scs_entry_jumppad:
0x0: {  	(pc) =	sbr.rel $0x88, $3  }
0x1: {  	(tag) =	ssettag $0x0;
	lr =	simm.s32 $0x1  }
0x2: {  	[smem:$0x3F90] =	sst lr;
	_ =	strace $0xD0000000  }
0x3: {  	_ = 	snop  }
0x4: {  	_ = 	snop  }
0x5: {  	_ = 	snop  }
0x6: {  	_ = 	snop  }
0x7: {  	_ = 	snop  }
__scs_overlays_trampoline_lowered:
0x8: {  	[smem:$0x3F9F] =	sst s0  }
0x9: {  	[smem:$0x3FA0] =	sst s1  }
0xa: {  	[smem:$0x3FA1] =	sst s2  }
0xb: {  	[smem:$0x3FA2] =	sst s3  }
0xc: {  	[smem:$0x3FA3] =	sst s4  }
0xd: {  	[smem:$0x3FA4] =	sst s5  }
0xe: {  	[smem:$0x3FA5] =	sst s6  }
0xf: {  	[smem:$0x3FA6] =	sst s7  }
0x10: {  	[smem:$0x3FA7] =	sst s8  }
0x11: {  	[smem:$0x3FA8] =	sst s9;
	s0 =	simm.s32 @!p0 $0x0  }
0x12: {  	s1 =	sld [smem:$0x3F8E];
	s0 =	simm.s32 @p0 $0x1  }
0x13: {  	[smem:$0x3FA9] =	sst s0;
	s0 =	simm.s32 @!p1 $0x0  }
0x14: {  	s2 =	sld [smem:$0x3F8D];
	s0 =	simm.s32 @p1 $0x1  }
0x15: {  	[smem:$0x3FAA] =	sst s0;
	s0 =	simm.s32 @!p2 $0x0  }
0x16: {  	s3 =	sld [smem:$0x3FDB];
	s0 =	simm.s32 @p2 $0x1  }
0x17: {  	s4 =	simm.s32 $0x1BF5;
	[smem:$0x3FAC] =	sst s0  }
0x18: {  	s0 =	sld [smem:$0x3F8F];
	_ =	swait.ge [sflag:s4], $0x0  }
0x19: {  	s7 =	sld [smem:$0x3F90]  }
0x1a: {  	s8 =	sadd.s32 $0xFFFFE003, lr  }
0x1b: {  	s9 =	sadd.s32 $0xFFFFFEF7, lr;
	s5 =	simm.s32 $0xFFFFFFFF;
	p2 =	slt.u32 s8, $0xFFFFF086  }
0x1c: {  	p1 =	slt.u32 s9, $0xF7A;
	s5 =	simm.s32 @!p2 $0x0  }
0x1d: {  	s5 =	simm.s32 @p1 $0x1;
	p0 =	seq.s32 s7, s2  }
0x1e: {  	s7 =	smul.u32 @!p0 $0xF7A, s2;
	p2 =	seq.s32 @!p0 s5, $0x0  }
0x1f: {  	s9 =	smul.u32 $0xF7A, s1;
	s8 =	simm.s32 @!p0 $0x1BF5;
	p2 =	por !p2, p0  }
0x20: {  	[sflag:s8] =	ssyncset.s32 @!p0 $0xFFFFF086;
	s6 =	sadd.s32 @!p0 s3, s7;
	s7 =	simm.s32 @!p0 $0x108  }
0x21: {  	s3 =	sadd.s32 s3, s9;
	s6 =	sadd.s32 @!p0 $0x88, s6;
	s7 =	simm.s32 @p2 $0x1082  }
0x22: {  	[simem:s7], [sflag:s8] =	dma.local @!p0 [hbm:s6], $0xF7A  }
0x23: {  	s9 =	sor.u32 $0xD0000000, s2;
	s6 =	simm.s32 $0x108;
	_ =	swait.ge @!p0 [sflag:s8], $0x0  }
0x24: {  	s3 =	sadd.s32 $0x88, s3;
	s6 =	simm.s32 @!p1 $0x1082;
	[sflag:s4] =	ssyncset.s32 $0xFFFFF086  }
0x25: {  	[simem:s6], [sflag:s4] =	dma.local [hbm:s3], $0xF7A  }
0x26: {  	[smem:$0x3F90] =	sst s1;
	(tag) =	ssettag s2;
	_ =	strace s9  }
0x27: {  	s1 =	sld [smem:$0x3FA0]  }
0x28: {  	s2 =	sld [smem:$0x3FA1]  }
0x29: {  	s4 =	sld [smem:$0x3FA3]  }
0x2a: {  	p0 =	seq.s32 s5, $0x0;
	s5 =	sld [smem:$0x3FA4]  }
0x2b: {  	s6 =	sld [smem:$0x3FA5]  }
0x2c: {  	s7 =	sld [smem:$0x3FA6]  }
0x2d: {  	s3 =	simm.s32 $0x108;
	s8 =	sld [smem:$0x3FA7]  }
0x2e: {  	s3 =	simm.s32 @!p0 $0x1082;
	s9 =	sld [smem:$0x3FA8]  }
0x2f: {  	lr =	sadd.s32 s0, s3;
	s0 =	sld [smem:$0x3F9F]  }
0x30: {  	s3 =	sld [smem:$0x3FA2]  }
0x31: {  	[smem:$0x3FAB] =	sst s10  }
0x32: {  	s10 =	sld [smem:$0x3FA9];
	_ =	sdelay $0x3  }
0x33: {  	p0 =	seq.s32 s10, $0x1;
	s10 =	sld [smem:$0x3FAB];
	_ =	sdelay $0x3  }
0x34: {  	[smem:$0x3FAB] =	sst s10  }
0x35: {  	s10 =	sld [smem:$0x3FAA];
	_ =	sdelay $0x3  }
0x36: {  	p1 =	seq.s32 s10, $0x1;
	s10 =	sld [smem:$0x3FAB];
	_ =	sdelay $0x3  }
0x37: {  	[smem:$0x3FAB] =	sst s10  }
0x38: {  	s10 =	sld [smem:$0x3FAC]  }
0x39: {  	_ = 	snop;
	(pc) =	sbr.ind lr, $3  }
0x3a: {  	_ = 	snop  }
0x3b: {  	_ = 	snop  }
0x3c: {  	p2 =	seq.s32 s10, $0x1;
	s10 =	sld [smem:$0x3FAB]  }
0x3d: {  	_ =	shalt  }
0x3e: {  	_ =	shalt  }
0x3f: {  	_ =	shalt  }
0x40: {  	_ =	shalt  }
0x41: {  	_ =	shalt  }
0x42: {  	_ =	shalt  }
0x43: {  	_ =	shalt  }
0x44: {  	_ =	shalt  }
0x45: {  	_ =	shalt  }
0x46: {  	_ =	shalt  }
0x47: {  	_ =	shalt  }
0x48: {  	_ =	shalt  }
0x49: {  	_ =	shalt  }
0x4a: {  	_ =	shalt  }
0x4b: {  	_ =	shalt  }
0x4c: {  	_ =	shalt  }
0x4d: {  	_ =	shalt  }
0x4e: {  	_ =	shalt  }
0x4f: {  	_ =	shalt  }
0x50: {  	_ =	shalt  }
0x51: {  	_ =	shalt  }
0x52: {  	_ =	shalt  }
0x53: {  	_ =	shalt  }
0x54: {  	_ =	shalt  }
0x55: {  	_ =	shalt  }
0x56: {  	_ =	shalt  }
0x57: {  	_ =	shalt  }
0x58: {  	_ =	shalt  }
0x59: {  	_ =	shalt  }
0x5a: {  	_ =	shalt  }
0x5b: {  	_ =	shalt  }
0x5c: {  	_ =	shalt  }
0x5d: {  	_ =	shalt  }
0x5e: {  	_ =	shalt  }
0x5f: {  	_ =	shalt  }
0x60: {  	_ =	shalt  }
0x61: {  	_ =	shalt  }
0x62: {  	_ =	shalt  }
0x63: {  	_ =	shalt  }
0x64: {  	_ =	shalt  }
0x65: {  	_ =	shalt  }
0x66: {  	_ =	shalt  }
0x67: {  	_ =	shalt  }
0x68: {  	_ =	shalt  }
0x69: {  	_ =	shalt  }
0x6a: {  	_ =	shalt  }
0x6b: {  	_ =	shalt  }
0x6c: {  	_ =	shalt  }
0x6d: {  	_ =	shalt  }
0x6e: {  	_ =	shalt  }
0x6f: {  	_ =	shalt  }
0x70: {  	_ =	shalt  }
0x71: {  	_ =	shalt  }
0x72: {  	_ =	shalt  }
0x73: {  	_ =	shalt  }
0x74: {  	_ =	shalt  }
0x75: {  	_ =	shalt  }
0x76: {  	_ =	shalt  }
0x77: {  	_ =	shalt  }
0x78: {  	_ =	shalt  }
0x79: {  	_ =	shalt  }
0x7a: {  	_ =	shalt  }
0x7b: {  	_ =	shalt  }
0x7c: {  	_ =	shalt  }
0x7d: {  	_ =	shalt  }
0x7e: {  	_ =	shalt  }
0x7f: {  	_ =	shalt  }
0x80: {  	_ =	shalt  }
0x81: {  	_ =	shalt  }
0x82: {  	_ =	shalt  }
0x83: {  	_ =	shalt  }
0x84: {  	_ =	shalt  }
0x85: {  	_ =	shalt  }
0x86: {  	_ =	shalt  }
0x87: {  	_ =	shalt  }
.Lfunc_end0:
.L_simem_size_0:
called_computation.2_lowered:
.L_overlay_start_0:
0x88: {  	s2 =	sld [smem:$0x3FD9]  }
0x89: {  	s3 =	sld [smem:$0x3FFE];
	_ =	sdelay $0x1  }
0x8a: {  	s1 =	srdreg.scid  }
0x8b: {  	s0 =	sand.u32 $0x1, s1  }
0x8c: {  	s16 =	sshll.u32 s0, $0xA;
	s2 =	sadd.s32 s3, s2  }
0x8d: {  	s2 =	sadd.s32 s2, s16  }
0x8e: {  	[smem:$0x3FB7] =	sst s2  }
0x8f: {  	_ = 	snop  }
0x90: {  	(tm) =	ssettm $0x1  }
0x91: {  	s17 =	sld [smem:$0x3FFB];
	_ =	sdelay $0x3  }
0x92: {  	_ =	strace s17  }
0x93: {  	s2 =	sld [smem:$0x3FFC];
	_ =	sdelay $0x3  }
0x94: {  	_ =	strace s2  }
0x95: {  	s2 =	sld [smem:$0x3FFD];
	_ =	sdelay $0x3  }
0x96: {  	_ =	strace s2  }
0x97: {  	_ =	strace $0x8FFFFFFF  }
0x98: {  	s18 =	sld [smem:$0x3FDB];
	_ =	sdelay $0x1  }
0x99: {  	s19 =	simm.s32 $_scs_section_size  }
0x9a: {  	s4 =	simm.s32 $_size__tile_overlayer_lowered;
	s5 =	simm.s32 $_tile_overlayer_lowered  }
0x9b: {  	s22 =	simm.s32 $0x1BFF;
	s21 =	sshll.u32 s5, $0x1;
	s2 =	sadd.s32 s19, s18  }
0x9c: {  	s6 =	simm.s32 $0x0;
	s20 =	sshll.u32 s4, $0x1;
	s4 =	sadd.s32 s21, s2  }
0x9d: {  	[timem:s6], [sflag:s22] =	dma.local [hbm:s4], s20  }
0x9e: {  	_ =	swait.ge [sflag:s22], s20  }
0x9f: {  	s3 =	ssub.s32 $0x0, s20;
	[sflag:s22] =	ssyncset.done $0x0  }
0xa0: {  	[sflag:s22] =	ssyncadd.s32 s3;
	_ =	sdelay $0x1  }
0xa1: {  	s23 =	simm.s32 $0x1B8B  }
0xa2: {  	_ =	swait.ge [sflag:s23], $0x1  }
0xa3: {  	[sflag:s23] =	ssyncset.done $0x0  }
0xa4: {  	s25 =	simm.s32 $0x1B8E;
	s24 =	sld [smem:$0x3FFE];
	[sflag:s23] =	ssyncadd.s32 $0xFFFFFFFF  }
0xa5: {  	s26 =	simm.s32 $execute0_lowered;
	[smem:$0x3FD2] =	sst s25  }
0xa6: {  	s4 =	sshll.u32 s26, $0x1;
	_ =	strace $0x8000004C;
	[dreg:$0x1] =	wrdreg $0xFFFFFFFF  }
0xa7: {  	s28 =	simm.s32 $_size_execute0_lowered;
	s2 =	sadd.s32 s2, s4;
	[dreg:$0x0] =	wrdreg $0x0  }
0xa8: {  	s4 =	sshll.u32 s28, $0x1;
	[dreg:$0x2] =	wrdreg s2  }
0xa9: {  	[dreg:$0x3] =	wrdreg s4  }
0xaa: {  	[dreg:$0x4] =	wrdreg $0xC0  }
0xab: {  	_ =	task [dreg:s6], $0x5FFFF  }
0xac: {  	[dreg:$0x1] =	wrdreg $0xFFFFFFFF  }
0xad: {  	[dreg:$0x0] =	wrdreg $0x60  }
0xae: {  	[dreg:$0x2] =	wrdreg s24  }
0xaf: {  	[dreg:$0x3] =	wrdreg $0x0  }
0xb0: {  	[dreg:$0x4] =	wrdreg $0x9  }
0xb1: {  	_ =	task.clear_ibuf [dreg:s6], $0x5FFFF;
	_ =	strace $0x9000004C  }
0xb2: {  	s29 =	simm.s32 $0x9;
	_ =	strace $0x8000004E  }
0xb3: {  	_ =	swait.ge [sflag:s29], $0x1  }
0xb4: {  	[sflag:s29] =	ssyncadd.s32 $0xFFFFFFFF  }
0xb5: {  	_ =	strace $0x9000004E  }
0xb6: {  	_ =	sfence  }
0xb7: {  	s30 =	sld [smem:$0x0];
	_ =	sdelay $0x2  }
0xb8: {  	s31 =	sshll.u32 s1, $0xD;
	s1 =	sshrl.u32 s1, $0x2  }
0xb9: {  	s3 =	sand.u32 $0x4000, s31;
	s1 =	sadd.s32 s1, s30  }
0xba: {  	s0 =	sor.u32 s3, s0;
	s1 =	sshll.u32 s1, $0x11  }
0xbb: {  	s0 =	sor.u32 s1, s0  }
0xbc: {  	s0 =	sadd.s32 $0x8F2B, s0  }
0xbd: {  	[sflag:s0] =	ssyncadd.remote.s32 $0x1  }
0xbe: {  	_ =	sfence.sel $0xFFFF  }
0xbf: {  	[dreg:$0x0] =	wrdreg $0xFFFFFFFF;
	(pc) =	sbr.abs _section_cstart, $3  }
0xc0: {  	[dreg:$0x1] =	wrdreg $0xFFFFFFFF  }
0xc1: {  	_ =	task.clear_ibuf [dreg:s6], $0x2FFFF;
	_ =	strace $0x9FFFFFFF  }
0xc2: {  	(tm) =	ssettm $0x7FFFFFFF  }
0xc3: {  	_ =	shalt  }
tec
execute0_lowered:
.L_overlay_start_1:
0x0: {  	(tag) =	ssettag $0x1  }
0x1: {  	s0 =	rddreg [dreg:$0x0]  }
0x2: {  	s1 =	rddreg [dreg:$0x1];
	s2 =	simm.s32 $0x0;
	s3 =	srdreg.scid  }
0x3: {  	s22 =	stileid.u32;
	s19 =	simm.s32 $0x4;
	s20 =	simm.s32 $0x14C80  }
0x4: {  	s21 =	simm.s32 $0x80;
	s28 =	simm.s32 $0x2;
	s29 =	simm.s32 $0x15F80  }
0x5: {  	s30 =	simm.s32 $0x16000;
	s31 =	simm.s32 $0x0;
	[smem:$0x7FF] =	sst s2  }
0x6: {  	s4 =	sadd.s32 $0x19400, s0;
	s11 =	sadd.s32 $0x5400, s0;
	s3 =	sand.u32 $0x1, s3  }
0x7: {  	s12 =	sadd.s32 $0xF400, s0;
	s6 =	smul.u32 $0x4E000, s22;
	s8 =	sshll.u32 s22, $0x1  }
0x8: {  	s13 =	smul.u32 $0x13800, s22;
	s14 =	sadd.s32 $0x40600, s0;
	s18 =	sadd.s32 $0x138000, s1  }
0x9: {  	p0 =	sne.s32 s22, $0xF;
	_ =	strace $0x8000004D;
	s5 =	ssub.s32 $0x2, s3  }
0xa: {  	s23 =	sor.u32 s3, s8;
	s3 =	smul.u32 $0x138800, s3;
	s7 =	sshrl.u32 s5, $0x1  }
0xb: {  	s6 =	sshrl.u32 s6, $0x2;
	s24 =	sshrl.u32 s13, $0x3;
	s8 =	smul.u32 $0x2800, s23  }
0xc: {  	s23 =	simm.s32 $0x13900;
	s15 =	ssub.s32 s5, s7;
	s16 =	sadd.s32 s6, s1  }
0xd: {  	s5 =	sadd.s32 s4, s24;
	s6 =	sshll.u32 s22, $0x6;
	s13 =	sadd.s32 s13, s3  }
0xe: {  	s3 =	sshrl.u32 s3, $0x3;
	s22 =	simm.s32 $0x16080;
	s24 =	simm.s32 $0x1A080  }
0xf: {  	s7 =	sor.u32 $0x1C03, s6;
	s17 =	sshrl.u32 s8, $0x3;
	s8 =	sadd.s32 $0x40400, s0  }
0x10: {  	s13 =	sshrl.u32 s13, $0x3;
	s26 =	sadd.s32 s14, s3;
	s15 =	smax.u32 s15, $0x1  }
0x11: {  	s16 =	sshrl.u32 s16, $0x3;
	s9 =	sadd.s32 s11, s17;
	s10 =	sadd.s32 s12, s17  }
0x12: {  	s25 =	sadd.s32 $0x280, s17;
	s13 =	sadd.s32 s14, s13;
	s14 =	sadd.s32 $0x27000, s26  }
0x13: {  	s17 =	sshrl.u32 @!p0 s18, $0x3;
	s18 =	simm.s32 $0x13880;
	s26 =	simm.s32 $0x1  }
0x14: {  	s11 =	sadd.s32 s11, s25;
	s12 =	sadd.s32 s12, s25;
	s25 =	simm.s32 $0x3  }
.LBB2_1:
0x15: {  	[spmem:s16], [sflag:s7] =	dma.local [hbm:s5], $0x2700  }
0x16: {  	s0 =	simm.s32 $0x0  }
0x17: {  	[spmem:s17], [sflag:s7] =	dma.local @!p0 [hbm:s8], $0x100  }
0x18: {  	[tilespmem:s18], [sflag:$0x4] =	stream.linear.gather [hbm4b:s9+s0], $0x1400, $0x38;
	[tilespmem:$0x1E080] =	vst v63  }
0x19: {  	_ =	swait.ge [sflag:s19], $0x1400  }
0x1a: {  	[sflag:s19] =	ssyncset.done $0x0  }
0x1b: {  	[sflag:s19] =	ssyncadd.s32 $0xFFFFEC00  }
0x1c: {  	[tilespmem:s20], [sflag:$0x4] =	stream.linear.gather [hbm4b:s10+s0], $0x1400, $0x38;
	[tilespmem:$0x1E080] =	vst v63  }
0x1d: {  	_ =	swait.ge [sflag:s19], $0x1400  }
0x1e: {  	[sflag:s19] =	ssyncset.done $0x0  }
0x1f: {  	[sflag:s19] =	ssyncadd.s32 $0xFFFFEC00  }
0x20: {  	[tilespmem:s22], [sflag:$0x1] =	stream.indirect.gather [hbm4b:s4+s21], $0x80, s18, s21, $0xb8;
	[tilespmem:$0x1E080] =	vst v63  }
0x21: {  	_ = 	snop  }
0x22: {  	[tilespmem:s24], [sflag:$0x2] =	stream.indirect.gather [hbm4b:s4+s21], $0x80, s23, s21, $0xb8;
	[tilespmem:$0x1E080] =	vst v63  }
0x23: {  	_ =	swait.ge [sflag:s25], $0x2700  }
0x24: {  	[sflag:s25] =	ssyncset.done $0x0  }
0x25: {  	s0 =	simm.s32 @!p0 $0x3;
	[sflag:s25] =	ssyncadd.s32 $0xFFFFD900  }
0x26: {  	_ =	swait.ge @!p0 [sflag:s0], $0x100  }
0x27: {  	[sflag:s0] =	ssyncset.done @!p0 $0x0  }
0x28: {  	[sflag:s0] =	ssyncadd.s32 @!p0 $0xFFFFFF00  }
0x29: {  	[bflag:$0x0] =	sbarrier.arrive $0xFFFF  }
0x2a: {  	_ =	swait.ge [sflag:s26], $0x4000  }
0x2b: {  	[sflag:s26] =	ssyncset.done $0x0  }
0x2c: {  	s3 =	simm.s32 $0x14C80;
	[sflag:s26] =	ssyncadd.s32 $0xFFFFC000  }
0x2d: {  	[spmem:s1] =	stream.indirect.scatter.add.f32 [tilespmem:s22], [sflag:$0x4], $0x80, s3, s21, $0xb8;
	[tilespmem:$0x1E080] =	vst v63  }
0x2e: {  	_ =	swait.ge [sflag:s19], $0x4000  }
0x2f: {  	[sflag:s19] =	ssyncset.done $0x0  }
0x30: {  	s2 =	simm.s32 $0x13980;
	[sflag:s19] =	ssyncadd.s32 $0xFFFFC000  }
0x31: {  	[tilespmem:s22], [sflag:$0x1] =	stream.indirect.gather [hbm4b:s4+s21], $0x80, s2, s21, $0xb8;
	[tilespmem:$0x1E080] =	vst v63  }
0x32: {  	_ =	swait.ge [sflag:s28], $0x4000  }
0x33: {  	[sflag:s28] =	ssyncset.done $0x0  }
0x34: {  	s3 =	simm.s32 $0x14D00;
	[sflag:s28] =	ssyncadd.s32 $0xFFFFC000  }
0x35: {  	[spmem:s1] =	stream.indirect.scatter.add.f32 [tilespmem:s24], [sflag:$0x4], $0x80, s3, s21, $0xb8;
	[tilespmem:$0x1E080] =	vst v63  }
0x36: {  	_ =	swait.ge [sflag:s19], $0x4000  }
0x37: {  	[sflag:s19] =	ssyncset.done $0x0  }
0x38: {  	s0 =	simm.s32 $0x400;
	s3 =	simm.s32 $0x13A00;
	[sflag:s19] =	ssyncadd.s32 $0xFFFFC000  }
.LBB2_2:
0x39: {  	[tilespmem:s24], [sflag:$0x2] =	stream.indirect.gather [hbm4b:s4+s21], $0x80, s3, s21, $0xb8;
	[tilespmem:$0x1E080] =	vst v63  }
0x3a: {  	s3 =	smov.u32 s0  }
0x3b: {  	p1 =	sne.s32 s0, $0x4800;
	s0 =	sadd.s32 $0x400, s0;
	_ =	swait.ge [sflag:s26], $0x4000  }
0x3c: {  	s3 =	sshra.s32 s3, $0x2;
	[sflag:s26] =	ssyncset.done $0x0  }
0x3d: {  	s2 =	sadd.s32 $0x14C80, s3;
	[sflag:s26] =	ssyncadd.s32 $0xFFFFC000  }
0x3e: {  	[spmem:s1] =	stream.indirect.scatter.add.f32 [tilespmem:s22], [sflag:$0x4], $0x80, s2, s21, $0xb8;
	[tilespmem:$0x1E080] =	vst v63  }
0x3f: {  	_ =	swait.ge [sflag:s19], $0x4000  }
0x40: {  	[sflag:s19] =	ssyncset.done $0x0  }
0x41: {  	s2 =	sadd.s32 $0x13980, s3;
	[sflag:s19] =	ssyncadd.s32 $0xFFFFC000  }
0x42: {  	[tilespmem:s22], [sflag:$0x1] =	stream.indirect.gather [hbm4b:s4+s21], $0x80, s2, s21, $0xb8;
	[tilespmem:$0x1E080] =	vst v63  }
0x43: {  	_ =	swait.ge [sflag:s28], $0x4000  }
0x44: {  	[sflag:s28] =	ssyncset.done $0x0  }
.Ltmp0:
0x45: {  	s2 =	sadd.s32 $0x14D00, s3;
	[sflag:s28] =	ssyncadd.s32 $0xFFFFC000;
	(pc) =	sbr.rel @p1 .LBB2_2-.Ltmp0, $4  }
0x46: {  	[spmem:s1] =	stream.indirect.scatter.add.f32 [tilespmem:s24], [sflag:$0x4], $0x80, s2, s21, $0xb8;
	[tilespmem:$0x1E080] =	vst v63  }
0x47: {  	_ =	swait.ge [sflag:s19], $0x4000  }
0x48: {  	[sflag:s19] =	ssyncset.done $0x0  }
0x49: {  	s3 =	sadd.s32 $0x13A00, s3;
	[sflag:s19] =	ssyncadd.s32 $0xFFFFC000  }
0x4a: {  	[tilespmem:s24], [sflag:$0x2] =	stream.indirect.gather [hbm4b:s4+s21], $0x80, s3, s21, $0xb8;
	[tilespmem:$0x1E080] =	vst v63  }
0x4b: {  	_ =	swait.ge [sflag:s26], $0x4000  }
0x4c: {  	[sflag:s26] =	ssyncset.done $0x0  }
0x4d: {  	[sflag:s26] =	ssyncadd.s32 $0xFFFFC000  }
0x4e: {  	[spmem:s1] =	stream.indirect.scatter.add.f32 [tilespmem:s22], [sflag:$0x4], $0x80, s29, s21, $0xb8;
	[tilespmem:$0x1E080] =	vst v63  }
0x4f: {  	_ =	swait.ge [sflag:s19], $0x4000  }
0x50: {  	[sflag:s19] =	ssyncset.done $0x0  }
0x51: {  	[sflag:s19] =	ssyncadd.s32 $0xFFFFC000  }
0x52: {  	_ =	swait.ge [sflag:s28], $0x4000  }
0x53: {  	[sflag:s28] =	ssyncset.done $0x0  }
0x54: {  	[sflag:s28] =	ssyncadd.s32 $0xFFFFC000  }
0x55: {  	[spmem:s1] =	stream.indirect.scatter.add.f32 [tilespmem:s24], [sflag:$0x4], $0x80, s30, s21, $0xb8;
	[tilespmem:$0x1E080] =	vst v63  }
0x56: {  	_ =	swait.ge [sflag:s19], $0x4000  }
0x57: {  	[sflag:s19] =	ssyncset.done $0x0  }
0x58: {  	s0 =	simm.s32 $0x0;
	[sflag:s19] =	ssyncadd.s32 $0xFFFFC000  }
0x59: {  	[tilespmem:s18], [sflag:$0x4] =	stream.linear.gather [hbm4b:s11+s0], $0x1400, $0x38;
	[tilespmem:$0x1E080] =	vst v63  }
0x5a: {  	_ =	swait.ge [sflag:s19], $0x1400  }
0x5b: {  	[sflag:s19] =	ssyncset.done $0x0  }
0x5c: {  	[sflag:s19] =	ssyncadd.s32 $0xFFFFEC00  }
0x5d: {  	[tilespmem:s20], [sflag:$0x4] =	stream.linear.gather [hbm4b:s12+s0], $0x1400, $0x38;
	[tilespmem:$0x1E080] =	vst v63  }
0x5e: {  	_ =	swait.ge [sflag:s19], $0x1400  }
0x5f: {  	[sflag:s19] =	ssyncset.done $0x0  }
0x60: {  	[sflag:s19] =	ssyncadd.s32 $0xFFFFEC00  }
0x61: {  	[tilespmem:s22], [sflag:$0x1] =	stream.indirect.gather [hbm4b:s4+s21], $0x80, s18, s21, $0xb8;
	[tilespmem:$0x1E080] =	vst v63  }
0x62: {  	_ = 	snop  }
0x63: {  	[tilespmem:s24], [sflag:$0x2] =	stream.indirect.gather [hbm4b:s4+s21], $0x80, s23, s21, $0xb8;
	[tilespmem:$0x1E080] =	vst v63  }
0x64: {  	_ =	swait.ge [sflag:s26], $0x4000  }
0x65: {  	[sflag:s26] =	ssyncset.done $0x0  }
0x66: {  	s3 =	simm.s32 $0x14C80;
	[sflag:s26] =	ssyncadd.s32 $0xFFFFC000  }
0x67: {  	[spmem:s1] =	stream.indirect.scatter.add.f32 [tilespmem:s22], [sflag:$0x4], $0x80, s3, s21, $0xb8;
	[tilespmem:$0x1E080] =	vst v63  }
0x68: {  	_ =	swait.ge [sflag:s19], $0x4000  }
0x69: {  	[sflag:s19] =	ssyncset.done $0x0  }
0x6a: {  	s2 =	simm.s32 $0x13980;
	[sflag:s19] =	ssyncadd.s32 $0xFFFFC000  }
0x6b: {  	[tilespmem:s22], [sflag:$0x1] =	stream.indirect.gather [hbm4b:s4+s21], $0x80, s2, s21, $0xb8;
	[tilespmem:$0x1E080] =	vst v63  }
0x6c: {  	_ =	swait.ge [sflag:s28], $0x4000  }
0x6d: {  	[sflag:s28] =	ssyncset.done $0x0  }
0x6e: {  	s3 =	simm.s32 $0x14D00;
	[sflag:s28] =	ssyncadd.s32 $0xFFFFC000  }
0x6f: {  	[spmem:s1] =	stream.indirect.scatter.add.f32 [tilespmem:s24], [sflag:$0x4], $0x80, s3, s21, $0xb8;
	[tilespmem:$0x1E080] =	vst v63  }
0x70: {  	_ =	swait.ge [sflag:s19], $0x4000  }
0x71: {  	[sflag:s19] =	ssyncset.done $0x0  }
0x72: {  	s0 =	simm.s32 $0x400;
	s3 =	simm.s32 $0x13A00;
	[sflag:s19] =	ssyncadd.s32 $0xFFFFC000  }
.LBB2_4:
0x73: {  	[tilespmem:s24], [sflag:$0x2] =	stream.indirect.gather [hbm4b:s4+s21], $0x80, s3, s21, $0xb8;
	[tilespmem:$0x1E080] =	vst v63  }
0x74: {  	s2 =	smov.u32 s0  }
0x75: {  	p1 =	sne.s32 s0, $0x4800;
	s0 =	sadd.s32 $0x400, s0;
	_ =	swait.ge [sflag:s26], $0x4000  }
0x76: {  	s2 =	sshra.s32 s2, $0x2;
	[sflag:s26] =	ssyncset.done $0x0  }
0x77: {  	s3 =	sadd.s32 $0x14C80, s2;
	[sflag:s26] =	ssyncadd.s32 $0xFFFFC000  }
0x78: {  	[spmem:s1] =	stream.indirect.scatter.add.f32 [tilespmem:s22], [sflag:$0x4], $0x80, s3, s21, $0xb8;
	[tilespmem:$0x1E080] =	vst v63  }
0x79: {  	_ =	swait.ge [sflag:s19], $0x4000  }
0x7a: {  	[sflag:s19] =	ssyncset.done $0x0  }
0x7b: {  	s3 =	sadd.s32 $0x13980, s2;
	[sflag:s19] =	ssyncadd.s32 $0xFFFFC000  }
0x7c: {  	[tilespmem:s22], [sflag:$0x1] =	stream.indirect.gather [hbm4b:s4+s21], $0x80, s3, s21, $0xb8;
	[tilespmem:$0x1E080] =	vst v63  }
0x7d: {  	_ =	swait.ge [sflag:s28], $0x4000  }
0x7e: {  	[sflag:s28] =	ssyncset.done $0x0  }
.Ltmp1:
0x7f: {  	s3 =	sadd.s32 $0x14D00, s2;
	[sflag:s28] =	ssyncadd.s32 $0xFFFFC000;
	(pc) =	sbr.rel @p1 .LBB2_4-.Ltmp1, $4  }
0x80: {  	[spmem:s1] =	stream.indirect.scatter.add.f32 [tilespmem:s24], [sflag:$0x4], $0x80, s3, s21, $0xb8;
	[tilespmem:$0x1E080] =	vst v63  }
0x81: {  	_ =	swait.ge [sflag:s19], $0x4000  }
0x82: {  	[sflag:s19] =	ssyncset.done $0x0  }
0x83: {  	s3 =	sadd.s32 $0x13A00, s2;
	[sflag:s19] =	ssyncadd.s32 $0xFFFFC000  }
0x84: {  	[tilespmem:s24], [sflag:$0x2] =	stream.indirect.gather [hbm4b:s4+s21], $0x80, s3, s21, $0xb8;
	[tilespmem:$0x1E080] =	vst v63  }
0x85: {  	_ =	swait.ge [sflag:s26], $0x4000  }
0x86: {  	[sflag:s26] =	ssyncset.done $0x0  }
0x87: {  	[sflag:s26] =	ssyncadd.s32 $0xFFFFC000  }
0x88: {  	[spmem:s1] =	stream.indirect.scatter.add.f32 [tilespmem:s22], [sflag:$0x4], $0x80, s29, s21, $0xb8;
	[tilespmem:$0x1E080] =	vst v63  }
0x89: {  	_ =	swait.ge [sflag:s19], $0x4000  }
0x8a: {  	[sflag:s19] =	ssyncset.done $0x0  }
0x8b: {  	[sflag:s19] =	ssyncadd.s32 $0xFFFFC000  }
0x8c: {  	_ =	swait.ge [sflag:s28], $0x4000  }
0x8d: {  	[sflag:s28] =	ssyncset.done $0x0  }
0x8e: {  	[sflag:s28] =	ssyncadd.s32 $0xFFFFC000  }
0x8f: {  	[spmem:s1] =	stream.indirect.scatter.add.f32 [tilespmem:s24], [sflag:$0x4], $0x80, s30, s21, $0xb8;
	[tilespmem:$0x1E080] =	vst v63  }
0x90: {  	_ =	swait.ge [sflag:s19], $0x4000  }
0x91: {  	[sflag:s19] =	ssyncset.done $0x0  }
0x92: {  	[sflag:s19] =	ssyncadd.s32 $0xFFFFC000  }
0x93: {  	s0 =	sor.u32 $0x1C04, s6;
	[bflag:$0x0] =	sbarrier.arrive $0xFFFF  }
0x94: {  	[hbm:s13], [sflag:s0] =	dma.local [spmem:s16], $0x2700  }
0x95: {  	_ =	swait.ge [sflag:s19], $0x2700  }
0x96: {  	s31 =	sadd.s32 $0x1, s31;
	[sflag:s19] =	ssyncset.done $0x0  }
0x97: {  	p1 =	sne.s32 s31, s15;
	[sflag:s19] =	ssyncadd.s32 $0xFFFFD900  }
0x98: {  	[hbm:s14], [sflag:s0] =	dma.local @!p0 [spmem:s17], $0x100  }
.Ltmp2:
0x99: {  	_ = 	snop;
	(pc) =	sbr.rel @p1 .LBB2_1-.Ltmp2, $4  }
0x9a: {  	s0 =	simm.s32 @!p0 $0x4  }
0x9b: {  	_ =	swait.ge @!p0 [sflag:s0], $0x100  }
0x9c: {  	[sflag:s0] =	ssyncset.done @!p0 $0x0  }
0x9d: {  	[sflag:s0] =	ssyncadd.s32 @!p0 $0xFFFFFF00  }
0x9e: {  	_ =	sfence.sel $0x180000  }
0x9f: {  	[bflag:$0x0] =	sbarrier.arrive $0xFFFF  }
0xa0: {  	_ =	strace $0x9000004D  }
0xa1: {  	s0 =	stileid.u32;
	[bflag:$0x2] =	sbarrier.arrive $0xFFFF  }
0xa2: {  	p0 =	sne.s32 s0, $0x0;
	s0 =	rddreg [dreg:$0x2]  }
0xa3: {  	s0 =	sadd.s32 @!p0 $0x100000, s0  }
0xa4: {  	[sflag:s0] =	ssyncadd.tile.s32 @!p0 $0x1;
	_ =	shalt  }
.Lfunc_end2:
_tile_overlayer_lowered:
.L_overlay_start_2:
0xa5: {  	(tag) =	ssettag $0x2  }
0xa6: {  	s0 =	rddreg [dreg:$0x0];
	s2 =	stileid.u32  }
0xa7: {  	s1 =	rddreg [dreg:$0x1];
	p0 =	sne.s32 s2, $0x0  }
0xa8: {  	s3 =	rddreg [dreg:$0x2];
	[bflag:$0x3] =	sbarrier.arrive $0xFFFF;
	s2 =	simm.s32 @!p0 $0x1C04  }
0xa9: {  	[timem:s3], [sflag:s2] =	dma.local @!p0 [hbm:s0], s1  }
0xaa: {  	s0 =	simm.s32 @!p0 $0x4  }
0xab: {  	_ =	swait.ge @!p0 [sflag:s0], s1  }
0xac: {  	s1 =	ssub.s32 @!p0 $0x0, s1;
	[sflag:s0] =	ssyncset.done @!p0 $0x0  }
0xad: {  	[sflag:s0] =	ssyncadd.s32 @!p0 s1  }
0xae: {  	[bflag:$0x3] =	sbarrier.arrive $0xFFFF  }
0xaf: {  	_ =	shalt  }

// kernel: kernel.24.cloned.1.call-start
scs
__scs_entry_jumppad:
0x0: {  	(pc) =	sbr.rel $0x88, $3  }
0x1: {  	(tag) =	ssettag $0x0;
	lr =	simm.s32 $0x1  }
0x2: {  	[smem:$0x3F90] =	sst lr;
	_ =	strace $0xD0000000  }
0x3: {  	_ = 	snop  }
0x4: {  	_ = 	snop  }
0x5: {  	_ = 	snop  }
0x6: {  	_ = 	snop  }
0x7: {  	_ = 	snop  }
__scs_overlays_trampoline_lowered:
0x8: {  	[smem:$0x3F9F] =	sst s0  }
0x9: {  	[smem:$0x3FA0] =	sst s1  }
0xa: {  	[smem:$0x3FA1] =	sst s2  }
0xb: {  	[smem:$0x3FA2] =	sst s3  }
0xc: {  	[smem:$0x3FA3] =	sst s4  }
0xd: {  	[smem:$0x3FA4] =	sst s5  }
0xe: {  	[smem:$0x3FA5] =	sst s6  }
0xf: {  	[smem:$0x3FA6] =	sst s7  }
0x10: {  	[smem:$0x3FA7] =	sst s8  }
0x11: {  	[smem:$0x3FA8] =	sst s9;
	s0 =	simm.s32 @!p0 $0x0  }
0x12: {  	s1 =	sld [smem:$0x3F8E];
	s0 =	simm.s32 @p0 $0x1  }
0x13: {  	[smem:$0x3FA9] =	sst s0;
	s0 =	simm.s32 @!p1 $0x0  }
0x14: {  	s2 =	sld [smem:$0x3F8D];
	s0 =	simm.s32 @p1 $0x1  }
0x15: {  	[smem:$0x3FAA] =	sst s0;
	s0 =	simm.s32 @!p2 $0x0  }
0x16: {  	s3 =	sld [smem:$0x3FDB];
	s0 =	simm.s32 @p2 $0x1  }
0x17: {  	s4 =	simm.s32 $0x1BF5;
	[smem:$0x3FAC] =	sst s0  }
0x18: {  	s0 =	sld [smem:$0x3F8F];
	_ =	swait.ge [sflag:s4], $0x0  }
0x19: {  	s7 =	sld [smem:$0x3F90]  }
0x1a: {  	s8 =	sadd.s32 $0xFFFFE003, lr  }
0x1b: {  	s9 =	sadd.s32 $0xFFFFFEF7, lr;
	s5 =	simm.s32 $0xFFFFFFFF;
	p2 =	slt.u32 s8, $0xFFFFF086  }
0x1c: {  	p1 =	slt.u32 s9, $0xF7A;
	s5 =	simm.s32 @!p2 $0x0  }
0x1d: {  	s5 =	simm.s32 @p1 $0x1;
	p0 =	seq.s32 s7, s2  }
0x1e: {  	s7 =	smul.u32 @!p0 $0xF7A, s2;
	p2 =	seq.s32 @!p0 s5, $0x0  }
0x1f: {  	s9 =	smul.u32 $0xF7A, s1;
	s8 =	simm.s32 @!p0 $0x1BF5;
	p2 =	por !p2, p0  }
0x20: {  	[sflag:s8] =	ssyncset.s32 @!p0 $0xFFFFF086;
	s6 =	sadd.s32 @!p0 s3, s7;
	s7 =	simm.s32 @!p0 $0x108  }
0x21: {  	s3 =	sadd.s32 s3, s9;
	s6 =	sadd.s32 @!p0 $0x88, s6;
	s7 =	simm.s32 @p2 $0x1082  }
0x22: {  	[simem:s7], [sflag:s8] =	dma.local @!p0 [hbm:s6], $0xF7A  }
0x23: {  	s9 =	sor.u32 $0xD0000000, s2;
	s6 =	simm.s32 $0x108;
	_ =	swait.ge @!p0 [sflag:s8], $0x0  }
0x24: {  	s3 =	sadd.s32 $0x88, s3;
	s6 =	simm.s32 @!p1 $0x1082;
	[sflag:s4] =	ssyncset.s32 $0xFFFFF086  }
0x25: {  	[simem:s6], [sflag:s4] =	dma.local [hbm:s3], $0xF7A  }
0x26: {  	[smem:$0x3F90] =	sst s1;
	(tag) =	ssettag s2;
	_ =	strace s9  }
0x27: {  	s1 =	sld [smem:$0x3FA0]  }
0x28: {  	s2 =	sld [smem:$0x3FA1]  }
0x29: {  	s4 =	sld [smem:$0x3FA3]  }
0x2a: {  	p0 =	seq.s32 s5, $0x0;
	s5 =	sld [smem:$0x3FA4]  }
0x2b: {  	s6 =	sld [smem:$0x3FA5]  }
0x2c: {  	s7 =	sld [smem:$0x3FA6]  }
0x2d: {  	s3 =	simm.s32 $0x108;
	s8 =	sld [smem:$0x3FA7]  }
0x2e: {  	s3 =	simm.s32 @!p0 $0x1082;
	s9 =	sld [smem:$0x3FA8]  }
0x2f: {  	lr =	sadd.s32 s0, s3;
	s0 =	sld [smem:$0x3F9F]  }
0x30: {  	s3 =	sld [smem:$0x3FA2]  }
0x31: {  	[smem:$0x3FAB] =	sst s10  }
0x32: {  	s10 =	sld [smem:$0x3FA9];
	_ =	sdelay $0x3  }
0x33: {  	p0 =	seq.s32 s10, $0x1;
	s10 =	sld [smem:$0x3FAB];
	_ =	sdelay $0x3  }
0x34: {  	[smem:$0x3FAB] =	sst s10  }
0x35: {  	s10 =	sld [smem:$0x3FAA];
	_ =	sdelay $0x3  }
0x36: {  	p1 =	seq.s32 s10, $0x1;
	s10 =	sld [smem:$0x3FAB];
	_ =	sdelay $0x3  }
0x37: {  	[smem:$0x3FAB] =	sst s10  }
0x38: {  	s10 =	sld [smem:$0x3FAC]  }
0x39: {  	_ = 	snop;
	(pc) =	sbr.ind lr, $3  }
0x3a: {  	_ = 	snop  }
0x3b: {  	_ = 	snop  }
0x3c: {  	p2 =	seq.s32 s10, $0x1;
	s10 =	sld [smem:$0x3FAB]  }
0x3d: {  	_ =	shalt  }
0x3e: {  	_ =	shalt  }
0x3f: {  	_ =	shalt  }
0x40: {  	_ =	shalt  }
0x41: {  	_ =	shalt  }
0x42: {  	_ =	shalt  }
0x43: {  	_ =	shalt  }
0x44: {  	_ =	shalt  }
0x45: {  	_ =	shalt  }
0x46: {  	_ =	shalt  }
0x47: {  	_ =	shalt  }
0x48: {  	_ =	shalt  }
0x49: {  	_ =	shalt  }
0x4a: {  	_ =	shalt  }
0x4b: {  	_ =	shalt  }
0x4c: {  	_ =	shalt  }
0x4d: {  	_ =	shalt  }
0x4e: {  	_ =	shalt  }
0x4f: {  	_ =	shalt  }
0x50: {  	_ =	shalt  }
0x51: {  	_ =	shalt  }
0x52: {  	_ =	shalt  }
0x53: {  	_ =	shalt  }
0x54: {  	_ =	shalt  }
0x55: {  	_ =	shalt  }
0x56: {  	_ =	shalt  }
0x57: {  	_ =	shalt  }
0x58: {  	_ =	shalt  }
0x59: {  	_ =	shalt  }
0x5a: {  	_ =	shalt  }
0x5b: {  	_ =	shalt  }
0x5c: {  	_ =	shalt  }
0x5d: {  	_ =	shalt  }
0x5e: {  	_ =	shalt  }
0x5f: {  	_ =	shalt  }
0x60: {  	_ =	shalt  }
0x61: {  	_ =	shalt  }
0x62: {  	_ =	shalt  }
0x63: {  	_ =	shalt  }
0x64: {  	_ =	shalt  }
0x65: {  	_ =	shalt  }
0x66: {  	_ =	shalt  }
0x67: {  	_ =	shalt  }
0x68: {  	_ =	shalt  }
0x69: {  	_ =	shalt  }
0x6a: {  	_ =	shalt  }
0x6b: {  	_ =	shalt  }
0x6c: {  	_ =	shalt  }
0x6d: {  	_ =	shalt  }
0x6e: {  	_ =	shalt  }
0x6f: {  	_ =	shalt  }
0x70: {  	_ =	shalt  }
0x71: {  	_ =	shalt  }
0x72: {  	_ =	shalt  }
0x73: {  	_ =	shalt  }
0x74: {  	_ =	shalt  }
0x75: {  	_ =	shalt  }
0x76: {  	_ =	shalt  }
0x77: {  	_ =	shalt  }
0x78: {  	_ =	shalt  }
0x79: {  	_ =	shalt  }
0x7a: {  	_ =	shalt  }
0x7b: {  	_ =	shalt  }
0x7c: {  	_ =	shalt  }
0x7d: {  	_ =	shalt  }
0x7e: {  	_ =	shalt  }
0x7f: {  	_ =	shalt  }
0x80: {  	_ =	shalt  }
0x81: {  	_ =	shalt  }
0x82: {  	_ =	shalt  }
0x83: {  	_ =	shalt  }
0x84: {  	_ =	shalt  }
0x85: {  	_ =	shalt  }
0x86: {  	_ =	shalt  }
0x87: {  	_ =	shalt  }
.Lfunc_end0:
.L_simem_size_0:
called_computation.3_lowered:
.L_overlay_start_0:
0x88: {  	s2 =	sld [smem:$0x3FD9]  }
0x89: {  	s3 =	sld [smem:$0x3FFE];
	_ =	sdelay $0x1  }
0x8a: {  	s1 =	srdreg.scid  }
0x8b: {  	s0 =	sand.u32 $0x1, s1  }
0x8c: {  	s16 =	sshll.u32 s0, $0xA;
	s2 =	sadd.s32 s3, s2  }
0x8d: {  	s2 =	sadd.s32 s2, s16  }
0x8e: {  	[smem:$0x3FB7] =	sst s2  }
0x8f: {  	_ = 	snop  }
0x90: {  	(tm) =	ssettm $0x1  }
0x91: {  	s17 =	sld [smem:$0x3FFB];
	_ =	sdelay $0x3  }
0x92: {  	_ =	strace s17  }
0x93: {  	s2 =	sld [smem:$0x3FFC];
	_ =	sdelay $0x3  }
0x94: {  	_ =	strace s2  }
0x95: {  	s2 =	sld [smem:$0x3FFD];
	_ =	sdelay $0x3  }
0x96: {  	_ =	strace s2  }
0x97: {  	_ =	strace $0x8FFFFFFF  }
0x98: {  	s18 =	sld [smem:$0x3FDB];
	_ =	sdelay $0x1  }
0x99: {  	s19 =	simm.s32 $_scs_section_size  }
0x9a: {  	s4 =	simm.s32 $_size__tile_overlayer_lowered;
	s5 =	simm.s32 $_tile_overlayer_lowered  }
0x9b: {  	s22 =	simm.s32 $0x1BFF;
	s21 =	sshll.u32 s5, $0x1;
	s2 =	sadd.s32 s19, s18  }
0x9c: {  	s6 =	simm.s32 $0x0;
	s20 =	sshll.u32 s4, $0x1;
	s4 =	sadd.s32 s21, s2  }
0x9d: {  	[timem:s6], [sflag:s22] =	dma.local [hbm:s4], s20  }
0x9e: {  	_ =	swait.ge [sflag:s22], s20  }
0x9f: {  	s3 =	ssub.s32 $0x0, s20;
	[sflag:s22] =	ssyncset.done $0x0  }
0xa0: {  	[sflag:s22] =	ssyncadd.s32 s3;
	_ =	sdelay $0x1  }
0xa1: {  	s23 =	simm.s32 $0x1B8B  }
0xa2: {  	_ =	swait.ge [sflag:s23], $0x1  }
0xa3: {  	[sflag:s23] =	ssyncset.done $0x0  }
0xa4: {  	s25 =	simm.s32 $0x1B8E;
	s24 =	sld [smem:$0x3FFE];
	[sflag:s23] =	ssyncadd.s32 $0xFFFFFFFF  }
0xa5: {  	s26 =	simm.s32 $execute0_lowered;
	[smem:$0x3FD2] =	sst s25  }
0xa6: {  	s4 =	sshll.u32 s26, $0x1;
	_ =	strace $0x8000004F;
	[dreg:$0x1] =	wrdreg $0xFFFFFFFF  }
0xa7: {  	s28 =	simm.s32 $_size_execute0_lowered;
	s2 =	sadd.s32 s2, s4;
	[dreg:$0x0] =	wrdreg $0x0  }
0xa8: {  	s4 =	sshll.u32 s28, $0x1;
	[dreg:$0x2] =	wrdreg s2  }
0xa9: {  	[dreg:$0x3] =	wrdreg s4  }
0xaa: {  	[dreg:$0x4] =	wrdreg $0xC0  }
0xab: {  	_ =	task [dreg:s6], $0x5FFFF  }
0xac: {  	[dreg:$0x1] =	wrdreg $0xFFFFFFFF  }
0xad: {  	[dreg:$0x0] =	wrdreg $0x60  }
0xae: {  	[dreg:$0x2] =	wrdreg s24  }
0xaf: {  	[dreg:$0x3] =	wrdreg $0x0  }
0xb0: {  	[dreg:$0x4] =	wrdreg $0x9  }
0xb1: {  	_ =	task.clear_ibuf [dreg:s6], $0x5FFFF;
	_ =	strace $0x9000004F  }
0xb2: {  	s29 =	simm.s32 $0x9;
	_ =	strace $0x80000051  }
0xb3: {  	_ =	swait.ge [sflag:s29], $0x1  }
0xb4: {  	[sflag:s29] =	ssyncadd.s32 $0xFFFFFFFF  }
0xb5: {  	_ =	strace $0x90000051  }
0xb6: {  	_ =	sfence  }
0xb7: {  	s30 =	sld [smem:$0x0];
	_ =	sdelay $0x2  }
0xb8: {  	s31 =	sshll.u32 s1, $0xD;
	s1 =	sshrl.u32 s1, $0x2  }
0xb9: {  	s3 =	sand.u32 $0x4000, s31;
	s1 =	sadd.s32 s1, s30  }
0xba: {  	s0 =	sor.u32 s3, s0;
	s1 =	sshll.u32 s1, $0x11  }
0xbb: {  	s0 =	sor.u32 s1, s0  }
0xbc: {  	s0 =	sadd.s32 $0x8F2B, s0  }
0xbd: {  	[sflag:s0] =	ssyncadd.remote.s32 $0x1  }
0xbe: {  	_ =	sfence.sel $0xFFFF  }
0xbf: {  	[dreg:$0x0] =	wrdreg $0xFFFFFFFF;
	(pc) =	sbr.abs _section_cstart, $3  }
0xc0: {  	[dreg:$0x1] =	wrdreg $0xFFFFFFFF  }
0xc1: {  	_ =	task.clear_ibuf [dreg:s6], $0x2FFFF;
	_ =	strace $0x9FFFFFFF  }
0xc2: {  	(tm) =	ssettm $0x7FFFFFFF  }
0xc3: {  	_ =	shalt  }
tec
execute0_lowered:
.L_overlay_start_1:
0x0: {  	(tag) =	ssettag $0x1  }
0x1: {  	s0 =	rddreg [dreg:$0x0]  }
0x2: {  	s1 =	rddreg [dreg:$0x1];
	s2 =	simm.s32 $0x0;
	s3 =	srdreg.scid  }
0x3: {  	s22 =	stileid.u32;
	s19 =	simm.s32 $0x4;
	s20 =	simm.s32 $0x14C80  }
0x4: {  	s21 =	simm.s32 $0x80;
	s28 =	simm.s32 $0x2;
	s29 =	simm.s32 $0x15F80  }
0x5: {  	s30 =	simm.s32 $0x16000;
	s31 =	simm.s32 $0x0;
	[smem:$0x7FF] =	sst s2  }
0x6: {  	s4 =	sadd.s32 $0x40600, s0;
	s11 =	sadd.s32 $0x5400, s0;
	s3 =	sand.u32 $0x1, s3  }
0x7: {  	s12 =	sadd.s32 $0xF400, s0;
	s6 =	smul.u32 $0x4E000, s22;
	s8 =	sshll.u32 s22, $0x1  }
0x8: {  	s13 =	smul.u32 $0x13800, s22;
	s14 =	sadd.s32 $0x91C00, s0;
	s18 =	sadd.s32 $0x138000, s1  }
0x9: {  	p0 =	sne.s32 s22, $0xF;
	_ =	strace $0x80000050;
	s5 =	ssub.s32 $0x2, s3  }
0xa: {  	s23 =	sor.u32 s3, s8;
	s3 =	smul.u32 $0x138800, s3;
	s7 =	sshrl.u32 s5, $0x1  }
0xb: {  	s6 =	sshrl.u32 s6, $0x2;
	s24 =	sshrl.u32 s13, $0x3;
	s8 =	smul.u32 $0x2800, s23  }
0xc: {  	s23 =	simm.s32 $0x13900;
	s15 =	ssub.s32 s5, s7;
	s16 =	sadd.s32 s6, s1  }
0xd: {  	s5 =	sadd.s32 s4, s24;
	s6 =	sshll.u32 s22, $0x6;
	s13 =	sadd.s32 s13, s3  }
0xe: {  	s3 =	sshrl.u32 s3, $0x3;
	s22 =	simm.s32 $0x16080;
	s24 =	simm.s32 $0x1A080  }
0xf: {  	s7 =	sor.u32 $0x1C03, s6;
	s17 =	sshrl.u32 s8, $0x3;
	s8 =	sadd.s32 $0x67600, s0  }
0x10: {  	s13 =	sshrl.u32 s13, $0x3;
	s26 =	sadd.s32 s14, s3;
	s15 =	smax.u32 s15, $0x1  }
0x11: {  	s16 =	sshrl.u32 s16, $0x3;
	s9 =	sadd.s32 s11, s17;
	s10 =	sadd.s32 s12, s17  }
0x12: {  	s25 =	sadd.s32 $0x280, s17;
	s13 =	sadd.s32 s14, s13;
	s14 =	sadd.s32 $0x27000, s26  }
0x13: {  	s17 =	sshrl.u32 @!p0 s18, $0x3;
	s18 =	simm.s32 $0x13880;
	s26 =	simm.s32 $0x1  }
0x14: {  	s11 =	sadd.s32 s11, s25;
	s12 =	sadd.s32 s12, s25;
	s25 =	simm.s32 $0x3  }
.LBB2_1:
0x15: {  	[spmem:s16], [sflag:s7] =	dma.local [hbm:s5], $0x2700  }
0x16: {  	s0 =	simm.s32 $0x0  }
0x17: {  	[spmem:s17], [sflag:s7] =	dma.local @!p0 [hbm:s8], $0x100  }
0x18: {  	[tilespmem:s18], [sflag:$0x4] =	stream.linear.gather [hbm4b:s9+s0], $0x1400, $0x38;
	[tilespmem:$0x1E080] =	vst v63  }
0x19: {  	_ =	swait.ge [sflag:s19], $0x1400  }
0x1a: {  	[sflag:s19] =	ssyncset.done $0x0  }
0x1b: {  	[sflag:s19] =	ssyncadd.s32 $0xFFFFEC00  }
0x1c: {  	[tilespmem:s20], [sflag:$0x4] =	stream.linear.gather [hbm4b:s10+s0], $0x1400, $0x38;
	[tilespmem:$0x1E080] =	vst v63  }
0x1d: {  	_ =	swait.ge [sflag:s19], $0x1400  }
0x1e: {  	[sflag:s19] =	ssyncset.done $0x0  }
0x1f: {  	[sflag:s19] =	ssyncadd.s32 $0xFFFFEC00  }
0x20: {  	[tilespmem:s22], [sflag:$0x1] =	stream.indirect.gather [hbm4b:s4+s21], $0x80, s18, s21, $0xb8;
	[tilespmem:$0x1E080] =	vst v63  }
0x21: {  	_ = 	snop  }
0x22: {  	[tilespmem:s24], [sflag:$0x2] =	stream.indirect.gather [hbm4b:s4+s21], $0x80, s23, s21, $0xb8;
	[tilespmem:$0x1E080] =	vst v63  }
0x23: {  	_ =	swait.ge [sflag:s25], $0x2700  }
0x24: {  	[sflag:s25] =	ssyncset.done $0x0  }
0x25: {  	s0 =	simm.s32 @!p0 $0x3;
	[sflag:s25] =	ssyncadd.s32 $0xFFFFD900  }
0x26: {  	_ =	swait.ge @!p0 [sflag:s0], $0x100  }
0x27: {  	[sflag:s0] =	ssyncset.done @!p0 $0x0  }
0x28: {  	[sflag:s0] =	ssyncadd.s32 @!p0 $0xFFFFFF00  }
0x29: {  	[bflag:$0x0] =	sbarrier.arrive $0xFFFF  }
0x2a: {  	_ =	swait.ge [sflag:s26], $0x4000  }
0x2b: {  	[sflag:s26] =	ssyncset.done $0x0  }
0x2c: {  	s3 =	simm.s32 $0x14C80;
	[sflag:s26] =	ssyncadd.s32 $0xFFFFC000  }
0x2d: {  	[spmem:s1] =	stream.indirect.scatter.add.f32 [tilespmem:s22], [sflag:$0x4], $0x80, s3, s21, $0xb8;
	[tilespmem:$0x1E080] =	vst v63  }
0x2e: {  	_ =	swait.ge [sflag:s19], $0x4000  }
0x2f: {  	[sflag:s19] =	ssyncset.done $0x0  }
0x30: {  	s2 =	simm.s32 $0x13980;
	[sflag:s19] =	ssyncadd.s32 $0xFFFFC000  }
0x31: {  	[tilespmem:s22], [sflag:$0x1] =	stream.indirect.gather [hbm4b:s4+s21], $0x80, s2, s21, $0xb8;
	[tilespmem:$0x1E080] =	vst v63  }
0x32: {  	_ =	swait.ge [sflag:s28], $0x4000  }
0x33: {  	[sflag:s28] =	ssyncset.done $0x0  }
0x34: {  	s3 =	simm.s32 $0x14D00;
	[sflag:s28] =	ssyncadd.s32 $0xFFFFC000  }
0x35: {  	[spmem:s1] =	stream.indirect.scatter.add.f32 [tilespmem:s24], [sflag:$0x4], $0x80, s3, s21, $0xb8;
	[tilespmem:$0x1E080] =	vst v63  }
0x36: {  	_ =	swait.ge [sflag:s19], $0x4000  }
0x37: {  	[sflag:s19] =	ssyncset.done $0x0  }
0x38: {  	s0 =	simm.s32 $0x400;
	s3 =	simm.s32 $0x13A00;
	[sflag:s19] =	ssyncadd.s32 $0xFFFFC000  }
.LBB2_2:
0x39: {  	[tilespmem:s24], [sflag:$0x2] =	stream.indirect.gather [hbm4b:s4+s21], $0x80, s3, s21, $0xb8;
	[tilespmem:$0x1E080] =	vst v63  }
0x3a: {  	s3 =	smov.u32 s0  }
0x3b: {  	p1 =	sne.s32 s0, $0x4800;
	s0 =	sadd.s32 $0x400, s0;
	_ =	swait.ge [sflag:s26], $0x4000  }
0x3c: {  	s3 =	sshra.s32 s3, $0x2;
	[sflag:s26] =	ssyncset.done $0x0  }
0x3d: {  	s2 =	sadd.s32 $0x14C80, s3;
	[sflag:s26] =	ssyncadd.s32 $0xFFFFC000  }
0x3e: {  	[spmem:s1] =	stream.indirect.scatter.add.f32 [tilespmem:s22], [sflag:$0x4], $0x80, s2, s21, $0xb8;
	[tilespmem:$0x1E080] =	vst v63  }
0x3f: {  	_ =	swait.ge [sflag:s19], $0x4000  }
0x40: {  	[sflag:s19] =	ssyncset.done $0x0  }
0x41: {  	s2 =	sadd.s32 $0x13980, s3;
	[sflag:s19] =	ssyncadd.s32 $0xFFFFC000  }
0x42: {  	[tilespmem:s22], [sflag:$0x1] =	stream.indirect.gather [hbm4b:s4+s21], $0x80, s2, s21, $0xb8;
	[tilespmem:$0x1E080] =	vst v63  }
0x43: {  	_ =	swait.ge [sflag:s28], $0x4000  }
0x44: {  	[sflag:s28] =	ssyncset.done $0x0  }
.Ltmp0:
0x45: {  	s2 =	sadd.s32 $0x14D00, s3;
	[sflag:s28] =	ssyncadd.s32 $0xFFFFC000;
	(pc) =	sbr.rel @p1 .LBB2_2-.Ltmp0, $4  }
0x46: {  	[spmem:s1] =	stream.indirect.scatter.add.f32 [tilespmem:s24], [sflag:$0x4], $0x80, s2, s21, $0xb8;
	[tilespmem:$0x1E080] =	vst v63  }
0x47: {  	_ =	swait.ge [sflag:s19], $0x4000  }
0x48: {  	[sflag:s19] =	ssyncset.done $0x0  }
0x49: {  	s3 =	sadd.s32 $0x13A00, s3;
	[sflag:s19] =	ssyncadd.s32 $0xFFFFC000  }
0x4a: {  	[tilespmem:s24], [sflag:$0x2] =	stream.indirect.gather [hbm4b:s4+s21], $0x80, s3, s21, $0xb8;
	[tilespmem:$0x1E080] =	vst v63  }
0x4b: {  	_ =	swait.ge [sflag:s26], $0x4000  }
0x4c: {  	[sflag:s26] =	ssyncset.done $0x0  }
0x4d: {  	[sflag:s26] =	ssyncadd.s32 $0xFFFFC000  }
0x4e: {  	[spmem:s1] =	stream.indirect.scatter.add.f32 [tilespmem:s22], [sflag:$0x4], $0x80, s29, s21, $0xb8;
	[tilespmem:$0x1E080] =	vst v63  }
0x4f: {  	_ =	swait.ge [sflag:s19], $0x4000  }
0x50: {  	[sflag:s19] =	ssyncset.done $0x0  }
0x51: {  	[sflag:s19] =	ssyncadd.s32 $0xFFFFC000  }
0x52: {  	_ =	swait.ge [sflag:s28], $0x4000  }
0x53: {  	[sflag:s28] =	ssyncset.done $0x0  }
0x54: {  	[sflag:s28] =	ssyncadd.s32 $0xFFFFC000  }
0x55: {  	[spmem:s1] =	stream.indirect.scatter.add.f32 [tilespmem:s24], [sflag:$0x4], $0x80, s30, s21, $0xb8;
	[tilespmem:$0x1E080] =	vst v63  }
0x56: {  	_ =	swait.ge [sflag:s19], $0x4000  }
0x57: {  	[sflag:s19] =	ssyncset.done $0x0  }
0x58: {  	s0 =	simm.s32 $0x0;
	[sflag:s19] =	ssyncadd.s32 $0xFFFFC000  }
0x59: {  	[tilespmem:s18], [sflag:$0x4] =	stream.linear.gather [hbm4b:s11+s0], $0x1400, $0x38;
	[tilespmem:$0x1E080] =	vst v63  }
0x5a: {  	_ =	swait.ge [sflag:s19], $0x1400  }
0x5b: {  	[sflag:s19] =	ssyncset.done $0x0  }
0x5c: {  	[sflag:s19] =	ssyncadd.s32 $0xFFFFEC00  }
0x5d: {  	[tilespmem:s20], [sflag:$0x4] =	stream.linear.gather [hbm4b:s12+s0], $0x1400, $0x38;
	[tilespmem:$0x1E080] =	vst v63  }
0x5e: {  	_ =	swait.ge [sflag:s19], $0x1400  }
0x5f: {  	[sflag:s19] =	ssyncset.done $0x0  }
0x60: {  	[sflag:s19] =	ssyncadd.s32 $0xFFFFEC00  }
0x61: {  	[tilespmem:s22], [sflag:$0x1] =	stream.indirect.gather [hbm4b:s4+s21], $0x80, s18, s21, $0xb8;
	[tilespmem:$0x1E080] =	vst v63  }
0x62: {  	_ = 	snop  }
0x63: {  	[tilespmem:s24], [sflag:$0x2] =	stream.indirect.gather [hbm4b:s4+s21], $0x80, s23, s21, $0xb8;
	[tilespmem:$0x1E080] =	vst v63  }
0x64: {  	_ =	swait.ge [sflag:s26], $0x4000  }
0x65: {  	[sflag:s26] =	ssyncset.done $0x0  }
0x66: {  	s3 =	simm.s32 $0x14C80;
	[sflag:s26] =	ssyncadd.s32 $0xFFFFC000  }
0x67: {  	[spmem:s1] =	stream.indirect.scatter.add.f32 [tilespmem:s22], [sflag:$0x4], $0x80, s3, s21, $0xb8;
	[tilespmem:$0x1E080] =	vst v63  }
0x68: {  	_ =	swait.ge [sflag:s19], $0x4000  }
0x69: {  	[sflag:s19] =	ssyncset.done $0x0  }
0x6a: {  	s2 =	simm.s32 $0x13980;
	[sflag:s19] =	ssyncadd.s32 $0xFFFFC000  }
0x6b: {  	[tilespmem:s22], [sflag:$0x1] =	stream.indirect.gather [hbm4b:s4+s21], $0x80, s2, s21, $0xb8;
	[tilespmem:$0x1E080] =	vst v63  }
0x6c: {  	_ =	swait.ge [sflag:s28], $0x4000  }
0x6d: {  	[sflag:s28] =	ssyncset.done $0x0  }
0x6e: {  	s3 =	simm.s32 $0x14D00;
	[sflag:s28] =	ssyncadd.s32 $0xFFFFC000  }
0x6f: {  	[spmem:s1] =	stream.indirect.scatter.add.f32 [tilespmem:s24], [sflag:$0x4], $0x80, s3, s21, $0xb8;
	[tilespmem:$0x1E080] =	vst v63  }
0x70: {  	_ =	swait.ge [sflag:s19], $0x4000  }
0x71: {  	[sflag:s19] =	ssyncset.done $0x0  }
0x72: {  	s0 =	simm.s32 $0x400;
	s3 =	simm.s32 $0x13A00;
	[sflag:s19] =	ssyncadd.s32 $0xFFFFC000  }
.LBB2_4:
0x73: {  	[tilespmem:s24], [sflag:$0x2] =	stream.indirect.gather [hbm4b:s4+s21], $0x80, s3, s21, $0xb8;
	[tilespmem:$0x1E080] =	vst v63  }
0x74: {  	s2 =	smov.u32 s0  }
0x75: {  	p1 =	sne.s32 s0, $0x4800;
	s0 =	sadd.s32 $0x400, s0;
	_ =	swait.ge [sflag:s26], $0x4000  }
0x76: {  	s2 =	sshra.s32 s2, $0x2;
	[sflag:s26] =	ssyncset.done $0x0  }
0x77: {  	s3 =	sadd.s32 $0x14C80, s2;
	[sflag:s26] =	ssyncadd.s32 $0xFFFFC000  }
0x78: {  	[spmem:s1] =	stream.indirect.scatter.add.f32 [tilespmem:s22], [sflag:$0x4], $0x80, s3, s21, $0xb8;
	[tilespmem:$0x1E080] =	vst v63  }
0x79: {  	_ =	swait.ge [sflag:s19], $0x4000  }
0x7a: {  	[sflag:s19] =	ssyncset.done $0x0  }
0x7b: {  	s3 =	sadd.s32 $0x13980, s2;
	[sflag:s19] =	ssyncadd.s32 $0xFFFFC000  }
0x7c: {  	[tilespmem:s22], [sflag:$0x1] =	stream.indirect.gather [hbm4b:s4+s21], $0x80, s3, s21, $0xb8;
	[tilespmem:$0x1E080] =	vst v63  }
0x7d: {  	_ =	swait.ge [sflag:s28], $0x4000  }
0x7e: {  	[sflag:s28] =	ssyncset.done $0x0  }
.Ltmp1:
0x7f: {  	s3 =	sadd.s32 $0x14D00, s2;
	[sflag:s28] =	ssyncadd.s32 $0xFFFFC000;
	(pc) =	sbr.rel @p1 .LBB2_4-.Ltmp1, $4  }
0x80: {  	[spmem:s1] =	stream.indirect.scatter.add.f32 [tilespmem:s24], [sflag:$0x4], $0x80, s3, s21, $0xb8;
	[tilespmem:$0x1E080] =	vst v63  }
0x81: {  	_ =	swait.ge [sflag:s19], $0x4000  }
0x82: {  	[sflag:s19] =	ssyncset.done $0x0  }
0x83: {  	s3 =	sadd.s32 $0x13A00, s2;
	[sflag:s19] =	ssyncadd.s32 $0xFFFFC000  }
0x84: {  	[tilespmem:s24], [sflag:$0x2] =	stream.indirect.gather [hbm4b:s4+s21], $0x80, s3, s21, $0xb8;
	[tilespmem:$0x1E080] =	vst v63  }
0x85: {  	_ =	swait.ge [sflag:s26], $0x4000  }
0x86: {  	[sflag:s26] =	ssyncset.done $0x0  }
0x87: {  	[sflag:s26] =	ssyncadd.s32 $0xFFFFC000  }
0x88: {  	[spmem:s1] =	stream.indirect.scatter.add.f32 [tilespmem:s22], [sflag:$0x4], $0x80, s29, s21, $0xb8;
	[tilespmem:$0x1E080] =	vst v63  }
0x89: {  	_ =	swait.ge [sflag:s19], $0x4000  }
0x8a: {  	[sflag:s19] =	ssyncset.done $0x0  }
0x8b: {  	[sflag:s19] =	ssyncadd.s32 $0xFFFFC000  }
0x8c: {  	_ =	swait.ge [sflag:s28], $0x4000  }
0x8d: {  	[sflag:s28] =	ssyncset.done $0x0  }
0x8e: {  	[sflag:s28] =	ssyncadd.s32 $0xFFFFC000  }
0x8f: {  	[spmem:s1] =	stream.indirect.scatter.add.f32 [tilespmem:s24], [sflag:$0x4], $0x80, s30, s21, $0xb8;
	[tilespmem:$0x1E080] =	vst v63  }
0x90: {  	_ =	swait.ge [sflag:s19], $0x4000  }
0x91: {  	[sflag:s19] =	ssyncset.done $0x0  }
0x92: {  	[sflag:s19] =	ssyncadd.s32 $0xFFFFC000  }
0x93: {  	s0 =	sor.u32 $0x1C04, s6;
	[bflag:$0x0] =	sbarrier.arrive $0xFFFF  }
0x94: {  	[hbm:s13], [sflag:s0] =	dma.local [spmem:s16], $0x2700  }
0x95: {  	_ =	swait.ge [sflag:s19], $0x2700  }
0x96: {  	s31 =	sadd.s32 $0x1, s31;
	[sflag:s19] =	ssyncset.done $0x0  }
0x97: {  	p1 =	sne.s32 s31, s15;
	[sflag:s19] =	ssyncadd.s32 $0xFFFFD900  }
0x98: {  	[hbm:s14], [sflag:s0] =	dma.local @!p0 [spmem:s17], $0x100  }
.Ltmp2:
0x99: {  	_ = 	snop;
	(pc) =	sbr.rel @p1 .LBB2_1-.Ltmp2, $4  }
0x9a: {  	s0 =	simm.s32 @!p0 $0x4  }
0x9b: {  	_ =	swait.ge @!p0 [sflag:s0], $0x100  }
0x9c: {  	[sflag:s0] =	ssyncset.done @!p0 $0x0  }
0x9d: {  	[sflag:s0] =	ssyncadd.s32 @!p0 $0xFFFFFF00  }
0x9e: {  	_ =	sfence.sel $0x180000  }
0x9f: {  	[bflag:$0x0] =	sbarrier.arrive $0xFFFF  }
0xa0: {  	_ =	strace $0x90000050  }
0xa1: {  	s0 =	stileid.u32;
	[bflag:$0x2] =	sbarrier.arrive $0xFFFF  }
0xa2: {  	p0 =	sne.s32 s0, $0x0;
	s0 =	rddreg [dreg:$0x2]  }
0xa3: {  	s0 =	sadd.s32 @!p0 $0x100000, s0  }
0xa4: {  	[sflag:s0] =	ssyncadd.tile.s32 @!p0 $0x1;
	_ =	shalt  }
.Lfunc_end2:
_tile_overlayer_lowered:
.L_overlay_start_2:
0xa5: {  	(tag) =	ssettag $0x2  }
0xa6: {  	s0 =	rddreg [dreg:$0x0];
	s2 =	stileid.u32  }
0xa7: {  	s1 =	rddreg [dreg:$0x1];
	p0 =	sne.s32 s2, $0x0  }
0xa8: {  	s3 =	rddreg [dreg:$0x2];
	[bflag:$0x3] =	sbarrier.arrive $0xFFFF;
	s2 =	simm.s32 @!p0 $0x1C04  }
0xa9: {  	[timem:s3], [sflag:s2] =	dma.local @!p0 [hbm:s0], s1  }
0xaa: {  	s0 =	simm.s32 @!p0 $0x4  }
0xab: {  	_ =	swait.ge @!p0 [sflag:s0], s1  }
0xac: {  	s1 =	ssub.s32 @!p0 $0x0, s1;
	[sflag:s0] =	ssyncset.done @!p0 $0x0  }
0xad: {  	[sflag:s0] =	ssyncadd.s32 @!p0 s1  }
0xae: {  	[bflag:$0x3] =	sbarrier.arrive $0xFFFF  }
0xaf: {  	_ =	shalt  }

// kernel: kernel.27.cloned.1.call-start
scs
__scs_entry_jumppad:
0x0: {  	(pc) =	sbr.rel $0x88, $3  }
0x1: {  	(tag) =	ssettag $0x0;
	lr =	simm.s32 $0x1  }
0x2: {  	[smem:$0x3F90] =	sst lr;
	_ =	strace $0xD0000000  }
0x3: {  	_ = 	snop  }
0x4: {  	_ = 	snop  }
0x5: {  	_ = 	snop  }
0x6: {  	_ = 	snop  }
0x7: {  	_ = 	snop  }
__scs_overlays_trampoline_lowered:
0x8: {  	[smem:$0x3F9F] =	sst s0  }
0x9: {  	[smem:$0x3FA0] =	sst s1  }
0xa: {  	[smem:$0x3FA1] =	sst s2  }
0xb: {  	[smem:$0x3FA2] =	sst s3  }
0xc: {  	[smem:$0x3FA3] =	sst s4  }
0xd: {  	[smem:$0x3FA4] =	sst s5  }
0xe: {  	[smem:$0x3FA5] =	sst s6  }
0xf: {  	[smem:$0x3FA6] =	sst s7  }
0x10: {  	[smem:$0x3FA7] =	sst s8  }
0x11: {  	[smem:$0x3FA8] =	sst s9;
	s0 =	simm.s32 @!p0 $0x0  }
0x12: {  	s1 =	sld [smem:$0x3F8E];
	s0 =	simm.s32 @p0 $0x1  }
0x13: {  	[smem:$0x3FA9] =	sst s0;
	s0 =	simm.s32 @!p1 $0x0  }
0x14: {  	s2 =	sld [smem:$0x3F8D];
	s0 =	simm.s32 @p1 $0x1  }
0x15: {  	[smem:$0x3FAA] =	sst s0;
	s0 =	simm.s32 @!p2 $0x0  }
0x16: {  	s3 =	sld [smem:$0x3FDB];
	s0 =	simm.s32 @p2 $0x1  }
0x17: {  	s4 =	simm.s32 $0x1BF5;
	[smem:$0x3FAC] =	sst s0  }
0x18: {  	s0 =	sld [smem:$0x3F8F];
	_ =	swait.ge [sflag:s4], $0x0  }
0x19: {  	s7 =	sld [smem:$0x3F90]  }
0x1a: {  	s8 =	sadd.s32 $0xFFFFE003, lr  }
0x1b: {  	s9 =	sadd.s32 $0xFFFFFEF7, lr;
	s5 =	simm.s32 $0xFFFFFFFF;
	p2 =	slt.u32 s8, $0xFFFFF086  }
0x1c: {  	p1 =	slt.u32 s9, $0xF7A;
	s5 =	simm.s32 @!p2 $0x0  }
0x1d: {  	s5 =	simm.s32 @p1 $0x1;
	p0 =	seq.s32 s7, s2  }
0x1e: {  	s7 =	smul.u32 @!p0 $0xF7A, s2;
	p2 =	seq.s32 @!p0 s5, $0x0  }
0x1f: {  	s9 =	smul.u32 $0xF7A, s1;
	s8 =	simm.s32 @!p0 $0x1BF5;
	p2 =	por !p2, p0  }
0x20: {  	[sflag:s8] =	ssyncset.s32 @!p0 $0xFFFFF086;
	s6 =	sadd.s32 @!p0 s3, s7;
	s7 =	simm.s32 @!p0 $0x108  }
0x21: {  	s3 =	sadd.s32 s3, s9;
	s6 =	sadd.s32 @!p0 $0x88, s6;
	s7 =	simm.s32 @p2 $0x1082  }
0x22: {  	[simem:s7], [sflag:s8] =	dma.local @!p0 [hbm:s6], $0xF7A  }
0x23: {  	s9 =	sor.u32 $0xD0000000, s2;
	s6 =	simm.s32 $0x108;
	_ =	swait.ge @!p0 [sflag:s8], $0x0  }
0x24: {  	s3 =	sadd.s32 $0x88, s3;
	s6 =	simm.s32 @!p1 $0x1082;
	[sflag:s4] =	ssyncset.s32 $0xFFFFF086  }
0x25: {  	[simem:s6], [sflag:s4] =	dma.local [hbm:s3], $0xF7A  }
0x26: {  	[smem:$0x3F90] =	sst s1;
	(tag) =	ssettag s2;
	_ =	strace s9  }
0x27: {  	s1 =	sld [smem:$0x3FA0]  }
0x28: {  	s2 =	sld [smem:$0x3FA1]  }
0x29: {  	s4 =	sld [smem:$0x3FA3]  }
0x2a: {  	p0 =	seq.s32 s5, $0x0;
	s5 =	sld [smem:$0x3FA4]  }
0x2b: {  	s6 =	sld [smem:$0x3FA5]  }
0x2c: {  	s7 =	sld [smem:$0x3FA6]  }
0x2d: {  	s3 =	simm.s32 $0x108;
	s8 =	sld [smem:$0x3FA7]  }
0x2e: {  	s3 =	simm.s32 @!p0 $0x1082;
	s9 =	sld [smem:$0x3FA8]  }
0x2f: {  	lr =	sadd.s32 s0, s3;
	s0 =	sld [smem:$0x3F9F]  }
0x30: {  	s3 =	sld [smem:$0x3FA2]  }
0x31: {  	[smem:$0x3FAB] =	sst s10  }
0x32: {  	s10 =	sld [smem:$0x3FA9];
	_ =	sdelay $0x3  }
0x33: {  	p0 =	seq.s32 s10, $0x1;
	s10 =	sld [smem:$0x3FAB];
	_ =	sdelay $0x3  }
0x34: {  	[smem:$0x3FAB] =	sst s10  }
0x35: {  	s10 =	sld [smem:$0x3FAA];
	_ =	sdelay $0x3  }
0x36: {  	p1 =	seq.s32 s10, $0x1;
	s10 =	sld [smem:$0x3FAB];
	_ =	sdelay $0x3  }
0x37: {  	[smem:$0x3FAB] =	sst s10  }
0x38: {  	s10 =	sld [smem:$0x3FAC]  }
0x39: {  	_ = 	snop;
	(pc) =	sbr.ind lr, $3  }
0x3a: {  	_ = 	snop  }
0x3b: {  	_ = 	snop  }
0x3c: {  	p2 =	seq.s32 s10, $0x1;
	s10 =	sld [smem:$0x3FAB]  }
0x3d: {  	_ =	shalt  }
0x3e: {  	_ =	shalt  }
0x3f: {  	_ =	shalt  }
0x40: {  	_ =	shalt  }
0x41: {  	_ =	shalt  }
0x42: {  	_ =	shalt  }
0x43: {  	_ =	shalt  }
0x44: {  	_ =	shalt  }
0x45: {  	_ =	shalt  }
0x46: {  	_ =	shalt  }
0x47: {  	_ =	shalt  }
0x48: {  	_ =	shalt  }
0x49: {  	_ =	shalt  }
0x4a: {  	_ =	shalt  }
0x4b: {  	_ =	shalt  }
0x4c: {  	_ =	shalt  }
0x4d: {  	_ =	shalt  }
0x4e: {  	_ =	shalt  }
0x4f: {  	_ =	shalt  }
0x50: {  	_ =	shalt  }
0x51: {  	_ =	shalt  }
0x52: {  	_ =	shalt  }
0x53: {  	_ =	shalt  }
0x54: {  	_ =	shalt  }
0x55: {  	_ =	shalt  }
0x56: {  	_ =	shalt  }
0x57: {  	_ =	shalt  }
0x58: {  	_ =	shalt  }
0x59: {  	_ =	shalt  }
0x5a: {  	_ =	shalt  }
0x5b: {  	_ =	shalt  }
0x5c: {  	_ =	shalt  }
0x5d: {  	_ =	shalt  }
0x5e: {  	_ =	shalt  }
0x5f: {  	_ =	shalt  }
0x60: {  	_ =	shalt  }
0x61: {  	_ =	shalt  }
0x62: {  	_ =	shalt  }
0x63: {  	_ =	shalt  }
0x64: {  	_ =	shalt  }
0x65: {  	_ =	shalt  }
0x66: {  	_ =	shalt  }
0x67: {  	_ =	shalt  }
0x68: {  	_ =	shalt  }
0x69: {  	_ =	shalt  }
0x6a: {  	_ =	shalt  }
0x6b: {  	_ =	shalt  }
0x6c: {  	_ =	shalt  }
0x6d: {  	_ =	shalt  }
0x6e: {  	_ =	shalt  }
0x6f: {  	_ =	shalt  }
0x70: {  	_ =	shalt  }
0x71: {  	_ =	shalt  }
0x72: {  	_ =	shalt  }
0x73: {  	_ =	shalt  }
0x74: {  	_ =	shalt  }
0x75: {  	_ =	shalt  }
0x76: {  	_ =	shalt  }
0x77: {  	_ =	shalt  }
0x78: {  	_ =	shalt  }
0x79: {  	_ =	shalt  }
0x7a: {  	_ =	shalt  }
0x7b: {  	_ =	shalt  }
0x7c: {  	_ =	shalt  }
0x7d: {  	_ =	shalt  }
0x7e: {  	_ =	shalt  }
0x7f: {  	_ =	shalt  }
0x80: {  	_ =	shalt  }
0x81: {  	_ =	shalt  }
0x82: {  	_ =	shalt  }
0x83: {  	_ =	shalt  }
0x84: {  	_ =	shalt  }
0x85: {  	_ =	shalt  }
0x86: {  	_ =	shalt  }
0x87: {  	_ =	shalt  }
.Lfunc_end0:
.L_simem_size_0:
called_computation.4_lowered:
.L_overlay_start_0:
0x88: {  	s2 =	sld [smem:$0x3FD9]  }
0x89: {  	s3 =	sld [smem:$0x3FFE];
	_ =	sdelay $0x1  }
0x8a: {  	s1 =	srdreg.scid  }
0x8b: {  	s0 =	sand.u32 $0x1, s1  }
0x8c: {  	s16 =	sshll.u32 s0, $0xA;
	s2 =	sadd.s32 s3, s2  }
0x8d: {  	s2 =	sadd.s32 s2, s16  }
0x8e: {  	[smem:$0x3FB7] =	sst s2  }
0x8f: {  	_ = 	snop  }
0x90: {  	(tm) =	ssettm $0x1  }
0x91: {  	s17 =	sld [smem:$0x3FFB];
	_ =	sdelay $0x3  }
0x92: {  	_ =	strace s17  }
0x93: {  	s2 =	sld [smem:$0x3FFC];
	_ =	sdelay $0x3  }
0x94: {  	_ =	strace s2  }
0x95: {  	s2 =	sld [smem:$0x3FFD];
	_ =	sdelay $0x3  }
0x96: {  	_ =	strace s2  }
0x97: {  	_ =	strace $0x8FFFFFFF  }
0x98: {  	s18 =	sld [smem:$0x3FDB];
	_ =	sdelay $0x1  }
0x99: {  	s19 =	simm.s32 $_scs_section_size  }
0x9a: {  	s4 =	simm.s32 $_size__tile_overlayer_lowered;
	s5 =	simm.s32 $_tile_overlayer_lowered  }
0x9b: {  	s22 =	simm.s32 $0x1BFF;
	s21 =	sshll.u32 s5, $0x1;
	s2 =	sadd.s32 s19, s18  }
0x9c: {  	s6 =	simm.s32 $0x0;
	s20 =	sshll.u32 s4, $0x1;
	s4 =	sadd.s32 s21, s2  }
0x9d: {  	[timem:s6], [sflag:s22] =	dma.local [hbm:s4], s20  }
0x9e: {  	_ =	swait.ge [sflag:s22], s20  }
0x9f: {  	s3 =	ssub.s32 $0x0, s20;
	[sflag:s22] =	ssyncset.done $0x0  }
0xa0: {  	[sflag:s22] =	ssyncadd.s32 s3;
	_ =	sdelay $0x1  }
0xa1: {  	s23 =	simm.s32 $0x1B8B  }
0xa2: {  	_ =	swait.ge [sflag:s23], $0x1  }
0xa3: {  	[sflag:s23] =	ssyncset.done $0x0  }
0xa4: {  	s25 =	simm.s32 $0x1B8E;
	s24 =	sld [smem:$0x3FFE];
	[sflag:s23] =	ssyncadd.s32 $0xFFFFFFFF  }
0xa5: {  	s26 =	simm.s32 $execute0_lowered;
	[smem:$0x3FD2] =	sst s25  }
0xa6: {  	s4 =	sshll.u32 s26, $0x1;
	_ =	strace $0x80000052;
	[dreg:$0x1] =	wrdreg $0xFFFFFFFF  }
0xa7: {  	s28 =	simm.s32 $_size_execute0_lowered;
	s2 =	sadd.s32 s2, s4;
	[dreg:$0x0] =	wrdreg $0x0  }
0xa8: {  	s4 =	sshll.u32 s28, $0x1;
	[dreg:$0x2] =	wrdreg s2  }
0xa9: {  	[dreg:$0x3] =	wrdreg s4  }
0xaa: {  	[dreg:$0x4] =	wrdreg $0xC0  }
0xab: {  	_ =	task [dreg:s6], $0x5FFFF  }
0xac: {  	[dreg:$0x1] =	wrdreg $0xFFFFFFFF  }
0xad: {  	[dreg:$0x0] =	wrdreg $0x60  }
0xae: {  	[dreg:$0x2] =	wrdreg s24  }
0xaf: {  	[dreg:$0x3] =	wrdreg $0x0  }
0xb0: {  	[dreg:$0x4] =	wrdreg $0x9  }
0xb1: {  	_ =	task.clear_ibuf [dreg:s6], $0x5FFFF;
	_ =	strace $0x90000052  }
0xb2: {  	s29 =	simm.s32 $0x9;
	_ =	strace $0x80000054  }
0xb3: {  	_ =	swait.ge [sflag:s29], $0x1  }
0xb4: {  	[sflag:s29] =	ssyncadd.s32 $0xFFFFFFFF  }
0xb5: {  	_ =	strace $0x90000054  }
0xb6: {  	_ =	sfence  }
0xb7: {  	s30 =	sld [smem:$0x0];
	_ =	sdelay $0x2  }
0xb8: {  	s31 =	sshll.u32 s1, $0xD;
	s1 =	sshrl.u32 s1, $0x2  }
0xb9: {  	s3 =	sand.u32 $0x4000, s31;
	s1 =	sadd.s32 s1, s30  }
0xba: {  	s0 =	sor.u32 s3, s0;
	s1 =	sshll.u32 s1, $0x11  }
0xbb: {  	s0 =	sor.u32 s1, s0  }
0xbc: {  	s0 =	sadd.s32 $0x8F2B, s0  }
0xbd: {  	[sflag:s0] =	ssyncadd.remote.s32 $0x1  }
0xbe: {  	_ =	sfence.sel $0xFFFF  }
0xbf: {  	[dreg:$0x0] =	wrdreg $0xFFFFFFFF;
	(pc) =	sbr.abs _section_cstart, $3  }
0xc0: {  	[dreg:$0x1] =	wrdreg $0xFFFFFFFF  }
0xc1: {  	_ =	task.clear_ibuf [dreg:s6], $0x2FFFF;
	_ =	strace $0x9FFFFFFF  }
0xc2: {  	(tm) =	ssettm $0x7FFFFFFF  }
0xc3: {  	_ =	shalt  }
tec
execute0_lowered:
.L_overlay_start_1:
0x0: {  	(tag) =	ssettag $0x1  }
0x1: {  	s0 =	rddreg [dreg:$0x0]  }
0x2: {  	s1 =	rddreg [dreg:$0x1];
	s2 =	simm.s32 $0x0;
	s3 =	srdreg.scid  }
0x3: {  	s22 =	stileid.u32;
	s19 =	simm.s32 $0x4;
	s20 =	simm.s32 $0x14C80  }
0x4: {  	s21 =	simm.s32 $0x80;
	s28 =	simm.s32 $0x2;
	s29 =	simm.s32 $0x15F80  }
0x5: {  	s30 =	simm.s32 $0x16000;
	s31 =	simm.s32 $0x0;
	[smem:$0x7FF] =	sst s2  }
0x6: {  	s4 =	sadd.s32 $0x19400, s0;
	s11 =	sadd.s32 $0x5400, s0;
	s3 =	sand.u32 $0x1, s3  }
0x7: {  	s12 =	sadd.s32 $0xF400, s0;
	s6 =	smul.u32 $0x4E000, s22;
	s8 =	sshll.u32 s22, $0x1  }
0x8: {  	s13 =	smul.u32 $0x13800, s22;
	s14 =	sadd.s32 $0x40600, s0;
	s18 =	sadd.s32 $0x138000, s1  }
0x9: {  	p0 =	sne.s32 s22, $0xF;
	_ =	strace $0x80000053;
	s5 =	ssub.s32 $0x2, s3  }
0xa: {  	s23 =	sor.u32 s3, s8;
	s3 =	smul.u32 $0x138800, s3;
	s7 =	sshrl.u32 s5, $0x1  }
0xb: {  	s6 =	sshrl.u32 s6, $0x2;
	s24 =	sshrl.u32 s13, $0x3;
	s8 =	smul.u32 $0x2800, s23  }
0xc: {  	s23 =	simm.s32 $0x13900;
	s15 =	ssub.s32 s5, s7;
	s16 =	sadd.s32 s6, s1  }
0xd: {  	s5 =	sadd.s32 s4, s24;
	s6 =	sshll.u32 s22, $0x6;
	s13 =	sadd.s32 s13, s3  }
0xe: {  	s3 =	sshrl.u32 s3, $0x3;
	s22 =	simm.s32 $0x16080;
	s24 =	simm.s32 $0x1A080  }
0xf: {  	s7 =	sor.u32 $0x1C03, s6;
	s17 =	sshrl.u32 s8, $0x3;
	s8 =	sadd.s32 $0x40400, s0  }
0x10: {  	s13 =	sshrl.u32 s13, $0x3;
	s26 =	sadd.s32 s14, s3;
	s15 =	smax.u32 s15, $0x1  }
0x11: {  	s16 =	sshrl.u32 s16, $0x3;
	s9 =	sadd.s32 s11, s17;
	s10 =	sadd.s32 s12, s17  }
0x12: {  	s25 =	sadd.s32 $0x280, s17;
	s13 =	sadd.s32 s14, s13;
	s14 =	sadd.s32 $0x27000, s26  }
0x13: {  	s17 =	sshrl.u32 @!p0 s18, $0x3;
	s18 =	simm.s32 $0x13880;
	s26 =	simm.s32 $0x1  }
0x14: {  	s11 =	sadd.s32 s11, s25;
	s12 =	sadd.s32 s12, s25;
	s25 =	simm.s32 $0x3  }
.LBB2_1:
0x15: {  	[spmem:s16], [sflag:s7] =	dma.local [hbm:s5], $0x2700  }
0x16: {  	s0 =	simm.s32 $0x0  }
0x17: {  	[spmem:s17], [sflag:s7] =	dma.local @!p0 [hbm:s8], $0x100  }
0x18: {  	[tilespmem:s18], [sflag:$0x4] =	stream.linear.gather [hbm4b:s9+s0], $0x1400, $0x38;
	[tilespmem:$0x1E080] =	vst v63  }
0x19: {  	_ =	swait.ge [sflag:s19], $0x1400  }
0x1a: {  	[sflag:s19] =	ssyncset.done $0x0  }
0x1b: {  	[sflag:s19] =	ssyncadd.s32 $0xFFFFEC00  }
0x1c: {  	[tilespmem:s20], [sflag:$0x4] =	stream.linear.gather [hbm4b:s10+s0], $0x1400, $0x38;
	[tilespmem:$0x1E080] =	vst v63  }
0x1d: {  	_ =	swait.ge [sflag:s19], $0x1400  }
0x1e: {  	[sflag:s19] =	ssyncset.done $0x0  }
0x1f: {  	[sflag:s19] =	ssyncadd.s32 $0xFFFFEC00  }
0x20: {  	[tilespmem:s22], [sflag:$0x1] =	stream.indirect.gather [hbm4b:s4+s21], $0x80, s18, s21, $0xb8;
	[tilespmem:$0x1E080] =	vst v63  }
0x21: {  	_ = 	snop  }
0x22: {  	[tilespmem:s24], [sflag:$0x2] =	stream.indirect.gather [hbm4b:s4+s21], $0x80, s23, s21, $0xb8;
	[tilespmem:$0x1E080] =	vst v63  }
0x23: {  	_ =	swait.ge [sflag:s25], $0x2700  }
0x24: {  	[sflag:s25] =	ssyncset.done $0x0  }
0x25: {  	s0 =	simm.s32 @!p0 $0x3;
	[sflag:s25] =	ssyncadd.s32 $0xFFFFD900  }
0x26: {  	_ =	swait.ge @!p0 [sflag:s0], $0x100  }
0x27: {  	[sflag:s0] =	ssyncset.done @!p0 $0x0  }
0x28: {  	[sflag:s0] =	ssyncadd.s32 @!p0 $0xFFFFFF00  }
0x29: {  	[bflag:$0x0] =	sbarrier.arrive $0xFFFF  }
0x2a: {  	_ =	swait.ge [sflag:s26], $0x4000  }
0x2b: {  	[sflag:s26] =	ssyncset.done $0x0  }
0x2c: {  	s3 =	simm.s32 $0x14C80;
	[sflag:s26] =	ssyncadd.s32 $0xFFFFC000  }
0x2d: {  	[spmem:s1] =	stream.indirect.scatter.add.f32 [tilespmem:s22], [sflag:$0x4], $0x80, s3, s21, $0xb8;
	[tilespmem:$0x1E080] =	vst v63  }
0x2e: {  	_ =	swait.ge [sflag:s19], $0x4000  }
0x2f: {  	[sflag:s19] =	ssyncset.done $0x0  }
0x30: {  	s2 =	simm.s32 $0x13980;
	[sflag:s19] =	ssyncadd.s32 $0xFFFFC000  }
0x31: {  	[tilespmem:s22], [sflag:$0x1] =	stream.indirect.gather [hbm4b:s4+s21], $0x80, s2, s21, $0xb8;
	[tilespmem:$0x1E080] =	vst v63  }
0x32: {  	_ =	swait.ge [sflag:s28], $0x4000  }
0x33: {  	[sflag:s28] =	ssyncset.done $0x0  }
0x34: {  	s3 =	simm.s32 $0x14D00;
	[sflag:s28] =	ssyncadd.s32 $0xFFFFC000  }
0x35: {  	[spmem:s1] =	stream.indirect.scatter.add.f32 [tilespmem:s24], [sflag:$0x4], $0x80, s3, s21, $0xb8;
	[tilespmem:$0x1E080] =	vst v63  }
0x36: {  	_ =	swait.ge [sflag:s19], $0x4000  }
0x37: {  	[sflag:s19] =	ssyncset.done $0x0  }
0x38: {  	s0 =	simm.s32 $0x400;
	s3 =	simm.s32 $0x13A00;
	[sflag:s19] =	ssyncadd.s32 $0xFFFFC000  }
.LBB2_2:
0x39: {  	[tilespmem:s24], [sflag:$0x2] =	stream.indirect.gather [hbm4b:s4+s21], $0x80, s3, s21, $0xb8;
	[tilespmem:$0x1E080] =	vst v63  }
0x3a: {  	s3 =	smov.u32 s0  }
0x3b: {  	p1 =	sne.s32 s0, $0x4800;
	s0 =	sadd.s32 $0x400, s0;
	_ =	swait.ge [sflag:s26], $0x4000  }
0x3c: {  	s3 =	sshra.s32 s3, $0x2;
	[sflag:s26] =	ssyncset.done $0x0  }
0x3d: {  	s2 =	sadd.s32 $0x14C80, s3;
	[sflag:s26] =	ssyncadd.s32 $0xFFFFC000  }
0x3e: {  	[spmem:s1] =	stream.indirect.scatter.add.f32 [tilespmem:s22], [sflag:$0x4], $0x80, s2, s21, $0xb8;
	[tilespmem:$0x1E080] =	vst v63  }
0x3f: {  	_ =	swait.ge [sflag:s19], $0x4000  }
0x40: {  	[sflag:s19] =	ssyncset.done $0x0  }
0x41: {  	s2 =	sadd.s32 $0x13980, s3;
	[sflag:s19] =	ssyncadd.s32 $0xFFFFC000  }
0x42: {  	[tilespmem:s22], [sflag:$0x1] =	stream.indirect.gather [hbm4b:s4+s21], $0x80, s2, s21, $0xb8;
	[tilespmem:$0x1E080] =	vst v63  }
0x43: {  	_ =	swait.ge [sflag:s28], $0x4000  }
0x44: {  	[sflag:s28] =	ssyncset.done $0x0  }
.Ltmp0:
0x45: {  	s2 =	sadd.s32 $0x14D00, s3;
	[sflag:s28] =	ssyncadd.s32 $0xFFFFC000;
	(pc) =	sbr.rel @p1 .LBB2_2-.Ltmp0, $4  }
0x46: {  	[spmem:s1] =	stream.indirect.scatter.add.f32 [tilespmem:s24], [sflag:$0x4], $0x80, s2, s21, $0xb8;
	[tilespmem:$0x1E080] =	vst v63  }
0x47: {  	_ =	swait.ge [sflag:s19], $0x4000  }
0x48: {  	[sflag:s19] =	ssyncset.done $0x0  }
0x49: {  	s3 =	sadd.s32 $0x13A00, s3;
	[sflag:s19] =	ssyncadd.s32 $0xFFFFC000  }
0x4a: {  	[tilespmem:s24], [sflag:$0x2] =	stream.indirect.gather [hbm4b:s4+s21], $0x80, s3, s21, $0xb8;
	[tilespmem:$0x1E080] =	vst v63  }
0x4b: {  	_ =	swait.ge [sflag:s26], $0x4000  }
0x4c: {  	[sflag:s26] =	ssyncset.done $0x0  }
0x4d: {  	[sflag:s26] =	ssyncadd.s32 $0xFFFFC000  }
0x4e: {  	[spmem:s1] =	stream.indirect.scatter.add.f32 [tilespmem:s22], [sflag:$0x4], $0x80, s29, s21, $0xb8;
	[tilespmem:$0x1E080] =	vst v63  }
0x4f: {  	_ =	swait.ge [sflag:s19], $0x4000  }
0x50: {  	[sflag:s19] =	ssyncset.done $0x0  }
0x51: {  	[sflag:s19] =	ssyncadd.s32 $0xFFFFC000  }
0x52: {  	_ =	swait.ge [sflag:s28], $0x4000  }
0x53: {  	[sflag:s28] =	ssyncset.done $0x0  }
0x54: {  	[sflag:s28] =	ssyncadd.s32 $0xFFFFC000  }
0x55: {  	[spmem:s1] =	stream.indirect.scatter.add.f32 [tilespmem:s24], [sflag:$0x4], $0x80, s30, s21, $0xb8;
	[tilespmem:$0x1E080] =	vst v63  }
0x56: {  	_ =	swait.ge [sflag:s19], $0x4000  }
0x57: {  	[sflag:s19] =	ssyncset.done $0x0  }
0x58: {  	s0 =	simm.s32 $0x0;
	[sflag:s19] =	ssyncadd.s32 $0xFFFFC000  }
0x59: {  	[tilespmem:s18], [sflag:$0x4] =	stream.linear.gather [hbm4b:s11+s0], $0x1400, $0x38;
	[tilespmem:$0x1E080] =	vst v63  }
0x5a: {  	_ =	swait.ge [sflag:s19], $0x1400  }
0x5b: {  	[sflag:s19] =	ssyncset.done $0x0  }
0x5c: {  	[sflag:s19] =	ssyncadd.s32 $0xFFFFEC00  }
0x5d: {  	[tilespmem:s20], [sflag:$0x4] =	stream.linear.gather [hbm4b:s12+s0], $0x1400, $0x38;
	[tilespmem:$0x1E080] =	vst v63  }
0x5e: {  	_ =	swait.ge [sflag:s19], $0x1400  }
0x5f: {  	[sflag:s19] =	ssyncset.done $0x0  }
0x60: {  	[sflag:s19] =	ssyncadd.s32 $0xFFFFEC00  }
0x61: {  	[tilespmem:s22], [sflag:$0x1] =	stream.indirect.gather [hbm4b:s4+s21], $0x80, s18, s21, $0xb8;
	[tilespmem:$0x1E080] =	vst v63  }
0x62: {  	_ = 	snop  }
0x63: {  	[tilespmem:s24], [sflag:$0x2] =	stream.indirect.gather [hbm4b:s4+s21], $0x80, s23, s21, $0xb8;
	[tilespmem:$0x1E080] =	vst v63  }
0x64: {  	_ =	swait.ge [sflag:s26], $0x4000  }
0x65: {  	[sflag:s26] =	ssyncset.done $0x0  }
0x66: {  	s3 =	simm.s32 $0x14C80;
	[sflag:s26] =	ssyncadd.s32 $0xFFFFC000  }
0x67: {  	[spmem:s1] =	stream.indirect.scatter.add.f32 [tilespmem:s22], [sflag:$0x4], $0x80, s3, s21, $0xb8;
	[tilespmem:$0x1E080] =	vst v63  }
0x68: {  	_ =	swait.ge [sflag:s19], $0x4000  }
0x69: {  	[sflag:s19] =	ssyncset.done $0x0  }
0x6a: {  	s2 =	simm.s32 $0x13980;
	[sflag:s19] =	ssyncadd.s32 $0xFFFFC000  }
0x6b: {  	[tilespmem:s22], [sflag:$0x1] =	stream.indirect.gather [hbm4b:s4+s21], $0x80, s2, s21, $0xb8;
	[tilespmem:$0x1E080] =	vst v63  }
0x6c: {  	_ =	swait.ge [sflag:s28], $0x4000  }
0x6d: {  	[sflag:s28] =	ssyncset.done $0x0  }
0x6e: {  	s3 =	simm.s32 $0x14D00;
	[sflag:s28] =	ssyncadd.s32 $0xFFFFC000  }
0x6f: {  	[spmem:s1] =	stream.indirect.scatter.add.f32 [tilespmem:s24], [sflag:$0x4], $0x80, s3, s21, $0xb8;
	[tilespmem:$0x1E080] =	vst v63  }
0x70: {  	_ =	swait.ge [sflag:s19], $0x4000  }
0x71: {  	[sflag:s19] =	ssyncset.done $0x0  }
0x72: {  	s0 =	simm.s32 $0x400;
	s3 =	simm.s32 $0x13A00;
	[sflag:s19] =	ssyncadd.s32 $0xFFFFC000  }
.LBB2_4:
0x73: {  	[tilespmem:s24], [sflag:$0x2] =	stream.indirect.gather [hbm4b:s4+s21], $0x80, s3, s21, $0xb8;
	[tilespmem:$0x1E080] =	vst v63  }
0x74: {  	s2 =	smov.u32 s0  }
0x75: {  	p1 =	sne.s32 s0, $0x4800;
	s0 =	sadd.s32 $0x400, s0;
	_ =	swait.ge [sflag:s26], $0x4000  }
0x76: {  	s2 =	sshra.s32 s2, $0x2;
	[sflag:s26] =	ssyncset.done $0x0  }
0x77: {  	s3 =	sadd.s32 $0x14C80, s2;
	[sflag:s26] =	ssyncadd.s32 $0xFFFFC000  }
0x78: {  	[spmem:s1] =	stream.indirect.scatter.add.f32 [tilespmem:s22], [sflag:$0x4], $0x80, s3, s21, $0xb8;
	[tilespmem:$0x1E080] =	vst v63  }
0x79: {  	_ =	swait.ge [sflag:s19], $0x4000  }
0x7a: {  	[sflag:s19] =	ssyncset.done $0x0  }
0x7b: {  	s3 =	sadd.s32 $0x13980, s2;
	[sflag:s19] =	ssyncadd.s32 $0xFFFFC000  }
0x7c: {  	[tilespmem:s22], [sflag:$0x1] =	stream.indirect.gather [hbm4b:s4+s21], $0x80, s3, s21, $0xb8;
	[tilespmem:$0x1E080] =	vst v63  }
0x7d: {  	_ =	swait.ge [sflag:s28], $0x4000  }
0x7e: {  	[sflag:s28] =	ssyncset.done $0x0  }
.Ltmp1:
0x7f: {  	s3 =	sadd.s32 $0x14D00, s2;
	[sflag:s28] =	ssyncadd.s32 $0xFFFFC000;
	(pc) =	sbr.rel @p1 .LBB2_4-.Ltmp1, $4  }
0x80: {  	[spmem:s1] =	stream.indirect.scatter.add.f32 [tilespmem:s24], [sflag:$0x4], $0x80, s3, s21, $0xb8;
	[tilespmem:$0x1E080] =	vst v63  }
0x81: {  	_ =	swait.ge [sflag:s19], $0x4000  }
0x82: {  	[sflag:s19] =	ssyncset.done $0x0  }
0x83: {  	s3 =	sadd.s32 $0x13A00, s2;
	[sflag:s19] =	ssyncadd.s32 $0xFFFFC000  }
0x84: {  	[tilespmem:s24], [sflag:$0x2] =	stream.indirect.gather [hbm4b:s4+s21], $0x80, s3, s21, $0xb8;
	[tilespmem:$0x1E080] =	vst v63  }
0x85: {  	_ =	swait.ge [sflag:s26], $0x4000  }
0x86: {  	[sflag:s26] =	ssyncset.done $0x0  }
0x87: {  	[sflag:s26] =	ssyncadd.s32 $0xFFFFC000  }
0x88: {  	[spmem:s1] =	stream.indirect.scatter.add.f32 [tilespmem:s22], [sflag:$0x4], $0x80, s29, s21, $0xb8;
	[tilespmem:$0x1E080] =	vst v63  }
0x89: {  	_ =	swait.ge [sflag:s19], $0x4000  }
0x8a: {  	[sflag:s19] =	ssyncset.done $0x0  }
0x8b: {  	[sflag:s19] =	ssyncadd.s32 $0xFFFFC000  }
0x8c: {  	_ =	swait.ge [sflag:s28], $0x4000  }
0x8d: {  	[sflag:s28] =	ssyncset.done $0x0  }
0x8e: {  	[sflag:s28] =	ssyncadd.s32 $0xFFFFC000  }
0x8f: {  	[spmem:s1] =	stream.indirect.scatter.add.f32 [tilespmem:s24], [sflag:$0x4], $0x80, s30, s21, $0xb8;
	[tilespmem:$0x1E080] =	vst v63  }
0x90: {  	_ =	swait.ge [sflag:s19], $0x4000  }
0x91: {  	[sflag:s19] =	ssyncset.done $0x0  }
0x92: {  	[sflag:s19] =	ssyncadd.s32 $0xFFFFC000  }
0x93: {  	s0 =	sor.u32 $0x1C04, s6;
	[bflag:$0x0] =	sbarrier.arrive $0xFFFF  }
0x94: {  	[hbm:s13], [sflag:s0] =	dma.local [spmem:s16], $0x2700  }
0x95: {  	_ =	swait.ge [sflag:s19], $0x2700  }
0x96: {  	s31 =	sadd.s32 $0x1, s31;
	[sflag:s19] =	ssyncset.done $0x0  }
0x97: {  	p1 =	sne.s32 s31, s15;
	[sflag:s19] =	ssyncadd.s32 $0xFFFFD900  }
0x98: {  	[hbm:s14], [sflag:s0] =	dma.local @!p0 [spmem:s17], $0x100  }
.Ltmp2:
0x99: {  	_ = 	snop;
	(pc) =	sbr.rel @p1 .LBB2_1-.Ltmp2, $4  }
0x9a: {  	s0 =	simm.s32 @!p0 $0x4  }
0x9b: {  	_ =	swait.ge @!p0 [sflag:s0], $0x100  }
0x9c: {  	[sflag:s0] =	ssyncset.done @!p0 $0x0  }
0x9d: {  	[sflag:s0] =	ssyncadd.s32 @!p0 $0xFFFFFF00  }
0x9e: {  	_ =	sfence.sel $0x180000  }
0x9f: {  	[bflag:$0x0] =	sbarrier.arrive $0xFFFF  }
0xa0: {  	_ =	strace $0x90000053  }
0xa1: {  	s0 =	stileid.u32;
	[bflag:$0x2] =	sbarrier.arrive $0xFFFF  }
0xa2: {  	p0 =	sne.s32 s0, $0x0;
	s0 =	rddreg [dreg:$0x2]  }
0xa3: {  	s0 =	sadd.s32 @!p0 $0x100000, s0  }
0xa4: {  	[sflag:s0] =	ssyncadd.tile.s32 @!p0 $0x1;
	_ =	shalt  }
.Lfunc_end2:
_tile_overlayer_lowered:
.L_overlay_start_2:
0xa5: {  	(tag) =	ssettag $0x2  }
0xa6: {  	s0 =	rddreg [dreg:$0x0];
	s2 =	stileid.u32  }
0xa7: {  	s1 =	rddreg [dreg:$0x1];
	p0 =	sne.s32 s2, $0x0  }
0xa8: {  	s3 =	rddreg [dreg:$0x2];
	[bflag:$0x3] =	sbarrier.arrive $0xFFFF;
	s2 =	simm.s32 @!p0 $0x1C04  }
0xa9: {  	[timem:s3], [sflag:s2] =	dma.local @!p0 [hbm:s0], s1  }
0xaa: {  	s0 =	simm.s32 @!p0 $0x4  }
0xab: {  	_ =	swait.ge @!p0 [sflag:s0], s1  }
0xac: {  	s1 =	ssub.s32 @!p0 $0x0, s1;
	[sflag:s0] =	ssyncset.done @!p0 $0x0  }
0xad: {  	[sflag:s0] =	ssyncadd.s32 @!p0 s1  }
0xae: {  	[bflag:$0x3] =	sbarrier.arrive $0xFFFF  }
0xaf: {  	_ =	shalt  }

// kernel: kernel.30.cloned.1.call-start
scs
__scs_entry_jumppad:
0x0: {  	(pc) =	sbr.rel $0x88, $3  }
0x1: {  	(tag) =	ssettag $0x0;
	lr =	simm.s32 $0x1  }
0x2: {  	[smem:$0x3F90] =	sst lr;
	_ =	strace $0xD0000000  }
0x3: {  	_ = 	snop  }
0x4: {  	_ = 	snop  }
0x5: {  	_ = 	snop  }
0x6: {  	_ = 	snop  }
0x7: {  	_ = 	snop  }
__scs_overlays_trampoline_lowered:
0x8: {  	[smem:$0x3F9F] =	sst s0  }
0x9: {  	[smem:$0x3FA0] =	sst s1  }
0xa: {  	[smem:$0x3FA1] =	sst s2  }
0xb: {  	[smem:$0x3FA2] =	sst s3  }
0xc: {  	[smem:$0x3FA3] =	sst s4  }
0xd: {  	[smem:$0x3FA4] =	sst s5  }
0xe: {  	[smem:$0x3FA5] =	sst s6  }
0xf: {  	[smem:$0x3FA6] =	sst s7  }
0x10: {  	[smem:$0x3FA7] =	sst s8  }
0x11: {  	[smem:$0x3FA8] =	sst s9;
	s0 =	simm.s32 @!p0 $0x0  }
0x12: {  	s1 =	sld [smem:$0x3F8E];
	s0 =	simm.s32 @p0 $0x1  }
0x13: {  	[smem:$0x3FA9] =	sst s0;
	s0 =	simm.s32 @!p1 $0x0  }
0x14: {  	s2 =	sld [smem:$0x3F8D];
	s0 =	simm.s32 @p1 $0x1  }
0x15: {  	[smem:$0x3FAA] =	sst s0;
	s0 =	simm.s32 @!p2 $0x0  }
0x16: {  	s3 =	sld [smem:$0x3FDB];
	s0 =	simm.s32 @p2 $0x1  }
0x17: {  	s4 =	simm.s32 $0x1BF5;
	[smem:$0x3FAC] =	sst s0  }
0x18: {  	s0 =	sld [smem:$0x3F8F];
	_ =	swait.ge [sflag:s4], $0x0  }
0x19: {  	s7 =	sld [smem:$0x3F90]  }
0x1a: {  	s8 =	sadd.s32 $0xFFFFE003, lr  }
0x1b: {  	s9 =	sadd.s32 $0xFFFFFEF7, lr;
	s5 =	simm.s32 $0xFFFFFFFF;
	p2 =	slt.u32 s8, $0xFFFFF086  }
0x1c: {  	p1 =	slt.u32 s9, $0xF7A;
	s5 =	simm.s32 @!p2 $0x0  }
0x1d: {  	s5 =	simm.s32 @p1 $0x1;
	p0 =	seq.s32 s7, s2  }
0x1e: {  	s7 =	smul.u32 @!p0 $0xF7A, s2;
	p2 =	seq.s32 @!p0 s5, $0x0  }
0x1f: {  	s9 =	smul.u32 $0xF7A, s1;
	s8 =	simm.s32 @!p0 $0x1BF5;
	p2 =	por !p2, p0  }
0x20: {  	[sflag:s8] =	ssyncset.s32 @!p0 $0xFFFFF086;
	s6 =	sadd.s32 @!p0 s3, s7;
	s7 =	simm.s32 @!p0 $0x108  }
0x21: {  	s3 =	sadd.s32 s3, s9;
	s6 =	sadd.s32 @!p0 $0x88, s6;
	s7 =	simm.s32 @p2 $0x1082  }
0x22: {  	[simem:s7], [sflag:s8] =	dma.local @!p0 [hbm:s6], $0xF7A  }
0x23: {  	s9 =	sor.u32 $0xD0000000, s2;
	s6 =	simm.s32 $0x108;
	_ =	swait.ge @!p0 [sflag:s8], $0x0  }
0x24: {  	s3 =	sadd.s32 $0x88, s3;
	s6 =	simm.s32 @!p1 $0x1082;
	[sflag:s4] =	ssyncset.s32 $0xFFFFF086  }
0x25: {  	[simem:s6], [sflag:s4] =	dma.local [hbm:s3], $0xF7A  }
0x26: {  	[smem:$0x3F90] =	sst s1;
	(tag) =	ssettag s2;
	_ =	strace s9  }
0x27: {  	s1 =	sld [smem:$0x3FA0]  }
0x28: {  	s2 =	sld [smem:$0x3FA1]  }
0x29: {  	s4 =	sld [smem:$0x3FA3]  }
0x2a: {  	p0 =	seq.s32 s5, $0x0;
	s5 =	sld [smem:$0x3FA4]  }
0x2b: {  	s6 =	sld [smem:$0x3FA5]  }
0x2c: {  	s7 =	sld [smem:$0x3FA6]  }
0x2d: {  	s3 =	simm.s32 $0x108;
	s8 =	sld [smem:$0x3FA7]  }
0x2e: {  	s3 =	simm.s32 @!p0 $0x1082;
	s9 =	sld [smem:$0x3FA8]  }
0x2f: {  	lr =	sadd.s32 s0, s3;
	s0 =	sld [smem:$0x3F9F]  }
0x30: {  	s3 =	sld [smem:$0x3FA2]  }
0x31: {  	[smem:$0x3FAB] =	sst s10  }
0x32: {  	s10 =	sld [smem:$0x3FA9];
	_ =	sdelay $0x3  }
0x33: {  	p0 =	seq.s32 s10, $0x1;
	s10 =	sld [smem:$0x3FAB];
	_ =	sdelay $0x3  }
0x34: {  	[smem:$0x3FAB] =	sst s10  }
0x35: {  	s10 =	sld [smem:$0x3FAA];
	_ =	sdelay $0x3  }
0x36: {  	p1 =	seq.s32 s10, $0x1;
	s10 =	sld [smem:$0x3FAB];
	_ =	sdelay $0x3  }
0x37: {  	[smem:$0x3FAB] =	sst s10  }
0x38: {  	s10 =	sld [smem:$0x3FAC]  }
0x39: {  	_ = 	snop;
	(pc) =	sbr.ind lr, $3  }
0x3a: {  	_ = 	snop  }
0x3b: {  	_ = 	snop  }
0x3c: {  	p2 =	seq.s32 s10, $0x1;
	s10 =	sld [smem:$0x3FAB]  }
0x3d: {  	_ =	shalt  }
0x3e: {  	_ =	shalt  }
0x3f: {  	_ =	shalt  }
0x40: {  	_ =	shalt  }
0x41: {  	_ =	shalt  }
0x42: {  	_ =	shalt  }
0x43: {  	_ =	shalt  }
0x44: {  	_ =	shalt  }
0x45: {  	_ =	shalt  }
0x46: {  	_ =	shalt  }
0x47: {  	_ =	shalt  }
0x48: {  	_ =	shalt  }
0x49: {  	_ =	shalt  }
0x4a: {  	_ =	shalt  }
0x4b: {  	_ =	shalt  }
0x4c: {  	_ =	shalt  }
0x4d: {  	_ =	shalt  }
0x4e: {  	_ =	shalt  }
0x4f: {  	_ =	shalt  }
0x50: {  	_ =	shalt  }
0x51: {  	_ =	shalt  }
0x52: {  	_ =	shalt  }
0x53: {  	_ =	shalt  }
0x54: {  	_ =	shalt  }
0x55: {  	_ =	shalt  }
0x56: {  	_ =	shalt  }
0x57: {  	_ =	shalt  }
0x58: {  	_ =	shalt  }
0x59: {  	_ =	shalt  }
0x5a: {  	_ =	shalt  }
0x5b: {  	_ =	shalt  }
0x5c: {  	_ =	shalt  }
0x5d: {  	_ =	shalt  }
0x5e: {  	_ =	shalt  }
0x5f: {  	_ =	shalt  }
0x60: {  	_ =	shalt  }
0x61: {  	_ =	shalt  }
0x62: {  	_ =	shalt  }
0x63: {  	_ =	shalt  }
0x64: {  	_ =	shalt  }
0x65: {  	_ =	shalt  }
0x66: {  	_ =	shalt  }
0x67: {  	_ =	shalt  }
0x68: {  	_ =	shalt  }
0x69: {  	_ =	shalt  }
0x6a: {  	_ =	shalt  }
0x6b: {  	_ =	shalt  }
0x6c: {  	_ =	shalt  }
0x6d: {  	_ =	shalt  }
0x6e: {  	_ =	shalt  }
0x6f: {  	_ =	shalt  }
0x70: {  	_ =	shalt  }
0x71: {  	_ =	shalt  }
0x72: {  	_ =	shalt  }
0x73: {  	_ =	shalt  }
0x74: {  	_ =	shalt  }
0x75: {  	_ =	shalt  }
0x76: {  	_ =	shalt  }
0x77: {  	_ =	shalt  }
0x78: {  	_ =	shalt  }
0x79: {  	_ =	shalt  }
0x7a: {  	_ =	shalt  }
0x7b: {  	_ =	shalt  }
0x7c: {  	_ =	shalt  }
0x7d: {  	_ =	shalt  }
0x7e: {  	_ =	shalt  }
0x7f: {  	_ =	shalt  }
0x80: {  	_ =	shalt  }
0x81: {  	_ =	shalt  }
0x82: {  	_ =	shalt  }
0x83: {  	_ =	shalt  }
0x84: {  	_ =	shalt  }
0x85: {  	_ =	shalt  }
0x86: {  	_ =	shalt  }
0x87: {  	_ =	shalt  }
.Lfunc_end0:
.L_simem_size_0:
called_computation.5_lowered:
.L_overlay_start_0:
0x88: {  	s2 =	sld [smem:$0x3FD9]  }
0x89: {  	s3 =	sld [smem:$0x3FFE];
	_ =	sdelay $0x1  }
0x8a: {  	s1 =	srdreg.scid  }
0x8b: {  	s0 =	sand.u32 $0x1, s1  }
0x8c: {  	s16 =	sshll.u32 s0, $0xA;
	s2 =	sadd.s32 s3, s2  }
0x8d: {  	s2 =	sadd.s32 s2, s16  }
0x8e: {  	[smem:$0x3FB7] =	sst s2  }
0x8f: {  	_ = 	snop  }
0x90: {  	(tm) =	ssettm $0x1  }
0x91: {  	s17 =	sld [smem:$0x3FFB];
	_ =	sdelay $0x3  }
0x92: {  	_ =	strace s17  }
0x93: {  	s2 =	sld [smem:$0x3FFC];
	_ =	sdelay $0x3  }
0x94: {  	_ =	strace s2  }
0x95: {  	s2 =	sld [smem:$0x3FFD];
	_ =	sdelay $0x3  }
0x96: {  	_ =	strace s2  }
0x97: {  	_ =	strace $0x8FFFFFFF  }
0x98: {  	s18 =	sld [smem:$0x3FDB];
	_ =	sdelay $0x1  }
0x99: {  	s19 =	simm.s32 $_scs_section_size  }
0x9a: {  	s4 =	simm.s32 $_size__tile_overlayer_lowered;
	s5 =	simm.s32 $_tile_overlayer_lowered  }
0x9b: {  	s22 =	simm.s32 $0x1BFF;
	s21 =	sshll.u32 s5, $0x1;
	s2 =	sadd.s32 s19, s18  }
0x9c: {  	s6 =	simm.s32 $0x0;
	s20 =	sshll.u32 s4, $0x1;
	s4 =	sadd.s32 s21, s2  }
0x9d: {  	[timem:s6], [sflag:s22] =	dma.local [hbm:s4], s20  }
0x9e: {  	_ =	swait.ge [sflag:s22], s20  }
0x9f: {  	s3 =	ssub.s32 $0x0, s20;
	[sflag:s22] =	ssyncset.done $0x0  }
0xa0: {  	[sflag:s22] =	ssyncadd.s32 s3;
	_ =	sdelay $0x1  }
0xa1: {  	s23 =	simm.s32 $0x1B8B  }
0xa2: {  	_ =	swait.ge [sflag:s23], $0x1  }
0xa3: {  	[sflag:s23] =	ssyncset.done $0x0  }
0xa4: {  	s25 =	simm.s32 $0x1B8E;
	s24 =	sld [smem:$0x3FFE];
	[sflag:s23] =	ssyncadd.s32 $0xFFFFFFFF  }
0xa5: {  	s26 =	simm.s32 $execute0_lowered;
	[smem:$0x3FD2] =	sst s25  }
0xa6: {  	s4 =	sshll.u32 s26, $0x1;
	_ =	strace $0x80000055;
	[dreg:$0x1] =	wrdreg $0xFFFFFFFF  }
0xa7: {  	s28 =	simm.s32 $_size_execute0_lowered;
	s2 =	sadd.s32 s2, s4;
	[dreg:$0x0] =	wrdreg $0x0  }
0xa8: {  	s4 =	sshll.u32 s28, $0x1;
	[dreg:$0x2] =	wrdreg s2  }
0xa9: {  	[dreg:$0x3] =	wrdreg s4  }
0xaa: {  	[dreg:$0x4] =	wrdreg $0xC0  }
0xab: {  	_ =	task [dreg:s6], $0x5FFFF  }
0xac: {  	[dreg:$0x1] =	wrdreg $0xFFFFFFFF  }
0xad: {  	[dreg:$0x0] =	wrdreg $0x60  }
0xae: {  	[dreg:$0x2] =	wrdreg s24  }
0xaf: {  	[dreg:$0x3] =	wrdreg $0x0  }
0xb0: {  	[dreg:$0x4] =	wrdreg $0x9  }
0xb1: {  	_ =	task.clear_ibuf [dreg:s6], $0x5FFFF;
	_ =	strace $0x90000055  }
0xb2: {  	s29 =	simm.s32 $0x9;
	_ =	strace $0x80000057  }
0xb3: {  	_ =	swait.ge [sflag:s29], $0x1  }
0xb4: {  	[sflag:s29] =	ssyncadd.s32 $0xFFFFFFFF  }
0xb5: {  	_ =	strace $0x90000057  }
0xb6: {  	_ =	sfence  }
0xb7: {  	s30 =	sld [smem:$0x0];
	_ =	sdelay $0x2  }
0xb8: {  	s31 =	sshll.u32 s1, $0xD;
	s1 =	sshrl.u32 s1, $0x2  }
0xb9: {  	s3 =	sand.u32 $0x4000, s31;
	s1 =	sadd.s32 s1, s30  }
0xba: {  	s0 =	sor.u32 s3, s0;
	s1 =	sshll.u32 s1, $0x11  }
0xbb: {  	s0 =	sor.u32 s1, s0  }
0xbc: {  	s0 =	sadd.s32 $0x8F2B, s0  }
0xbd: {  	[sflag:s0] =	ssyncadd.remote.s32 $0x1  }
0xbe: {  	_ =	sfence.sel $0xFFFF  }
0xbf: {  	[dreg:$0x0] =	wrdreg $0xFFFFFFFF;
	(pc) =	sbr.abs _section_cstart, $3  }
0xc0: {  	[dreg:$0x1] =	wrdreg $0xFFFFFFFF  }
0xc1: {  	_ =	task.clear_ibuf [dreg:s6], $0x2FFFF;
	_ =	strace $0x9FFFFFFF  }
0xc2: {  	(tm) =	ssettm $0x7FFFFFFF  }
0xc3: {  	_ =	shalt  }
tec
execute0_lowered:
.L_overlay_start_1:
0x0: {  	(tag) =	ssettag $0x1  }
0x1: {  	s0 =	rddreg [dreg:$0x0]  }
0x2: {  	s1 =	rddreg [dreg:$0x1];
	s2 =	simm.s32 $0x0;
	s3 =	srdreg.scid  }
0x3: {  	s22 =	stileid.u32;
	s19 =	simm.s32 $0x4;
	s20 =	simm.s32 $0x14C80  }
0x4: {  	s21 =	simm.s32 $0x80;
	s28 =	simm.s32 $0x2;
	s29 =	simm.s32 $0x15F80  }
0x5: {  	s30 =	simm.s32 $0x16000;
	s31 =	simm.s32 $0x0;
	[smem:$0x7FF] =	sst s2  }
0x6: {  	s4 =	sadd.s32 $0x40600, s0;
	s11 =	sadd.s32 $0x5400, s0;
	s3 =	sand.u32 $0x1, s3  }
0x7: {  	s12 =	sadd.s32 $0xF400, s0;
	s6 =	smul.u32 $0x4E000, s22;
	s8 =	sshll.u32 s22, $0x1  }
0x8: {  	s13 =	smul.u32 $0x13800, s22;
	s14 =	sadd.s32 $0x91C00, s0;
	s18 =	sadd.s32 $0x138000, s1  }
0x9: {  	p0 =	sne.s32 s22, $0xF;
	_ =	strace $0x80000056;
	s5 =	ssub.s32 $0x2, s3  }
0xa: {  	s23 =	sor.u32 s3, s8;
	s3 =	smul.u32 $0x138800, s3;
	s7 =	sshrl.u32 s5, $0x1  }
0xb: {  	s6 =	sshrl.u32 s6, $0x2;
	s24 =	sshrl.u32 s13, $0x3;
	s8 =	smul.u32 $0x2800, s23  }
0xc: {  	s23 =	simm.s32 $0x13900;
	s15 =	ssub.s32 s5, s7;
	s16 =	sadd.s32 s6, s1  }
0xd: {  	s5 =	sadd.s32 s4, s24;
	s6 =	sshll.u32 s22, $0x6;
	s13 =	sadd.s32 s13, s3  }
0xe: {  	s3 =	sshrl.u32 s3, $0x3;
	s22 =	simm.s32 $0x16080;
	s24 =	simm.s32 $0x1A080  }
0xf: {  	s7 =	sor.u32 $0x1C03, s6;
	s17 =	sshrl.u32 s8, $0x3;
	s8 =	sadd.s32 $0x67600, s0  }
0x10: {  	s13 =	sshrl.u32 s13, $0x3;
	s26 =	sadd.s32 s14, s3;
	s15 =	smax.u32 s15, $0x1  }
0x11: {  	s16 =	sshrl.u32 s16, $0x3;
	s9 =	sadd.s32 s11, s17;
	s10 =	sadd.s32 s12, s17  }
0x12: {  	s25 =	sadd.s32 $0x280, s17;
	s13 =	sadd.s32 s14, s13;
	s14 =	sadd.s32 $0x27000, s26  }
0x13: {  	s17 =	sshrl.u32 @!p0 s18, $0x3;
	s18 =	simm.s32 $0x13880;
	s26 =	simm.s32 $0x1  }
0x14: {  	s11 =	sadd.s32 s11, s25;
	s12 =	sadd.s32 s12, s25;
	s25 =	simm.s32 $0x3  }
.LBB2_1:
0x15: {  	[spmem:s16], [sflag:s7] =	dma.local [hbm:s5], $0x2700  }
0x16: {  	s0 =	simm.s32 $0x0  }
0x17: {  	[spmem:s17], [sflag:s7] =	dma.local @!p0 [hbm:s8], $0x100  }
0x18: {  	[tilespmem:s18], [sflag:$0x4] =	stream.linear.gather [hbm4b:s9+s0], $0x1400, $0x38;
	[tilespmem:$0x1E080] =	vst v63  }
0x19: {  	_ =	swait.ge [sflag:s19], $0x1400  }
0x1a: {  	[sflag:s19] =	ssyncset.done $0x0  }
0x1b: {  	[sflag:s19] =	ssyncadd.s32 $0xFFFFEC00  }
0x1c: {  	[tilespmem:s20], [sflag:$0x4] =	stream.linear.gather [hbm4b:s10+s0], $0x1400, $0x38;
	[tilespmem:$0x1E080] =	vst v63  }
0x1d: {  	_ =	swait.ge [sflag:s19], $0x1400  }
0x1e: {  	[sflag:s19] =	ssyncset.done $0x0  }
0x1f: {  	[sflag:s19] =	ssyncadd.s32 $0xFFFFEC00  }
0x20: {  	[tilespmem:s22], [sflag:$0x1] =	stream.indirect.gather [hbm4b:s4+s21], $0x80, s18, s21, $0xb8;
	[tilespmem:$0x1E080] =	vst v63  }
0x21: {  	_ = 	snop  }
0x22: {  	[tilespmem:s24], [sflag:$0x2] =	stream.indirect.gather [hbm4b:s4+s21], $0x80, s23, s21, $0xb8;
	[tilespmem:$0x1E080] =	vst v63  }
0x23: {  	_ =	swait.ge [sflag:s25], $0x2700  }
0x24: {  	[sflag:s25] =	ssyncset.done $0x0  }
0x25: {  	s0 =	simm.s32 @!p0 $0x3;
	[sflag:s25] =	ssyncadd.s32 $0xFFFFD900  }
0x26: {  	_ =	swait.ge @!p0 [sflag:s0], $0x100  }
0x27: {  	[sflag:s0] =	ssyncset.done @!p0 $0x0  }
0x28: {  	[sflag:s0] =	ssyncadd.s32 @!p0 $0xFFFFFF00  }
0x29: {  	[bflag:$0x0] =	sbarrier.arrive $0xFFFF  }
0x2a: {  	_ =	swait.ge [sflag:s26], $0x4000  }
0x2b: {  	[sflag:s26] =	ssyncset.done $0x0  }
0x2c: {  	s3 =	simm.s32 $0x14C80;
	[sflag:s26] =	ssyncadd.s32 $0xFFFFC000  }
0x2d: {  	[spmem:s1] =	stream.indirect.scatter.add.f32 [tilespmem:s22], [sflag:$0x4], $0x80, s3, s21, $0xb8;
	[tilespmem:$0x1E080] =	vst v63  }
0x2e: {  	_ =	swait.ge [sflag:s19], $0x4000  }
0x2f: {  	[sflag:s19] =	ssyncset.done $0x0  }
0x30: {  	s2 =	simm.s32 $0x13980;
	[sflag:s19] =	ssyncadd.s32 $0xFFFFC000  }
0x31: {  	[tilespmem:s22], [sflag:$0x1] =	stream.indirect.gather [hbm4b:s4+s21], $0x80, s2, s21, $0xb8;
	[tilespmem:$0x1E080] =	vst v63  }
0x32: {  	_ =	swait.ge [sflag:s28], $0x4000  }
0x33: {  	[sflag:s28] =	ssyncset.done $0x0  }
0x34: {  	s3 =	simm.s32 $0x14D00;
	[sflag:s28] =	ssyncadd.s32 $0xFFFFC000  }
0x35: {  	[spmem:s1] =	stream.indirect.scatter.add.f32 [tilespmem:s24], [sflag:$0x4], $0x80, s3, s21, $0xb8;
	[tilespmem:$0x1E080] =	vst v63  }
0x36: {  	_ =	swait.ge [sflag:s19], $0x4000  }
0x37: {  	[sflag:s19] =	ssyncset.done $0x0  }
0x38: {  	s0 =	simm.s32 $0x400;
	s3 =	simm.s32 $0x13A00;
	[sflag:s19] =	ssyncadd.s32 $0xFFFFC000  }
.LBB2_2:
0x39: {  	[tilespmem:s24], [sflag:$0x2] =	stream.indirect.gather [hbm4b:s4+s21], $0x80, s3, s21, $0xb8;
	[tilespmem:$0x1E080] =	vst v63  }
0x3a: {  	s3 =	smov.u32 s0  }
0x3b: {  	p1 =	sne.s32 s0, $0x4800;
	s0 =	sadd.s32 $0x400, s0;
	_ =	swait.ge [sflag:s26], $0x4000  }
0x3c: {  	s3 =	sshra.s32 s3, $0x2;
	[sflag:s26] =	ssyncset.done $0x0  }
0x3d: {  	s2 =	sadd.s32 $0x14C80, s3;
	[sflag:s26] =	ssyncadd.s32 $0xFFFFC000  }
0x3e: {  	[spmem:s1] =	stream.indirect.scatter.add.f32 [tilespmem:s22], [sflag:$0x4], $0x80, s2, s21, $0xb8;
	[tilespmem:$0x1E080] =	vst v63  }
0x3f: {  	_ =	swait.ge [sflag:s19], $0x4000  }
0x40: {  	[sflag:s19] =	ssyncset.done $0x0  }
0x41: {  	s2 =	sadd.s32 $0x13980, s3;
	[sflag:s19] =	ssyncadd.s32 $0xFFFFC000  }
0x42: {  	[tilespmem:s22], [sflag:$0x1] =	stream.indirect.gather [hbm4b:s4+s21], $0x80, s2, s21, $0xb8;
	[tilespmem:$0x1E080] =	vst v63  }
0x43: {  	_ =	swait.ge [sflag:s28], $0x4000  }
0x44: {  	[sflag:s28] =	ssyncset.done $0x0  }
.Ltmp0:
0x45: {  	s2 =	sadd.s32 $0x14D00, s3;
	[sflag:s28] =	ssyncadd.s32 $0xFFFFC000;
	(pc) =	sbr.rel @p1 .LBB2_2-.Ltmp0, $4  }
0x46: {  	[spmem:s1] =	stream.indirect.scatter.add.f32 [tilespmem:s24], [sflag:$0x4], $0x80, s2, s21, $0xb8;
	[tilespmem:$0x1E080] =	vst v63  }
0x47: {  	_ =	swait.ge [sflag:s19], $0x4000  }
0x48: {  	[sflag:s19] =	ssyncset.done $0x0  }
0x49: {  	s3 =	sadd.s32 $0x13A00, s3;
	[sflag:s19] =	ssyncadd.s32 $0xFFFFC000  }
0x4a: {  	[tilespmem:s24], [sflag:$0x2] =	stream.indirect.gather [hbm4b:s4+s21], $0x80, s3, s21, $0xb8;
	[tilespmem:$0x1E080] =	vst v63  }
0x4b: {  	_ =	swait.ge [sflag:s26], $0x4000  }
0x4c: {  	[sflag:s26] =	ssyncset.done $0x0  }
0x4d: {  	[sflag:s26] =	ssyncadd.s32 $0xFFFFC000  }
0x4e: {  	[spmem:s1] =	stream.indirect.scatter.add.f32 [tilespmem:s22], [sflag:$0x4], $0x80, s29, s21, $0xb8;
	[tilespmem:$0x1E080] =	vst v63  }
0x4f: {  	_ =	swait.ge [sflag:s19], $0x4000  }
0x50: {  	[sflag:s19] =	ssyncset.done $0x0  }
0x51: {  	[sflag:s19] =	ssyncadd.s32 $0xFFFFC000  }
0x52: {  	_ =	swait.ge [sflag:s28], $0x4000  }
0x53: {  	[sflag:s28] =	ssyncset.done $0x0  }
0x54: {  	[sflag:s28] =	ssyncadd.s32 $0xFFFFC000  }
0x55: {  	[spmem:s1] =	stream.indirect.scatter.add.f32 [tilespmem:s24], [sflag:$0x4], $0x80, s30, s21, $0xb8;
	[tilespmem:$0x1E080] =	vst v63  }
0x56: {  	_ =	swait.ge [sflag:s19], $0x4000  }
0x57: {  	[sflag:s19] =	ssyncset.done $0x0  }
0x58: {  	s0 =	simm.s32 $0x0;
	[sflag:s19] =	ssyncadd.s32 $0xFFFFC000  }
0x59: {  	[tilespmem:s18], [sflag:$0x4] =	stream.linear.gather [hbm4b:s11+s0], $0x1400, $0x38;
	[tilespmem:$0x1E080] =	vst v63  }
0x5a: {  	_ =	swait.ge [sflag:s19], $0x1400  }
0x5b: {  	[sflag:s19] =	ssyncset.done $0x0  }
0x5c: {  	[sflag:s19] =	ssyncadd.s32 $0xFFFFEC00  }
0x5d: {  	[tilespmem:s20], [sflag:$0x4] =	stream.linear.gather [hbm4b:s12+s0], $0x1400, $0x38;
	[tilespmem:$0x1E080] =	vst v63  }
0x5e: {  	_ =	swait.ge [sflag:s19], $0x1400  }
0x5f: {  	[sflag:s19] =	ssyncset.done $0x0  }
0x60: {  	[sflag:s19] =	ssyncadd.s32 $0xFFFFEC00  }
0x61: {  	[tilespmem:s22], [sflag:$0x1] =	stream.indirect.gather [hbm4b:s4+s21], $0x80, s18, s21, $0xb8;
	[tilespmem:$0x1E080] =	vst v63  }
0x62: {  	_ = 	snop  }
0x63: {  	[tilespmem:s24], [sflag:$0x2] =	stream.indirect.gather [hbm4b:s4+s21], $0x80, s23, s21, $0xb8;
	[tilespmem:$0x1E080] =	vst v63  }
0x64: {  	_ =	swait.ge [sflag:s26], $0x4000  }
0x65: {  	[sflag:s26] =	ssyncset.done $0x0  }
0x66: {  	s3 =	simm.s32 $0x14C80;
	[sflag:s26] =	ssyncadd.s32 $0xFFFFC000  }
0x67: {  	[spmem:s1] =	stream.indirect.scatter.add.f32 [tilespmem:s22], [sflag:$0x4], $0x80, s3, s21, $0xb8;
	[tilespmem:$0x1E080] =	vst v63  }
0x68: {  	_ =	swait.ge [sflag:s19], $0x4000  }
0x69: {  	[sflag:s19] =	ssyncset.done $0x0  }
0x6a: {  	s2 =	simm.s32 $0x13980;
	[sflag:s19] =	ssyncadd.s32 $0xFFFFC000  }
0x6b: {  	[tilespmem:s22], [sflag:$0x1] =	stream.indirect.gather [hbm4b:s4+s21], $0x80, s2, s21, $0xb8;
	[tilespmem:$0x1E080] =	vst v63  }
0x6c: {  	_ =	swait.ge [sflag:s28], $0x4000  }
0x6d: {  	[sflag:s28] =	ssyncset.done $0x0  }
0x6e: {  	s3 =	simm.s32 $0x14D00;
	[sflag:s28] =	ssyncadd.s32 $0xFFFFC000  }
0x6f: {  	[spmem:s1] =	stream.indirect.scatter.add.f32 [tilespmem:s24], [sflag:$0x4], $0x80, s3, s21, $0xb8;
	[tilespmem:$0x1E080] =	vst v63  }
0x70: {  	_ =	swait.ge [sflag:s19], $0x4000  }
0x71: {  	[sflag:s19] =	ssyncset.done $0x0  }
0x72: {  	s0 =	simm.s32 $0x400;
	s3 =	simm.s32 $0x13A00;
	[sflag:s19] =	ssyncadd.s32 $0xFFFFC000  }
.LBB2_4:
0x73: {  	[tilespmem:s24], [sflag:$0x2] =	stream.indirect.gather [hbm4b:s4+s21], $0x80, s3, s21, $0xb8;
	[tilespmem:$0x1E080] =	vst v63  }
0x74: {  	s2 =	smov.u32 s0  }
0x75: {  	p1 =	sne.s32 s0, $0x4800;
	s0 =	sadd.s32 $0x400, s0;
	_ =	swait.ge [sflag:s26], $0x4000  }
0x76: {  	s2 =	sshra.s32 s2, $0x2;
	[sflag:s26] =	ssyncset.done $0x0  }
0x77: {  	s3 =	sadd.s32 $0x14C80, s2;
	[sflag:s26] =	ssyncadd.s32 $0xFFFFC000  }
0x78: {  	[spmem:s1] =	stream.indirect.scatter.add.f32 [tilespmem:s22], [sflag:$0x4], $0x80, s3, s21, $0xb8;
	[tilespmem:$0x1E080] =	vst v63  }
0x79: {  	_ =	swait.ge [sflag:s19], $0x4000  }
0x7a: {  	[sflag:s19] =	ssyncset.done $0x0  }
0x7b: {  	s3 =	sadd.s32 $0x13980, s2;
	[sflag:s19] =	ssyncadd.s32 $0xFFFFC000  }
0x7c: {  	[tilespmem:s22], [sflag:$0x1] =	stream.indirect.gather [hbm4b:s4+s21], $0x80, s3, s21, $0xb8;
	[tilespmem:$0x1E080] =	vst v63  }
0x7d: {  	_ =	swait.ge [sflag:s28], $0x4000  }
0x7e: {  	[sflag:s28] =	ssyncset.done $0x0  }
.Ltmp1:
0x7f: {  	s3 =	sadd.s32 $0x14D00, s2;
	[sflag:s28] =	ssyncadd.s32 $0xFFFFC000;
	(pc) =	sbr.rel @p1 .LBB2_4-.Ltmp1, $4  }
0x80: {  	[spmem:s1] =	stream.indirect.scatter.add.f32 [tilespmem:s24], [sflag:$0x4], $0x80, s3, s21, $0xb8;
	[tilespmem:$0x1E080] =	vst v63  }
0x81: {  	_ =	swait.ge [sflag:s19], $0x4000  }
0x82: {  	[sflag:s19] =	ssyncset.done $0x0  }
0x83: {  	s3 =	sadd.s32 $0x13A00, s2;
	[sflag:s19] =	ssyncadd.s32 $0xFFFFC000  }
0x84: {  	[tilespmem:s24], [sflag:$0x2] =	stream.indirect.gather [hbm4b:s4+s21], $0x80, s3, s21, $0xb8;
	[tilespmem:$0x1E080] =	vst v63  }
0x85: {  	_ =	swait.ge [sflag:s26], $0x4000  }
0x86: {  	[sflag:s26] =	ssyncset.done $0x0  }
0x87: {  	[sflag:s26] =	ssyncadd.s32 $0xFFFFC000  }
0x88: {  	[spmem:s1] =	stream.indirect.scatter.add.f32 [tilespmem:s22], [sflag:$0x4], $0x80, s29, s21, $0xb8;
	[tilespmem:$0x1E080] =	vst v63  }
0x89: {  	_ =	swait.ge [sflag:s19], $0x4000  }
0x8a: {  	[sflag:s19] =	ssyncset.done $0x0  }
0x8b: {  	[sflag:s19] =	ssyncadd.s32 $0xFFFFC000  }
0x8c: {  	_ =	swait.ge [sflag:s28], $0x4000  }
0x8d: {  	[sflag:s28] =	ssyncset.done $0x0  }
0x8e: {  	[sflag:s28] =	ssyncadd.s32 $0xFFFFC000  }
0x8f: {  	[spmem:s1] =	stream.indirect.scatter.add.f32 [tilespmem:s24], [sflag:$0x4], $0x80, s30, s21, $0xb8;
	[tilespmem:$0x1E080] =	vst v63  }
0x90: {  	_ =	swait.ge [sflag:s19], $0x4000  }
0x91: {  	[sflag:s19] =	ssyncset.done $0x0  }
0x92: {  	[sflag:s19] =	ssyncadd.s32 $0xFFFFC000  }
0x93: {  	s0 =	sor.u32 $0x1C04, s6;
	[bflag:$0x0] =	sbarrier.arrive $0xFFFF  }
0x94: {  	[hbm:s13], [sflag:s0] =	dma.local [spmem:s16], $0x2700  }
0x95: {  	_ =	swait.ge [sflag:s19], $0x2700  }
0x96: {  	s31 =	sadd.s32 $0x1, s31;
	[sflag:s19] =	ssyncset.done $0x0  }
0x97: {  	p1 =	sne.s32 s31, s15;
	[sflag:s19] =	ssyncadd.s32 $0xFFFFD900  }
0x98: {  	[hbm:s14], [sflag:s0] =	dma.local @!p0 [spmem:s17], $0x100  }
.Ltmp2:
0x99: {  	_ = 	snop;
	(pc) =	sbr.rel @p1 .LBB2_1-.Ltmp2, $4  }
0x9a: {  	s0 =	simm.s32 @!p0 $0x4  }
0x9b: {  	_ =	swait.ge @!p0 [sflag:s0], $0x100  }
0x9c: {  	[sflag:s0] =	ssyncset.done @!p0 $0x0  }
0x9d: {  	[sflag:s0] =	ssyncadd.s32 @!p0 $0xFFFFFF00  }
0x9e: {  	_ =	sfence.sel $0x180000  }
0x9f: {  	[bflag:$0x0] =	sbarrier.arrive $0xFFFF  }
0xa0: {  	_ =	strace $0x90000056  }
0xa1: {  	s0 =	stileid.u32;
	[bflag:$0x2] =	sbarrier.arrive $0xFFFF  }
0xa2: {  	p0 =	sne.s32 s0, $0x0;
	s0 =	rddreg [dreg:$0x2]  }
0xa3: {  	s0 =	sadd.s32 @!p0 $0x100000, s0  }
0xa4: {  	[sflag:s0] =	ssyncadd.tile.s32 @!p0 $0x1;
	_ =	shalt  }
.Lfunc_end2:
_tile_overlayer_lowered:
.L_overlay_start_2:
0xa5: {  	(tag) =	ssettag $0x2  }
0xa6: {  	s0 =	rddreg [dreg:$0x0];
	s2 =	stileid.u32  }
0xa7: {  	s1 =	rddreg [dreg:$0x1];
	p0 =	sne.s32 s2, $0x0  }
0xa8: {  	s3 =	rddreg [dreg:$0x2];
	[bflag:$0x3] =	sbarrier.arrive $0xFFFF;
	s2 =	simm.s32 @!p0 $0x1C04  }
0xa9: {  	[timem:s3], [sflag:s2] =	dma.local @!p0 [hbm:s0], s1  }
0xaa: {  	s0 =	simm.s32 @!p0 $0x4  }
0xab: {  	_ =	swait.ge @!p0 [sflag:s0], s1  }
0xac: {  	s1 =	ssub.s32 @!p0 $0x0, s1;
	[sflag:s0] =	ssyncset.done @!p0 $0x0  }
0xad: {  	[sflag:s0] =	ssyncadd.s32 @!p0 s1  }
0xae: {  	[bflag:$0x3] =	sbarrier.arrive $0xFFFF  }
0xaf: {  	_ =	shalt  }

</sc_bundles>
